<compile_context>
chip_gen: v7x
topology: tpu7x:2x2x1
jax: 0.10.2.dev20260603
libtpu: 0.0.44.dev20260713+nightly
codegen_flags: <defaults>
</compile_context>

<pallas_src>
import jax
import jax.numpy as jnp
from jax import lax
from jax.experimental import pallas as pl
from jax.experimental.pallas import tpu as pltpu
from jax.experimental.pallas import tpu_sc as plsc

VOCAB = 1000
EMBED_DIM = 16
B = 4096
L = 20

_NC = 2
_NS = 16
_NW = _NC * _NS
_ROWS_W = B // _NW
_RPC = 4
_CH = _RPC * L
_NCHUNK = _ROWS_W // _RPC


def _sc_pool_body(ids_hbm, embed_hbm, out_hbm, idx_v, embed_v, rows_v, out_v,
                  sem):
    sid = lax.axis_index("s")
    wid = sid * _NC + lax.axis_index("c")
    base_chunk = wid * _NCHUNK

    @pl.when(sid == 0)
    def _stage_table():
        pltpu.sync_copy(embed_hbm, embed_v)

    pltpu.sync_copy(ids_hbm.at[pl.ds(base_chunk, _NCHUNK)], idx_v)
    plsc.subcore_barrier()

    copies = []
    for i in range(_NCHUNK):
        copies.append(
            pltpu.async_copy(embed_v.at[idx_v.at[i]], rows_v.at[i], sem))
    for c in copies:
        c.wait()

    def chunk(i, _):
        for j in range(_RPC):
            acc = rows_v[i, j * L, :]
            for l in range(1, L):
                acc = acc + rows_v[i, j * L + l, :]
            r = i * _RPC + j
            out_v[pl.ds(r * EMBED_DIM, EMBED_DIM)] = acc
        return _

    lax.fori_loop(0, _NCHUNK, chunk, None)
    pltpu.sync_copy(
        out_v,
        out_hbm.at[pl.ds(wid * _ROWS_W * EMBED_DIM, _ROWS_W * EMBED_DIM)])


def _sc_pool(ids2d, embed):
    mesh = plsc.VectorSubcoreMesh(core_axis_name="c", subcore_axis_name="s")
    return pl.kernel(
        _sc_pool_body,
        mesh=mesh,
        out_type=jax.ShapeDtypeStruct((B * EMBED_DIM,), jnp.float32),
        scratch_types=[
            pltpu.VMEM((_NCHUNK, _CH), jnp.int32),
            pltpu.VMEM_SHARED((VOCAB, EMBED_DIM), jnp.float32),
            pltpu.VMEM((_NCHUNK, _CH, EMBED_DIM), jnp.float32),
            pltpu.VMEM((_ROWS_W * EMBED_DIM,), jnp.float32),
            pltpu.SemaphoreType.DMA,
        ],
        compiler_params=pltpu.CompilerParams(use_tc_tiling_on_sc=False),
    )(ids2d, embed)


BT = 512


def _tc_body(W_ref, pooled_ref, b_ref, out_ref):
    logits_t = jax.lax.dot_general(
        W_ref[...], pooled_ref[...],
        dimension_numbers=(((0,), (1,)), ((), ())),
        preferred_element_type=jnp.float32)
    out_ref[...] = logits_t * (1.0 / L) + b_ref[...]


_VG = 8
_NG = VOCAB // _VG


_GPW = 4


def _sc_expand_body(logits_t_hbm, out_hbm, stage_a, stage_b, sem):
    wid = lax.axis_index("s") * _NC + lax.axis_index("c")
    g0 = lax.min(wid * _GPW, _NG - _GPW)
    bufs = [stage_a, stage_b]
    pending = []
    for k in range(_GPW):
        v0 = pl.multiple_of((g0 + k) * _VG, _VG)
        buf = bufs[k % 2]
        if k >= 2:
            for c in pending[:L]:
                c.wait()
            del pending[:L]
        pltpu.sync_copy(logits_t_hbm.at[pl.ds(v0, _VG)], buf)
        for l in range(L):
            pending.append(
                pltpu.async_copy(buf, out_hbm.at[l, pl.ds(v0, _VG), :], sem))
    for c in pending:
        c.wait()


def _sc_expand(logits_t):
    mesh = plsc.VectorSubcoreMesh(core_axis_name="c", subcore_axis_name="s")
    return pl.kernel(
        _sc_expand_body,
        mesh=mesh,
        out_type=jax.ShapeDtypeStruct((L, VOCAB, B), jnp.float32),
        scratch_types=[
            pltpu.VMEM((_VG, B), jnp.float32),
            pltpu.VMEM((_VG, B), jnp.float32),
            pltpu.SemaphoreType.DMA,
        ],
        compiler_params=pltpu.CompilerParams(use_tc_tiling_on_sc=True),
    )(logits_t)


def kernel(input_ids, embed, W, b):
    ids2d = input_ids.reshape(B * L // _CH, _CH)
    pooled = _sc_pool(ids2d, embed).reshape(B, EMBED_DIM)
    bcol = b.reshape(VOCAB, 1)
    logits_t = pl.pallas_call(
        _tc_body,
        grid=(B // BT,),
        in_specs=[
            pl.BlockSpec((EMBED_DIM, VOCAB), lambda i: (0, 0)),
            pl.BlockSpec((BT, EMBED_DIM), lambda i: (i, 0)),
            pl.BlockSpec((VOCAB, 1), lambda i: (0, 0)),
        ],
        out_specs=pl.BlockSpec((VOCAB, BT), lambda i: (0, i)),
        out_shape=jax.ShapeDtypeStruct((VOCAB, B), jnp.float32),
    )(W, pooled, bcol)
    out_t = _sc_expand(logits_t)
    return jnp.transpose(out_t, (2, 0, 1))

# --- scband reference (transcript-rebuilt; emitter-appended) ---
"""Pipeline reference for scband-mock-model-48215302865654 (READ-ONLY COPY).

The authoritative reference and input builder live on the scoring server;
editing this copy changes nothing except your own understanding.
"""

import jax, jax.numpy as jnp
import numpy as np

VOCAB = 1000
EMBED_DIM = 16
B = 4096
L = 20

def setup_inputs(seed: int = 0) -> dict:
    key = jax.random.key(seed)
    k1, k2, k3 = jax.random.split(key, 3)
    input_ids = jax.random.randint(k1, (B, L), 0, VOCAB, dtype=jnp.int64 if jax.config.jax_enable_x64 else jnp.int32).astype(jnp.int32)
    embed = jax.random.normal(k2, (VOCAB, EMBED_DIM), dtype=jnp.float32)
    W = jax.random.normal(k3, (EMBED_DIM, VOCAB), dtype=jnp.float32) * 0.05
    b = jnp.zeros((VOCAB,), dtype=jnp.float32)
    return {"input_ids": input_ids, "embed": embed, "W": W, "b": b}

def reference(input_ids, embed, W, b):
    # embedding lookup (gather) -> mean over sequence -> linear proj -> expand over seq
    x = jnp.take(embed, input_ids, axis=0)            # [B, L, 16]
    x = x.mean(axis=1)                                  # [B, 16]
    logits = x @ W + b                                  # [B, vocab]
    out = jnp.broadcast_to(logits[:, None, :], (logits.shape[0], input_ids.shape[1], logits.shape[1]))
    return out

if __name__ == "__main__":
    import jax
    _d = setup_inputs()
    print(jax.jit(kernel)(*tuple(_d.values())))

</pallas_src>

<mosaic_0001>
#map = affine_map<(d0, d1) -> (0, 0)>
#map1 = affine_map<(d0, d1) -> (0, 0, 0)>
module attributes {stable_mosaic.version = 14 : i64} {
  func.func @_sc_expand_body(%arg0: i32, %arg1: i32, %arg2: memref<1000x4096xf32, #tpu.memory_space<hbm>>, %arg3: memref<20x1000x4096xf32, #tpu.memory_space<hbm>>, %arg4: memref<8x4096xf32, #tpu.memory_space<vmem>>, %arg5: memref<8x4096xf32, #tpu.memory_space<vmem>>, %arg6: memref<!tpu.dma_semaphore, #tpu.memory_space<semaphore_mem>>) attributes {dimension_semantics = [#tpu.dimension_semantics<core_parallel>, #tpu.dimension_semantics<subcore_parallel>], iteration_bounds = array<i64: 2, 16>, scalar_prefetch = 0 : i64, scratch_operands = 3 : i64, tpu.core_type = #tpu.core_type<sc_vector_subcore>, window_params = [{transform_indices = #map}, {transform_indices = #map1}]} {
    %mul3A = arith.constant 2 : i32
    %mul3A_0 = arith.muli %arg1, %mul3A : i32
    %add3A = arith.addi %mul3A_0, %arg0 : i32
    %mul3A_1 = arith.constant 4 : i32
    %mul3A_2 = arith.muli %add3A, %mul3A_1 : i32
    %min3A = arith.constant 121 : i32
    %min3A_3 = arith.minsi %mul3A_2, %min3A : i32
    %add3A_4 = arith.constant 0 : i32
    %add3A_5 = arith.addi %min3A_3, %add3A_4 : i32
    %mul3A_6 = arith.constant 8 : i32
    %mul3A_7 = arith.muli %add3A_5, %mul3A_6 : i32
    %multiple_of3A = tpu.assume_multiple %mul3A_7, 8 : i32
    "tpu.region"() ({
      %run_scoped3A = tpu.sem_alloc : memref<!tpu.dma_semaphore, #tpu.memory_space<semaphore_mem>>
      %dma_start3A_1141 = arith.constant 0 : i32
      %dma_start3A_1142 = tpu.memref_slice %arg2[%multiple_of3A, %dma_start3A_1141] : memref<1000x4096xf32, #tpu.memory_space<hbm>> -> memref<8x4096xf32, #tpu.memory_space<hbm>>
      %dma_start3A_1143 = arith.constant 0 : i32
      %dma_start3A_1144 = tpu.memref_slice %arg2[%multiple_of3A, %dma_start3A_1143] : memref<1000x4096xf32, #tpu.memory_space<hbm>> -> memref<8x4096xf32, #tpu.memory_space<hbm>>
      tpu.enqueue_dma source(%dma_start3A_1144 : memref<8x4096xf32, #tpu.memory_space<hbm>>) target(%arg4 : memref<8x4096xf32, #tpu.memory_space<vmem>>) target_semaphore(%run_scoped3A : memref<!tpu.dma_semaphore, #tpu.memory_space<semaphore_mem>>)
      %dma_wait3A_1145 = arith.constant 0 : i32
      %dma_wait3A_1146 = tpu.memref_slice %arg2[%multiple_of3A, %dma_wait3A_1145] : memref<1000x4096xf32, #tpu.memory_space<hbm>> -> memref<8x4096xf32, #tpu.memory_space<hbm>>
      %dma_wait3A_1147 = arith.constant 0 : i32
      %dma_wait3A_1148 = tpu.memref_slice %arg2[%multiple_of3A, %dma_wait3A_1147] : memref<1000x4096xf32, #tpu.memory_space<hbm>> -> memref<8x4096xf32, #tpu.memory_space<hbm>>
      tpu.wait_dma2 semaphore(%run_scoped3A : memref<!tpu.dma_semaphore, #tpu.memory_space<semaphore_mem>>) src(%dma_wait3A_1148 : memref<8x4096xf32, #tpu.memory_space<hbm>>) dst(%arg4 : memref<8x4096xf32, #tpu.memory_space<vmem>>)
      tpu.yield
    }) : () -> ()
    %dma_start3A = arith.constant 0 : i32
    %dma_start3A_8 = arith.constant 0 : i32
    %dma_start3A_9 = tpu.memref_slice %arg3[%dma_start3A, %multiple_of3A, %dma_start3A_8] : memref<20x1000x4096xf32, #tpu.memory_space<hbm>> -> memref<1x8x4096xf32, #tpu.memory_space<hbm>>
    %dma_start3A_10 = tpu.memref_squeeze %dma_start3A_9 : memref<1x8x4096xf32, #tpu.memory_space<hbm>> -> memref<8x4096xf32, #tpu.memory_space<hbm>>
    %dma_start3A_11 = arith.constant 0 : i32
    %dma_start3A_12 = tpu.memref_slice %arg3[%dma_start3A, %multiple_of3A, %dma_start3A_11] : memref<20x1000x4096xf32, #tpu.memory_space<hbm>> -> memref<1x8x4096xf32, #tpu.memory_space<hbm>>
    %dma_start3A_13 = tpu.memref_squeeze %dma_start3A_12 : memref<1x8x4096xf32, #tpu.memory_space<hbm>> -> memref<8x4096xf32, #tpu.memory_space<hbm>>
    tpu.enqueue_dma source(%arg4 : memref<8x4096xf32, #tpu.memory_space<vmem>>) target(%dma_start3A_13 : memref<8x4096xf32, #tpu.memory_space<hbm>>) target_semaphore(%arg6 : memref<!tpu.dma_semaphore, #tpu.memory_space<semaphore_mem>>)
    %dma_start3A_14 = arith.constant 1 : i32
    %dma_start3A_15 = arith.constant 0 : i32
    %dma_start3A_16 = tpu.memref_slice %arg3[%dma_start3A_14, %multiple_of3A, %dma_start3A_15] : memref<20x1000x4096xf32, #tpu.memory_space<hbm>> -> memref<1x8x4096xf32, #tpu.memory_space<hbm>>
    %dma_start3A_17 = tpu.memref_squeeze %dma_start3A_16 : memref<1x8x4096xf32, #tpu.memory_space<hbm>> -> memref<8x4096xf32, #tpu.memory_space<hbm>>
    %dma_start3A_18 = arith.constant 0 : i32
    %dma_start3A_19 = tpu.memref_slice %arg3[%dma_start3A_14, %multiple_of3A, %dma_start3A_18] : memref<20x1000x4096xf32, #tpu.memory_space<hbm>> -> memref<1x8x4096xf32, #tpu.memory_space<hbm>>
    %dma_start3A_20 = tpu.memref_squeeze %dma_start3A_19 : memref<1x8x4096xf32, #tpu.memory_space<hbm>> -> memref<8x4096xf32, #tpu.memory_space<hbm>>
    tpu.enqueue_dma source(%arg4 : memref<8x4096xf32, #tpu.memory_space<vmem>>) target(%dma_start3A_20 : memref<8x4096xf32, #tpu.memory_space<hbm>>) target_semaphore(%arg6 : memref<!tpu.dma_semaphore, #tpu.memory_space<semaphore_mem>>)
    %dma_start3A_21 = arith.constant 2 : i32
    %dma_start3A_22 = arith.constant 0 : i32
    %dma_start3A_23 = tpu.memref_slice %arg3[%dma_start3A_21, %multiple_of3A, %dma_start3A_22] : memref<20x1000x4096xf32, #tpu.memory_space<hbm>> -> memref<1x8x4096xf32, #tpu.memory_space<hbm>>
    %dma_start3A_24 = tpu.memref_squeeze %dma_start3A_23 : memref<1x8x4096xf32, #tpu.memory_space<hbm>> -> memref<8x4096xf32, #tpu.memory_space<hbm>>
    %dma_start3A_25 = arith.constant 0 : i32
    %dma_start3A_26 = tpu.memref_slice %arg3[%dma_start3A_21, %multiple_of3A, %dma_start3A_25] : memref<20x1000x4096xf32, #tpu.memory_space<hbm>> -> memref<1x8x4096xf32, #tpu.memory_space<hbm>>
    %dma_start3A_27 = tpu.memref_squeeze %dma_start3A_26 : memref<1x8x4096xf32, #tpu.memory_space<hbm>> -> memref<8x4096xf32, #tpu.memory_space<hbm>>
    tpu.enqueue_dma source(%arg4 : memref<8x4096xf32, #tpu.memory_space<vmem>>) target(%dma_start3A_27 : memref<8x4096xf32, #tpu.memory_space<hbm>>) target_semaphore(%arg6 : memref<!tpu.dma_semaphore, #tpu.memory_space<semaphore_mem>>)
    %dma_start3A_28 = arith.constant 3 : i32
    %dma_start3A_29 = arith.constant 0 : i32
    %dma_start3A_30 = tpu.memref_slice %arg3[%dma_start3A_28, %multiple_of3A, %dma_start3A_29] : memref<20x1000x4096xf32, #tpu.memory_space<hbm>> -> memref<1x8x4096xf32, #tpu.memory_space<hbm>>
    %dma_start3A_31 = tpu.memref_squeeze %dma_start3A_30 : memref<1x8x4096xf32, #tpu.memory_space<hbm>> -> memref<8x4096xf32, #tpu.memory_space<hbm>>
    %dma_start3A_32 = arith.constant 0 : i32
    %dma_start3A_33 = tpu.memref_slice %arg3[%dma_start3A_28, %multiple_of3A, %dma_start3A_32] : memref<20x1000x4096xf32, #tpu.memory_space<hbm>> -> memref<1x8x4096xf32, #tpu.memory_space<hbm>>
    %dma_start3A_34 = tpu.memref_squeeze %dma_start3A_33 : memref<1x8x4096xf32, #tpu.memory_space<hbm>> -> memref<8x4096xf32, #tpu.memory_space<hbm>>
    tpu.enqueue_dma source(%arg4 : memref<8x4096xf32, #tpu.memory_space<vmem>>) target(%dma_start3A_34 : memref<8x4096xf32, #tpu.memory_space<hbm>>) target_semaphore(%arg6 : memref<!tpu.dma_semaphore, #tpu.memory_space<semaphore_mem>>)
    %dma_start3A_35 = arith.constant 4 : i32
    %dma_start3A_36 = arith.constant 0 : i32
    %dma_start3A_37 = tpu.memref_slice %arg3[%dma_start3A_35, %multiple_of3A, %dma_start3A_36] : memref<20x1000x4096xf32, #tpu.memory_space<hbm>> -> memref<1x8x4096xf32, #tpu.memory_space<hbm>>
    %dma_start3A_38 = tpu.memref_squeeze %dma_start3A_37 : memref<1x8x4096xf32, #tpu.memory_space<hbm>> -> memref<8x4096xf32, #tpu.memory_space<hbm>>
    %dma_start3A_39 = arith.constant 0 : i32
    %dma_start3A_40 = tpu.memref_slice %arg3[%dma_start3A_35, %multiple_of3A, %dma_start3A_39] : memref<20x1000x4096xf32, #tpu.memory_space<hbm>> -> memref<1x8x4096xf32, #tpu.memory_space<hbm>>
    %dma_start3A_41 = tpu.memref_squeeze %dma_start3A_40 : memref<1x8x4096xf32, #tpu.memory_space<hbm>> -> memref<8x4096xf32, #tpu.memory_space<hbm>>
    tpu.enqueue_dma source(%arg4 : memref<8x4096xf32, #tpu.memory_space<vmem>>) target(%dma_start3A_41 : memref<8x4096xf32, #tpu.memory_space<hbm>>) target_semaphore(%arg6 : memref<!tpu.dma_semaphore, #tpu.memory_space<semaphore_mem>>)
    %dma_start3A_42 = arith.constant 5 : i32
    %dma_start3A_43 = arith.constant 0 : i32
    %dma_start3A_44 = tpu.memref_slice %arg3[%dma_start3A_42, %multiple_of3A, %dma_start3A_43] : memref<20x1000x4096xf32, #tpu.memory_space<hbm>> -> memref<1x8x4096xf32, #tpu.memory_space<hbm>>
    %dma_start3A_45 = tpu.memref_squeeze %dma_start3A_44 : memref<1x8x4096xf32, #tpu.memory_space<hbm>> -> memref<8x4096xf32, #tpu.memory_space<hbm>>
    %dma_start3A_46 = arith.constant 0 : i32
    %dma_start3A_47 = tpu.memref_slice %arg3[%dma_start3A_42, %multiple_of3A, %dma_start3A_46] : memref<20x1000x4096xf32, #tpu.memory_space<hbm>> -> memref<1x8x4096xf32, #tpu.memory_space<hbm>>
    %dma_start3A_48 = tpu.memref_squeeze %dma_start3A_47 : memref<1x8x4096xf32, #tpu.memory_space<hbm>> -> memref<8x4096xf32, #tpu.memory_space<hbm>>
    tpu.enqueue_dma source(%arg4 : memref<8x4096xf32, #tpu.memory_space<vmem>>) target(%dma_start3A_48 : memref<8x4096xf32, #tpu.memory_space<hbm>>) target_semaphore(%arg6 : memref<!tpu.dma_semaphore, #tpu.memory_space<semaphore_mem>>)
    %dma_start3A_49 = arith.constant 6 : i32
    %dma_start3A_50 = arith.constant 0 : i32
    %dma_start3A_51 = tpu.memref_slice %arg3[%dma_start3A_49, %multiple_of3A, %dma_start3A_50] : memref<20x1000x4096xf32, #tpu.memory_space<hbm>> -> memref<1x8x4096xf32, #tpu.memory_space<hbm>>
    %dma_start3A_52 = tpu.memref_squeeze %dma_start3A_51 : memref<1x8x4096xf32, #tpu.memory_space<hbm>> -> memref<8x4096xf32, #tpu.memory_space<hbm>>
    %dma_start3A_53 = arith.constant 0 : i32
    %dma_start3A_54 = tpu.memref_slice %arg3[%dma_start3A_49, %multiple_of3A, %dma_start3A_53] : memref<20x1000x4096xf32, #tpu.memory_space<hbm>> -> memref<1x8x4096xf32, #tpu.memory_space<hbm>>
    %dma_start3A_55 = tpu.memref_squeeze %dma_start3A_54 : memref<1x8x4096xf32, #tpu.memory_space<hbm>> -> memref<8x4096xf32, #tpu.memory_space<hbm>>
    tpu.enqueue_dma source(%arg4 : memref<8x4096xf32, #tpu.memory_space<vmem>>) target(%dma_start3A_55 : memref<8x4096xf32, #tpu.memory_space<hbm>>) target_semaphore(%arg6 : memref<!tpu.dma_semaphore, #tpu.memory_space<semaphore_mem>>)
    %dma_start3A_56 = arith.constant 7 : i32
    %dma_start3A_57 = arith.constant 0 : i32
    %dma_start3A_58 = tpu.memref_slice %arg3[%dma_start3A_56, %multiple_of3A, %dma_start3A_57] : memref<20x1000x4096xf32, #tpu.memory_space<hbm>> -> memref<1x8x4096xf32, #tpu.memory_space<hbm>>
    %dma_start3A_59 = tpu.memref_squeeze %dma_start3A_58 : memref<1x8x4096xf32, #tpu.memory_space<hbm>> -> memref<8x4096xf32, #tpu.memory_space<hbm>>
    %dma_start3A_60 = arith.constant 0 : i32
    %dma_start3A_61 = tpu.memref_slice %arg3[%dma_start3A_56, %multiple_of3A, %dma_start3A_60] : memref<20x1000x4096xf32, #tpu.memory_space<hbm>> -> memref<1x8x4096xf32, #tpu.memory_space<hbm>>
    %dma_start3A_62 = tpu.memref_squeeze %dma_start3A_61 : memref<1x8x4096xf32, #tpu.memory_space<hbm>> -> memref<8x4096xf32, #tpu.memory_space<hbm>>
    tpu.enqueue_dma source(%arg4 : memref<8x4096xf32, #tpu.memory_space<vmem>>) target(%dma_start3A_62 : memref<8x4096xf32, #tpu.memory_space<hbm>>) target_semaphore(%arg6 : memref<!tpu.dma_semaphore, #tpu.memory_space<semaphore_mem>>)
    %dma_start3A_63 = arith.constant 8 : i32
    %dma_start3A_64 = arith.constant 0 : i32
    %dma_start3A_65 = tpu.memref_slice %arg3[%dma_start3A_63, %multiple_of3A, %dma_start3A_64] : memref<20x1000x4096xf32, #tpu.memory_space<hbm>> -> memref<1x8x4096xf32, #tpu.memory_space<hbm>>
    %dma_start3A_66 = tpu.memref_squeeze %dma_start3A_65 : memref<1x8x4096xf32, #tpu.memory_space<hbm>> -> memref<8x4096xf32, #tpu.memory_space<hbm>>
    %dma_start3A_67 = arith.constant 0 : i32
    %dma_start3A_68 = tpu.memref_slice %arg3[%dma_start3A_63, %multiple_of3A, %dma_start3A_67] : memref<20x1000x4096xf32, #tpu.memory_space<hbm>> -> memref<1x8x4096xf32, #tpu.memory_space<hbm>>
    %dma_start3A_69 = tpu.memref_squeeze %dma_start3A_68 : memref<1x8x4096xf32, #tpu.memory_space<hbm>> -> memref<8x4096xf32, #tpu.memory_space<hbm>>
    tpu.enqueue_dma source(%arg4 : memref<8x4096xf32, #tpu.memory_space<vmem>>) target(%dma_start3A_69 : memref<8x4096xf32, #tpu.memory_space<hbm>>) target_semaphore(%arg6 : memref<!tpu.dma_semaphore, #tpu.memory_space<semaphore_mem>>)
    %dma_start3A_70 = arith.constant 9 : i32
    %dma_start3A_71 = arith.constant 0 : i32
    %dma_start3A_72 = tpu.memref_slice %arg3[%dma_start3A_70, %multiple_of3A, %dma_start3A_71] : memref<20x1000x4096xf32, #tpu.memory_space<hbm>> -> memref<1x8x4096xf32, #tpu.memory_space<hbm>>
    %dma_start3A_73 = tpu.memref_squeeze %dma_start3A_72 : memref<1x8x4096xf32, #tpu.memory_space<hbm>> -> memref<8x4096xf32, #tpu.memory_space<hbm>>
    %dma_start3A_74 = arith.constant 0 : i32
    %dma_start3A_75 = tpu.memref_slice %arg3[%dma_start3A_70, %multiple_of3A, %dma_start3A_74] : memref<20x1000x4096xf32, #tpu.memory_space<hbm>> -> memref<1x8x4096xf32, #tpu.memory_space<hbm>>
    %dma_start3A_76 = tpu.memref_squeeze %dma_start3A_75 : memref<1x8x4096xf32, #tpu.memory_space<hbm>> -> memref<8x4096xf32, #tpu.memory_space<hbm>>
    tpu.enqueue_dma source(%arg4 : memref<8x4096xf32, #tpu.memory_space<vmem>>) target(%dma_start3A_76 : memref<8x4096xf32, #tpu.memory_space<hbm>>) target_semaphore(%arg6 : memref<!tpu.dma_semaphore, #tpu.memory_space<semaphore_mem>>)
    %dma_start3A_77 = arith.constant 10 : i32
    %dma_start3A_78 = arith.constant 0 : i32
    %dma_start3A_79 = tpu.memref_slice %arg3[%dma_start3A_77, %multiple_of3A, %dma_start3A_78] : memref<20x1000x4096xf32, #tpu.memory_space<hbm>> -> memref<1x8x4096xf32, #tpu.memory_space<hbm>>
    %dma_start3A_80 = tpu.memref_squeeze %dma_start3A_79 : memref<1x8x4096xf32, #tpu.memory_space<hbm>> -> memref<8x4096xf32, #tpu.memory_space<hbm>>
    %dma_start3A_81 = arith.constant 0 : i32
    %dma_start3A_82 = tpu.memref_slice %arg3[%dma_start3A_77, %multiple_of3A, %dma_start3A_81] : memref<20x1000x4096xf32, #tpu.memory_space<hbm>> -> memref<1x8x4096xf32, #tpu.memory_space<hbm>>
    %dma_start3A_83 = tpu.memref_squeeze %dma_start3A_82 : memref<1x8x4096xf32, #tpu.memory_space<hbm>> -> memref<8x4096xf32, #tpu.memory_space<hbm>>
    tpu.enqueue_dma source(%arg4 : memref<8x4096xf32, #tpu.memory_space<vmem>>) target(%dma_start3A_83 : memref<8x4096xf32, #tpu.memory_space<hbm>>) target_semaphore(%arg6 : memref<!tpu.dma_semaphore, #tpu.memory_space<semaphore_mem>>)
    %dma_start3A_84 = arith.constant 11 : i32
    %dma_start3A_85 = arith.constant 0 : i32
    %dma_start3A_86 = tpu.memref_slice %arg3[%dma_start3A_84, %multiple_of3A, %dma_start3A_85] : memref<20x1000x4096xf32, #tpu.memory_space<hbm>> -> memref<1x8x4096xf32, #tpu.memory_space<hbm>>
    %dma_start3A_87 = tpu.memref_squeeze %dma_start3A_86 : memref<1x8x4096xf32, #tpu.memory_space<hbm>> -> memref<8x4096xf32, #tpu.memory_space<hbm>>
    %dma_start3A_88 = arith.constant 0 : i32
    %dma_start3A_89 = tpu.memref_slice %arg3[%dma_start3A_84, %multiple_of3A, %dma_start3A_88] : memref<20x1000x4096xf32, #tpu.memory_space<hbm>> -> memref<1x8x4096xf32, #tpu.memory_space<hbm>>
    %dma_start3A_90 = tpu.memref_squeeze %dma_start3A_89 : memref<1x8x4096xf32, #tpu.memory_space<hbm>> -> memref<8x4096xf32, #tpu.memory_space<hbm>>
    tpu.enqueue_dma source(%arg4 : memref<8x4096xf32, #tpu.memory_space<vmem>>) target(%dma_start3A_90 : memref<8x4096xf32, #tpu.memory_space<hbm>>) target_semaphore(%arg6 : memref<!tpu.dma_semaphore, #tpu.memory_space<semaphore_mem>>)
    %dma_start3A_91 = arith.constant 12 : i32
    %dma_start3A_92 = arith.constant 0 : i32
    %dma_start3A_93 = tpu.memref_slice %arg3[%dma_start3A_91, %multiple_of3A, %dma_start3A_92] : memref<20x1000x4096xf32, #tpu.memory_space<hbm>> -> memref<1x8x4096xf32, #tpu.memory_space<hbm>>
    %dma_start3A_94 = tpu.memref_squeeze %dma_start3A_93 : memref<1x8x4096xf32, #tpu.memory_space<hbm>> -> memref<8x4096xf32, #tpu.memory_space<hbm>>
    %dma_start3A_95 = arith.constant 0 : i32
    %dma_start3A_96 = tpu.memref_slice %arg3[%dma_start3A_91, %multiple_of3A, %dma_start3A_95] : memref<20x1000x4096xf32, #tpu.memory_space<hbm>> -> memref<1x8x4096xf32, #tpu.memory_space<hbm>>
    %dma_start3A_97 = tpu.memref_squeeze %dma_start3A_96 : memref<1x8x4096xf32, #tpu.memory_space<hbm>> -> memref<8x4096xf32, #tpu.memory_space<hbm>>
    tpu.enqueue_dma source(%arg4 : memref<8x4096xf32, #tpu.memory_space<vmem>>) target(%dma_start3A_97 : memref<8x4096xf32, #tpu.memory_space<hbm>>) target_semaphore(%arg6 : memref<!tpu.dma_semaphore, #tpu.memory_space<semaphore_mem>>)
    %dma_start3A_98 = arith.constant 13 : i32
    %dma_start3A_99 = arith.constant 0 : i32
    %dma_start3A_100 = tpu.memref_slice %arg3[%dma_start3A_98, %multiple_of3A, %dma_start3A_99] : memref<20x1000x4096xf32, #tpu.memory_space<hbm>> -> memref<1x8x4096xf32, #tpu.memory_space<hbm>>
    %dma_start3A_101 = tpu.memref_squeeze %dma_start3A_100 : memref<1x8x4096xf32, #tpu.memory_space<hbm>> -> memref<8x4096xf32, #tpu.memory_space<hbm>>
    %dma_start3A_102 = arith.constant 0 : i32
    %dma_start3A_103 = tpu.memref_slice %arg3[%dma_start3A_98, %multiple_of3A, %dma_start3A_102] : memref<20x1000x4096xf32, #tpu.memory_space<hbm>> -> memref<1x8x4096xf32, #tpu.memory_space<hbm>>
    %dma_start3A_104 = tpu.memref_squeeze %dma_start3A_103 : memref<1x8x4096xf32, #tpu.memory_space<hbm>> -> memref<8x4096xf32, #tpu.memory_space<hbm>>
    tpu.enqueue_dma source(%arg4 : memref<8x4096xf32, #tpu.memory_space<vmem>>) target(%dma_start3A_104 : memref<8x4096xf32, #tpu.memory_space<hbm>>) target_semaphore(%arg6 : memref<!tpu.dma_semaphore, #tpu.memory_space<semaphore_mem>>)
    %dma_start3A_105 = arith.constant 14 : i32
    %dma_start3A_106 = arith.constant 0 : i32
    %dma_start3A_107 = tpu.memref_slice %arg3[%dma_start3A_105, %multiple_of3A, %dma_start3A_106] : memref<20x1000x4096xf32, #tpu.memory_space<hbm>> -> memref<1x8x4096xf32, #tpu.memory_space<hbm>>
    %dma_start3A_108 = tpu.memref_squeeze %dma_start3A_107 : memref<1x8x4096xf32, #tpu.memory_space<hbm>> -> memref<8x4096xf32, #tpu.memory_space<hbm>>
    %dma_start3A_109 = arith.constant 0 : i32
    %dma_start3A_110 = tpu.memref_slice %arg3[%dma_start3A_105, %multiple_of3A, %dma_start3A_109] : memref<20x1000x4096xf32, #tpu.memory_space<hbm>> -> memref<1x8x4096xf32, #tpu.memory_space<hbm>>
    %dma_start3A_111 = tpu.memref_squeeze %dma_start3A_110 : memref<1x8x4096xf32, #tpu.memory_space<hbm>> -> memref<8x4096xf32, #tpu.memory_space<hbm>>
    tpu.enqueue_dma source(%arg4 : memref<8x4096xf32, #tpu.memory_space<vmem>>) target(%dma_start3A_111 : memref<8x4096xf32, #tpu.memory_space<hbm>>) target_semaphore(%arg6 : memref<!tpu.dma_semaphore, #tpu.memory_space<semaphore_mem>>)
    %dma_start3A_112 = arith.constant 15 : i32
    %dma_start3A_113 = arith.constant 0 : i32
    %dma_start3A_114 = tpu.memref_slice %arg3[%dma_start3A_112, %multiple_of3A, %dma_start3A_113] : memref<20x1000x4096xf32, #tpu.memory_space<hbm>> -> memref<1x8x4096xf32, #tpu.memory_space<hbm>>
    %dma_start3A_115 = tpu.memref_squeeze %dma_start3A_114 : memref<1x8x4096xf32, #tpu.memory_space<hbm>> -> memref<8x4096xf32, #tpu.memory_space<hbm>>
    %dma_start3A_116 = arith.constant 0 : i32
    %dma_start3A_117 = tpu.memref_slice %arg3[%dma_start3A_112, %multiple_of3A, %dma_start3A_116] : memref<20x1000x4096xf32, #tpu.memory_space<hbm>> -> memref<1x8x4096xf32, #tpu.memory_space<hbm>>
    %dma_start3A_118 = tpu.memref_squeeze %dma_start3A_117 : memref<1x8x4096xf32, #tpu.memory_space<hbm>> -> memref<8x4096xf32, #tpu.memory_space<hbm>>
    tpu.enqueue_dma source(%arg4 : memref<8x4096xf32, #tpu.memory_space<vmem>>) target(%dma_start3A_118 : memref<8x4096xf32, #tpu.memory_space<hbm>>) target_semaphore(%arg6 : memref<!tpu.dma_semaphore, #tpu.memory_space<semaphore_mem>>)
    %dma_start3A_119 = arith.constant 16 : i32
    %dma_start3A_120 = arith.constant 0 : i32
    %dma_start3A_121 = tpu.memref_slice %arg3[%dma_start3A_119, %multiple_of3A, %dma_start3A_120] : memref<20x1000x4096xf32, #tpu.memory_space<hbm>> -> memref<1x8x4096xf32, #tpu.memory_space<hbm>>
    %dma_start3A_122 = tpu.memref_squeeze %dma_start3A_121 : memref<1x8x4096xf32, #tpu.memory_space<hbm>> -> memref<8x4096xf32, #tpu.memory_space<hbm>>
    %dma_start3A_123 = arith.constant 0 : i32
    %dma_start3A_124 = tpu.memref_slice %arg3[%dma_start3A_119, %multiple_of3A, %dma_start3A_123] : memref<20x1000x4096xf32, #tpu.memory_space<hbm>> -> memref<1x8x4096xf32, #tpu.memory_space<hbm>>
    %dma_start3A_125 = tpu.memref_squeeze %dma_start3A_124 : memref<1x8x4096xf32, #tpu.memory_space<hbm>> -> memref<8x4096xf32, #tpu.memory_space<hbm>>
    tpu.enqueue_dma source(%arg4 : memref<8x4096xf32, #tpu.memory_space<vmem>>) target(%dma_start3A_125 : memref<8x4096xf32, #tpu.memory_space<hbm>>) target_semaphore(%arg6 : memref<!tpu.dma_semaphore, #tpu.memory_space<semaphore_mem>>)
    %dma_start3A_126 = arith.constant 17 : i32
    %dma_start3A_127 = arith.constant 0 : i32
    %dma_start3A_128 = tpu.memref_slice %arg3[%dma_start3A_126, %multiple_of3A, %dma_start3A_127] : memref<20x1000x4096xf32, #tpu.memory_space<hbm>> -> memref<1x8x4096xf32, #tpu.memory_space<hbm>>
    %dma_start3A_129 = tpu.memref_squeeze %dma_start3A_128 : memref<1x8x4096xf32, #tpu.memory_space<hbm>> -> memref<8x4096xf32, #tpu.memory_space<hbm>>
    %dma_start3A_130 = arith.constant 0 : i32
    %dma_start3A_131 = tpu.memref_slice %arg3[%dma_start3A_126, %multiple_of3A, %dma_start3A_130] : memref<20x1000x4096xf32, #tpu.memory_space<hbm>> -> memref<1x8x4096xf32, #tpu.memory_space<hbm>>
    %dma_start3A_132 = tpu.memref_squeeze %dma_start3A_131 : memref<1x8x4096xf32, #tpu.memory_space<hbm>> -> memref<8x4096xf32, #tpu.memory_space<hbm>>
    tpu.enqueue_dma source(%arg4 : memref<8x4096xf32, #tpu.memory_space<vmem>>) target(%dma_start3A_132 : memref<8x4096xf32, #tpu.memory_space<hbm>>) target_semaphore(%arg6 : memref<!tpu.dma_semaphore, #tpu.memory_space<semaphore_mem>>)
    %dma_start3A_133 = arith.constant 18 : i32
    %dma_start3A_134 = arith.constant 0 : i32
    %dma_start3A_135 = tpu.memref_slice %arg3[%dma_start3A_133, %multiple_of3A, %dma_start3A_134] : memref<20x1000x4096xf32, #tpu.memory_space<hbm>> -> memref<1x8x4096xf32, #tpu.memory_space<hbm>>
    %dma_start3A_136 = tpu.memref_squeeze %dma_start3A_135 : memref<1x8x4096xf32, #tpu.memory_space<hbm>> -> memref<8x4096xf32, #tpu.memory_space<hbm>>
    %dma_start3A_137 = arith.constant 0 : i32
    %dma_start3A_138 = tpu.memref_slice %arg3[%dma_start3A_133, %multiple_of3A, %dma_start3A_137] : memref<20x1000x4096xf32, #tpu.memory_space<hbm>> -> memref<1x8x4096xf32, #tpu.memory_space<hbm>>
    %dma_start3A_139 = tpu.memref_squeeze %dma_start3A_138 : memref<1x8x4096xf32, #tpu.memory_space<hbm>> -> memref<8x4096xf32, #tpu.memory_space<hbm>>
    tpu.enqueue_dma source(%arg4 : memref<8x4096xf32, #tpu.memory_space<vmem>>) target(%dma_start3A_139 : memref<8x4096xf32, #tpu.memory_space<hbm>>) target_semaphore(%arg6 : memref<!tpu.dma_semaphore, #tpu.memory_space<semaphore_mem>>)
    %dma_start3A_140 = arith.constant 19 : i32
    %dma_start3A_141 = arith.constant 0 : i32
    %dma_start3A_142 = tpu.memref_slice %arg3[%dma_start3A_140, %multiple_of3A, %dma_start3A_141] : memref<20x1000x4096xf32, #tpu.memory_space<hbm>> -> memref<1x8x4096xf32, #tpu.memory_space<hbm>>
    %dma_start3A_143 = tpu.memref_squeeze %dma_start3A_142 : memref<1x8x4096xf32, #tpu.memory_space<hbm>> -> memref<8x4096xf32, #tpu.memory_space<hbm>>
    %dma_start3A_144 = arith.constant 0 : i32
    %dma_start3A_145 = tpu.memref_slice %arg3[%dma_start3A_140, %multiple_of3A, %dma_start3A_144] : memref<20x1000x4096xf32, #tpu.memory_space<hbm>> -> memref<1x8x4096xf32, #tpu.memory_space<hbm>>
    %dma_start3A_146 = tpu.memref_squeeze %dma_start3A_145 : memref<1x8x4096xf32, #tpu.memory_space<hbm>> -> memref<8x4096xf32, #tpu.memory_space<hbm>>
    tpu.enqueue_dma source(%arg4 : memref<8x4096xf32, #tpu.memory_space<vmem>>) target(%dma_start3A_146 : memref<8x4096xf32, #tpu.memory_space<hbm>>) target_semaphore(%arg6 : memref<!tpu.dma_semaphore, #tpu.memory_space<semaphore_mem>>)
    %add3A_147 = arith.constant 1 : i32
    %add3A_148 = arith.addi %min3A_3, %add3A_147 : i32
    %mul3A_149 = arith.constant 8 : i32
    %mul3A_150 = arith.muli %add3A_148, %mul3A_149 : i32
    %multiple_of3A_151 = tpu.assume_multiple %mul3A_150, 8 : i32
    "tpu.region"() ({
      %run_scoped3A = tpu.sem_alloc : memref<!tpu.dma_semaphore, #tpu.memory_space<semaphore_mem>>
      %dma_start3A_1141 = arith.constant 0 : i32
      %dma_start3A_1142 = tpu.memref_slice %arg2[%multiple_of3A_151, %dma_start3A_1141] : memref<1000x4096xf32, #tpu.memory_space<hbm>> -> memref<8x4096xf32, #tpu.memory_space<hbm>>
      %dma_start3A_1143 = arith.constant 0 : i32
      %dma_start3A_1144 = tpu.memref_slice %arg2[%multiple_of3A_151, %dma_start3A_1143] : memref<1000x4096xf32, #tpu.memory_space<hbm>> -> memref<8x4096xf32, #tpu.memory_space<hbm>>
      tpu.enqueue_dma source(%dma_start3A_1144 : memref<8x4096xf32, #tpu.memory_space<hbm>>) target(%arg5 : memref<8x4096xf32, #tpu.memory_space<vmem>>) target_semaphore(%run_scoped3A : memref<!tpu.dma_semaphore, #tpu.memory_space<semaphore_mem>>)
      %dma_wait3A_1145 = arith.constant 0 : i32
      %dma_wait3A_1146 = tpu.memref_slice %arg2[%multiple_of3A_151, %dma_wait3A_1145] : memref<1000x4096xf32, #tpu.memory_space<hbm>> -> memref<8x4096xf32, #tpu.memory_space<hbm>>
      %dma_wait3A_1147 = arith.constant 0 : i32
      %dma_wait3A_1148 = tpu.memref_slice %arg2[%multiple_of3A_151, %dma_wait3A_1147] : memref<1000x4096xf32, #tpu.memory_space<hbm>> -> memref<8x4096xf32, #tpu.memory_space<hbm>>
      tpu.wait_dma2 semaphore(%run_scoped3A : memref<!tpu.dma_semaphore, #tpu.memory_space<semaphore_mem>>) src(%dma_wait3A_1148 : memref<8x4096xf32, #tpu.memory_space<hbm>>) dst(%arg5 : memref<8x4096xf32, #tpu.memory_space<vmem>>)
      tpu.yield
    }) : () -> ()
    %dma_start3A_152 = arith.constant 0 : i32
    %dma_start3A_153 = arith.constant 0 : i32
    %dma_start3A_154 = tpu.memref_slice %arg3[%dma_start3A_152, %multiple_of3A_151, %dma_start3A_153] : memref<20x1000x4096xf32, #tpu.memory_space<hbm>> -> memref<1x8x4096xf32, #tpu.memory_space<hbm>>
    %dma_start3A_155 = tpu.memref_squeeze %dma_start3A_154 : memref<1x8x4096xf32, #tpu.memory_space<hbm>> -> memref<8x4096xf32, #tpu.memory_space<hbm>>
    %dma_start3A_156 = arith.constant 0 : i32
    %dma_start3A_157 = tpu.memref_slice %arg3[%dma_start3A_152, %multiple_of3A_151, %dma_start3A_156] : memref<20x1000x4096xf32, #tpu.memory_space<hbm>> -> memref<1x8x4096xf32, #tpu.memory_space<hbm>>
    %dma_start3A_158 = tpu.memref_squeeze %dma_start3A_157 : memref<1x8x4096xf32, #tpu.memory_space<hbm>> -> memref<8x4096xf32, #tpu.memory_space<hbm>>
    tpu.enqueue_dma source(%arg5 : memref<8x4096xf32, #tpu.memory_space<vmem>>) target(%dma_start3A_158 : memref<8x4096xf32, #tpu.memory_space<hbm>>) target_semaphore(%arg6 : memref<!tpu.dma_semaphore, #tpu.memory_space<semaphore_mem>>)
    %dma_start3A_159 = arith.constant 1 : i32
    %dma_start3A_160 = arith.constant 0 : i32
    %dma_start3A_161 = tpu.memref_slice %arg3[%dma_start3A_159, %multiple_of3A_151, %dma_start3A_160] : memref<20x1000x4096xf32, #tpu.memory_space<hbm>> -> memref<1x8x4096xf32, #tpu.memory_space<hbm>>
    %dma_start3A_162 = tpu.memref_squeeze %dma_start3A_161 : memref<1x8x4096xf32, #tpu.memory_space<hbm>> -> memref<8x4096xf32, #tpu.memory_space<hbm>>
    %dma_start3A_163 = arith.constant 0 : i32
    %dma_start3A_164 = tpu.memref_slice %arg3[%dma_start3A_159, %multiple_of3A_151, %dma_start3A_163] : memref<20x1000x4096xf32, #tpu.memory_space<hbm>> -> memref<1x8x4096xf32, #tpu.memory_space<hbm>>
    %dma_start3A_165 = tpu.memref_squeeze %dma_start3A_164 : memref<1x8x4096xf32, #tpu.memory_space<hbm>> -> memref<8x4096xf32, #tpu.memory_space<hbm>>
    tpu.enqueue_dma source(%arg5 : memref<8x4096xf32, #tpu.memory_space<vmem>>) target(%dma_start3A_165 : memref<8x4096xf32, #tpu.memory_space<hbm>>) target_semaphore(%arg6 : memref<!tpu.dma_semaphore, #tpu.memory_space<semaphore_mem>>)
    %dma_start3A_166 = arith.constant 2 : i32
    %dma_start3A_167 = arith.constant 0 : i32
    %dma_start3A_168 = tpu.memref_slice %arg3[%dma_start3A_166, %multiple_of3A_151, %dma_start3A_167] : memref<20x1000x4096xf32, #tpu.memory_space<hbm>> -> memref<1x8x4096xf32, #tpu.memory_space<hbm>>
    %dma_start3A_169 = tpu.memref_squeeze %dma_start3A_168 : memref<1x8x4096xf32, #tpu.memory_space<hbm>> -> memref<8x4096xf32, #tpu.memory_space<hbm>>
    %dma_start3A_170 = arith.constant 0 : i32
    %dma_start3A_171 = tpu.memref_slice %arg3[%dma_start3A_166, %multiple_of3A_151, %dma_start3A_170] : memref<20x1000x4096xf32, #tpu.memory_space<hbm>> -> memref<1x8x4096xf32, #tpu.memory_space<hbm>>
    %dma_start3A_172 = tpu.memref_squeeze %dma_start3A_171 : memref<1x8x4096xf32, #tpu.memory_space<hbm>> -> memref<8x4096xf32, #tpu.memory_space<hbm>>
    tpu.enqueue_dma source(%arg5 : memref<8x4096xf32, #tpu.memory_space<vmem>>) target(%dma_start3A_172 : memref<8x4096xf32, #tpu.memory_space<hbm>>) target_semaphore(%arg6 : memref<!tpu.dma_semaphore, #tpu.memory_space<semaphore_mem>>)
    %dma_start3A_173 = arith.constant 3 : i32
    %dma_start3A_174 = arith.constant 0 : i32
    %dma_start3A_175 = tpu.memref_slice %arg3[%dma_start3A_173, %multiple_of3A_151, %dma_start3A_174] : memref<20x1000x4096xf32, #tpu.memory_space<hbm>> -> memref<1x8x4096xf32, #tpu.memory_space<hbm>>
    %dma_start3A_176 = tpu.memref_squeeze %dma_start3A_175 : memref<1x8x4096xf32, #tpu.memory_space<hbm>> -> memref<8x4096xf32, #tpu.memory_space<hbm>>
    %dma_start3A_177 = arith.constant 0 : i32
    %dma_start3A_178 = tpu.memref_slice %arg3[%dma_start3A_173, %multiple_of3A_151, %dma_start3A_177] : memref<20x1000x4096xf32, #tpu.memory_space<hbm>> -> memref<1x8x4096xf32, #tpu.memory_space<hbm>>
    %dma_start3A_179 = tpu.memref_squeeze %dma_start3A_178 : memref<1x8x4096xf32, #tpu.memory_space<hbm>> -> memref<8x4096xf32, #tpu.memory_space<hbm>>
    tpu.enqueue_dma source(%arg5 : memref<8x4096xf32, #tpu.memory_space<vmem>>) target(%dma_start3A_179 : memref<8x4096xf32, #tpu.memory_space<hbm>>) target_semaphore(%arg6 : memref<!tpu.dma_semaphore, #tpu.memory_space<semaphore_mem>>)
    %dma_start3A_180 = arith.constant 4 : i32
    %dma_start3A_181 = arith.constant 0 : i32
    %dma_start3A_182 = tpu.memref_slice %arg3[%dma_start3A_180, %multiple_of3A_151, %dma_start3A_181] : memref<20x1000x4096xf32, #tpu.memory_space<hbm>> -> memref<1x8x4096xf32, #tpu.memory_space<hbm>>
    %dma_start3A_183 = tpu.memref_squeeze %dma_start3A_182 : memref<1x8x4096xf32, #tpu.memory_space<hbm>> -> memref<8x4096xf32, #tpu.memory_space<hbm>>
    %dma_start3A_184 = arith.constant 0 : i32
    %dma_start3A_185 = tpu.memref_slice %arg3[%dma_start3A_180, %multiple_of3A_151, %dma_start3A_184] : memref<20x1000x4096xf32, #tpu.memory_space<hbm>> -> memref<1x8x4096xf32, #tpu.memory_space<hbm>>
    %dma_start3A_186 = tpu.memref_squeeze %dma_start3A_185 : memref<1x8x4096xf32, #tpu.memory_space<hbm>> -> memref<8x4096xf32, #tpu.memory_space<hbm>>
    tpu.enqueue_dma source(%arg5 : memref<8x4096xf32, #tpu.memory_space<vmem>>) target(%dma_start3A_186 : memref<8x4096xf32, #tpu.memory_space<hbm>>) target_semaphore(%arg6 : memref<!tpu.dma_semaphore, #tpu.memory_space<semaphore_mem>>)
    %dma_start3A_187 = arith.constant 5 : i32
    %dma_start3A_188 = arith.constant 0 : i32
    %dma_start3A_189 = tpu.memref_slice %arg3[%dma_start3A_187, %multiple_of3A_151, %dma_start3A_188] : memref<20x1000x4096xf32, #tpu.memory_space<hbm>> -> memref<1x8x4096xf32, #tpu.memory_space<hbm>>
    %dma_start3A_190 = tpu.memref_squeeze %dma_start3A_189 : memref<1x8x4096xf32, #tpu.memory_space<hbm>> -> memref<8x4096xf32, #tpu.memory_space<hbm>>
    %dma_start3A_191 = arith.constant 0 : i32
    %dma_start3A_192 = tpu.memref_slice %arg3[%dma_start3A_187, %multiple_of3A_151, %dma_start3A_191] : memref<20x1000x4096xf32, #tpu.memory_space<hbm>> -> memref<1x8x4096xf32, #tpu.memory_space<hbm>>
    %dma_start3A_193 = tpu.memref_squeeze %dma_start3A_192 : memref<1x8x4096xf32, #tpu.memory_space<hbm>> -> memref<8x4096xf32, #tpu.memory_space<hbm>>
    tpu.enqueue_dma source(%arg5 : memref<8x4096xf32, #tpu.memory_space<vmem>>) target(%dma_start3A_193 : memref<8x4096xf32, #tpu.memory_space<hbm>>) target_semaphore(%arg6 : memref<!tpu.dma_semaphore, #tpu.memory_space<semaphore_mem>>)
    %dma_start3A_194 = arith.constant 6 : i32
    %dma_start3A_195 = arith.constant 0 : i32
    %dma_start3A_196 = tpu.memref_slice %arg3[%dma_start3A_194, %multiple_of3A_151, %dma_start3A_195] : memref<20x1000x4096xf32, #tpu.memory_space<hbm>> -> memref<1x8x4096xf32, #tpu.memory_space<hbm>>
    %dma_start3A_197 = tpu.memref_squeeze %dma_start3A_196 : memref<1x8x4096xf32, #tpu.memory_space<hbm>> -> memref<8x4096xf32, #tpu.memory_space<hbm>>
    %dma_start3A_198 = arith.constant 0 : i32
    %dma_start3A_199 = tpu.memref_slice %arg3[%dma_start3A_194, %multiple_of3A_151, %dma_start3A_198] : memref<20x1000x4096xf32, #tpu.memory_space<hbm>> -> memref<1x8x4096xf32, #tpu.memory_space<hbm>>
    %dma_start3A_200 = tpu.memref_squeeze %dma_start3A_199 : memref<1x8x4096xf32, #tpu.memory_space<hbm>> -> memref<8x4096xf32, #tpu.memory_space<hbm>>
    tpu.enqueue_dma source(%arg5 : memref<8x4096xf32, #tpu.memory_space<vmem>>) target(%dma_start3A_200 : memref<8x4096xf32, #tpu.memory_space<hbm>>) target_semaphore(%arg6 : memref<!tpu.dma_semaphore, #tpu.memory_space<semaphore_mem>>)
    %dma_start3A_201 = arith.constant 7 : i32
    %dma_start3A_202 = arith.constant 0 : i32
    %dma_start3A_203 = tpu.memref_slice %arg3[%dma_start3A_201, %multiple_of3A_151, %dma_start3A_202] : memref<20x1000x4096xf32, #tpu.memory_space<hbm>> -> memref<1x8x4096xf32, #tpu.memory_space<hbm>>
    %dma_start3A_204 = tpu.memref_squeeze %dma_start3A_203 : memref<1x8x4096xf32, #tpu.memory_space<hbm>> -> memref<8x4096xf32, #tpu.memory_space<hbm>>
    %dma_start3A_205 = arith.constant 0 : i32
    %dma_start3A_206 = tpu.memref_slice %arg3[%dma_start3A_201, %multiple_of3A_151, %dma_start3A_205] : memref<20x1000x4096xf32, #tpu.memory_space<hbm>> -> memref<1x8x4096xf32, #tpu.memory_space<hbm>>
    %dma_start3A_207 = tpu.memref_squeeze %dma_start3A_206 : memref<1x8x4096xf32, #tpu.memory_space<hbm>> -> memref<8x4096xf32, #tpu.memory_space<hbm>>
    tpu.enqueue_dma source(%arg5 : memref<8x4096xf32, #tpu.memory_space<vmem>>) target(%dma_start3A_207 : memref<8x4096xf32, #tpu.memory_space<hbm>>) target_semaphore(%arg6 : memref<!tpu.dma_semaphore, #tpu.memory_space<semaphore_mem>>)
    %dma_start3A_208 = arith.constant 8 : i32
    %dma_start3A_209 = arith.constant 0 : i32
    %dma_start3A_210 = tpu.memref_slice %arg3[%dma_start3A_208, %multiple_of3A_151, %dma_start3A_209] : memref<20x1000x4096xf32, #tpu.memory_space<hbm>> -> memref<1x8x4096xf32, #tpu.memory_space<hbm>>
    %dma_start3A_211 = tpu.memref_squeeze %dma_start3A_210 : memref<1x8x4096xf32, #tpu.memory_space<hbm>> -> memref<8x4096xf32, #tpu.memory_space<hbm>>
    %dma_start3A_212 = arith.constant 0 : i32
    %dma_start3A_213 = tpu.memref_slice %arg3[%dma_start3A_208, %multiple_of3A_151, %dma_start3A_212] : memref<20x1000x4096xf32, #tpu.memory_space<hbm>> -> memref<1x8x4096xf32, #tpu.memory_space<hbm>>
    %dma_start3A_214 = tpu.memref_squeeze %dma_start3A_213 : memref<1x8x4096xf32, #tpu.memory_space<hbm>> -> memref<8x4096xf32, #tpu.memory_space<hbm>>
    tpu.enqueue_dma source(%arg5 : memref<8x4096xf32, #tpu.memory_space<vmem>>) target(%dma_start3A_214 : memref<8x4096xf32, #tpu.memory_space<hbm>>) target_semaphore(%arg6 : memref<!tpu.dma_semaphore, #tpu.memory_space<semaphore_mem>>)
    %dma_start3A_215 = arith.constant 9 : i32
    %dma_start3A_216 = arith.constant 0 : i32
    %dma_start3A_217 = tpu.memref_slice %arg3[%dma_start3A_215, %multiple_of3A_151, %dma_start3A_216] : memref<20x1000x4096xf32, #tpu.memory_space<hbm>> -> memref<1x8x4096xf32, #tpu.memory_space<hbm>>
    %dma_start3A_218 = tpu.memref_squeeze %dma_start3A_217 : memref<1x8x4096xf32, #tpu.memory_space<hbm>> -> memref<8x4096xf32, #tpu.memory_space<hbm>>
    %dma_start3A_219 = arith.constant 0 : i32
    %dma_start3A_220 = tpu.memref_slice %arg3[%dma_start3A_215, %multiple_of3A_151, %dma_start3A_219] : memref<20x1000x4096xf32, #tpu.memory_space<hbm>> -> memref<1x8x4096xf32, #tpu.memory_space<hbm>>
    %dma_start3A_221 = tpu.memref_squeeze %dma_start3A_220 : memref<1x8x4096xf32, #tpu.memory_space<hbm>> -> memref<8x4096xf32, #tpu.memory_space<hbm>>
    tpu.enqueue_dma source(%arg5 : memref<8x4096xf32, #tpu.memory_space<vmem>>) target(%dma_start3A_221 : memref<8x4096xf32, #tpu.memory_space<hbm>>) target_semaphore(%arg6 : memref<!tpu.dma_semaphore, #tpu.memory_space<semaphore_mem>>)
    %dma_start3A_222 = arith.constant 10 : i32
    %dma_start3A_223 = arith.constant 0 : i32
    %dma_start3A_224 = tpu.memref_slice %arg3[%dma_start3A_222, %multiple_of3A_151, %dma_start3A_223] : memref<20x1000x4096xf32, #tpu.memory_space<hbm>> -> memref<1x8x4096xf32, #tpu.memory_space<hbm>>
    %dma_start3A_225 = tpu.memref_squeeze %dma_start3A_224 : memref<1x8x4096xf32, #tpu.memory_space<hbm>> -> memref<8x4096xf32, #tpu.memory_space<hbm>>
    %dma_start3A_226 = arith.constant 0 : i32
    %dma_start3A_227 = tpu.memref_slice %arg3[%dma_start3A_222, %multiple_of3A_151, %dma_start3A_226] : memref<20x1000x4096xf32, #tpu.memory_space<hbm>> -> memref<1x8x4096xf32, #tpu.memory_space<hbm>>
    %dma_start3A_228 = tpu.memref_squeeze %dma_start3A_227 : memref<1x8x4096xf32, #tpu.memory_space<hbm>> -> memref<8x4096xf32, #tpu.memory_space<hbm>>
    tpu.enqueue_dma source(%arg5 : memref<8x4096xf32, #tpu.memory_space<vmem>>) target(%dma_start3A_228 : memref<8x4096xf32, #tpu.memory_space<hbm>>) target_semaphore(%arg6 : memref<!tpu.dma_semaphore, #tpu.memory_space<semaphore_mem>>)
    %dma_start3A_229 = arith.constant 11 : i32
    %dma_start3A_230 = arith.constant 0 : i32
    %dma_start3A_231 = tpu.memref_slice %arg3[%dma_start3A_229, %multiple_of3A_151, %dma_start3A_230] : memref<20x1000x4096xf32, #tpu.memory_space<hbm>> -> memref<1x8x4096xf32, #tpu.memory_space<hbm>>
    %dma_start3A_232 = tpu.memref_squeeze %dma_start3A_231 : memref<1x8x4096xf32, #tpu.memory_space<hbm>> -> memref<8x4096xf32, #tpu.memory_space<hbm>>
    %dma_start3A_233 = arith.constant 0 : i32
    %dma_start3A_234 = tpu.memref_slice %arg3[%dma_start3A_229, %multiple_of3A_151, %dma_start3A_233] : memref<20x1000x4096xf32, #tpu.memory_space<hbm>> -> memref<1x8x4096xf32, #tpu.memory_space<hbm>>
    %dma_start3A_235 = tpu.memref_squeeze %dma_start3A_234 : memref<1x8x4096xf32, #tpu.memory_space<hbm>> -> memref<8x4096xf32, #tpu.memory_space<hbm>>
    tpu.enqueue_dma source(%arg5 : memref<8x4096xf32, #tpu.memory_space<vmem>>) target(%dma_start3A_235 : memref<8x4096xf32, #tpu.memory_space<hbm>>) target_semaphore(%arg6 : memref<!tpu.dma_semaphore, #tpu.memory_space<semaphore_mem>>)
    %dma_start3A_236 = arith.constant 12 : i32
    %dma_start3A_237 = arith.constant 0 : i32
    %dma_start3A_238 = tpu.memref_slice %arg3[%dma_start3A_236, %multiple_of3A_151, %dma_start3A_237] : memref<20x1000x4096xf32, #tpu.memory_space<hbm>> -> memref<1x8x4096xf32, #tpu.memory_space<hbm>>
    %dma_start3A_239 = tpu.memref_squeeze %dma_start3A_238 : memref<1x8x4096xf32, #tpu.memory_space<hbm>> -> memref<8x4096xf32, #tpu.memory_space<hbm>>
    %dma_start3A_240 = arith.constant 0 : i32
    %dma_start3A_241 = tpu.memref_slice %arg3[%dma_start3A_236, %multiple_of3A_151, %dma_start3A_240] : memref<20x1000x4096xf32, #tpu.memory_space<hbm>> -> memref<1x8x4096xf32, #tpu.memory_space<hbm>>
    %dma_start3A_242 = tpu.memref_squeeze %dma_start3A_241 : memref<1x8x4096xf32, #tpu.memory_space<hbm>> -> memref<8x4096xf32, #tpu.memory_space<hbm>>
    tpu.enqueue_dma source(%arg5 : memref<8x4096xf32, #tpu.memory_space<vmem>>) target(%dma_start3A_242 : memref<8x4096xf32, #tpu.memory_space<hbm>>) target_semaphore(%arg6 : memref<!tpu.dma_semaphore, #tpu.memory_space<semaphore_mem>>)
    %dma_start3A_243 = arith.constant 13 : i32
    %dma_start3A_244 = arith.constant 0 : i32
    %dma_start3A_245 = tpu.memref_slice %arg3[%dma_start3A_243, %multiple_of3A_151, %dma_start3A_244] : memref<20x1000x4096xf32, #tpu.memory_space<hbm>> -> memref<1x8x4096xf32, #tpu.memory_space<hbm>>
    %dma_start3A_246 = tpu.memref_squeeze %dma_start3A_245 : memref<1x8x4096xf32, #tpu.memory_space<hbm>> -> memref<8x4096xf32, #tpu.memory_space<hbm>>
    %dma_start3A_247 = arith.constant 0 : i32
    %dma_start3A_248 = tpu.memref_slice %arg3[%dma_start3A_243, %multiple_of3A_151, %dma_start3A_247] : memref<20x1000x4096xf32, #tpu.memory_space<hbm>> -> memref<1x8x4096xf32, #tpu.memory_space<hbm>>
    %dma_start3A_249 = tpu.memref_squeeze %dma_start3A_248 : memref<1x8x4096xf32, #tpu.memory_space<hbm>> -> memref<8x4096xf32, #tpu.memory_space<hbm>>
    tpu.enqueue_dma source(%arg5 : memref<8x4096xf32, #tpu.memory_space<vmem>>) target(%dma_start3A_249 : memref<8x4096xf32, #tpu.memory_space<hbm>>) target_semaphore(%arg6 : memref<!tpu.dma_semaphore, #tpu.memory_space<semaphore_mem>>)
    %dma_start3A_250 = arith.constant 14 : i32
    %dma_start3A_251 = arith.constant 0 : i32
    %dma_start3A_252 = tpu.memref_slice %arg3[%dma_start3A_250, %multiple_of3A_151, %dma_start3A_251] : memref<20x1000x4096xf32, #tpu.memory_space<hbm>> -> memref<1x8x4096xf32, #tpu.memory_space<hbm>>
    %dma_start3A_253 = tpu.memref_squeeze %dma_start3A_252 : memref<1x8x4096xf32, #tpu.memory_space<hbm>> -> memref<8x4096xf32, #tpu.memory_space<hbm>>
    %dma_start3A_254 = arith.constant 0 : i32
    %dma_start3A_255 = tpu.memref_slice %arg3[%dma_start3A_250, %multiple_of3A_151, %dma_start3A_254] : memref<20x1000x4096xf32, #tpu.memory_space<hbm>> -> memref<1x8x4096xf32, #tpu.memory_space<hbm>>
    %dma_start3A_256 = tpu.memref_squeeze %dma_start3A_255 : memref<1x8x4096xf32, #tpu.memory_space<hbm>> -> memref<8x4096xf32, #tpu.memory_space<hbm>>
    tpu.enqueue_dma source(%arg5 : memref<8x4096xf32, #tpu.memory_space<vmem>>) target(%dma_start3A_256 : memref<8x4096xf32, #tpu.memory_space<hbm>>) target_semaphore(%arg6 : memref<!tpu.dma_semaphore, #tpu.memory_space<semaphore_mem>>)
    %dma_start3A_257 = arith.constant 15 : i32
    %dma_start3A_258 = arith.constant 0 : i32
    %dma_start3A_259 = tpu.memref_slice %arg3[%dma_start3A_257, %multiple_of3A_151, %dma_start3A_258] : memref<20x1000x4096xf32, #tpu.memory_space<hbm>> -> memref<1x8x4096xf32, #tpu.memory_space<hbm>>
    %dma_start3A_260 = tpu.memref_squeeze %dma_start3A_259 : memref<1x8x4096xf32, #tpu.memory_space<hbm>> -> memref<8x4096xf32, #tpu.memory_space<hbm>>
    %dma_start3A_261 = arith.constant 0 : i32
    %dma_start3A_262 = tpu.memref_slice %arg3[%dma_start3A_257, %multiple_of3A_151, %dma_start3A_261] : memref<20x1000x4096xf32, #tpu.memory_space<hbm>> -> memref<1x8x4096xf32, #tpu.memory_space<hbm>>
    %dma_start3A_263 = tpu.memref_squeeze %dma_start3A_262 : memref<1x8x4096xf32, #tpu.memory_space<hbm>> -> memref<8x4096xf32, #tpu.memory_space<hbm>>
    tpu.enqueue_dma source(%arg5 : memref<8x4096xf32, #tpu.memory_space<vmem>>) target(%dma_start3A_263 : memref<8x4096xf32, #tpu.memory_space<hbm>>) target_semaphore(%arg6 : memref<!tpu.dma_semaphore, #tpu.memory_space<semaphore_mem>>)
    %dma_start3A_264 = arith.constant 16 : i32
    %dma_start3A_265 = arith.constant 0 : i32
    %dma_start3A_266 = tpu.memref_slice %arg3[%dma_start3A_264, %multiple_of3A_151, %dma_start3A_265] : memref<20x1000x4096xf32, #tpu.memory_space<hbm>> -> memref<1x8x4096xf32, #tpu.memory_space<hbm>>
    %dma_start3A_267 = tpu.memref_squeeze %dma_start3A_266 : memref<1x8x4096xf32, #tpu.memory_space<hbm>> -> memref<8x4096xf32, #tpu.memory_space<hbm>>
    %dma_start3A_268 = arith.constant 0 : i32
    %dma_start3A_269 = tpu.memref_slice %arg3[%dma_start3A_264, %multiple_of3A_151, %dma_start3A_268] : memref<20x1000x4096xf32, #tpu.memory_space<hbm>> -> memref<1x8x4096xf32, #tpu.memory_space<hbm>>
    %dma_start3A_270 = tpu.memref_squeeze %dma_start3A_269 : memref<1x8x4096xf32, #tpu.memory_space<hbm>> -> memref<8x4096xf32, #tpu.memory_space<hbm>>
    tpu.enqueue_dma source(%arg5 : memref<8x4096xf32, #tpu.memory_space<vmem>>) target(%dma_start3A_270 : memref<8x4096xf32, #tpu.memory_space<hbm>>) target_semaphore(%arg6 : memref<!tpu.dma_semaphore, #tpu.memory_space<semaphore_mem>>)
    %dma_start3A_271 = arith.constant 17 : i32
    %dma_start3A_272 = arith.constant 0 : i32
    %dma_start3A_273 = tpu.memref_slice %arg3[%dma_start3A_271, %multiple_of3A_151, %dma_start3A_272] : memref<20x1000x4096xf32, #tpu.memory_space<hbm>> -> memref<1x8x4096xf32, #tpu.memory_space<hbm>>
    %dma_start3A_274 = tpu.memref_squeeze %dma_start3A_273 : memref<1x8x4096xf32, #tpu.memory_space<hbm>> -> memref<8x4096xf32, #tpu.memory_space<hbm>>
    %dma_start3A_275 = arith.constant 0 : i32
    %dma_start3A_276 = tpu.memref_slice %arg3[%dma_start3A_271, %multiple_of3A_151, %dma_start3A_275] : memref<20x1000x4096xf32, #tpu.memory_space<hbm>> -> memref<1x8x4096xf32, #tpu.memory_space<hbm>>
    %dma_start3A_277 = tpu.memref_squeeze %dma_start3A_276 : memref<1x8x4096xf32, #tpu.memory_space<hbm>> -> memref<8x4096xf32, #tpu.memory_space<hbm>>
    tpu.enqueue_dma source(%arg5 : memref<8x4096xf32, #tpu.memory_space<vmem>>) target(%dma_start3A_277 : memref<8x4096xf32, #tpu.memory_space<hbm>>) target_semaphore(%arg6 : memref<!tpu.dma_semaphore, #tpu.memory_space<semaphore_mem>>)
    %dma_start3A_278 = arith.constant 18 : i32
    %dma_start3A_279 = arith.constant 0 : i32
    %dma_start3A_280 = tpu.memref_slice %arg3[%dma_start3A_278, %multiple_of3A_151, %dma_start3A_279] : memref<20x1000x4096xf32, #tpu.memory_space<hbm>> -> memref<1x8x4096xf32, #tpu.memory_space<hbm>>
    %dma_start3A_281 = tpu.memref_squeeze %dma_start3A_280 : memref<1x8x4096xf32, #tpu.memory_space<hbm>> -> memref<8x4096xf32, #tpu.memory_space<hbm>>
    %dma_start3A_282 = arith.constant 0 : i32
    %dma_start3A_283 = tpu.memref_slice %arg3[%dma_start3A_278, %multiple_of3A_151, %dma_start3A_282] : memref<20x1000x4096xf32, #tpu.memory_space<hbm>> -> memref<1x8x4096xf32, #tpu.memory_space<hbm>>
    %dma_start3A_284 = tpu.memref_squeeze %dma_start3A_283 : memref<1x8x4096xf32, #tpu.memory_space<hbm>> -> memref<8x4096xf32, #tpu.memory_space<hbm>>
    tpu.enqueue_dma source(%arg5 : memref<8x4096xf32, #tpu.memory_space<vmem>>) target(%dma_start3A_284 : memref<8x4096xf32, #tpu.memory_space<hbm>>) target_semaphore(%arg6 : memref<!tpu.dma_semaphore, #tpu.memory_space<semaphore_mem>>)
    %dma_start3A_285 = arith.constant 19 : i32
    %dma_start3A_286 = arith.constant 0 : i32
    %dma_start3A_287 = tpu.memref_slice %arg3[%dma_start3A_285, %multiple_of3A_151, %dma_start3A_286] : memref<20x1000x4096xf32, #tpu.memory_space<hbm>> -> memref<1x8x4096xf32, #tpu.memory_space<hbm>>
    %dma_start3A_288 = tpu.memref_squeeze %dma_start3A_287 : memref<1x8x4096xf32, #tpu.memory_space<hbm>> -> memref<8x4096xf32, #tpu.memory_space<hbm>>
    %dma_start3A_289 = arith.constant 0 : i32
    %dma_start3A_290 = tpu.memref_slice %arg3[%dma_start3A_285, %multiple_of3A_151, %dma_start3A_289] : memref<20x1000x4096xf32, #tpu.memory_space<hbm>> -> memref<1x8x4096xf32, #tpu.memory_space<hbm>>
    %dma_start3A_291 = tpu.memref_squeeze %dma_start3A_290 : memref<1x8x4096xf32, #tpu.memory_space<hbm>> -> memref<8x4096xf32, #tpu.memory_space<hbm>>
    tpu.enqueue_dma source(%arg5 : memref<8x4096xf32, #tpu.memory_space<vmem>>) target(%dma_start3A_291 : memref<8x4096xf32, #tpu.memory_space<hbm>>) target_semaphore(%arg6 : memref<!tpu.dma_semaphore, #tpu.memory_space<semaphore_mem>>)
    %add3A_292 = arith.constant 2 : i32
    %add3A_293 = arith.addi %min3A_3, %add3A_292 : i32
    %mul3A_294 = arith.constant 8 : i32
    %mul3A_295 = arith.muli %add3A_293, %mul3A_294 : i32
    %multiple_of3A_296 = tpu.assume_multiple %mul3A_295, 8 : i32
    %dma_wait3A = arith.constant 0 : i32
    %dma_wait3A_297 = arith.constant 0 : i32
    %dma_wait3A_298 = tpu.memref_slice %arg3[%dma_wait3A, %multiple_of3A, %dma_wait3A_297] : memref<20x1000x4096xf32, #tpu.memory_space<hbm>> -> memref<1x8x4096xf32, #tpu.memory_space<hbm>>
    %dma_wait3A_299 = tpu.memref_squeeze %dma_wait3A_298 : memref<1x8x4096xf32, #tpu.memory_space<hbm>> -> memref<8x4096xf32, #tpu.memory_space<hbm>>
    %dma_wait3A_300 = arith.constant 0 : i32
    %dma_wait3A_301 = tpu.memref_slice %arg3[%dma_wait3A, %multiple_of3A, %dma_wait3A_300] : memref<20x1000x4096xf32, #tpu.memory_space<hbm>> -> memref<1x8x4096xf32, #tpu.memory_space<hbm>>
    %dma_wait3A_302 = tpu.memref_squeeze %dma_wait3A_301 : memref<1x8x4096xf32, #tpu.memory_space<hbm>> -> memref<8x4096xf32, #tpu.memory_space<hbm>>
    tpu.wait_dma2 semaphore(%arg6 : memref<!tpu.dma_semaphore, #tpu.memory_space<semaphore_mem>>) src(%arg4 : memref<8x4096xf32, #tpu.memory_space<vmem>>) dst(%dma_wait3A_302 : memref<8x4096xf32, #tpu.memory_space<hbm>>)
    %dma_wait3A_303 = arith.constant 1 : i32
    %dma_wait3A_304 = arith.constant 0 : i32
    %dma_wait3A_305 = tpu.memref_slice %arg3[%dma_wait3A_303, %multiple_of3A, %dma_wait3A_304] : memref<20x1000x4096xf32, #tpu.memory_space<hbm>> -> memref<1x8x4096xf32, #tpu.memory_space<hbm>>
    %dma_wait3A_306 = tpu.memref_squeeze %dma_wait3A_305 : memref<1x8x4096xf32, #tpu.memory_space<hbm>> -> memref<8x4096xf32, #tpu.memory_space<hbm>>
    %dma_wait3A_307 = arith.constant 0 : i32
    %dma_wait3A_308 = tpu.memref_slice %arg3[%dma_wait3A_303, %multiple_of3A, %dma_wait3A_307] : memref<20x1000x4096xf32, #tpu.memory_space<hbm>> -> memref<1x8x4096xf32, #tpu.memory_space<hbm>>
    %dma_wait3A_309 = tpu.memref_squeeze %dma_wait3A_308 : memref<1x8x4096xf32, #tpu.memory_space<hbm>> -> memref<8x4096xf32, #tpu.memory_space<hbm>>
    tpu.wait_dma2 semaphore(%arg6 : memref<!tpu.dma_semaphore, #tpu.memory_space<semaphore_mem>>) src(%arg4 : memref<8x4096xf32, #tpu.memory_space<vmem>>) dst(%dma_wait3A_309 : memref<8x4096xf32, #tpu.memory_space<hbm>>)
    %dma_wait3A_310 = arith.constant 2 : i32
    %dma_wait3A_311 = arith.constant 0 : i32
    %dma_wait3A_312 = tpu.memref_slice %arg3[%dma_wait3A_310, %multiple_of3A, %dma_wait3A_311] : memref<20x1000x4096xf32, #tpu.memory_space<hbm>> -> memref<1x8x4096xf32, #tpu.memory_space<hbm>>
    %dma_wait3A_313 = tpu.memref_squeeze %dma_wait3A_312 : memref<1x8x4096xf32, #tpu.memory_space<hbm>> -> memref<8x4096xf32, #tpu.memory_space<hbm>>
    %dma_wait3A_314 = arith.constant 0 : i32
    %dma_wait3A_315 = tpu.memref_slice %arg3[%dma_wait3A_310, %multiple_of3A, %dma_wait3A_314] : memref<20x1000x4096xf32, #tpu.memory_space<hbm>> -> memref<1x8x4096xf32, #tpu.memory_space<hbm>>
    %dma_wait3A_316 = tpu.memref_squeeze %dma_wait3A_315 : memref<1x8x4096xf32, #tpu.memory_space<hbm>> -> memref<8x4096xf32, #tpu.memory_space<hbm>>
    tpu.wait_dma2 semaphore(%arg6 : memref<!tpu.dma_semaphore, #tpu.memory_space<semaphore_mem>>) src(%arg4 : memref<8x4096xf32, #tpu.memory_space<vmem>>) dst(%dma_wait3A_316 : memref<8x4096xf32, #tpu.memory_space<hbm>>)
    %dma_wait3A_317 = arith.constant 3 : i32
    %dma_wait3A_318 = arith.constant 0 : i32
    %dma_wait3A_319 = tpu.memref_slice %arg3[%dma_wait3A_317, %multiple_of3A, %dma_wait3A_318] : memref<20x1000x4096xf32, #tpu.memory_space<hbm>> -> memref<1x8x4096xf32, #tpu.memory_space<hbm>>
    %dma_wait3A_320 = tpu.memref_squeeze %dma_wait3A_319 : memref<1x8x4096xf32, #tpu.memory_space<hbm>> -> memref<8x4096xf32, #tpu.memory_space<hbm>>
    %dma_wait3A_321 = arith.constant 0 : i32
    %dma_wait3A_322 = tpu.memref_slice %arg3[%dma_wait3A_317, %multiple_of3A, %dma_wait3A_321] : memref<20x1000x4096xf32, #tpu.memory_space<hbm>> -> memref<1x8x4096xf32, #tpu.memory_space<hbm>>
    %dma_wait3A_323 = tpu.memref_squeeze %dma_wait3A_322 : memref<1x8x4096xf32, #tpu.memory_space<hbm>> -> memref<8x4096xf32, #tpu.memory_space<hbm>>
    tpu.wait_dma2 semaphore(%arg6 : memref<!tpu.dma_semaphore, #tpu.memory_space<semaphore_mem>>) src(%arg4 : memref<8x4096xf32, #tpu.memory_space<vmem>>) dst(%dma_wait3A_323 : memref<8x4096xf32, #tpu.memory_space<hbm>>)
    %dma_wait3A_324 = arith.constant 4 : i32
    %dma_wait3A_325 = arith.constant 0 : i32
    %dma_wait3A_326 = tpu.memref_slice %arg3[%dma_wait3A_324, %multiple_of3A, %dma_wait3A_325] : memref<20x1000x4096xf32, #tpu.memory_space<hbm>> -> memref<1x8x4096xf32, #tpu.memory_space<hbm>>
    %dma_wait3A_327 = tpu.memref_squeeze %dma_wait3A_326 : memref<1x8x4096xf32, #tpu.memory_space<hbm>> -> memref<8x4096xf32, #tpu.memory_space<hbm>>
    %dma_wait3A_328 = arith.constant 0 : i32
    %dma_wait3A_329 = tpu.memref_slice %arg3[%dma_wait3A_324, %multiple_of3A, %dma_wait3A_328] : memref<20x1000x4096xf32, #tpu.memory_space<hbm>> -> memref<1x8x4096xf32, #tpu.memory_space<hbm>>
    %dma_wait3A_330 = tpu.memref_squeeze %dma_wait3A_329 : memref<1x8x4096xf32, #tpu.memory_space<hbm>> -> memref<8x4096xf32, #tpu.memory_space<hbm>>
    tpu.wait_dma2 semaphore(%arg6 : memref<!tpu.dma_semaphore, #tpu.memory_space<semaphore_mem>>) src(%arg4 : memref<8x4096xf32, #tpu.memory_space<vmem>>) dst(%dma_wait3A_330 : memref<8x4096xf32, #tpu.memory_space<hbm>>)
    %dma_wait3A_331 = arith.constant 5 : i32
    %dma_wait3A_332 = arith.constant 0 : i32
    %dma_wait3A_333 = tpu.memref_slice %arg3[%dma_wait3A_331, %multiple_of3A, %dma_wait3A_332] : memref<20x1000x4096xf32, #tpu.memory_space<hbm>> -> memref<1x8x4096xf32, #tpu.memory_space<hbm>>
    %dma_wait3A_334 = tpu.memref_squeeze %dma_wait3A_333 : memref<1x8x4096xf32, #tpu.memory_space<hbm>> -> memref<8x4096xf32, #tpu.memory_space<hbm>>
    %dma_wait3A_335 = arith.constant 0 : i32
    %dma_wait3A_336 = tpu.memref_slice %arg3[%dma_wait3A_331, %multiple_of3A, %dma_wait3A_335] : memref<20x1000x4096xf32, #tpu.memory_space<hbm>> -> memref<1x8x4096xf32, #tpu.memory_space<hbm>>
    %dma_wait3A_337 = tpu.memref_squeeze %dma_wait3A_336 : memref<1x8x4096xf32, #tpu.memory_space<hbm>> -> memref<8x4096xf32, #tpu.memory_space<hbm>>
    tpu.wait_dma2 semaphore(%arg6 : memref<!tpu.dma_semaphore, #tpu.memory_space<semaphore_mem>>) src(%arg4 : memref<8x4096xf32, #tpu.memory_space<vmem>>) dst(%dma_wait3A_337 : memref<8x4096xf32, #tpu.memory_space<hbm>>)
    %dma_wait3A_338 = arith.constant 6 : i32
    %dma_wait3A_339 = arith.constant 0 : i32
    %dma_wait3A_340 = tpu.memref_slice %arg3[%dma_wait3A_338, %multiple_of3A, %dma_wait3A_339] : memref<20x1000x4096xf32, #tpu.memory_space<hbm>> -> memref<1x8x4096xf32, #tpu.memory_space<hbm>>
    %dma_wait3A_341 = tpu.memref_squeeze %dma_wait3A_340 : memref<1x8x4096xf32, #tpu.memory_space<hbm>> -> memref<8x4096xf32, #tpu.memory_space<hbm>>
    %dma_wait3A_342 = arith.constant 0 : i32
    %dma_wait3A_343 = tpu.memref_slice %arg3[%dma_wait3A_338, %multiple_of3A, %dma_wait3A_342] : memref<20x1000x4096xf32, #tpu.memory_space<hbm>> -> memref<1x8x4096xf32, #tpu.memory_space<hbm>>
    %dma_wait3A_344 = tpu.memref_squeeze %dma_wait3A_343 : memref<1x8x4096xf32, #tpu.memory_space<hbm>> -> memref<8x4096xf32, #tpu.memory_space<hbm>>
    tpu.wait_dma2 semaphore(%arg6 : memref<!tpu.dma_semaphore, #tpu.memory_space<semaphore_mem>>) src(%arg4 : memref<8x4096xf32, #tpu.memory_space<vmem>>) dst(%dma_wait3A_344 : memref<8x4096xf32, #tpu.memory_space<hbm>>)
    %dma_wait3A_345 = arith.constant 7 : i32
    %dma_wait3A_346 = arith.constant 0 : i32
    %dma_wait3A_347 = tpu.memref_slice %arg3[%dma_wait3A_345, %multiple_of3A, %dma_wait3A_346] : memref<20x1000x4096xf32, #tpu.memory_space<hbm>> -> memref<1x8x4096xf32, #tpu.memory_space<hbm>>
    %dma_wait3A_348 = tpu.memref_squeeze %dma_wait3A_347 : memref<1x8x4096xf32, #tpu.memory_space<hbm>> -> memref<8x4096xf32, #tpu.memory_space<hbm>>
    %dma_wait3A_349 = arith.constant 0 : i32
    %dma_wait3A_350 = tpu.memref_slice %arg3[%dma_wait3A_345, %multiple_of3A, %dma_wait3A_349] : memref<20x1000x4096xf32, #tpu.memory_space<hbm>> -> memref<1x8x4096xf32, #tpu.memory_space<hbm>>
    %dma_wait3A_351 = tpu.memref_squeeze %dma_wait3A_350 : memref<1x8x4096xf32, #tpu.memory_space<hbm>> -> memref<8x4096xf32, #tpu.memory_space<hbm>>
    tpu.wait_dma2 semaphore(%arg6 : memref<!tpu.dma_semaphore, #tpu.memory_space<semaphore_mem>>) src(%arg4 : memref<8x4096xf32, #tpu.memory_space<vmem>>) dst(%dma_wait3A_351 : memref<8x4096xf32, #tpu.memory_space<hbm>>)
    %dma_wait3A_352 = arith.constant 8 : i32
    %dma_wait3A_353 = arith.constant 0 : i32
    %dma_wait3A_354 = tpu.memref_slice %arg3[%dma_wait3A_352, %multiple_of3A, %dma_wait3A_353] : memref<20x1000x4096xf32, #tpu.memory_space<hbm>> -> memref<1x8x4096xf32, #tpu.memory_space<hbm>>
    %dma_wait3A_355 = tpu.memref_squeeze %dma_wait3A_354 : memref<1x8x4096xf32, #tpu.memory_space<hbm>> -> memref<8x4096xf32, #tpu.memory_space<hbm>>
    %dma_wait3A_356 = arith.constant 0 : i32
    %dma_wait3A_357 = tpu.memref_slice %arg3[%dma_wait3A_352, %multiple_of3A, %dma_wait3A_356] : memref<20x1000x4096xf32, #tpu.memory_space<hbm>> -> memref<1x8x4096xf32, #tpu.memory_space<hbm>>
    %dma_wait3A_358 = tpu.memref_squeeze %dma_wait3A_357 : memref<1x8x4096xf32, #tpu.memory_space<hbm>> -> memref<8x4096xf32, #tpu.memory_space<hbm>>
    tpu.wait_dma2 semaphore(%arg6 : memref<!tpu.dma_semaphore, #tpu.memory_space<semaphore_mem>>) src(%arg4 : memref<8x4096xf32, #tpu.memory_space<vmem>>) dst(%dma_wait3A_358 : memref<8x4096xf32, #tpu.memory_space<hbm>>)
    %dma_wait3A_359 = arith.constant 9 : i32
    %dma_wait3A_360 = arith.constant 0 : i32
    %dma_wait3A_361 = tpu.memref_slice %arg3[%dma_wait3A_359, %multiple_of3A, %dma_wait3A_360] : memref<20x1000x4096xf32, #tpu.memory_space<hbm>> -> memref<1x8x4096xf32, #tpu.memory_space<hbm>>
    %dma_wait3A_362 = tpu.memref_squeeze %dma_wait3A_361 : memref<1x8x4096xf32, #tpu.memory_space<hbm>> -> memref<8x4096xf32, #tpu.memory_space<hbm>>
    %dma_wait3A_363 = arith.constant 0 : i32
    %dma_wait3A_364 = tpu.memref_slice %arg3[%dma_wait3A_359, %multiple_of3A, %dma_wait3A_363] : memref<20x1000x4096xf32, #tpu.memory_space<hbm>> -> memref<1x8x4096xf32, #tpu.memory_space<hbm>>
    %dma_wait3A_365 = tpu.memref_squeeze %dma_wait3A_364 : memref<1x8x4096xf32, #tpu.memory_space<hbm>> -> memref<8x4096xf32, #tpu.memory_space<hbm>>
    tpu.wait_dma2 semaphore(%arg6 : memref<!tpu.dma_semaphore, #tpu.memory_space<semaphore_mem>>) src(%arg4 : memref<8x4096xf32, #tpu.memory_space<vmem>>) dst(%dma_wait3A_365 : memref<8x4096xf32, #tpu.memory_space<hbm>>)
    %dma_wait3A_366 = arith.constant 10 : i32
    %dma_wait3A_367 = arith.constant 0 : i32
    %dma_wait3A_368 = tpu.memref_slice %arg3[%dma_wait3A_366, %multiple_of3A, %dma_wait3A_367] : memref<20x1000x4096xf32, #tpu.memory_space<hbm>> -> memref<1x8x4096xf32, #tpu.memory_space<hbm>>
    %dma_wait3A_369 = tpu.memref_squeeze %dma_wait3A_368 : memref<1x8x4096xf32, #tpu.memory_space<hbm>> -> memref<8x4096xf32, #tpu.memory_space<hbm>>
    %dma_wait3A_370 = arith.constant 0 : i32
    %dma_wait3A_371 = tpu.memref_slice %arg3[%dma_wait3A_366, %multiple_of3A, %dma_wait3A_370] : memref<20x1000x4096xf32, #tpu.memory_space<hbm>> -> memref<1x8x4096xf32, #tpu.memory_space<hbm>>
    %dma_wait3A_372 = tpu.memref_squeeze %dma_wait3A_371 : memref<1x8x4096xf32, #tpu.memory_space<hbm>> -> memref<8x4096xf32, #tpu.memory_space<hbm>>
    tpu.wait_dma2 semaphore(%arg6 : memref<!tpu.dma_semaphore, #tpu.memory_space<semaphore_mem>>) src(%arg4 : memref<8x4096xf32, #tpu.memory_space<vmem>>) dst(%dma_wait3A_372 : memref<8x4096xf32, #tpu.memory_space<hbm>>)
    %dma_wait3A_373 = arith.constant 11 : i32
    %dma_wait3A_374 = arith.constant 0 : i32
    %dma_wait3A_375 = tpu.memref_slice %arg3[%dma_wait3A_373, %multiple_of3A, %dma_wait3A_374] : memref<20x1000x4096xf32, #tpu.memory_space<hbm>> -> memref<1x8x4096xf32, #tpu.memory_space<hbm>>
    %dma_wait3A_376 = tpu.memref_squeeze %dma_wait3A_375 : memref<1x8x4096xf32, #tpu.memory_space<hbm>> -> memref<8x4096xf32, #tpu.memory_space<hbm>>
    %dma_wait3A_377 = arith.constant 0 : i32
    %dma_wait3A_378 = tpu.memref_slice %arg3[%dma_wait3A_373, %multiple_of3A, %dma_wait3A_377] : memref<20x1000x4096xf32, #tpu.memory_space<hbm>> -> memref<1x8x4096xf32, #tpu.memory_space<hbm>>
    %dma_wait3A_379 = tpu.memref_squeeze %dma_wait3A_378 : memref<1x8x4096xf32, #tpu.memory_space<hbm>> -> memref<8x4096xf32, #tpu.memory_space<hbm>>
    tpu.wait_dma2 semaphore(%arg6 : memref<!tpu.dma_semaphore, #tpu.memory_space<semaphore_mem>>) src(%arg4 : memref<8x4096xf32, #tpu.memory_space<vmem>>) dst(%dma_wait3A_379 : memref<8x4096xf32, #tpu.memory_space<hbm>>)
    %dma_wait3A_380 = arith.constant 12 : i32
    %dma_wait3A_381 = arith.constant 0 : i32
    %dma_wait3A_382 = tpu.memref_slice %arg3[%dma_wait3A_380, %multiple_of3A, %dma_wait3A_381] : memref<20x1000x4096xf32, #tpu.memory_space<hbm>> -> memref<1x8x4096xf32, #tpu.memory_space<hbm>>
    %dma_wait3A_383 = tpu.memref_squeeze %dma_wait3A_382 : memref<1x8x4096xf32, #tpu.memory_space<hbm>> -> memref<8x4096xf32, #tpu.memory_space<hbm>>
    %dma_wait3A_384 = arith.constant 0 : i32
    %dma_wait3A_385 = tpu.memref_slice %arg3[%dma_wait3A_380, %multiple_of3A, %dma_wait3A_384] : memref<20x1000x4096xf32, #tpu.memory_space<hbm>> -> memref<1x8x4096xf32, #tpu.memory_space<hbm>>
    %dma_wait3A_386 = tpu.memref_squeeze %dma_wait3A_385 : memref<1x8x4096xf32, #tpu.memory_space<hbm>> -> memref<8x4096xf32, #tpu.memory_space<hbm>>
    tpu.wait_dma2 semaphore(%arg6 : memref<!tpu.dma_semaphore, #tpu.memory_space<semaphore_mem>>) src(%arg4 : memref<8x4096xf32, #tpu.memory_space<vmem>>) dst(%dma_wait3A_386 : memref<8x4096xf32, #tpu.memory_space<hbm>>)
    %dma_wait3A_387 = arith.constant 13 : i32
    %dma_wait3A_388 = arith.constant 0 : i32
    %dma_wait3A_389 = tpu.memref_slice %arg3[%dma_wait3A_387, %multiple_of3A, %dma_wait3A_388] : memref<20x1000x4096xf32, #tpu.memory_space<hbm>> -> memref<1x8x4096xf32, #tpu.memory_space<hbm>>
    %dma_wait3A_390 = tpu.memref_squeeze %dma_wait3A_389 : memref<1x8x4096xf32, #tpu.memory_space<hbm>> -> memref<8x4096xf32, #tpu.memory_space<hbm>>
    %dma_wait3A_391 = arith.constant 0 : i32
    %dma_wait3A_392 = tpu.memref_slice %arg3[%dma_wait3A_387, %multiple_of3A, %dma_wait3A_391] : memref<20x1000x4096xf32, #tpu.memory_space<hbm>> -> memref<1x8x4096xf32, #tpu.memory_space<hbm>>
    %dma_wait3A_393 = tpu.memref_squeeze %dma_wait3A_392 : memref<1x8x4096xf32, #tpu.memory_space<hbm>> -> memref<8x4096xf32, #tpu.memory_space<hbm>>
    tpu.wait_dma2 semaphore(%arg6 : memref<!tpu.dma_semaphore, #tpu.memory_space<semaphore_mem>>) src(%arg4 : memref<8x4096xf32, #tpu.memory_space<vmem>>) dst(%dma_wait3A_393 : memref<8x4096xf32, #tpu.memory_space<hbm>>)
    %dma_wait3A_394 = arith.constant 14 : i32
    %dma_wait3A_395 = arith.constant 0 : i32
    %dma_wait3A_396 = tpu.memref_slice %arg3[%dma_wait3A_394, %multiple_of3A, %dma_wait3A_395] : memref<20x1000x4096xf32, #tpu.memory_space<hbm>> -> memref<1x8x4096xf32, #tpu.memory_space<hbm>>
    %dma_wait3A_397 = tpu.memref_squeeze %dma_wait3A_396 : memref<1x8x4096xf32, #tpu.memory_space<hbm>> -> memref<8x4096xf32, #tpu.memory_space<hbm>>
    %dma_wait3A_398 = arith.constant 0 : i32
    %dma_wait3A_399 = tpu.memref_slice %arg3[%dma_wait3A_394, %multiple_of3A, %dma_wait3A_398] : memref<20x1000x4096xf32, #tpu.memory_space<hbm>> -> memref<1x8x4096xf32, #tpu.memory_space<hbm>>
    %dma_wait3A_400 = tpu.memref_squeeze %dma_wait3A_399 : memref<1x8x4096xf32, #tpu.memory_space<hbm>> -> memref<8x4096xf32, #tpu.memory_space<hbm>>
    tpu.wait_dma2 semaphore(%arg6 : memref<!tpu.dma_semaphore, #tpu.memory_space<semaphore_mem>>) src(%arg4 : memref<8x4096xf32, #tpu.memory_space<vmem>>) dst(%dma_wait3A_400 : memref<8x4096xf32, #tpu.memory_space<hbm>>)
    %dma_wait3A_401 = arith.constant 15 : i32
    %dma_wait3A_402 = arith.constant 0 : i32
    %dma_wait3A_403 = tpu.memref_slice %arg3[%dma_wait3A_401, %multiple_of3A, %dma_wait3A_402] : memref<20x1000x4096xf32, #tpu.memory_space<hbm>> -> memref<1x8x4096xf32, #tpu.memory_space<hbm>>
    %dma_wait3A_404 = tpu.memref_squeeze %dma_wait3A_403 : memref<1x8x4096xf32, #tpu.memory_space<hbm>> -> memref<8x4096xf32, #tpu.memory_space<hbm>>
    %dma_wait3A_405 = arith.constant 0 : i32
    %dma_wait3A_406 = tpu.memref_slice %arg3[%dma_wait3A_401, %multiple_of3A, %dma_wait3A_405] : memref<20x1000x4096xf32, #tpu.memory_space<hbm>> -> memref<1x8x4096xf32, #tpu.memory_space<hbm>>
    %dma_wait3A_407 = tpu.memref_squeeze %dma_wait3A_406 : memref<1x8x4096xf32, #tpu.memory_space<hbm>> -> memref<8x4096xf32, #tpu.memory_space<hbm>>
    tpu.wait_dma2 semaphore(%arg6 : memref<!tpu.dma_semaphore, #tpu.memory_space<semaphore_mem>>) src(%arg4 : memref<8x4096xf32, #tpu.memory_space<vmem>>) dst(%dma_wait3A_407 : memref<8x4096xf32, #tpu.memory_space<hbm>>)
    %dma_wait3A_408 = arith.constant 16 : i32
    %dma_wait3A_409 = arith.constant 0 : i32
    %dma_wait3A_410 = tpu.memref_slice %arg3[%dma_wait3A_408, %multiple_of3A, %dma_wait3A_409] : memref<20x1000x4096xf32, #tpu.memory_space<hbm>> -> memref<1x8x4096xf32, #tpu.memory_space<hbm>>
    %dma_wait3A_411 = tpu.memref_squeeze %dma_wait3A_410 : memref<1x8x4096xf32, #tpu.memory_space<hbm>> -> memref<8x4096xf32, #tpu.memory_space<hbm>>
    %dma_wait3A_412 = arith.constant 0 : i32
    %dma_wait3A_413 = tpu.memref_slice %arg3[%dma_wait3A_408, %multiple_of3A, %dma_wait3A_412] : memref<20x1000x4096xf32, #tpu.memory_space<hbm>> -> memref<1x8x4096xf32, #tpu.memory_space<hbm>>
    %dma_wait3A_414 = tpu.memref_squeeze %dma_wait3A_413 : memref<1x8x4096xf32, #tpu.memory_space<hbm>> -> memref<8x4096xf32, #tpu.memory_space<hbm>>
    tpu.wait_dma2 semaphore(%arg6 : memref<!tpu.dma_semaphore, #tpu.memory_space<semaphore_mem>>) src(%arg4 : memref<8x4096xf32, #tpu.memory_space<vmem>>) dst(%dma_wait3A_414 : memref<8x4096xf32, #tpu.memory_space<hbm>>)
    %dma_wait3A_415 = arith.constant 17 : i32
    %dma_wait3A_416 = arith.constant 0 : i32
    %dma_wait3A_417 = tpu.memref_slice %arg3[%dma_wait3A_415, %multiple_of3A, %dma_wait3A_416] : memref<20x1000x4096xf32, #tpu.memory_space<hbm>> -> memref<1x8x4096xf32, #tpu.memory_space<hbm>>
    %dma_wait3A_418 = tpu.memref_squeeze %dma_wait3A_417 : memref<1x8x4096xf32, #tpu.memory_space<hbm>> -> memref<8x4096xf32, #tpu.memory_space<hbm>>
    %dma_wait3A_419 = arith.constant 0 : i32
    %dma_wait3A_420 = tpu.memref_slice %arg3[%dma_wait3A_415, %multiple_of3A, %dma_wait3A_419] : memref<20x1000x4096xf32, #tpu.memory_space<hbm>> -> memref<1x8x4096xf32, #tpu.memory_space<hbm>>
    %dma_wait3A_421 = tpu.memref_squeeze %dma_wait3A_420 : memref<1x8x4096xf32, #tpu.memory_space<hbm>> -> memref<8x4096xf32, #tpu.memory_space<hbm>>
    tpu.wait_dma2 semaphore(%arg6 : memref<!tpu.dma_semaphore, #tpu.memory_space<semaphore_mem>>) src(%arg4 : memref<8x4096xf32, #tpu.memory_space<vmem>>) dst(%dma_wait3A_421 : memref<8x4096xf32, #tpu.memory_space<hbm>>)
    %dma_wait3A_422 = arith.constant 18 : i32
    %dma_wait3A_423 = arith.constant 0 : i32
    %dma_wait3A_424 = tpu.memref_slice %arg3[%dma_wait3A_422, %multiple_of3A, %dma_wait3A_423] : memref<20x1000x4096xf32, #tpu.memory_space<hbm>> -> memref<1x8x4096xf32, #tpu.memory_space<hbm>>
    %dma_wait3A_425 = tpu.memref_squeeze %dma_wait3A_424 : memref<1x8x4096xf32, #tpu.memory_space<hbm>> -> memref<8x4096xf32, #tpu.memory_space<hbm>>
    %dma_wait3A_426 = arith.constant 0 : i32
    %dma_wait3A_427 = tpu.memref_slice %arg3[%dma_wait3A_422, %multiple_of3A, %dma_wait3A_426] : memref<20x1000x4096xf32, #tpu.memory_space<hbm>> -> memref<1x8x4096xf32, #tpu.memory_space<hbm>>
    %dma_wait3A_428 = tpu.memref_squeeze %dma_wait3A_427 : memref<1x8x4096xf32, #tpu.memory_space<hbm>> -> memref<8x4096xf32, #tpu.memory_space<hbm>>
    tpu.wait_dma2 semaphore(%arg6 : memref<!tpu.dma_semaphore, #tpu.memory_space<semaphore_mem>>) src(%arg4 : memref<8x4096xf32, #tpu.memory_space<vmem>>) dst(%dma_wait3A_428 : memref<8x4096xf32, #tpu.memory_space<hbm>>)
    %dma_wait3A_429 = arith.constant 19 : i32
    %dma_wait3A_430 = arith.constant 0 : i32
    %dma_wait3A_431 = tpu.memref_slice %arg3[%dma_wait3A_429, %multiple_of3A, %dma_wait3A_430] : memref<20x1000x4096xf32, #tpu.memory_space<hbm>> -> memref<1x8x4096xf32, #tpu.memory_space<hbm>>
    %dma_wait3A_432 = tpu.memref_squeeze %dma_wait3A_431 : memref<1x8x4096xf32, #tpu.memory_space<hbm>> -> memref<8x4096xf32, #tpu.memory_space<hbm>>
    %dma_wait3A_433 = arith.constant 0 : i32
    %dma_wait3A_434 = tpu.memref_slice %arg3[%dma_wait3A_429, %multiple_of3A, %dma_wait3A_433] : memref<20x1000x4096xf32, #tpu.memory_space<hbm>> -> memref<1x8x4096xf32, #tpu.memory_space<hbm>>
    %dma_wait3A_435 = tpu.memref_squeeze %dma_wait3A_434 : memref<1x8x4096xf32, #tpu.memory_space<hbm>> -> memref<8x4096xf32, #tpu.memory_space<hbm>>
    tpu.wait_dma2 semaphore(%arg6 : memref<!tpu.dma_semaphore, #tpu.memory_space<semaphore_mem>>) src(%arg4 : memref<8x4096xf32, #tpu.memory_space<vmem>>) dst(%dma_wait3A_435 : memref<8x4096xf32, #tpu.memory_space<hbm>>)
    "tpu.region"() ({
      %run_scoped3A = tpu.sem_alloc : memref<!tpu.dma_semaphore, #tpu.memory_space<semaphore_mem>>
      %dma_start3A_1141 = arith.constant 0 : i32
      %dma_start3A_1142 = tpu.memref_slice %arg2[%multiple_of3A_296, %dma_start3A_1141] : memref<1000x4096xf32, #tpu.memory_space<hbm>> -> memref<8x4096xf32, #tpu.memory_space<hbm>>
      %dma_start3A_1143 = arith.constant 0 : i32
      %dma_start3A_1144 = tpu.memref_slice %arg2[%multiple_of3A_296, %dma_start3A_1143] : memref<1000x4096xf32, #tpu.memory_space<hbm>> -> memref<8x4096xf32, #tpu.memory_space<hbm>>
      tpu.enqueue_dma source(%dma_start3A_1144 : memref<8x4096xf32, #tpu.memory_space<hbm>>) target(%arg4 : memref<8x4096xf32, #tpu.memory_space<vmem>>) target_semaphore(%run_scoped3A : memref<!tpu.dma_semaphore, #tpu.memory_space<semaphore_mem>>)
      %dma_wait3A_1145 = arith.constant 0 : i32
      %dma_wait3A_1146 = tpu.memref_slice %arg2[%multiple_of3A_296, %dma_wait3A_1145] : memref<1000x4096xf32, #tpu.memory_space<hbm>> -> memref<8x4096xf32, #tpu.memory_space<hbm>>
      %dma_wait3A_1147 = arith.constant 0 : i32
      %dma_wait3A_1148 = tpu.memref_slice %arg2[%multiple_of3A_296, %dma_wait3A_1147] : memref<1000x4096xf32, #tpu.memory_space<hbm>> -> memref<8x4096xf32, #tpu.memory_space<hbm>>
      tpu.wait_dma2 semaphore(%run_scoped3A : memref<!tpu.dma_semaphore, #tpu.memory_space<semaphore_mem>>) src(%dma_wait3A_1148 : memref<8x4096xf32, #tpu.memory_space<hbm>>) dst(%arg4 : memref<8x4096xf32, #tpu.memory_space<vmem>>)
      tpu.yield
    }) : () -> ()
    %dma_start3A_436 = arith.constant 0 : i32
    %dma_start3A_437 = arith.constant 0 : i32
    %dma_start3A_438 = tpu.memref_slice %arg3[%dma_start3A_436, %multiple_of3A_296, %dma_start3A_437] : memref<20x1000x4096xf32, #tpu.memory_space<hbm>> -> memref<1x8x4096xf32, #tpu.memory_space<hbm>>
    %dma_start3A_439 = tpu.memref_squeeze %dma_start3A_438 : memref<1x8x4096xf32, #tpu.memory_space<hbm>> -> memref<8x4096xf32, #tpu.memory_space<hbm>>
    %dma_start3A_440 = arith.constant 0 : i32
    %dma_start3A_441 = tpu.memref_slice %arg3[%dma_start3A_436, %multiple_of3A_296, %dma_start3A_440] : memref<20x1000x4096xf32, #tpu.memory_space<hbm>> -> memref<1x8x4096xf32, #tpu.memory_space<hbm>>
    %dma_start3A_442 = tpu.memref_squeeze %dma_start3A_441 : memref<1x8x4096xf32, #tpu.memory_space<hbm>> -> memref<8x4096xf32, #tpu.memory_space<hbm>>
    tpu.enqueue_dma source(%arg4 : memref<8x4096xf32, #tpu.memory_space<vmem>>) target(%dma_start3A_442 : memref<8x4096xf32, #tpu.memory_space<hbm>>) target_semaphore(%arg6 : memref<!tpu.dma_semaphore, #tpu.memory_space<semaphore_mem>>)
    %dma_start3A_443 = arith.constant 1 : i32
    %dma_start3A_444 = arith.constant 0 : i32
    %dma_start3A_445 = tpu.memref_slice %arg3[%dma_start3A_443, %multiple_of3A_296, %dma_start3A_444] : memref<20x1000x4096xf32, #tpu.memory_space<hbm>> -> memref<1x8x4096xf32, #tpu.memory_space<hbm>>
    %dma_start3A_446 = tpu.memref_squeeze %dma_start3A_445 : memref<1x8x4096xf32, #tpu.memory_space<hbm>> -> memref<8x4096xf32, #tpu.memory_space<hbm>>
    %dma_start3A_447 = arith.constant 0 : i32
    %dma_start3A_448 = tpu.memref_slice %arg3[%dma_start3A_443, %multiple_of3A_296, %dma_start3A_447] : memref<20x1000x4096xf32, #tpu.memory_space<hbm>> -> memref<1x8x4096xf32, #tpu.memory_space<hbm>>
    %dma_start3A_449 = tpu.memref_squeeze %dma_start3A_448 : memref<1x8x4096xf32, #tpu.memory_space<hbm>> -> memref<8x4096xf32, #tpu.memory_space<hbm>>
    tpu.enqueue_dma source(%arg4 : memref<8x4096xf32, #tpu.memory_space<vmem>>) target(%dma_start3A_449 : memref<8x4096xf32, #tpu.memory_space<hbm>>) target_semaphore(%arg6 : memref<!tpu.dma_semaphore, #tpu.memory_space<semaphore_mem>>)
    %dma_start3A_450 = arith.constant 2 : i32
    %dma_start3A_451 = arith.constant 0 : i32
    %dma_start3A_452 = tpu.memref_slice %arg3[%dma_start3A_450, %multiple_of3A_296, %dma_start3A_451] : memref<20x1000x4096xf32, #tpu.memory_space<hbm>> -> memref<1x8x4096xf32, #tpu.memory_space<hbm>>
    %dma_start3A_453 = tpu.memref_squeeze %dma_start3A_452 : memref<1x8x4096xf32, #tpu.memory_space<hbm>> -> memref<8x4096xf32, #tpu.memory_space<hbm>>
    %dma_start3A_454 = arith.constant 0 : i32
    %dma_start3A_455 = tpu.memref_slice %arg3[%dma_start3A_450, %multiple_of3A_296, %dma_start3A_454] : memref<20x1000x4096xf32, #tpu.memory_space<hbm>> -> memref<1x8x4096xf32, #tpu.memory_space<hbm>>
    %dma_start3A_456 = tpu.memref_squeeze %dma_start3A_455 : memref<1x8x4096xf32, #tpu.memory_space<hbm>> -> memref<8x4096xf32, #tpu.memory_space<hbm>>
    tpu.enqueue_dma source(%arg4 : memref<8x4096xf32, #tpu.memory_space<vmem>>) target(%dma_start3A_456 : memref<8x4096xf32, #tpu.memory_space<hbm>>) target_semaphore(%arg6 : memref<!tpu.dma_semaphore, #tpu.memory_space<semaphore_mem>>)
    %dma_start3A_457 = arith.constant 3 : i32
    %dma_start3A_458 = arith.constant 0 : i32
    %dma_start3A_459 = tpu.memref_slice %arg3[%dma_start3A_457, %multiple_of3A_296, %dma_start3A_458] : memref<20x1000x4096xf32, #tpu.memory_space<hbm>> -> memref<1x8x4096xf32, #tpu.memory_space<hbm>>
    %dma_start3A_460 = tpu.memref_squeeze %dma_start3A_459 : memref<1x8x4096xf32, #tpu.memory_space<hbm>> -> memref<8x4096xf32, #tpu.memory_space<hbm>>
    %dma_start3A_461 = arith.constant 0 : i32
    %dma_start3A_462 = tpu.memref_slice %arg3[%dma_start3A_457, %multiple_of3A_296, %dma_start3A_461] : memref<20x1000x4096xf32, #tpu.memory_space<hbm>> -> memref<1x8x4096xf32, #tpu.memory_space<hbm>>
    %dma_start3A_463 = tpu.memref_squeeze %dma_start3A_462 : memref<1x8x4096xf32, #tpu.memory_space<hbm>> -> memref<8x4096xf32, #tpu.memory_space<hbm>>
    tpu.enqueue_dma source(%arg4 : memref<8x4096xf32, #tpu.memory_space<vmem>>) target(%dma_start3A_463 : memref<8x4096xf32, #tpu.memory_space<hbm>>) target_semaphore(%arg6 : memref<!tpu.dma_semaphore, #tpu.memory_space<semaphore_mem>>)
    %dma_start3A_464 = arith.constant 4 : i32
    %dma_start3A_465 = arith.constant 0 : i32
    %dma_start3A_466 = tpu.memref_slice %arg3[%dma_start3A_464, %multiple_of3A_296, %dma_start3A_465] : memref<20x1000x4096xf32, #tpu.memory_space<hbm>> -> memref<1x8x4096xf32, #tpu.memory_space<hbm>>
    %dma_start3A_467 = tpu.memref_squeeze %dma_start3A_466 : memref<1x8x4096xf32, #tpu.memory_space<hbm>> -> memref<8x4096xf32, #tpu.memory_space<hbm>>
    %dma_start3A_468 = arith.constant 0 : i32
    %dma_start3A_469 = tpu.memref_slice %arg3[%dma_start3A_464, %multiple_of3A_296, %dma_start3A_468] : memref<20x1000x4096xf32, #tpu.memory_space<hbm>> -> memref<1x8x4096xf32, #tpu.memory_space<hbm>>
    %dma_start3A_470 = tpu.memref_squeeze %dma_start3A_469 : memref<1x8x4096xf32, #tpu.memory_space<hbm>> -> memref<8x4096xf32, #tpu.memory_space<hbm>>
    tpu.enqueue_dma source(%arg4 : memref<8x4096xf32, #tpu.memory_space<vmem>>) target(%dma_start3A_470 : memref<8x4096xf32, #tpu.memory_space<hbm>>) target_semaphore(%arg6 : memref<!tpu.dma_semaphore, #tpu.memory_space<semaphore_mem>>)
    %dma_start3A_471 = arith.constant 5 : i32
    %dma_start3A_472 = arith.constant 0 : i32
    %dma_start3A_473 = tpu.memref_slice %arg3[%dma_start3A_471, %multiple_of3A_296, %dma_start3A_472] : memref<20x1000x4096xf32, #tpu.memory_space<hbm>> -> memref<1x8x4096xf32, #tpu.memory_space<hbm>>
    %dma_start3A_474 = tpu.memref_squeeze %dma_start3A_473 : memref<1x8x4096xf32, #tpu.memory_space<hbm>> -> memref<8x4096xf32, #tpu.memory_space<hbm>>
    %dma_start3A_475 = arith.constant 0 : i32
    %dma_start3A_476 = tpu.memref_slice %arg3[%dma_start3A_471, %multiple_of3A_296, %dma_start3A_475] : memref<20x1000x4096xf32, #tpu.memory_space<hbm>> -> memref<1x8x4096xf32, #tpu.memory_space<hbm>>
    %dma_start3A_477 = tpu.memref_squeeze %dma_start3A_476 : memref<1x8x4096xf32, #tpu.memory_space<hbm>> -> memref<8x4096xf32, #tpu.memory_space<hbm>>
    tpu.enqueue_dma source(%arg4 : memref<8x4096xf32, #tpu.memory_space<vmem>>) target(%dma_start3A_477 : memref<8x4096xf32, #tpu.memory_space<hbm>>) target_semaphore(%arg6 : memref<!tpu.dma_semaphore, #tpu.memory_space<semaphore_mem>>)
    %dma_start3A_478 = arith.constant 6 : i32
    %dma_start3A_479 = arith.constant 0 : i32
    %dma_start3A_480 = tpu.memref_slice %arg3[%dma_start3A_478, %multiple_of3A_296, %dma_start3A_479] : memref<20x1000x4096xf32, #tpu.memory_space<hbm>> -> memref<1x8x4096xf32, #tpu.memory_space<hbm>>
    %dma_start3A_481 = tpu.memref_squeeze %dma_start3A_480 : memref<1x8x4096xf32, #tpu.memory_space<hbm>> -> memref<8x4096xf32, #tpu.memory_space<hbm>>
    %dma_start3A_482 = arith.constant 0 : i32
    %dma_start3A_483 = tpu.memref_slice %arg3[%dma_start3A_478, %multiple_of3A_296, %dma_start3A_482] : memref<20x1000x4096xf32, #tpu.memory_space<hbm>> -> memref<1x8x4096xf32, #tpu.memory_space<hbm>>
    %dma_start3A_484 = tpu.memref_squeeze %dma_start3A_483 : memref<1x8x4096xf32, #tpu.memory_space<hbm>> -> memref<8x4096xf32, #tpu.memory_space<hbm>>
    tpu.enqueue_dma source(%arg4 : memref<8x4096xf32, #tpu.memory_space<vmem>>) target(%dma_start3A_484 : memref<8x4096xf32, #tpu.memory_space<hbm>>) target_semaphore(%arg6 : memref<!tpu.dma_semaphore, #tpu.memory_space<semaphore_mem>>)
    %dma_start3A_485 = arith.constant 7 : i32
    %dma_start3A_486 = arith.constant 0 : i32
    %dma_start3A_487 = tpu.memref_slice %arg3[%dma_start3A_485, %multiple_of3A_296, %dma_start3A_486] : memref<20x1000x4096xf32, #tpu.memory_space<hbm>> -> memref<1x8x4096xf32, #tpu.memory_space<hbm>>
    %dma_start3A_488 = tpu.memref_squeeze %dma_start3A_487 : memref<1x8x4096xf32, #tpu.memory_space<hbm>> -> memref<8x4096xf32, #tpu.memory_space<hbm>>
    %dma_start3A_489 = arith.constant 0 : i32
    %dma_start3A_490 = tpu.memref_slice %arg3[%dma_start3A_485, %multiple_of3A_296, %dma_start3A_489] : memref<20x1000x4096xf32, #tpu.memory_space<hbm>> -> memref<1x8x4096xf32, #tpu.memory_space<hbm>>
    %dma_start3A_491 = tpu.memref_squeeze %dma_start3A_490 : memref<1x8x4096xf32, #tpu.memory_space<hbm>> -> memref<8x4096xf32, #tpu.memory_space<hbm>>
    tpu.enqueue_dma source(%arg4 : memref<8x4096xf32, #tpu.memory_space<vmem>>) target(%dma_start3A_491 : memref<8x4096xf32, #tpu.memory_space<hbm>>) target_semaphore(%arg6 : memref<!tpu.dma_semaphore, #tpu.memory_space<semaphore_mem>>)
    %dma_start3A_492 = arith.constant 8 : i32
    %dma_start3A_493 = arith.constant 0 : i32
    %dma_start3A_494 = tpu.memref_slice %arg3[%dma_start3A_492, %multiple_of3A_296, %dma_start3A_493] : memref<20x1000x4096xf32, #tpu.memory_space<hbm>> -> memref<1x8x4096xf32, #tpu.memory_space<hbm>>
    %dma_start3A_495 = tpu.memref_squeeze %dma_start3A_494 : memref<1x8x4096xf32, #tpu.memory_space<hbm>> -> memref<8x4096xf32, #tpu.memory_space<hbm>>
    %dma_start3A_496 = arith.constant 0 : i32
    %dma_start3A_497 = tpu.memref_slice %arg3[%dma_start3A_492, %multiple_of3A_296, %dma_start3A_496] : memref<20x1000x4096xf32, #tpu.memory_space<hbm>> -> memref<1x8x4096xf32, #tpu.memory_space<hbm>>
    %dma_start3A_498 = tpu.memref_squeeze %dma_start3A_497 : memref<1x8x4096xf32, #tpu.memory_space<hbm>> -> memref<8x4096xf32, #tpu.memory_space<hbm>>
    tpu.enqueue_dma source(%arg4 : memref<8x4096xf32, #tpu.memory_space<vmem>>) target(%dma_start3A_498 : memref<8x4096xf32, #tpu.memory_space<hbm>>) target_semaphore(%arg6 : memref<!tpu.dma_semaphore, #tpu.memory_space<semaphore_mem>>)
    %dma_start3A_499 = arith.constant 9 : i32
    %dma_start3A_500 = arith.constant 0 : i32
    %dma_start3A_501 = tpu.memref_slice %arg3[%dma_start3A_499, %multiple_of3A_296, %dma_start3A_500] : memref<20x1000x4096xf32, #tpu.memory_space<hbm>> -> memref<1x8x4096xf32, #tpu.memory_space<hbm>>
    %dma_start3A_502 = tpu.memref_squeeze %dma_start3A_501 : memref<1x8x4096xf32, #tpu.memory_space<hbm>> -> memref<8x4096xf32, #tpu.memory_space<hbm>>
    %dma_start3A_503 = arith.constant 0 : i32
    %dma_start3A_504 = tpu.memref_slice %arg3[%dma_start3A_499, %multiple_of3A_296, %dma_start3A_503] : memref<20x1000x4096xf32, #tpu.memory_space<hbm>> -> memref<1x8x4096xf32, #tpu.memory_space<hbm>>
    %dma_start3A_505 = tpu.memref_squeeze %dma_start3A_504 : memref<1x8x4096xf32, #tpu.memory_space<hbm>> -> memref<8x4096xf32, #tpu.memory_space<hbm>>
    tpu.enqueue_dma source(%arg4 : memref<8x4096xf32, #tpu.memory_space<vmem>>) target(%dma_start3A_505 : memref<8x4096xf32, #tpu.memory_space<hbm>>) target_semaphore(%arg6 : memref<!tpu.dma_semaphore, #tpu.memory_space<semaphore_mem>>)
    %dma_start3A_506 = arith.constant 10 : i32
    %dma_start3A_507 = arith.constant 0 : i32
    %dma_start3A_508 = tpu.memref_slice %arg3[%dma_start3A_506, %multiple_of3A_296, %dma_start3A_507] : memref<20x1000x4096xf32, #tpu.memory_space<hbm>> -> memref<1x8x4096xf32, #tpu.memory_space<hbm>>
    %dma_start3A_509 = tpu.memref_squeeze %dma_start3A_508 : memref<1x8x4096xf32, #tpu.memory_space<hbm>> -> memref<8x4096xf32, #tpu.memory_space<hbm>>
    %dma_start3A_510 = arith.constant 0 : i32
    %dma_start3A_511 = tpu.memref_slice %arg3[%dma_start3A_506, %multiple_of3A_296, %dma_start3A_510] : memref<20x1000x4096xf32, #tpu.memory_space<hbm>> -> memref<1x8x4096xf32, #tpu.memory_space<hbm>>
    %dma_start3A_512 = tpu.memref_squeeze %dma_start3A_511 : memref<1x8x4096xf32, #tpu.memory_space<hbm>> -> memref<8x4096xf32, #tpu.memory_space<hbm>>
    tpu.enqueue_dma source(%arg4 : memref<8x4096xf32, #tpu.memory_space<vmem>>) target(%dma_start3A_512 : memref<8x4096xf32, #tpu.memory_space<hbm>>) target_semaphore(%arg6 : memref<!tpu.dma_semaphore, #tpu.memory_space<semaphore_mem>>)
    %dma_start3A_513 = arith.constant 11 : i32
    %dma_start3A_514 = arith.constant 0 : i32
    %dma_start3A_515 = tpu.memref_slice %arg3[%dma_start3A_513, %multiple_of3A_296, %dma_start3A_514] : memref<20x1000x4096xf32, #tpu.memory_space<hbm>> -> memref<1x8x4096xf32, #tpu.memory_space<hbm>>
    %dma_start3A_516 = tpu.memref_squeeze %dma_start3A_515 : memref<1x8x4096xf32, #tpu.memory_space<hbm>> -> memref<8x4096xf32, #tpu.memory_space<hbm>>
    %dma_start3A_517 = arith.constant 0 : i32
    %dma_start3A_518 = tpu.memref_slice %arg3[%dma_start3A_513, %multiple_of3A_296, %dma_start3A_517] : memref<20x1000x4096xf32, #tpu.memory_space<hbm>> -> memref<1x8x4096xf32, #tpu.memory_space<hbm>>
    %dma_start3A_519 = tpu.memref_squeeze %dma_start3A_518 : memref<1x8x4096xf32, #tpu.memory_space<hbm>> -> memref<8x4096xf32, #tpu.memory_space<hbm>>
    tpu.enqueue_dma source(%arg4 : memref<8x4096xf32, #tpu.memory_space<vmem>>) target(%dma_start3A_519 : memref<8x4096xf32, #tpu.memory_space<hbm>>) target_semaphore(%arg6 : memref<!tpu.dma_semaphore, #tpu.memory_space<semaphore_mem>>)
    %dma_start3A_520 = arith.constant 12 : i32
    %dma_start3A_521 = arith.constant 0 : i32
    %dma_start3A_522 = tpu.memref_slice %arg3[%dma_start3A_520, %multiple_of3A_296, %dma_start3A_521] : memref<20x1000x4096xf32, #tpu.memory_space<hbm>> -> memref<1x8x4096xf32, #tpu.memory_space<hbm>>
    %dma_start3A_523 = tpu.memref_squeeze %dma_start3A_522 : memref<1x8x4096xf32, #tpu.memory_space<hbm>> -> memref<8x4096xf32, #tpu.memory_space<hbm>>
    %dma_start3A_524 = arith.constant 0 : i32
    %dma_start3A_525 = tpu.memref_slice %arg3[%dma_start3A_520, %multiple_of3A_296, %dma_start3A_524] : memref<20x1000x4096xf32, #tpu.memory_space<hbm>> -> memref<1x8x4096xf32, #tpu.memory_space<hbm>>
    %dma_start3A_526 = tpu.memref_squeeze %dma_start3A_525 : memref<1x8x4096xf32, #tpu.memory_space<hbm>> -> memref<8x4096xf32, #tpu.memory_space<hbm>>
    tpu.enqueue_dma source(%arg4 : memref<8x4096xf32, #tpu.memory_space<vmem>>) target(%dma_start3A_526 : memref<8x4096xf32, #tpu.memory_space<hbm>>) target_semaphore(%arg6 : memref<!tpu.dma_semaphore, #tpu.memory_space<semaphore_mem>>)
    %dma_start3A_527 = arith.constant 13 : i32
    %dma_start3A_528 = arith.constant 0 : i32
    %dma_start3A_529 = tpu.memref_slice %arg3[%dma_start3A_527, %multiple_of3A_296, %dma_start3A_528] : memref<20x1000x4096xf32, #tpu.memory_space<hbm>> -> memref<1x8x4096xf32, #tpu.memory_space<hbm>>
    %dma_start3A_530 = tpu.memref_squeeze %dma_start3A_529 : memref<1x8x4096xf32, #tpu.memory_space<hbm>> -> memref<8x4096xf32, #tpu.memory_space<hbm>>
    %dma_start3A_531 = arith.constant 0 : i32
    %dma_start3A_532 = tpu.memref_slice %arg3[%dma_start3A_527, %multiple_of3A_296, %dma_start3A_531] : memref<20x1000x4096xf32, #tpu.memory_space<hbm>> -> memref<1x8x4096xf32, #tpu.memory_space<hbm>>
    %dma_start3A_533 = tpu.memref_squeeze %dma_start3A_532 : memref<1x8x4096xf32, #tpu.memory_space<hbm>> -> memref<8x4096xf32, #tpu.memory_space<hbm>>
    tpu.enqueue_dma source(%arg4 : memref<8x4096xf32, #tpu.memory_space<vmem>>) target(%dma_start3A_533 : memref<8x4096xf32, #tpu.memory_space<hbm>>) target_semaphore(%arg6 : memref<!tpu.dma_semaphore, #tpu.memory_space<semaphore_mem>>)
    %dma_start3A_534 = arith.constant 14 : i32
    %dma_start3A_535 = arith.constant 0 : i32
    %dma_start3A_536 = tpu.memref_slice %arg3[%dma_start3A_534, %multiple_of3A_296, %dma_start3A_535] : memref<20x1000x4096xf32, #tpu.memory_space<hbm>> -> memref<1x8x4096xf32, #tpu.memory_space<hbm>>
    %dma_start3A_537 = tpu.memref_squeeze %dma_start3A_536 : memref<1x8x4096xf32, #tpu.memory_space<hbm>> -> memref<8x4096xf32, #tpu.memory_space<hbm>>
    %dma_start3A_538 = arith.constant 0 : i32
    %dma_start3A_539 = tpu.memref_slice %arg3[%dma_start3A_534, %multiple_of3A_296, %dma_start3A_538] : memref<20x1000x4096xf32, #tpu.memory_space<hbm>> -> memref<1x8x4096xf32, #tpu.memory_space<hbm>>
    %dma_start3A_540 = tpu.memref_squeeze %dma_start3A_539 : memref<1x8x4096xf32, #tpu.memory_space<hbm>> -> memref<8x4096xf32, #tpu.memory_space<hbm>>
    tpu.enqueue_dma source(%arg4 : memref<8x4096xf32, #tpu.memory_space<vmem>>) target(%dma_start3A_540 : memref<8x4096xf32, #tpu.memory_space<hbm>>) target_semaphore(%arg6 : memref<!tpu.dma_semaphore, #tpu.memory_space<semaphore_mem>>)
    %dma_start3A_541 = arith.constant 15 : i32
    %dma_start3A_542 = arith.constant 0 : i32
    %dma_start3A_543 = tpu.memref_slice %arg3[%dma_start3A_541, %multiple_of3A_296, %dma_start3A_542] : memref<20x1000x4096xf32, #tpu.memory_space<hbm>> -> memref<1x8x4096xf32, #tpu.memory_space<hbm>>
    %dma_start3A_544 = tpu.memref_squeeze %dma_start3A_543 : memref<1x8x4096xf32, #tpu.memory_space<hbm>> -> memref<8x4096xf32, #tpu.memory_space<hbm>>
    %dma_start3A_545 = arith.constant 0 : i32
    %dma_start3A_546 = tpu.memref_slice %arg3[%dma_start3A_541, %multiple_of3A_296, %dma_start3A_545] : memref<20x1000x4096xf32, #tpu.memory_space<hbm>> -> memref<1x8x4096xf32, #tpu.memory_space<hbm>>
    %dma_start3A_547 = tpu.memref_squeeze %dma_start3A_546 : memref<1x8x4096xf32, #tpu.memory_space<hbm>> -> memref<8x4096xf32, #tpu.memory_space<hbm>>
    tpu.enqueue_dma source(%arg4 : memref<8x4096xf32, #tpu.memory_space<vmem>>) target(%dma_start3A_547 : memref<8x4096xf32, #tpu.memory_space<hbm>>) target_semaphore(%arg6 : memref<!tpu.dma_semaphore, #tpu.memory_space<semaphore_mem>>)
    %dma_start3A_548 = arith.constant 16 : i32
    %dma_start3A_549 = arith.constant 0 : i32
    %dma_start3A_550 = tpu.memref_slice %arg3[%dma_start3A_548, %multiple_of3A_296, %dma_start3A_549] : memref<20x1000x4096xf32, #tpu.memory_space<hbm>> -> memref<1x8x4096xf32, #tpu.memory_space<hbm>>
    %dma_start3A_551 = tpu.memref_squeeze %dma_start3A_550 : memref<1x8x4096xf32, #tpu.memory_space<hbm>> -> memref<8x4096xf32, #tpu.memory_space<hbm>>
    %dma_start3A_552 = arith.constant 0 : i32
    %dma_start3A_553 = tpu.memref_slice %arg3[%dma_start3A_548, %multiple_of3A_296, %dma_start3A_552] : memref<20x1000x4096xf32, #tpu.memory_space<hbm>> -> memref<1x8x4096xf32, #tpu.memory_space<hbm>>
    %dma_start3A_554 = tpu.memref_squeeze %dma_start3A_553 : memref<1x8x4096xf32, #tpu.memory_space<hbm>> -> memref<8x4096xf32, #tpu.memory_space<hbm>>
    tpu.enqueue_dma source(%arg4 : memref<8x4096xf32, #tpu.memory_space<vmem>>) target(%dma_start3A_554 : memref<8x4096xf32, #tpu.memory_space<hbm>>) target_semaphore(%arg6 : memref<!tpu.dma_semaphore, #tpu.memory_space<semaphore_mem>>)
    %dma_start3A_555 = arith.constant 17 : i32
    %dma_start3A_556 = arith.constant 0 : i32
    %dma_start3A_557 = tpu.memref_slice %arg3[%dma_start3A_555, %multiple_of3A_296, %dma_start3A_556] : memref<20x1000x4096xf32, #tpu.memory_space<hbm>> -> memref<1x8x4096xf32, #tpu.memory_space<hbm>>
    %dma_start3A_558 = tpu.memref_squeeze %dma_start3A_557 : memref<1x8x4096xf32, #tpu.memory_space<hbm>> -> memref<8x4096xf32, #tpu.memory_space<hbm>>
    %dma_start3A_559 = arith.constant 0 : i32
    %dma_start3A_560 = tpu.memref_slice %arg3[%dma_start3A_555, %multiple_of3A_296, %dma_start3A_559] : memref<20x1000x4096xf32, #tpu.memory_space<hbm>> -> memref<1x8x4096xf32, #tpu.memory_space<hbm>>
    %dma_start3A_561 = tpu.memref_squeeze %dma_start3A_560 : memref<1x8x4096xf32, #tpu.memory_space<hbm>> -> memref<8x4096xf32, #tpu.memory_space<hbm>>
    tpu.enqueue_dma source(%arg4 : memref<8x4096xf32, #tpu.memory_space<vmem>>) target(%dma_start3A_561 : memref<8x4096xf32, #tpu.memory_space<hbm>>) target_semaphore(%arg6 : memref<!tpu.dma_semaphore, #tpu.memory_space<semaphore_mem>>)
    %dma_start3A_562 = arith.constant 18 : i32
    %dma_start3A_563 = arith.constant 0 : i32
    %dma_start3A_564 = tpu.memref_slice %arg3[%dma_start3A_562, %multiple_of3A_296, %dma_start3A_563] : memref<20x1000x4096xf32, #tpu.memory_space<hbm>> -> memref<1x8x4096xf32, #tpu.memory_space<hbm>>
    %dma_start3A_565 = tpu.memref_squeeze %dma_start3A_564 : memref<1x8x4096xf32, #tpu.memory_space<hbm>> -> memref<8x4096xf32, #tpu.memory_space<hbm>>
    %dma_start3A_566 = arith.constant 0 : i32
    %dma_start3A_567 = tpu.memref_slice %arg3[%dma_start3A_562, %multiple_of3A_296, %dma_start3A_566] : memref<20x1000x4096xf32, #tpu.memory_space<hbm>> -> memref<1x8x4096xf32, #tpu.memory_space<hbm>>
    %dma_start3A_568 = tpu.memref_squeeze %dma_start3A_567 : memref<1x8x4096xf32, #tpu.memory_space<hbm>> -> memref<8x4096xf32, #tpu.memory_space<hbm>>
    tpu.enqueue_dma source(%arg4 : memref<8x4096xf32, #tpu.memory_space<vmem>>) target(%dma_start3A_568 : memref<8x4096xf32, #tpu.memory_space<hbm>>) target_semaphore(%arg6 : memref<!tpu.dma_semaphore, #tpu.memory_space<semaphore_mem>>)
    %dma_start3A_569 = arith.constant 19 : i32
    %dma_start3A_570 = arith.constant 0 : i32
    %dma_start3A_571 = tpu.memref_slice %arg3[%dma_start3A_569, %multiple_of3A_296, %dma_start3A_570] : memref<20x1000x4096xf32, #tpu.memory_space<hbm>> -> memref<1x8x4096xf32, #tpu.memory_space<hbm>>
    %dma_start3A_572 = tpu.memref_squeeze %dma_start3A_571 : memref<1x8x4096xf32, #tpu.memory_space<hbm>> -> memref<8x4096xf32, #tpu.memory_space<hbm>>
    %dma_start3A_573 = arith.constant 0 : i32
    %dma_start3A_574 = tpu.memref_slice %arg3[%dma_start3A_569, %multiple_of3A_296, %dma_start3A_573] : memref<20x1000x4096xf32, #tpu.memory_space<hbm>> -> memref<1x8x4096xf32, #tpu.memory_space<hbm>>
    %dma_start3A_575 = tpu.memref_squeeze %dma_start3A_574 : memref<1x8x4096xf32, #tpu.memory_space<hbm>> -> memref<8x4096xf32, #tpu.memory_space<hbm>>
    tpu.enqueue_dma source(%arg4 : memref<8x4096xf32, #tpu.memory_space<vmem>>) target(%dma_start3A_575 : memref<8x4096xf32, #tpu.memory_space<hbm>>) target_semaphore(%arg6 : memref<!tpu.dma_semaphore, #tpu.memory_space<semaphore_mem>>)
    %add3A_576 = arith.constant 3 : i32
    %add3A_577 = arith.addi %min3A_3, %add3A_576 : i32
    %mul3A_578 = arith.constant 8 : i32
    %mul3A_579 = arith.muli %add3A_577, %mul3A_578 : i32
    %multiple_of3A_580 = tpu.assume_multiple %mul3A_579, 8 : i32
    %dma_wait3A_581 = arith.constant 0 : i32
    %dma_wait3A_582 = arith.constant 0 : i32
    %dma_wait3A_583 = tpu.memref_slice %arg3[%dma_wait3A_581, %multiple_of3A_151, %dma_wait3A_582] : memref<20x1000x4096xf32, #tpu.memory_space<hbm>> -> memref<1x8x4096xf32, #tpu.memory_space<hbm>>
    %dma_wait3A_584 = tpu.memref_squeeze %dma_wait3A_583 : memref<1x8x4096xf32, #tpu.memory_space<hbm>> -> memref<8x4096xf32, #tpu.memory_space<hbm>>
    %dma_wait3A_585 = arith.constant 0 : i32
    %dma_wait3A_586 = tpu.memref_slice %arg3[%dma_wait3A_581, %multiple_of3A_151, %dma_wait3A_585] : memref<20x1000x4096xf32, #tpu.memory_space<hbm>> -> memref<1x8x4096xf32, #tpu.memory_space<hbm>>
    %dma_wait3A_587 = tpu.memref_squeeze %dma_wait3A_586 : memref<1x8x4096xf32, #tpu.memory_space<hbm>> -> memref<8x4096xf32, #tpu.memory_space<hbm>>
    tpu.wait_dma2 semaphore(%arg6 : memref<!tpu.dma_semaphore, #tpu.memory_space<semaphore_mem>>) src(%arg5 : memref<8x4096xf32, #tpu.memory_space<vmem>>) dst(%dma_wait3A_587 : memref<8x4096xf32, #tpu.memory_space<hbm>>)
    %dma_wait3A_588 = arith.constant 1 : i32
    %dma_wait3A_589 = arith.constant 0 : i32
    %dma_wait3A_590 = tpu.memref_slice %arg3[%dma_wait3A_588, %multiple_of3A_151, %dma_wait3A_589] : memref<20x1000x4096xf32, #tpu.memory_space<hbm>> -> memref<1x8x4096xf32, #tpu.memory_space<hbm>>
    %dma_wait3A_591 = tpu.memref_squeeze %dma_wait3A_590 : memref<1x8x4096xf32, #tpu.memory_space<hbm>> -> memref<8x4096xf32, #tpu.memory_space<hbm>>
    %dma_wait3A_592 = arith.constant 0 : i32
    %dma_wait3A_593 = tpu.memref_slice %arg3[%dma_wait3A_588, %multiple_of3A_151, %dma_wait3A_592] : memref<20x1000x4096xf32, #tpu.memory_space<hbm>> -> memref<1x8x4096xf32, #tpu.memory_space<hbm>>
    %dma_wait3A_594 = tpu.memref_squeeze %dma_wait3A_593 : memref<1x8x4096xf32, #tpu.memory_space<hbm>> -> memref<8x4096xf32, #tpu.memory_space<hbm>>
    tpu.wait_dma2 semaphore(%arg6 : memref<!tpu.dma_semaphore, #tpu.memory_space<semaphore_mem>>) src(%arg5 : memref<8x4096xf32, #tpu.memory_space<vmem>>) dst(%dma_wait3A_594 : memref<8x4096xf32, #tpu.memory_space<hbm>>)
    %dma_wait3A_595 = arith.constant 2 : i32
    %dma_wait3A_596 = arith.constant 0 : i32
    %dma_wait3A_597 = tpu.memref_slice %arg3[%dma_wait3A_595, %multiple_of3A_151, %dma_wait3A_596] : memref<20x1000x4096xf32, #tpu.memory_space<hbm>> -> memref<1x8x4096xf32, #tpu.memory_space<hbm>>
    %dma_wait3A_598 = tpu.memref_squeeze %dma_wait3A_597 : memref<1x8x4096xf32, #tpu.memory_space<hbm>> -> memref<8x4096xf32, #tpu.memory_space<hbm>>
    %dma_wait3A_599 = arith.constant 0 : i32
    %dma_wait3A_600 = tpu.memref_slice %arg3[%dma_wait3A_595, %multiple_of3A_151, %dma_wait3A_599] : memref<20x1000x4096xf32, #tpu.memory_space<hbm>> -> memref<1x8x4096xf32, #tpu.memory_space<hbm>>
    %dma_wait3A_601 = tpu.memref_squeeze %dma_wait3A_600 : memref<1x8x4096xf32, #tpu.memory_space<hbm>> -> memref<8x4096xf32, #tpu.memory_space<hbm>>
    tpu.wait_dma2 semaphore(%arg6 : memref<!tpu.dma_semaphore, #tpu.memory_space<semaphore_mem>>) src(%arg5 : memref<8x4096xf32, #tpu.memory_space<vmem>>) dst(%dma_wait3A_601 : memref<8x4096xf32, #tpu.memory_space<hbm>>)
    %dma_wait3A_602 = arith.constant 3 : i32
    %dma_wait3A_603 = arith.constant 0 : i32
    %dma_wait3A_604 = tpu.memref_slice %arg3[%dma_wait3A_602, %multiple_of3A_151, %dma_wait3A_603] : memref<20x1000x4096xf32, #tpu.memory_space<hbm>> -> memref<1x8x4096xf32, #tpu.memory_space<hbm>>
    %dma_wait3A_605 = tpu.memref_squeeze %dma_wait3A_604 : memref<1x8x4096xf32, #tpu.memory_space<hbm>> -> memref<8x4096xf32, #tpu.memory_space<hbm>>
    %dma_wait3A_606 = arith.constant 0 : i32
    %dma_wait3A_607 = tpu.memref_slice %arg3[%dma_wait3A_602, %multiple_of3A_151, %dma_wait3A_606] : memref<20x1000x4096xf32, #tpu.memory_space<hbm>> -> memref<1x8x4096xf32, #tpu.memory_space<hbm>>
    %dma_wait3A_608 = tpu.memref_squeeze %dma_wait3A_607 : memref<1x8x4096xf32, #tpu.memory_space<hbm>> -> memref<8x4096xf32, #tpu.memory_space<hbm>>
    tpu.wait_dma2 semaphore(%arg6 : memref<!tpu.dma_semaphore, #tpu.memory_space<semaphore_mem>>) src(%arg5 : memref<8x4096xf32, #tpu.memory_space<vmem>>) dst(%dma_wait3A_608 : memref<8x4096xf32, #tpu.memory_space<hbm>>)
    %dma_wait3A_609 = arith.constant 4 : i32
    %dma_wait3A_610 = arith.constant 0 : i32
    %dma_wait3A_611 = tpu.memref_slice %arg3[%dma_wait3A_609, %multiple_of3A_151, %dma_wait3A_610] : memref<20x1000x4096xf32, #tpu.memory_space<hbm>> -> memref<1x8x4096xf32, #tpu.memory_space<hbm>>
    %dma_wait3A_612 = tpu.memref_squeeze %dma_wait3A_611 : memref<1x8x4096xf32, #tpu.memory_space<hbm>> -> memref<8x4096xf32, #tpu.memory_space<hbm>>
    %dma_wait3A_613 = arith.constant 0 : i32
    %dma_wait3A_614 = tpu.memref_slice %arg3[%dma_wait3A_609, %multiple_of3A_151, %dma_wait3A_613] : memref<20x1000x4096xf32, #tpu.memory_space<hbm>> -> memref<1x8x4096xf32, #tpu.memory_space<hbm>>
    %dma_wait3A_615 = tpu.memref_squeeze %dma_wait3A_614 : memref<1x8x4096xf32, #tpu.memory_space<hbm>> -> memref<8x4096xf32, #tpu.memory_space<hbm>>
    tpu.wait_dma2 semaphore(%arg6 : memref<!tpu.dma_semaphore, #tpu.memory_space<semaphore_mem>>) src(%arg5 : memref<8x4096xf32, #tpu.memory_space<vmem>>) dst(%dma_wait3A_615 : memref<8x4096xf32, #tpu.memory_space<hbm>>)
    %dma_wait3A_616 = arith.constant 5 : i32
    %dma_wait3A_617 = arith.constant 0 : i32
    %dma_wait3A_618 = tpu.memref_slice %arg3[%dma_wait3A_616, %multiple_of3A_151, %dma_wait3A_617] : memref<20x1000x4096xf32, #tpu.memory_space<hbm>> -> memref<1x8x4096xf32, #tpu.memory_space<hbm>>
    %dma_wait3A_619 = tpu.memref_squeeze %dma_wait3A_618 : memref<1x8x4096xf32, #tpu.memory_space<hbm>> -> memref<8x4096xf32, #tpu.memory_space<hbm>>
    %dma_wait3A_620 = arith.constant 0 : i32
    %dma_wait3A_621 = tpu.memref_slice %arg3[%dma_wait3A_616, %multiple_of3A_151, %dma_wait3A_620] : memref<20x1000x4096xf32, #tpu.memory_space<hbm>> -> memref<1x8x4096xf32, #tpu.memory_space<hbm>>
    %dma_wait3A_622 = tpu.memref_squeeze %dma_wait3A_621 : memref<1x8x4096xf32, #tpu.memory_space<hbm>> -> memref<8x4096xf32, #tpu.memory_space<hbm>>
    tpu.wait_dma2 semaphore(%arg6 : memref<!tpu.dma_semaphore, #tpu.memory_space<semaphore_mem>>) src(%arg5 : memref<8x4096xf32, #tpu.memory_space<vmem>>) dst(%dma_wait3A_622 : memref<8x4096xf32, #tpu.memory_space<hbm>>)
    %dma_wait3A_623 = arith.constant 6 : i32
    %dma_wait3A_624 = arith.constant 0 : i32
    %dma_wait3A_625 = tpu.memref_slice %arg3[%dma_wait3A_623, %multiple_of3A_151, %dma_wait3A_624] : memref<20x1000x4096xf32, #tpu.memory_space<hbm>> -> memref<1x8x4096xf32, #tpu.memory_space<hbm>>
    %dma_wait3A_626 = tpu.memref_squeeze %dma_wait3A_625 : memref<1x8x4096xf32, #tpu.memory_space<hbm>> -> memref<8x4096xf32, #tpu.memory_space<hbm>>
    %dma_wait3A_627 = arith.constant 0 : i32
    %dma_wait3A_628 = tpu.memref_slice %arg3[%dma_wait3A_623, %multiple_of3A_151, %dma_wait3A_627] : memref<20x1000x4096xf32, #tpu.memory_space<hbm>> -> memref<1x8x4096xf32, #tpu.memory_space<hbm>>
    %dma_wait3A_629 = tpu.memref_squeeze %dma_wait3A_628 : memref<1x8x4096xf32, #tpu.memory_space<hbm>> -> memref<8x4096xf32, #tpu.memory_space<hbm>>
    tpu.wait_dma2 semaphore(%arg6 : memref<!tpu.dma_semaphore, #tpu.memory_space<semaphore_mem>>) src(%arg5 : memref<8x4096xf32, #tpu.memory_space<vmem>>) dst(%dma_wait3A_629 : memref<8x4096xf32, #tpu.memory_space<hbm>>)
    %dma_wait3A_630 = arith.constant 7 : i32
    %dma_wait3A_631 = arith.constant 0 : i32
    %dma_wait3A_632 = tpu.memref_slice %arg3[%dma_wait3A_630, %multiple_of3A_151, %dma_wait3A_631] : memref<20x1000x4096xf32, #tpu.memory_space<hbm>> -> memref<1x8x4096xf32, #tpu.memory_space<hbm>>
    %dma_wait3A_633 = tpu.memref_squeeze %dma_wait3A_632 : memref<1x8x4096xf32, #tpu.memory_space<hbm>> -> memref<8x4096xf32, #tpu.memory_space<hbm>>
    %dma_wait3A_634 = arith.constant 0 : i32
    %dma_wait3A_635 = tpu.memref_slice %arg3[%dma_wait3A_630, %multiple_of3A_151, %dma_wait3A_634] : memref<20x1000x4096xf32, #tpu.memory_space<hbm>> -> memref<1x8x4096xf32, #tpu.memory_space<hbm>>
    %dma_wait3A_636 = tpu.memref_squeeze %dma_wait3A_635 : memref<1x8x4096xf32, #tpu.memory_space<hbm>> -> memref<8x4096xf32, #tpu.memory_space<hbm>>
    tpu.wait_dma2 semaphore(%arg6 : memref<!tpu.dma_semaphore, #tpu.memory_space<semaphore_mem>>) src(%arg5 : memref<8x4096xf32, #tpu.memory_space<vmem>>) dst(%dma_wait3A_636 : memref<8x4096xf32, #tpu.memory_space<hbm>>)
    %dma_wait3A_637 = arith.constant 8 : i32
    %dma_wait3A_638 = arith.constant 0 : i32
    %dma_wait3A_639 = tpu.memref_slice %arg3[%dma_wait3A_637, %multiple_of3A_151, %dma_wait3A_638] : memref<20x1000x4096xf32, #tpu.memory_space<hbm>> -> memref<1x8x4096xf32, #tpu.memory_space<hbm>>
    %dma_wait3A_640 = tpu.memref_squeeze %dma_wait3A_639 : memref<1x8x4096xf32, #tpu.memory_space<hbm>> -> memref<8x4096xf32, #tpu.memory_space<hbm>>
    %dma_wait3A_641 = arith.constant 0 : i32
    %dma_wait3A_642 = tpu.memref_slice %arg3[%dma_wait3A_637, %multiple_of3A_151, %dma_wait3A_641] : memref<20x1000x4096xf32, #tpu.memory_space<hbm>> -> memref<1x8x4096xf32, #tpu.memory_space<hbm>>
    %dma_wait3A_643 = tpu.memref_squeeze %dma_wait3A_642 : memref<1x8x4096xf32, #tpu.memory_space<hbm>> -> memref<8x4096xf32, #tpu.memory_space<hbm>>
    tpu.wait_dma2 semaphore(%arg6 : memref<!tpu.dma_semaphore, #tpu.memory_space<semaphore_mem>>) src(%arg5 : memref<8x4096xf32, #tpu.memory_space<vmem>>) dst(%dma_wait3A_643 : memref<8x4096xf32, #tpu.memory_space<hbm>>)
    %dma_wait3A_644 = arith.constant 9 : i32
    %dma_wait3A_645 = arith.constant 0 : i32
    %dma_wait3A_646 = tpu.memref_slice %arg3[%dma_wait3A_644, %multiple_of3A_151, %dma_wait3A_645] : memref<20x1000x4096xf32, #tpu.memory_space<hbm>> -> memref<1x8x4096xf32, #tpu.memory_space<hbm>>
    %dma_wait3A_647 = tpu.memref_squeeze %dma_wait3A_646 : memref<1x8x4096xf32, #tpu.memory_space<hbm>> -> memref<8x4096xf32, #tpu.memory_space<hbm>>
    %dma_wait3A_648 = arith.constant 0 : i32
    %dma_wait3A_649 = tpu.memref_slice %arg3[%dma_wait3A_644, %multiple_of3A_151, %dma_wait3A_648] : memref<20x1000x4096xf32, #tpu.memory_space<hbm>> -> memref<1x8x4096xf32, #tpu.memory_space<hbm>>
    %dma_wait3A_650 = tpu.memref_squeeze %dma_wait3A_649 : memref<1x8x4096xf32, #tpu.memory_space<hbm>> -> memref<8x4096xf32, #tpu.memory_space<hbm>>
    tpu.wait_dma2 semaphore(%arg6 : memref<!tpu.dma_semaphore, #tpu.memory_space<semaphore_mem>>) src(%arg5 : memref<8x4096xf32, #tpu.memory_space<vmem>>) dst(%dma_wait3A_650 : memref<8x4096xf32, #tpu.memory_space<hbm>>)
    %dma_wait3A_651 = arith.constant 10 : i32
    %dma_wait3A_652 = arith.constant 0 : i32
    %dma_wait3A_653 = tpu.memref_slice %arg3[%dma_wait3A_651, %multiple_of3A_151, %dma_wait3A_652] : memref<20x1000x4096xf32, #tpu.memory_space<hbm>> -> memref<1x8x4096xf32, #tpu.memory_space<hbm>>
    %dma_wait3A_654 = tpu.memref_squeeze %dma_wait3A_653 : memref<1x8x4096xf32, #tpu.memory_space<hbm>> -> memref<8x4096xf32, #tpu.memory_space<hbm>>
    %dma_wait3A_655 = arith.constant 0 : i32
    %dma_wait3A_656 = tpu.memref_slice %arg3[%dma_wait3A_651, %multiple_of3A_151, %dma_wait3A_655] : memref<20x1000x4096xf32, #tpu.memory_space<hbm>> -> memref<1x8x4096xf32, #tpu.memory_space<hbm>>
    %dma_wait3A_657 = tpu.memref_squeeze %dma_wait3A_656 : memref<1x8x4096xf32, #tpu.memory_space<hbm>> -> memref<8x4096xf32, #tpu.memory_space<hbm>>
    tpu.wait_dma2 semaphore(%arg6 : memref<!tpu.dma_semaphore, #tpu.memory_space<semaphore_mem>>) src(%arg5 : memref<8x4096xf32, #tpu.memory_space<vmem>>) dst(%dma_wait3A_657 : memref<8x4096xf32, #tpu.memory_space<hbm>>)
    %dma_wait3A_658 = arith.constant 11 : i32
    %dma_wait3A_659 = arith.constant 0 : i32
    %dma_wait3A_660 = tpu.memref_slice %arg3[%dma_wait3A_658, %multiple_of3A_151, %dma_wait3A_659] : memref<20x1000x4096xf32, #tpu.memory_space<hbm>> -> memref<1x8x4096xf32, #tpu.memory_space<hbm>>
    %dma_wait3A_661 = tpu.memref_squeeze %dma_wait3A_660 : memref<1x8x4096xf32, #tpu.memory_space<hbm>> -> memref<8x4096xf32, #tpu.memory_space<hbm>>
    %dma_wait3A_662 = arith.constant 0 : i32
    %dma_wait3A_663 = tpu.memref_slice %arg3[%dma_wait3A_658, %multiple_of3A_151, %dma_wait3A_662] : memref<20x1000x4096xf32, #tpu.memory_space<hbm>> -> memref<1x8x4096xf32, #tpu.memory_space<hbm>>
    %dma_wait3A_664 = tpu.memref_squeeze %dma_wait3A_663 : memref<1x8x4096xf32, #tpu.memory_space<hbm>> -> memref<8x4096xf32, #tpu.memory_space<hbm>>
    tpu.wait_dma2 semaphore(%arg6 : memref<!tpu.dma_semaphore, #tpu.memory_space<semaphore_mem>>) src(%arg5 : memref<8x4096xf32, #tpu.memory_space<vmem>>) dst(%dma_wait3A_664 : memref<8x4096xf32, #tpu.memory_space<hbm>>)
    %dma_wait3A_665 = arith.constant 12 : i32
    %dma_wait3A_666 = arith.constant 0 : i32
    %dma_wait3A_667 = tpu.memref_slice %arg3[%dma_wait3A_665, %multiple_of3A_151, %dma_wait3A_666] : memref<20x1000x4096xf32, #tpu.memory_space<hbm>> -> memref<1x8x4096xf32, #tpu.memory_space<hbm>>
    %dma_wait3A_668 = tpu.memref_squeeze %dma_wait3A_667 : memref<1x8x4096xf32, #tpu.memory_space<hbm>> -> memref<8x4096xf32, #tpu.memory_space<hbm>>
    %dma_wait3A_669 = arith.constant 0 : i32
    %dma_wait3A_670 = tpu.memref_slice %arg3[%dma_wait3A_665, %multiple_of3A_151, %dma_wait3A_669] : memref<20x1000x4096xf32, #tpu.memory_space<hbm>> -> memref<1x8x4096xf32, #tpu.memory_space<hbm>>
    %dma_wait3A_671 = tpu.memref_squeeze %dma_wait3A_670 : memref<1x8x4096xf32, #tpu.memory_space<hbm>> -> memref<8x4096xf32, #tpu.memory_space<hbm>>
    tpu.wait_dma2 semaphore(%arg6 : memref<!tpu.dma_semaphore, #tpu.memory_space<semaphore_mem>>) src(%arg5 : memref<8x4096xf32, #tpu.memory_space<vmem>>) dst(%dma_wait3A_671 : memref<8x4096xf32, #tpu.memory_space<hbm>>)
    %dma_wait3A_672 = arith.constant 13 : i32
    %dma_wait3A_673 = arith.constant 0 : i32
    %dma_wait3A_674 = tpu.memref_slice %arg3[%dma_wait3A_672, %multiple_of3A_151, %dma_wait3A_673] : memref<20x1000x4096xf32, #tpu.memory_space<hbm>> -> memref<1x8x4096xf32, #tpu.memory_space<hbm>>
    %dma_wait3A_675 = tpu.memref_squeeze %dma_wait3A_674 : memref<1x8x4096xf32, #tpu.memory_space<hbm>> -> memref<8x4096xf32, #tpu.memory_space<hbm>>
    %dma_wait3A_676 = arith.constant 0 : i32
    %dma_wait3A_677 = tpu.memref_slice %arg3[%dma_wait3A_672, %multiple_of3A_151, %dma_wait3A_676] : memref<20x1000x4096xf32, #tpu.memory_space<hbm>> -> memref<1x8x4096xf32, #tpu.memory_space<hbm>>
    %dma_wait3A_678 = tpu.memref_squeeze %dma_wait3A_677 : memref<1x8x4096xf32, #tpu.memory_space<hbm>> -> memref<8x4096xf32, #tpu.memory_space<hbm>>
    tpu.wait_dma2 semaphore(%arg6 : memref<!tpu.dma_semaphore, #tpu.memory_space<semaphore_mem>>) src(%arg5 : memref<8x4096xf32, #tpu.memory_space<vmem>>) dst(%dma_wait3A_678 : memref<8x4096xf32, #tpu.memory_space<hbm>>)
    %dma_wait3A_679 = arith.constant 14 : i32
    %dma_wait3A_680 = arith.constant 0 : i32
    %dma_wait3A_681 = tpu.memref_slice %arg3[%dma_wait3A_679, %multiple_of3A_151, %dma_wait3A_680] : memref<20x1000x4096xf32, #tpu.memory_space<hbm>> -> memref<1x8x4096xf32, #tpu.memory_space<hbm>>
    %dma_wait3A_682 = tpu.memref_squeeze %dma_wait3A_681 : memref<1x8x4096xf32, #tpu.memory_space<hbm>> -> memref<8x4096xf32, #tpu.memory_space<hbm>>
    %dma_wait3A_683 = arith.constant 0 : i32
    %dma_wait3A_684 = tpu.memref_slice %arg3[%dma_wait3A_679, %multiple_of3A_151, %dma_wait3A_683] : memref<20x1000x4096xf32, #tpu.memory_space<hbm>> -> memref<1x8x4096xf32, #tpu.memory_space<hbm>>
    %dma_wait3A_685 = tpu.memref_squeeze %dma_wait3A_684 : memref<1x8x4096xf32, #tpu.memory_space<hbm>> -> memref<8x4096xf32, #tpu.memory_space<hbm>>
    tpu.wait_dma2 semaphore(%arg6 : memref<!tpu.dma_semaphore, #tpu.memory_space<semaphore_mem>>) src(%arg5 : memref<8x4096xf32, #tpu.memory_space<vmem>>) dst(%dma_wait3A_685 : memref<8x4096xf32, #tpu.memory_space<hbm>>)
    %dma_wait3A_686 = arith.constant 15 : i32
    %dma_wait3A_687 = arith.constant 0 : i32
    %dma_wait3A_688 = tpu.memref_slice %arg3[%dma_wait3A_686, %multiple_of3A_151, %dma_wait3A_687] : memref<20x1000x4096xf32, #tpu.memory_space<hbm>> -> memref<1x8x4096xf32, #tpu.memory_space<hbm>>
    %dma_wait3A_689 = tpu.memref_squeeze %dma_wait3A_688 : memref<1x8x4096xf32, #tpu.memory_space<hbm>> -> memref<8x4096xf32, #tpu.memory_space<hbm>>
    %dma_wait3A_690 = arith.constant 0 : i32
    %dma_wait3A_691 = tpu.memref_slice %arg3[%dma_wait3A_686, %multiple_of3A_151, %dma_wait3A_690] : memref<20x1000x4096xf32, #tpu.memory_space<hbm>> -> memref<1x8x4096xf32, #tpu.memory_space<hbm>>
    %dma_wait3A_692 = tpu.memref_squeeze %dma_wait3A_691 : memref<1x8x4096xf32, #tpu.memory_space<hbm>> -> memref<8x4096xf32, #tpu.memory_space<hbm>>
    tpu.wait_dma2 semaphore(%arg6 : memref<!tpu.dma_semaphore, #tpu.memory_space<semaphore_mem>>) src(%arg5 : memref<8x4096xf32, #tpu.memory_space<vmem>>) dst(%dma_wait3A_692 : memref<8x4096xf32, #tpu.memory_space<hbm>>)
    %dma_wait3A_693 = arith.constant 16 : i32
    %dma_wait3A_694 = arith.constant 0 : i32
    %dma_wait3A_695 = tpu.memref_slice %arg3[%dma_wait3A_693, %multiple_of3A_151, %dma_wait3A_694] : memref<20x1000x4096xf32, #tpu.memory_space<hbm>> -> memref<1x8x4096xf32, #tpu.memory_space<hbm>>
    %dma_wait3A_696 = tpu.memref_squeeze %dma_wait3A_695 : memref<1x8x4096xf32, #tpu.memory_space<hbm>> -> memref<8x4096xf32, #tpu.memory_space<hbm>>
    %dma_wait3A_697 = arith.constant 0 : i32
    %dma_wait3A_698 = tpu.memref_slice %arg3[%dma_wait3A_693, %multiple_of3A_151, %dma_wait3A_697] : memref<20x1000x4096xf32, #tpu.memory_space<hbm>> -> memref<1x8x4096xf32, #tpu.memory_space<hbm>>
    %dma_wait3A_699 = tpu.memref_squeeze %dma_wait3A_698 : memref<1x8x4096xf32, #tpu.memory_space<hbm>> -> memref<8x4096xf32, #tpu.memory_space<hbm>>
    tpu.wait_dma2 semaphore(%arg6 : memref<!tpu.dma_semaphore, #tpu.memory_space<semaphore_mem>>) src(%arg5 : memref<8x4096xf32, #tpu.memory_space<vmem>>) dst(%dma_wait3A_699 : memref<8x4096xf32, #tpu.memory_space<hbm>>)
    %dma_wait3A_700 = arith.constant 17 : i32
    %dma_wait3A_701 = arith.constant 0 : i32
    %dma_wait3A_702 = tpu.memref_slice %arg3[%dma_wait3A_700, %multiple_of3A_151, %dma_wait3A_701] : memref<20x1000x4096xf32, #tpu.memory_space<hbm>> -> memref<1x8x4096xf32, #tpu.memory_space<hbm>>
    %dma_wait3A_703 = tpu.memref_squeeze %dma_wait3A_702 : memref<1x8x4096xf32, #tpu.memory_space<hbm>> -> memref<8x4096xf32, #tpu.memory_space<hbm>>
    %dma_wait3A_704 = arith.constant 0 : i32
    %dma_wait3A_705 = tpu.memref_slice %arg3[%dma_wait3A_700, %multiple_of3A_151, %dma_wait3A_704] : memref<20x1000x4096xf32, #tpu.memory_space<hbm>> -> memref<1x8x4096xf32, #tpu.memory_space<hbm>>
    %dma_wait3A_706 = tpu.memref_squeeze %dma_wait3A_705 : memref<1x8x4096xf32, #tpu.memory_space<hbm>> -> memref<8x4096xf32, #tpu.memory_space<hbm>>
    tpu.wait_dma2 semaphore(%arg6 : memref<!tpu.dma_semaphore, #tpu.memory_space<semaphore_mem>>) src(%arg5 : memref<8x4096xf32, #tpu.memory_space<vmem>>) dst(%dma_wait3A_706 : memref<8x4096xf32, #tpu.memory_space<hbm>>)
    %dma_wait3A_707 = arith.constant 18 : i32
    %dma_wait3A_708 = arith.constant 0 : i32
    %dma_wait3A_709 = tpu.memref_slice %arg3[%dma_wait3A_707, %multiple_of3A_151, %dma_wait3A_708] : memref<20x1000x4096xf32, #tpu.memory_space<hbm>> -> memref<1x8x4096xf32, #tpu.memory_space<hbm>>
    %dma_wait3A_710 = tpu.memref_squeeze %dma_wait3A_709 : memref<1x8x4096xf32, #tpu.memory_space<hbm>> -> memref<8x4096xf32, #tpu.memory_space<hbm>>
    %dma_wait3A_711 = arith.constant 0 : i32
    %dma_wait3A_712 = tpu.memref_slice %arg3[%dma_wait3A_707, %multiple_of3A_151, %dma_wait3A_711] : memref<20x1000x4096xf32, #tpu.memory_space<hbm>> -> memref<1x8x4096xf32, #tpu.memory_space<hbm>>
    %dma_wait3A_713 = tpu.memref_squeeze %dma_wait3A_712 : memref<1x8x4096xf32, #tpu.memory_space<hbm>> -> memref<8x4096xf32, #tpu.memory_space<hbm>>
    tpu.wait_dma2 semaphore(%arg6 : memref<!tpu.dma_semaphore, #tpu.memory_space<semaphore_mem>>) src(%arg5 : memref<8x4096xf32, #tpu.memory_space<vmem>>) dst(%dma_wait3A_713 : memref<8x4096xf32, #tpu.memory_space<hbm>>)
    %dma_wait3A_714 = arith.constant 19 : i32
    %dma_wait3A_715 = arith.constant 0 : i32
    %dma_wait3A_716 = tpu.memref_slice %arg3[%dma_wait3A_714, %multiple_of3A_151, %dma_wait3A_715] : memref<20x1000x4096xf32, #tpu.memory_space<hbm>> -> memref<1x8x4096xf32, #tpu.memory_space<hbm>>
    %dma_wait3A_717 = tpu.memref_squeeze %dma_wait3A_716 : memref<1x8x4096xf32, #tpu.memory_space<hbm>> -> memref<8x4096xf32, #tpu.memory_space<hbm>>
    %dma_wait3A_718 = arith.constant 0 : i32
    %dma_wait3A_719 = tpu.memref_slice %arg3[%dma_wait3A_714, %multiple_of3A_151, %dma_wait3A_718] : memref<20x1000x4096xf32, #tpu.memory_space<hbm>> -> memref<1x8x4096xf32, #tpu.memory_space<hbm>>
    %dma_wait3A_720 = tpu.memref_squeeze %dma_wait3A_719 : memref<1x8x4096xf32, #tpu.memory_space<hbm>> -> memref<8x4096xf32, #tpu.memory_space<hbm>>
    tpu.wait_dma2 semaphore(%arg6 : memref<!tpu.dma_semaphore, #tpu.memory_space<semaphore_mem>>) src(%arg5 : memref<8x4096xf32, #tpu.memory_space<vmem>>) dst(%dma_wait3A_720 : memref<8x4096xf32, #tpu.memory_space<hbm>>)
    "tpu.region"() ({
      %run_scoped3A = tpu.sem_alloc : memref<!tpu.dma_semaphore, #tpu.memory_space<semaphore_mem>>
      %dma_start3A_1141 = arith.constant 0 : i32
      %dma_start3A_1142 = tpu.memref_slice %arg2[%multiple_of3A_580, %dma_start3A_1141] : memref<1000x4096xf32, #tpu.memory_space<hbm>> -> memref<8x4096xf32, #tpu.memory_space<hbm>>
      %dma_start3A_1143 = arith.constant 0 : i32
      %dma_start3A_1144 = tpu.memref_slice %arg2[%multiple_of3A_580, %dma_start3A_1143] : memref<1000x4096xf32, #tpu.memory_space<hbm>> -> memref<8x4096xf32, #tpu.memory_space<hbm>>
      tpu.enqueue_dma source(%dma_start3A_1144 : memref<8x4096xf32, #tpu.memory_space<hbm>>) target(%arg5 : memref<8x4096xf32, #tpu.memory_space<vmem>>) target_semaphore(%run_scoped3A : memref<!tpu.dma_semaphore, #tpu.memory_space<semaphore_mem>>)
      %dma_wait3A_1145 = arith.constant 0 : i32
      %dma_wait3A_1146 = tpu.memref_slice %arg2[%multiple_of3A_580, %dma_wait3A_1145] : memref<1000x4096xf32, #tpu.memory_space<hbm>> -> memref<8x4096xf32, #tpu.memory_space<hbm>>
      %dma_wait3A_1147 = arith.constant 0 : i32
      %dma_wait3A_1148 = tpu.memref_slice %arg2[%multiple_of3A_580, %dma_wait3A_1147] : memref<1000x4096xf32, #tpu.memory_space<hbm>> -> memref<8x4096xf32, #tpu.memory_space<hbm>>
      tpu.wait_dma2 semaphore(%run_scoped3A : memref<!tpu.dma_semaphore, #tpu.memory_space<semaphore_mem>>) src(%dma_wait3A_1148 : memref<8x4096xf32, #tpu.memory_space<hbm>>) dst(%arg5 : memref<8x4096xf32, #tpu.memory_space<vmem>>)
      tpu.yield
    }) : () -> ()
    %dma_start3A_721 = arith.constant 0 : i32
    %dma_start3A_722 = arith.constant 0 : i32
    %dma_start3A_723 = tpu.memref_slice %arg3[%dma_start3A_721, %multiple_of3A_580, %dma_start3A_722] : memref<20x1000x4096xf32, #tpu.memory_space<hbm>> -> memref<1x8x4096xf32, #tpu.memory_space<hbm>>
    %dma_start3A_724 = tpu.memref_squeeze %dma_start3A_723 : memref<1x8x4096xf32, #tpu.memory_space<hbm>> -> memref<8x4096xf32, #tpu.memory_space<hbm>>
    %dma_start3A_725 = arith.constant 0 : i32
    %dma_start3A_726 = tpu.memref_slice %arg3[%dma_start3A_721, %multiple_of3A_580, %dma_start3A_725] : memref<20x1000x4096xf32, #tpu.memory_space<hbm>> -> memref<1x8x4096xf32, #tpu.memory_space<hbm>>
    %dma_start3A_727 = tpu.memref_squeeze %dma_start3A_726 : memref<1x8x4096xf32, #tpu.memory_space<hbm>> -> memref<8x4096xf32, #tpu.memory_space<hbm>>
    tpu.enqueue_dma source(%arg5 : memref<8x4096xf32, #tpu.memory_space<vmem>>) target(%dma_start3A_727 : memref<8x4096xf32, #tpu.memory_space<hbm>>) target_semaphore(%arg6 : memref<!tpu.dma_semaphore, #tpu.memory_space<semaphore_mem>>)
    %dma_start3A_728 = arith.constant 1 : i32
    %dma_start3A_729 = arith.constant 0 : i32
    %dma_start3A_730 = tpu.memref_slice %arg3[%dma_start3A_728, %multiple_of3A_580, %dma_start3A_729] : memref<20x1000x4096xf32, #tpu.memory_space<hbm>> -> memref<1x8x4096xf32, #tpu.memory_space<hbm>>
    %dma_start3A_731 = tpu.memref_squeeze %dma_start3A_730 : memref<1x8x4096xf32, #tpu.memory_space<hbm>> -> memref<8x4096xf32, #tpu.memory_space<hbm>>
    %dma_start3A_732 = arith.constant 0 : i32
    %dma_start3A_733 = tpu.memref_slice %arg3[%dma_start3A_728, %multiple_of3A_580, %dma_start3A_732] : memref<20x1000x4096xf32, #tpu.memory_space<hbm>> -> memref<1x8x4096xf32, #tpu.memory_space<hbm>>
    %dma_start3A_734 = tpu.memref_squeeze %dma_start3A_733 : memref<1x8x4096xf32, #tpu.memory_space<hbm>> -> memref<8x4096xf32, #tpu.memory_space<hbm>>
    tpu.enqueue_dma source(%arg5 : memref<8x4096xf32, #tpu.memory_space<vmem>>) target(%dma_start3A_734 : memref<8x4096xf32, #tpu.memory_space<hbm>>) target_semaphore(%arg6 : memref<!tpu.dma_semaphore, #tpu.memory_space<semaphore_mem>>)
    %dma_start3A_735 = arith.constant 2 : i32
    %dma_start3A_736 = arith.constant 0 : i32
    %dma_start3A_737 = tpu.memref_slice %arg3[%dma_start3A_735, %multiple_of3A_580, %dma_start3A_736] : memref<20x1000x4096xf32, #tpu.memory_space<hbm>> -> memref<1x8x4096xf32, #tpu.memory_space<hbm>>
    %dma_start3A_738 = tpu.memref_squeeze %dma_start3A_737 : memref<1x8x4096xf32, #tpu.memory_space<hbm>> -> memref<8x4096xf32, #tpu.memory_space<hbm>>
    %dma_start3A_739 = arith.constant 0 : i32
    %dma_start3A_740 = tpu.memref_slice %arg3[%dma_start3A_735, %multiple_of3A_580, %dma_start3A_739] : memref<20x1000x4096xf32, #tpu.memory_space<hbm>> -> memref<1x8x4096xf32, #tpu.memory_space<hbm>>
    %dma_start3A_741 = tpu.memref_squeeze %dma_start3A_740 : memref<1x8x4096xf32, #tpu.memory_space<hbm>> -> memref<8x4096xf32, #tpu.memory_space<hbm>>
    tpu.enqueue_dma source(%arg5 : memref<8x4096xf32, #tpu.memory_space<vmem>>) target(%dma_start3A_741 : memref<8x4096xf32, #tpu.memory_space<hbm>>) target_semaphore(%arg6 : memref<!tpu.dma_semaphore, #tpu.memory_space<semaphore_mem>>)
    %dma_start3A_742 = arith.constant 3 : i32
    %dma_start3A_743 = arith.constant 0 : i32
    %dma_start3A_744 = tpu.memref_slice %arg3[%dma_start3A_742, %multiple_of3A_580, %dma_start3A_743] : memref<20x1000x4096xf32, #tpu.memory_space<hbm>> -> memref<1x8x4096xf32, #tpu.memory_space<hbm>>
    %dma_start3A_745 = tpu.memref_squeeze %dma_start3A_744 : memref<1x8x4096xf32, #tpu.memory_space<hbm>> -> memref<8x4096xf32, #tpu.memory_space<hbm>>
    %dma_start3A_746 = arith.constant 0 : i32
    %dma_start3A_747 = tpu.memref_slice %arg3[%dma_start3A_742, %multiple_of3A_580, %dma_start3A_746] : memref<20x1000x4096xf32, #tpu.memory_space<hbm>> -> memref<1x8x4096xf32, #tpu.memory_space<hbm>>
    %dma_start3A_748 = tpu.memref_squeeze %dma_start3A_747 : memref<1x8x4096xf32, #tpu.memory_space<hbm>> -> memref<8x4096xf32, #tpu.memory_space<hbm>>
    tpu.enqueue_dma source(%arg5 : memref<8x4096xf32, #tpu.memory_space<vmem>>) target(%dma_start3A_748 : memref<8x4096xf32, #tpu.memory_space<hbm>>) target_semaphore(%arg6 : memref<!tpu.dma_semaphore, #tpu.memory_space<semaphore_mem>>)
    %dma_start3A_749 = arith.constant 4 : i32
    %dma_start3A_750 = arith.constant 0 : i32
    %dma_start3A_751 = tpu.memref_slice %arg3[%dma_start3A_749, %multiple_of3A_580, %dma_start3A_750] : memref<20x1000x4096xf32, #tpu.memory_space<hbm>> -> memref<1x8x4096xf32, #tpu.memory_space<hbm>>
    %dma_start3A_752 = tpu.memref_squeeze %dma_start3A_751 : memref<1x8x4096xf32, #tpu.memory_space<hbm>> -> memref<8x4096xf32, #tpu.memory_space<hbm>>
    %dma_start3A_753 = arith.constant 0 : i32
    %dma_start3A_754 = tpu.memref_slice %arg3[%dma_start3A_749, %multiple_of3A_580, %dma_start3A_753] : memref<20x1000x4096xf32, #tpu.memory_space<hbm>> -> memref<1x8x4096xf32, #tpu.memory_space<hbm>>
    %dma_start3A_755 = tpu.memref_squeeze %dma_start3A_754 : memref<1x8x4096xf32, #tpu.memory_space<hbm>> -> memref<8x4096xf32, #tpu.memory_space<hbm>>
    tpu.enqueue_dma source(%arg5 : memref<8x4096xf32, #tpu.memory_space<vmem>>) target(%dma_start3A_755 : memref<8x4096xf32, #tpu.memory_space<hbm>>) target_semaphore(%arg6 : memref<!tpu.dma_semaphore, #tpu.memory_space<semaphore_mem>>)
    %dma_start3A_756 = arith.constant 5 : i32
    %dma_start3A_757 = arith.constant 0 : i32
    %dma_start3A_758 = tpu.memref_slice %arg3[%dma_start3A_756, %multiple_of3A_580, %dma_start3A_757] : memref<20x1000x4096xf32, #tpu.memory_space<hbm>> -> memref<1x8x4096xf32, #tpu.memory_space<hbm>>
    %dma_start3A_759 = tpu.memref_squeeze %dma_start3A_758 : memref<1x8x4096xf32, #tpu.memory_space<hbm>> -> memref<8x4096xf32, #tpu.memory_space<hbm>>
    %dma_start3A_760 = arith.constant 0 : i32
    %dma_start3A_761 = tpu.memref_slice %arg3[%dma_start3A_756, %multiple_of3A_580, %dma_start3A_760] : memref<20x1000x4096xf32, #tpu.memory_space<hbm>> -> memref<1x8x4096xf32, #tpu.memory_space<hbm>>
    %dma_start3A_762 = tpu.memref_squeeze %dma_start3A_761 : memref<1x8x4096xf32, #tpu.memory_space<hbm>> -> memref<8x4096xf32, #tpu.memory_space<hbm>>
    tpu.enqueue_dma source(%arg5 : memref<8x4096xf32, #tpu.memory_space<vmem>>) target(%dma_start3A_762 : memref<8x4096xf32, #tpu.memory_space<hbm>>) target_semaphore(%arg6 : memref<!tpu.dma_semaphore, #tpu.memory_space<semaphore_mem>>)
    %dma_start3A_763 = arith.constant 6 : i32
    %dma_start3A_764 = arith.constant 0 : i32
    %dma_start3A_765 = tpu.memref_slice %arg3[%dma_start3A_763, %multiple_of3A_580, %dma_start3A_764] : memref<20x1000x4096xf32, #tpu.memory_space<hbm>> -> memref<1x8x4096xf32, #tpu.memory_space<hbm>>
    %dma_start3A_766 = tpu.memref_squeeze %dma_start3A_765 : memref<1x8x4096xf32, #tpu.memory_space<hbm>> -> memref<8x4096xf32, #tpu.memory_space<hbm>>
    %dma_start3A_767 = arith.constant 0 : i32
    %dma_start3A_768 = tpu.memref_slice %arg3[%dma_start3A_763, %multiple_of3A_580, %dma_start3A_767] : memref<20x1000x4096xf32, #tpu.memory_space<hbm>> -> memref<1x8x4096xf32, #tpu.memory_space<hbm>>
    %dma_start3A_769 = tpu.memref_squeeze %dma_start3A_768 : memref<1x8x4096xf32, #tpu.memory_space<hbm>> -> memref<8x4096xf32, #tpu.memory_space<hbm>>
    tpu.enqueue_dma source(%arg5 : memref<8x4096xf32, #tpu.memory_space<vmem>>) target(%dma_start3A_769 : memref<8x4096xf32, #tpu.memory_space<hbm>>) target_semaphore(%arg6 : memref<!tpu.dma_semaphore, #tpu.memory_space<semaphore_mem>>)
    %dma_start3A_770 = arith.constant 7 : i32
    %dma_start3A_771 = arith.constant 0 : i32
    %dma_start3A_772 = tpu.memref_slice %arg3[%dma_start3A_770, %multiple_of3A_580, %dma_start3A_771] : memref<20x1000x4096xf32, #tpu.memory_space<hbm>> -> memref<1x8x4096xf32, #tpu.memory_space<hbm>>
    %dma_start3A_773 = tpu.memref_squeeze %dma_start3A_772 : memref<1x8x4096xf32, #tpu.memory_space<hbm>> -> memref<8x4096xf32, #tpu.memory_space<hbm>>
    %dma_start3A_774 = arith.constant 0 : i32
    %dma_start3A_775 = tpu.memref_slice %arg3[%dma_start3A_770, %multiple_of3A_580, %dma_start3A_774] : memref<20x1000x4096xf32, #tpu.memory_space<hbm>> -> memref<1x8x4096xf32, #tpu.memory_space<hbm>>
    %dma_start3A_776 = tpu.memref_squeeze %dma_start3A_775 : memref<1x8x4096xf32, #tpu.memory_space<hbm>> -> memref<8x4096xf32, #tpu.memory_space<hbm>>
    tpu.enqueue_dma source(%arg5 : memref<8x4096xf32, #tpu.memory_space<vmem>>) target(%dma_start3A_776 : memref<8x4096xf32, #tpu.memory_space<hbm>>) target_semaphore(%arg6 : memref<!tpu.dma_semaphore, #tpu.memory_space<semaphore_mem>>)
    %dma_start3A_777 = arith.constant 8 : i32
    %dma_start3A_778 = arith.constant 0 : i32
    %dma_start3A_779 = tpu.memref_slice %arg3[%dma_start3A_777, %multiple_of3A_580, %dma_start3A_778] : memref<20x1000x4096xf32, #tpu.memory_space<hbm>> -> memref<1x8x4096xf32, #tpu.memory_space<hbm>>
    %dma_start3A_780 = tpu.memref_squeeze %dma_start3A_779 : memref<1x8x4096xf32, #tpu.memory_space<hbm>> -> memref<8x4096xf32, #tpu.memory_space<hbm>>
    %dma_start3A_781 = arith.constant 0 : i32
    %dma_start3A_782 = tpu.memref_slice %arg3[%dma_start3A_777, %multiple_of3A_580, %dma_start3A_781] : memref<20x1000x4096xf32, #tpu.memory_space<hbm>> -> memref<1x8x4096xf32, #tpu.memory_space<hbm>>
    %dma_start3A_783 = tpu.memref_squeeze %dma_start3A_782 : memref<1x8x4096xf32, #tpu.memory_space<hbm>> -> memref<8x4096xf32, #tpu.memory_space<hbm>>
    tpu.enqueue_dma source(%arg5 : memref<8x4096xf32, #tpu.memory_space<vmem>>) target(%dma_start3A_783 : memref<8x4096xf32, #tpu.memory_space<hbm>>) target_semaphore(%arg6 : memref<!tpu.dma_semaphore, #tpu.memory_space<semaphore_mem>>)
    %dma_start3A_784 = arith.constant 9 : i32
    %dma_start3A_785 = arith.constant 0 : i32
    %dma_start3A_786 = tpu.memref_slice %arg3[%dma_start3A_784, %multiple_of3A_580, %dma_start3A_785] : memref<20x1000x4096xf32, #tpu.memory_space<hbm>> -> memref<1x8x4096xf32, #tpu.memory_space<hbm>>
    %dma_start3A_787 = tpu.memref_squeeze %dma_start3A_786 : memref<1x8x4096xf32, #tpu.memory_space<hbm>> -> memref<8x4096xf32, #tpu.memory_space<hbm>>
    %dma_start3A_788 = arith.constant 0 : i32
    %dma_start3A_789 = tpu.memref_slice %arg3[%dma_start3A_784, %multiple_of3A_580, %dma_start3A_788] : memref<20x1000x4096xf32, #tpu.memory_space<hbm>> -> memref<1x8x4096xf32, #tpu.memory_space<hbm>>
    %dma_start3A_790 = tpu.memref_squeeze %dma_start3A_789 : memref<1x8x4096xf32, #tpu.memory_space<hbm>> -> memref<8x4096xf32, #tpu.memory_space<hbm>>
    tpu.enqueue_dma source(%arg5 : memref<8x4096xf32, #tpu.memory_space<vmem>>) target(%dma_start3A_790 : memref<8x4096xf32, #tpu.memory_space<hbm>>) target_semaphore(%arg6 : memref<!tpu.dma_semaphore, #tpu.memory_space<semaphore_mem>>)
    %dma_start3A_791 = arith.constant 10 : i32
    %dma_start3A_792 = arith.constant 0 : i32
    %dma_start3A_793 = tpu.memref_slice %arg3[%dma_start3A_791, %multiple_of3A_580, %dma_start3A_792] : memref<20x1000x4096xf32, #tpu.memory_space<hbm>> -> memref<1x8x4096xf32, #tpu.memory_space<hbm>>
    %dma_start3A_794 = tpu.memref_squeeze %dma_start3A_793 : memref<1x8x4096xf32, #tpu.memory_space<hbm>> -> memref<8x4096xf32, #tpu.memory_space<hbm>>
    %dma_start3A_795 = arith.constant 0 : i32
    %dma_start3A_796 = tpu.memref_slice %arg3[%dma_start3A_791, %multiple_of3A_580, %dma_start3A_795] : memref<20x1000x4096xf32, #tpu.memory_space<hbm>> -> memref<1x8x4096xf32, #tpu.memory_space<hbm>>
    %dma_start3A_797 = tpu.memref_squeeze %dma_start3A_796 : memref<1x8x4096xf32, #tpu.memory_space<hbm>> -> memref<8x4096xf32, #tpu.memory_space<hbm>>
    tpu.enqueue_dma source(%arg5 : memref<8x4096xf32, #tpu.memory_space<vmem>>) target(%dma_start3A_797 : memref<8x4096xf32, #tpu.memory_space<hbm>>) target_semaphore(%arg6 : memref<!tpu.dma_semaphore, #tpu.memory_space<semaphore_mem>>)
    %dma_start3A_798 = arith.constant 11 : i32
    %dma_start3A_799 = arith.constant 0 : i32
    %dma_start3A_800 = tpu.memref_slice %arg3[%dma_start3A_798, %multiple_of3A_580, %dma_start3A_799] : memref<20x1000x4096xf32, #tpu.memory_space<hbm>> -> memref<1x8x4096xf32, #tpu.memory_space<hbm>>
    %dma_start3A_801 = tpu.memref_squeeze %dma_start3A_800 : memref<1x8x4096xf32, #tpu.memory_space<hbm>> -> memref<8x4096xf32, #tpu.memory_space<hbm>>
    %dma_start3A_802 = arith.constant 0 : i32
    %dma_start3A_803 = tpu.memref_slice %arg3[%dma_start3A_798, %multiple_of3A_580, %dma_start3A_802] : memref<20x1000x4096xf32, #tpu.memory_space<hbm>> -> memref<1x8x4096xf32, #tpu.memory_space<hbm>>
    %dma_start3A_804 = tpu.memref_squeeze %dma_start3A_803 : memref<1x8x4096xf32, #tpu.memory_space<hbm>> -> memref<8x4096xf32, #tpu.memory_space<hbm>>
    tpu.enqueue_dma source(%arg5 : memref<8x4096xf32, #tpu.memory_space<vmem>>) target(%dma_start3A_804 : memref<8x4096xf32, #tpu.memory_space<hbm>>) target_semaphore(%arg6 : memref<!tpu.dma_semaphore, #tpu.memory_space<semaphore_mem>>)
    %dma_start3A_805 = arith.constant 12 : i32
    %dma_start3A_806 = arith.constant 0 : i32
    %dma_start3A_807 = tpu.memref_slice %arg3[%dma_start3A_805, %multiple_of3A_580, %dma_start3A_806] : memref<20x1000x4096xf32, #tpu.memory_space<hbm>> -> memref<1x8x4096xf32, #tpu.memory_space<hbm>>
    %dma_start3A_808 = tpu.memref_squeeze %dma_start3A_807 : memref<1x8x4096xf32, #tpu.memory_space<hbm>> -> memref<8x4096xf32, #tpu.memory_space<hbm>>
    %dma_start3A_809 = arith.constant 0 : i32
    %dma_start3A_810 = tpu.memref_slice %arg3[%dma_start3A_805, %multiple_of3A_580, %dma_start3A_809] : memref<20x1000x4096xf32, #tpu.memory_space<hbm>> -> memref<1x8x4096xf32, #tpu.memory_space<hbm>>
    %dma_start3A_811 = tpu.memref_squeeze %dma_start3A_810 : memref<1x8x4096xf32, #tpu.memory_space<hbm>> -> memref<8x4096xf32, #tpu.memory_space<hbm>>
    tpu.enqueue_dma source(%arg5 : memref<8x4096xf32, #tpu.memory_space<vmem>>) target(%dma_start3A_811 : memref<8x4096xf32, #tpu.memory_space<hbm>>) target_semaphore(%arg6 : memref<!tpu.dma_semaphore, #tpu.memory_space<semaphore_mem>>)
    %dma_start3A_812 = arith.constant 13 : i32
    %dma_start3A_813 = arith.constant 0 : i32
    %dma_start3A_814 = tpu.memref_slice %arg3[%dma_start3A_812, %multiple_of3A_580, %dma_start3A_813] : memref<20x1000x4096xf32, #tpu.memory_space<hbm>> -> memref<1x8x4096xf32, #tpu.memory_space<hbm>>
    %dma_start3A_815 = tpu.memref_squeeze %dma_start3A_814 : memref<1x8x4096xf32, #tpu.memory_space<hbm>> -> memref<8x4096xf32, #tpu.memory_space<hbm>>
    %dma_start3A_816 = arith.constant 0 : i32
    %dma_start3A_817 = tpu.memref_slice %arg3[%dma_start3A_812, %multiple_of3A_580, %dma_start3A_816] : memref<20x1000x4096xf32, #tpu.memory_space<hbm>> -> memref<1x8x4096xf32, #tpu.memory_space<hbm>>
    %dma_start3A_818 = tpu.memref_squeeze %dma_start3A_817 : memref<1x8x4096xf32, #tpu.memory_space<hbm>> -> memref<8x4096xf32, #tpu.memory_space<hbm>>
    tpu.enqueue_dma source(%arg5 : memref<8x4096xf32, #tpu.memory_space<vmem>>) target(%dma_start3A_818 : memref<8x4096xf32, #tpu.memory_space<hbm>>) target_semaphore(%arg6 : memref<!tpu.dma_semaphore, #tpu.memory_space<semaphore_mem>>)
    %dma_start3A_819 = arith.constant 14 : i32
    %dma_start3A_820 = arith.constant 0 : i32
    %dma_start3A_821 = tpu.memref_slice %arg3[%dma_start3A_819, %multiple_of3A_580, %dma_start3A_820] : memref<20x1000x4096xf32, #tpu.memory_space<hbm>> -> memref<1x8x4096xf32, #tpu.memory_space<hbm>>
    %dma_start3A_822 = tpu.memref_squeeze %dma_start3A_821 : memref<1x8x4096xf32, #tpu.memory_space<hbm>> -> memref<8x4096xf32, #tpu.memory_space<hbm>>
    %dma_start3A_823 = arith.constant 0 : i32
    %dma_start3A_824 = tpu.memref_slice %arg3[%dma_start3A_819, %multiple_of3A_580, %dma_start3A_823] : memref<20x1000x4096xf32, #tpu.memory_space<hbm>> -> memref<1x8x4096xf32, #tpu.memory_space<hbm>>
    %dma_start3A_825 = tpu.memref_squeeze %dma_start3A_824 : memref<1x8x4096xf32, #tpu.memory_space<hbm>> -> memref<8x4096xf32, #tpu.memory_space<hbm>>
    tpu.enqueue_dma source(%arg5 : memref<8x4096xf32, #tpu.memory_space<vmem>>) target(%dma_start3A_825 : memref<8x4096xf32, #tpu.memory_space<hbm>>) target_semaphore(%arg6 : memref<!tpu.dma_semaphore, #tpu.memory_space<semaphore_mem>>)
    %dma_start3A_826 = arith.constant 15 : i32
    %dma_start3A_827 = arith.constant 0 : i32
    %dma_start3A_828 = tpu.memref_slice %arg3[%dma_start3A_826, %multiple_of3A_580, %dma_start3A_827] : memref<20x1000x4096xf32, #tpu.memory_space<hbm>> -> memref<1x8x4096xf32, #tpu.memory_space<hbm>>
    %dma_start3A_829 = tpu.memref_squeeze %dma_start3A_828 : memref<1x8x4096xf32, #tpu.memory_space<hbm>> -> memref<8x4096xf32, #tpu.memory_space<hbm>>
    %dma_start3A_830 = arith.constant 0 : i32
    %dma_start3A_831 = tpu.memref_slice %arg3[%dma_start3A_826, %multiple_of3A_580, %dma_start3A_830] : memref<20x1000x4096xf32, #tpu.memory_space<hbm>> -> memref<1x8x4096xf32, #tpu.memory_space<hbm>>
    %dma_start3A_832 = tpu.memref_squeeze %dma_start3A_831 : memref<1x8x4096xf32, #tpu.memory_space<hbm>> -> memref<8x4096xf32, #tpu.memory_space<hbm>>
    tpu.enqueue_dma source(%arg5 : memref<8x4096xf32, #tpu.memory_space<vmem>>) target(%dma_start3A_832 : memref<8x4096xf32, #tpu.memory_space<hbm>>) target_semaphore(%arg6 : memref<!tpu.dma_semaphore, #tpu.memory_space<semaphore_mem>>)
    %dma_start3A_833 = arith.constant 16 : i32
    %dma_start3A_834 = arith.constant 0 : i32
    %dma_start3A_835 = tpu.memref_slice %arg3[%dma_start3A_833, %multiple_of3A_580, %dma_start3A_834] : memref<20x1000x4096xf32, #tpu.memory_space<hbm>> -> memref<1x8x4096xf32, #tpu.memory_space<hbm>>
    %dma_start3A_836 = tpu.memref_squeeze %dma_start3A_835 : memref<1x8x4096xf32, #tpu.memory_space<hbm>> -> memref<8x4096xf32, #tpu.memory_space<hbm>>
    %dma_start3A_837 = arith.constant 0 : i32
    %dma_start3A_838 = tpu.memref_slice %arg3[%dma_start3A_833, %multiple_of3A_580, %dma_start3A_837] : memref<20x1000x4096xf32, #tpu.memory_space<hbm>> -> memref<1x8x4096xf32, #tpu.memory_space<hbm>>
    %dma_start3A_839 = tpu.memref_squeeze %dma_start3A_838 : memref<1x8x4096xf32, #tpu.memory_space<hbm>> -> memref<8x4096xf32, #tpu.memory_space<hbm>>
    tpu.enqueue_dma source(%arg5 : memref<8x4096xf32, #tpu.memory_space<vmem>>) target(%dma_start3A_839 : memref<8x4096xf32, #tpu.memory_space<hbm>>) target_semaphore(%arg6 : memref<!tpu.dma_semaphore, #tpu.memory_space<semaphore_mem>>)
    %dma_start3A_840 = arith.constant 17 : i32
    %dma_start3A_841 = arith.constant 0 : i32
    %dma_start3A_842 = tpu.memref_slice %arg3[%dma_start3A_840, %multiple_of3A_580, %dma_start3A_841] : memref<20x1000x4096xf32, #tpu.memory_space<hbm>> -> memref<1x8x4096xf32, #tpu.memory_space<hbm>>
    %dma_start3A_843 = tpu.memref_squeeze %dma_start3A_842 : memref<1x8x4096xf32, #tpu.memory_space<hbm>> -> memref<8x4096xf32, #tpu.memory_space<hbm>>
    %dma_start3A_844 = arith.constant 0 : i32
    %dma_start3A_845 = tpu.memref_slice %arg3[%dma_start3A_840, %multiple_of3A_580, %dma_start3A_844] : memref<20x1000x4096xf32, #tpu.memory_space<hbm>> -> memref<1x8x4096xf32, #tpu.memory_space<hbm>>
    %dma_start3A_846 = tpu.memref_squeeze %dma_start3A_845 : memref<1x8x4096xf32, #tpu.memory_space<hbm>> -> memref<8x4096xf32, #tpu.memory_space<hbm>>
    tpu.enqueue_dma source(%arg5 : memref<8x4096xf32, #tpu.memory_space<vmem>>) target(%dma_start3A_846 : memref<8x4096xf32, #tpu.memory_space<hbm>>) target_semaphore(%arg6 : memref<!tpu.dma_semaphore, #tpu.memory_space<semaphore_mem>>)
    %dma_start3A_847 = arith.constant 18 : i32
    %dma_start3A_848 = arith.constant 0 : i32
    %dma_start3A_849 = tpu.memref_slice %arg3[%dma_start3A_847, %multiple_of3A_580, %dma_start3A_848] : memref<20x1000x4096xf32, #tpu.memory_space<hbm>> -> memref<1x8x4096xf32, #tpu.memory_space<hbm>>
    %dma_start3A_850 = tpu.memref_squeeze %dma_start3A_849 : memref<1x8x4096xf32, #tpu.memory_space<hbm>> -> memref<8x4096xf32, #tpu.memory_space<hbm>>
    %dma_start3A_851 = arith.constant 0 : i32
    %dma_start3A_852 = tpu.memref_slice %arg3[%dma_start3A_847, %multiple_of3A_580, %dma_start3A_851] : memref<20x1000x4096xf32, #tpu.memory_space<hbm>> -> memref<1x8x4096xf32, #tpu.memory_space<hbm>>
    %dma_start3A_853 = tpu.memref_squeeze %dma_start3A_852 : memref<1x8x4096xf32, #tpu.memory_space<hbm>> -> memref<8x4096xf32, #tpu.memory_space<hbm>>
    tpu.enqueue_dma source(%arg5 : memref<8x4096xf32, #tpu.memory_space<vmem>>) target(%dma_start3A_853 : memref<8x4096xf32, #tpu.memory_space<hbm>>) target_semaphore(%arg6 : memref<!tpu.dma_semaphore, #tpu.memory_space<semaphore_mem>>)
    %dma_start3A_854 = arith.constant 19 : i32
    %dma_start3A_855 = arith.constant 0 : i32
    %dma_start3A_856 = tpu.memref_slice %arg3[%dma_start3A_854, %multiple_of3A_580, %dma_start3A_855] : memref<20x1000x4096xf32, #tpu.memory_space<hbm>> -> memref<1x8x4096xf32, #tpu.memory_space<hbm>>
    %dma_start3A_857 = tpu.memref_squeeze %dma_start3A_856 : memref<1x8x4096xf32, #tpu.memory_space<hbm>> -> memref<8x4096xf32, #tpu.memory_space<hbm>>
    %dma_start3A_858 = arith.constant 0 : i32
    %dma_start3A_859 = tpu.memref_slice %arg3[%dma_start3A_854, %multiple_of3A_580, %dma_start3A_858] : memref<20x1000x4096xf32, #tpu.memory_space<hbm>> -> memref<1x8x4096xf32, #tpu.memory_space<hbm>>
    %dma_start3A_860 = tpu.memref_squeeze %dma_start3A_859 : memref<1x8x4096xf32, #tpu.memory_space<hbm>> -> memref<8x4096xf32, #tpu.memory_space<hbm>>
    tpu.enqueue_dma source(%arg5 : memref<8x4096xf32, #tpu.memory_space<vmem>>) target(%dma_start3A_860 : memref<8x4096xf32, #tpu.memory_space<hbm>>) target_semaphore(%arg6 : memref<!tpu.dma_semaphore, #tpu.memory_space<semaphore_mem>>)
    %dma_wait3A_861 = arith.constant 0 : i32
    %dma_wait3A_862 = arith.constant 0 : i32
    %dma_wait3A_863 = tpu.memref_slice %arg3[%dma_wait3A_861, %multiple_of3A_296, %dma_wait3A_862] : memref<20x1000x4096xf32, #tpu.memory_space<hbm>> -> memref<1x8x4096xf32, #tpu.memory_space<hbm>>
    %dma_wait3A_864 = tpu.memref_squeeze %dma_wait3A_863 : memref<1x8x4096xf32, #tpu.memory_space<hbm>> -> memref<8x4096xf32, #tpu.memory_space<hbm>>
    %dma_wait3A_865 = arith.constant 0 : i32
    %dma_wait3A_866 = tpu.memref_slice %arg3[%dma_wait3A_861, %multiple_of3A_296, %dma_wait3A_865] : memref<20x1000x4096xf32, #tpu.memory_space<hbm>> -> memref<1x8x4096xf32, #tpu.memory_space<hbm>>
    %dma_wait3A_867 = tpu.memref_squeeze %dma_wait3A_866 : memref<1x8x4096xf32, #tpu.memory_space<hbm>> -> memref<8x4096xf32, #tpu.memory_space<hbm>>
    tpu.wait_dma2 semaphore(%arg6 : memref<!tpu.dma_semaphore, #tpu.memory_space<semaphore_mem>>) src(%arg4 : memref<8x4096xf32, #tpu.memory_space<vmem>>) dst(%dma_wait3A_867 : memref<8x4096xf32, #tpu.memory_space<hbm>>)
    %dma_wait3A_868 = arith.constant 1 : i32
    %dma_wait3A_869 = arith.constant 0 : i32
    %dma_wait3A_870 = tpu.memref_slice %arg3[%dma_wait3A_868, %multiple_of3A_296, %dma_wait3A_869] : memref<20x1000x4096xf32, #tpu.memory_space<hbm>> -> memref<1x8x4096xf32, #tpu.memory_space<hbm>>
    %dma_wait3A_871 = tpu.memref_squeeze %dma_wait3A_870 : memref<1x8x4096xf32, #tpu.memory_space<hbm>> -> memref<8x4096xf32, #tpu.memory_space<hbm>>
    %dma_wait3A_872 = arith.constant 0 : i32
    %dma_wait3A_873 = tpu.memref_slice %arg3[%dma_wait3A_868, %multiple_of3A_296, %dma_wait3A_872] : memref<20x1000x4096xf32, #tpu.memory_space<hbm>> -> memref<1x8x4096xf32, #tpu.memory_space<hbm>>
    %dma_wait3A_874 = tpu.memref_squeeze %dma_wait3A_873 : memref<1x8x4096xf32, #tpu.memory_space<hbm>> -> memref<8x4096xf32, #tpu.memory_space<hbm>>
    tpu.wait_dma2 semaphore(%arg6 : memref<!tpu.dma_semaphore, #tpu.memory_space<semaphore_mem>>) src(%arg4 : memref<8x4096xf32, #tpu.memory_space<vmem>>) dst(%dma_wait3A_874 : memref<8x4096xf32, #tpu.memory_space<hbm>>)
    %dma_wait3A_875 = arith.constant 2 : i32
    %dma_wait3A_876 = arith.constant 0 : i32
    %dma_wait3A_877 = tpu.memref_slice %arg3[%dma_wait3A_875, %multiple_of3A_296, %dma_wait3A_876] : memref<20x1000x4096xf32, #tpu.memory_space<hbm>> -> memref<1x8x4096xf32, #tpu.memory_space<hbm>>
    %dma_wait3A_878 = tpu.memref_squeeze %dma_wait3A_877 : memref<1x8x4096xf32, #tpu.memory_space<hbm>> -> memref<8x4096xf32, #tpu.memory_space<hbm>>
    %dma_wait3A_879 = arith.constant 0 : i32
    %dma_wait3A_880 = tpu.memref_slice %arg3[%dma_wait3A_875, %multiple_of3A_296, %dma_wait3A_879] : memref<20x1000x4096xf32, #tpu.memory_space<hbm>> -> memref<1x8x4096xf32, #tpu.memory_space<hbm>>
    %dma_wait3A_881 = tpu.memref_squeeze %dma_wait3A_880 : memref<1x8x4096xf32, #tpu.memory_space<hbm>> -> memref<8x4096xf32, #tpu.memory_space<hbm>>
    tpu.wait_dma2 semaphore(%arg6 : memref<!tpu.dma_semaphore, #tpu.memory_space<semaphore_mem>>) src(%arg4 : memref<8x4096xf32, #tpu.memory_space<vmem>>) dst(%dma_wait3A_881 : memref<8x4096xf32, #tpu.memory_space<hbm>>)
    %dma_wait3A_882 = arith.constant 3 : i32
    %dma_wait3A_883 = arith.constant 0 : i32
    %dma_wait3A_884 = tpu.memref_slice %arg3[%dma_wait3A_882, %multiple_of3A_296, %dma_wait3A_883] : memref<20x1000x4096xf32, #tpu.memory_space<hbm>> -> memref<1x8x4096xf32, #tpu.memory_space<hbm>>
    %dma_wait3A_885 = tpu.memref_squeeze %dma_wait3A_884 : memref<1x8x4096xf32, #tpu.memory_space<hbm>> -> memref<8x4096xf32, #tpu.memory_space<hbm>>
    %dma_wait3A_886 = arith.constant 0 : i32
    %dma_wait3A_887 = tpu.memref_slice %arg3[%dma_wait3A_882, %multiple_of3A_296, %dma_wait3A_886] : memref<20x1000x4096xf32, #tpu.memory_space<hbm>> -> memref<1x8x4096xf32, #tpu.memory_space<hbm>>
    %dma_wait3A_888 = tpu.memref_squeeze %dma_wait3A_887 : memref<1x8x4096xf32, #tpu.memory_space<hbm>> -> memref<8x4096xf32, #tpu.memory_space<hbm>>
    tpu.wait_dma2 semaphore(%arg6 : memref<!tpu.dma_semaphore, #tpu.memory_space<semaphore_mem>>) src(%arg4 : memref<8x4096xf32, #tpu.memory_space<vmem>>) dst(%dma_wait3A_888 : memref<8x4096xf32, #tpu.memory_space<hbm>>)
    %dma_wait3A_889 = arith.constant 4 : i32
    %dma_wait3A_890 = arith.constant 0 : i32
    %dma_wait3A_891 = tpu.memref_slice %arg3[%dma_wait3A_889, %multiple_of3A_296, %dma_wait3A_890] : memref<20x1000x4096xf32, #tpu.memory_space<hbm>> -> memref<1x8x4096xf32, #tpu.memory_space<hbm>>
    %dma_wait3A_892 = tpu.memref_squeeze %dma_wait3A_891 : memref<1x8x4096xf32, #tpu.memory_space<hbm>> -> memref<8x4096xf32, #tpu.memory_space<hbm>>
    %dma_wait3A_893 = arith.constant 0 : i32
    %dma_wait3A_894 = tpu.memref_slice %arg3[%dma_wait3A_889, %multiple_of3A_296, %dma_wait3A_893] : memref<20x1000x4096xf32, #tpu.memory_space<hbm>> -> memref<1x8x4096xf32, #tpu.memory_space<hbm>>
    %dma_wait3A_895 = tpu.memref_squeeze %dma_wait3A_894 : memref<1x8x4096xf32, #tpu.memory_space<hbm>> -> memref<8x4096xf32, #tpu.memory_space<hbm>>
    tpu.wait_dma2 semaphore(%arg6 : memref<!tpu.dma_semaphore, #tpu.memory_space<semaphore_mem>>) src(%arg4 : memref<8x4096xf32, #tpu.memory_space<vmem>>) dst(%dma_wait3A_895 : memref<8x4096xf32, #tpu.memory_space<hbm>>)
    %dma_wait3A_896 = arith.constant 5 : i32
    %dma_wait3A_897 = arith.constant 0 : i32
    %dma_wait3A_898 = tpu.memref_slice %arg3[%dma_wait3A_896, %multiple_of3A_296, %dma_wait3A_897] : memref<20x1000x4096xf32, #tpu.memory_space<hbm>> -> memref<1x8x4096xf32, #tpu.memory_space<hbm>>
    %dma_wait3A_899 = tpu.memref_squeeze %dma_wait3A_898 : memref<1x8x4096xf32, #tpu.memory_space<hbm>> -> memref<8x4096xf32, #tpu.memory_space<hbm>>
    %dma_wait3A_900 = arith.constant 0 : i32
    %dma_wait3A_901 = tpu.memref_slice %arg3[%dma_wait3A_896, %multiple_of3A_296, %dma_wait3A_900] : memref<20x1000x4096xf32, #tpu.memory_space<hbm>> -> memref<1x8x4096xf32, #tpu.memory_space<hbm>>
    %dma_wait3A_902 = tpu.memref_squeeze %dma_wait3A_901 : memref<1x8x4096xf32, #tpu.memory_space<hbm>> -> memref<8x4096xf32, #tpu.memory_space<hbm>>
    tpu.wait_dma2 semaphore(%arg6 : memref<!tpu.dma_semaphore, #tpu.memory_space<semaphore_mem>>) src(%arg4 : memref<8x4096xf32, #tpu.memory_space<vmem>>) dst(%dma_wait3A_902 : memref<8x4096xf32, #tpu.memory_space<hbm>>)
    %dma_wait3A_903 = arith.constant 6 : i32
    %dma_wait3A_904 = arith.constant 0 : i32
    %dma_wait3A_905 = tpu.memref_slice %arg3[%dma_wait3A_903, %multiple_of3A_296, %dma_wait3A_904] : memref<20x1000x4096xf32, #tpu.memory_space<hbm>> -> memref<1x8x4096xf32, #tpu.memory_space<hbm>>
    %dma_wait3A_906 = tpu.memref_squeeze %dma_wait3A_905 : memref<1x8x4096xf32, #tpu.memory_space<hbm>> -> memref<8x4096xf32, #tpu.memory_space<hbm>>
    %dma_wait3A_907 = arith.constant 0 : i32
    %dma_wait3A_908 = tpu.memref_slice %arg3[%dma_wait3A_903, %multiple_of3A_296, %dma_wait3A_907] : memref<20x1000x4096xf32, #tpu.memory_space<hbm>> -> memref<1x8x4096xf32, #tpu.memory_space<hbm>>
    %dma_wait3A_909 = tpu.memref_squeeze %dma_wait3A_908 : memref<1x8x4096xf32, #tpu.memory_space<hbm>> -> memref<8x4096xf32, #tpu.memory_space<hbm>>
    tpu.wait_dma2 semaphore(%arg6 : memref<!tpu.dma_semaphore, #tpu.memory_space<semaphore_mem>>) src(%arg4 : memref<8x4096xf32, #tpu.memory_space<vmem>>) dst(%dma_wait3A_909 : memref<8x4096xf32, #tpu.memory_space<hbm>>)
    %dma_wait3A_910 = arith.constant 7 : i32
    %dma_wait3A_911 = arith.constant 0 : i32
    %dma_wait3A_912 = tpu.memref_slice %arg3[%dma_wait3A_910, %multiple_of3A_296, %dma_wait3A_911] : memref<20x1000x4096xf32, #tpu.memory_space<hbm>> -> memref<1x8x4096xf32, #tpu.memory_space<hbm>>
    %dma_wait3A_913 = tpu.memref_squeeze %dma_wait3A_912 : memref<1x8x4096xf32, #tpu.memory_space<hbm>> -> memref<8x4096xf32, #tpu.memory_space<hbm>>
    %dma_wait3A_914 = arith.constant 0 : i32
    %dma_wait3A_915 = tpu.memref_slice %arg3[%dma_wait3A_910, %multiple_of3A_296, %dma_wait3A_914] : memref<20x1000x4096xf32, #tpu.memory_space<hbm>> -> memref<1x8x4096xf32, #tpu.memory_space<hbm>>
    %dma_wait3A_916 = tpu.memref_squeeze %dma_wait3A_915 : memref<1x8x4096xf32, #tpu.memory_space<hbm>> -> memref<8x4096xf32, #tpu.memory_space<hbm>>
    tpu.wait_dma2 semaphore(%arg6 : memref<!tpu.dma_semaphore, #tpu.memory_space<semaphore_mem>>) src(%arg4 : memref<8x4096xf32, #tpu.memory_space<vmem>>) dst(%dma_wait3A_916 : memref<8x4096xf32, #tpu.memory_space<hbm>>)
    %dma_wait3A_917 = arith.constant 8 : i32
    %dma_wait3A_918 = arith.constant 0 : i32
    %dma_wait3A_919 = tpu.memref_slice %arg3[%dma_wait3A_917, %multiple_of3A_296, %dma_wait3A_918] : memref<20x1000x4096xf32, #tpu.memory_space<hbm>> -> memref<1x8x4096xf32, #tpu.memory_space<hbm>>
    %dma_wait3A_920 = tpu.memref_squeeze %dma_wait3A_919 : memref<1x8x4096xf32, #tpu.memory_space<hbm>> -> memref<8x4096xf32, #tpu.memory_space<hbm>>
    %dma_wait3A_921 = arith.constant 0 : i32
    %dma_wait3A_922 = tpu.memref_slice %arg3[%dma_wait3A_917, %multiple_of3A_296, %dma_wait3A_921] : memref<20x1000x4096xf32, #tpu.memory_space<hbm>> -> memref<1x8x4096xf32, #tpu.memory_space<hbm>>
    %dma_wait3A_923 = tpu.memref_squeeze %dma_wait3A_922 : memref<1x8x4096xf32, #tpu.memory_space<hbm>> -> memref<8x4096xf32, #tpu.memory_space<hbm>>
    tpu.wait_dma2 semaphore(%arg6 : memref<!tpu.dma_semaphore, #tpu.memory_space<semaphore_mem>>) src(%arg4 : memref<8x4096xf32, #tpu.memory_space<vmem>>) dst(%dma_wait3A_923 : memref<8x4096xf32, #tpu.memory_space<hbm>>)
    %dma_wait3A_924 = arith.constant 9 : i32
    %dma_wait3A_925 = arith.constant 0 : i32
    %dma_wait3A_926 = tpu.memref_slice %arg3[%dma_wait3A_924, %multiple_of3A_296, %dma_wait3A_925] : memref<20x1000x4096xf32, #tpu.memory_space<hbm>> -> memref<1x8x4096xf32, #tpu.memory_space<hbm>>
    %dma_wait3A_927 = tpu.memref_squeeze %dma_wait3A_926 : memref<1x8x4096xf32, #tpu.memory_space<hbm>> -> memref<8x4096xf32, #tpu.memory_space<hbm>>
    %dma_wait3A_928 = arith.constant 0 : i32
    %dma_wait3A_929 = tpu.memref_slice %arg3[%dma_wait3A_924, %multiple_of3A_296, %dma_wait3A_928] : memref<20x1000x4096xf32, #tpu.memory_space<hbm>> -> memref<1x8x4096xf32, #tpu.memory_space<hbm>>
    %dma_wait3A_930 = tpu.memref_squeeze %dma_wait3A_929 : memref<1x8x4096xf32, #tpu.memory_space<hbm>> -> memref<8x4096xf32, #tpu.memory_space<hbm>>
    tpu.wait_dma2 semaphore(%arg6 : memref<!tpu.dma_semaphore, #tpu.memory_space<semaphore_mem>>) src(%arg4 : memref<8x4096xf32, #tpu.memory_space<vmem>>) dst(%dma_wait3A_930 : memref<8x4096xf32, #tpu.memory_space<hbm>>)
    %dma_wait3A_931 = arith.constant 10 : i32
    %dma_wait3A_932 = arith.constant 0 : i32
    %dma_wait3A_933 = tpu.memref_slice %arg3[%dma_wait3A_931, %multiple_of3A_296, %dma_wait3A_932] : memref<20x1000x4096xf32, #tpu.memory_space<hbm>> -> memref<1x8x4096xf32, #tpu.memory_space<hbm>>
    %dma_wait3A_934 = tpu.memref_squeeze %dma_wait3A_933 : memref<1x8x4096xf32, #tpu.memory_space<hbm>> -> memref<8x4096xf32, #tpu.memory_space<hbm>>
    %dma_wait3A_935 = arith.constant 0 : i32
    %dma_wait3A_936 = tpu.memref_slice %arg3[%dma_wait3A_931, %multiple_of3A_296, %dma_wait3A_935] : memref<20x1000x4096xf32, #tpu.memory_space<hbm>> -> memref<1x8x4096xf32, #tpu.memory_space<hbm>>
    %dma_wait3A_937 = tpu.memref_squeeze %dma_wait3A_936 : memref<1x8x4096xf32, #tpu.memory_space<hbm>> -> memref<8x4096xf32, #tpu.memory_space<hbm>>
    tpu.wait_dma2 semaphore(%arg6 : memref<!tpu.dma_semaphore, #tpu.memory_space<semaphore_mem>>) src(%arg4 : memref<8x4096xf32, #tpu.memory_space<vmem>>) dst(%dma_wait3A_937 : memref<8x4096xf32, #tpu.memory_space<hbm>>)
    %dma_wait3A_938 = arith.constant 11 : i32
    %dma_wait3A_939 = arith.constant 0 : i32
    %dma_wait3A_940 = tpu.memref_slice %arg3[%dma_wait3A_938, %multiple_of3A_296, %dma_wait3A_939] : memref<20x1000x4096xf32, #tpu.memory_space<hbm>> -> memref<1x8x4096xf32, #tpu.memory_space<hbm>>
    %dma_wait3A_941 = tpu.memref_squeeze %dma_wait3A_940 : memref<1x8x4096xf32, #tpu.memory_space<hbm>> -> memref<8x4096xf32, #tpu.memory_space<hbm>>
    %dma_wait3A_942 = arith.constant 0 : i32
    %dma_wait3A_943 = tpu.memref_slice %arg3[%dma_wait3A_938, %multiple_of3A_296, %dma_wait3A_942] : memref<20x1000x4096xf32, #tpu.memory_space<hbm>> -> memref<1x8x4096xf32, #tpu.memory_space<hbm>>
    %dma_wait3A_944 = tpu.memref_squeeze %dma_wait3A_943 : memref<1x8x4096xf32, #tpu.memory_space<hbm>> -> memref<8x4096xf32, #tpu.memory_space<hbm>>
    tpu.wait_dma2 semaphore(%arg6 : memref<!tpu.dma_semaphore, #tpu.memory_space<semaphore_mem>>) src(%arg4 : memref<8x4096xf32, #tpu.memory_space<vmem>>) dst(%dma_wait3A_944 : memref<8x4096xf32, #tpu.memory_space<hbm>>)
    %dma_wait3A_945 = arith.constant 12 : i32
    %dma_wait3A_946 = arith.constant 0 : i32
    %dma_wait3A_947 = tpu.memref_slice %arg3[%dma_wait3A_945, %multiple_of3A_296, %dma_wait3A_946] : memref<20x1000x4096xf32, #tpu.memory_space<hbm>> -> memref<1x8x4096xf32, #tpu.memory_space<hbm>>
    %dma_wait3A_948 = tpu.memref_squeeze %dma_wait3A_947 : memref<1x8x4096xf32, #tpu.memory_space<hbm>> -> memref<8x4096xf32, #tpu.memory_space<hbm>>
    %dma_wait3A_949 = arith.constant 0 : i32
    %dma_wait3A_950 = tpu.memref_slice %arg3[%dma_wait3A_945, %multiple_of3A_296, %dma_wait3A_949] : memref<20x1000x4096xf32, #tpu.memory_space<hbm>> -> memref<1x8x4096xf32, #tpu.memory_space<hbm>>
    %dma_wait3A_951 = tpu.memref_squeeze %dma_wait3A_950 : memref<1x8x4096xf32, #tpu.memory_space<hbm>> -> memref<8x4096xf32, #tpu.memory_space<hbm>>
    tpu.wait_dma2 semaphore(%arg6 : memref<!tpu.dma_semaphore, #tpu.memory_space<semaphore_mem>>) src(%arg4 : memref<8x4096xf32, #tpu.memory_space<vmem>>) dst(%dma_wait3A_951 : memref<8x4096xf32, #tpu.memory_space<hbm>>)
    %dma_wait3A_952 = arith.constant 13 : i32
    %dma_wait3A_953 = arith.constant 0 : i32
    %dma_wait3A_954 = tpu.memref_slice %arg3[%dma_wait3A_952, %multiple_of3A_296, %dma_wait3A_953] : memref<20x1000x4096xf32, #tpu.memory_space<hbm>> -> memref<1x8x4096xf32, #tpu.memory_space<hbm>>
    %dma_wait3A_955 = tpu.memref_squeeze %dma_wait3A_954 : memref<1x8x4096xf32, #tpu.memory_space<hbm>> -> memref<8x4096xf32, #tpu.memory_space<hbm>>
    %dma_wait3A_956 = arith.constant 0 : i32
    %dma_wait3A_957 = tpu.memref_slice %arg3[%dma_wait3A_952, %multiple_of3A_296, %dma_wait3A_956] : memref<20x1000x4096xf32, #tpu.memory_space<hbm>> -> memref<1x8x4096xf32, #tpu.memory_space<hbm>>
    %dma_wait3A_958 = tpu.memref_squeeze %dma_wait3A_957 : memref<1x8x4096xf32, #tpu.memory_space<hbm>> -> memref<8x4096xf32, #tpu.memory_space<hbm>>
    tpu.wait_dma2 semaphore(%arg6 : memref<!tpu.dma_semaphore, #tpu.memory_space<semaphore_mem>>) src(%arg4 : memref<8x4096xf32, #tpu.memory_space<vmem>>) dst(%dma_wait3A_958 : memref<8x4096xf32, #tpu.memory_space<hbm>>)
    %dma_wait3A_959 = arith.constant 14 : i32
    %dma_wait3A_960 = arith.constant 0 : i32
    %dma_wait3A_961 = tpu.memref_slice %arg3[%dma_wait3A_959, %multiple_of3A_296, %dma_wait3A_960] : memref<20x1000x4096xf32, #tpu.memory_space<hbm>> -> memref<1x8x4096xf32, #tpu.memory_space<hbm>>
    %dma_wait3A_962 = tpu.memref_squeeze %dma_wait3A_961 : memref<1x8x4096xf32, #tpu.memory_space<hbm>> -> memref<8x4096xf32, #tpu.memory_space<hbm>>
    %dma_wait3A_963 = arith.constant 0 : i32
    %dma_wait3A_964 = tpu.memref_slice %arg3[%dma_wait3A_959, %multiple_of3A_296, %dma_wait3A_963] : memref<20x1000x4096xf32, #tpu.memory_space<hbm>> -> memref<1x8x4096xf32, #tpu.memory_space<hbm>>
    %dma_wait3A_965 = tpu.memref_squeeze %dma_wait3A_964 : memref<1x8x4096xf32, #tpu.memory_space<hbm>> -> memref<8x4096xf32, #tpu.memory_space<hbm>>
    tpu.wait_dma2 semaphore(%arg6 : memref<!tpu.dma_semaphore, #tpu.memory_space<semaphore_mem>>) src(%arg4 : memref<8x4096xf32, #tpu.memory_space<vmem>>) dst(%dma_wait3A_965 : memref<8x4096xf32, #tpu.memory_space<hbm>>)
    %dma_wait3A_966 = arith.constant 15 : i32
    %dma_wait3A_967 = arith.constant 0 : i32
    %dma_wait3A_968 = tpu.memref_slice %arg3[%dma_wait3A_966, %multiple_of3A_296, %dma_wait3A_967] : memref<20x1000x4096xf32, #tpu.memory_space<hbm>> -> memref<1x8x4096xf32, #tpu.memory_space<hbm>>
    %dma_wait3A_969 = tpu.memref_squeeze %dma_wait3A_968 : memref<1x8x4096xf32, #tpu.memory_space<hbm>> -> memref<8x4096xf32, #tpu.memory_space<hbm>>
    %dma_wait3A_970 = arith.constant 0 : i32
    %dma_wait3A_971 = tpu.memref_slice %arg3[%dma_wait3A_966, %multiple_of3A_296, %dma_wait3A_970] : memref<20x1000x4096xf32, #tpu.memory_space<hbm>> -> memref<1x8x4096xf32, #tpu.memory_space<hbm>>
    %dma_wait3A_972 = tpu.memref_squeeze %dma_wait3A_971 : memref<1x8x4096xf32, #tpu.memory_space<hbm>> -> memref<8x4096xf32, #tpu.memory_space<hbm>>
    tpu.wait_dma2 semaphore(%arg6 : memref<!tpu.dma_semaphore, #tpu.memory_space<semaphore_mem>>) src(%arg4 : memref<8x4096xf32, #tpu.memory_space<vmem>>) dst(%dma_wait3A_972 : memref<8x4096xf32, #tpu.memory_space<hbm>>)
    %dma_wait3A_973 = arith.constant 16 : i32
    %dma_wait3A_974 = arith.constant 0 : i32
    %dma_wait3A_975 = tpu.memref_slice %arg3[%dma_wait3A_973, %multiple_of3A_296, %dma_wait3A_974] : memref<20x1000x4096xf32, #tpu.memory_space<hbm>> -> memref<1x8x4096xf32, #tpu.memory_space<hbm>>
    %dma_wait3A_976 = tpu.memref_squeeze %dma_wait3A_975 : memref<1x8x4096xf32, #tpu.memory_space<hbm>> -> memref<8x4096xf32, #tpu.memory_space<hbm>>
    %dma_wait3A_977 = arith.constant 0 : i32
    %dma_wait3A_978 = tpu.memref_slice %arg3[%dma_wait3A_973, %multiple_of3A_296, %dma_wait3A_977] : memref<20x1000x4096xf32, #tpu.memory_space<hbm>> -> memref<1x8x4096xf32, #tpu.memory_space<hbm>>
    %dma_wait3A_979 = tpu.memref_squeeze %dma_wait3A_978 : memref<1x8x4096xf32, #tpu.memory_space<hbm>> -> memref<8x4096xf32, #tpu.memory_space<hbm>>
    tpu.wait_dma2 semaphore(%arg6 : memref<!tpu.dma_semaphore, #tpu.memory_space<semaphore_mem>>) src(%arg4 : memref<8x4096xf32, #tpu.memory_space<vmem>>) dst(%dma_wait3A_979 : memref<8x4096xf32, #tpu.memory_space<hbm>>)
    %dma_wait3A_980 = arith.constant 17 : i32
    %dma_wait3A_981 = arith.constant 0 : i32
    %dma_wait3A_982 = tpu.memref_slice %arg3[%dma_wait3A_980, %multiple_of3A_296, %dma_wait3A_981] : memref<20x1000x4096xf32, #tpu.memory_space<hbm>> -> memref<1x8x4096xf32, #tpu.memory_space<hbm>>
    %dma_wait3A_983 = tpu.memref_squeeze %dma_wait3A_982 : memref<1x8x4096xf32, #tpu.memory_space<hbm>> -> memref<8x4096xf32, #tpu.memory_space<hbm>>
    %dma_wait3A_984 = arith.constant 0 : i32
    %dma_wait3A_985 = tpu.memref_slice %arg3[%dma_wait3A_980, %multiple_of3A_296, %dma_wait3A_984] : memref<20x1000x4096xf32, #tpu.memory_space<hbm>> -> memref<1x8x4096xf32, #tpu.memory_space<hbm>>
    %dma_wait3A_986 = tpu.memref_squeeze %dma_wait3A_985 : memref<1x8x4096xf32, #tpu.memory_space<hbm>> -> memref<8x4096xf32, #tpu.memory_space<hbm>>
    tpu.wait_dma2 semaphore(%arg6 : memref<!tpu.dma_semaphore, #tpu.memory_space<semaphore_mem>>) src(%arg4 : memref<8x4096xf32, #tpu.memory_space<vmem>>) dst(%dma_wait3A_986 : memref<8x4096xf32, #tpu.memory_space<hbm>>)
    %dma_wait3A_987 = arith.constant 18 : i32
    %dma_wait3A_988 = arith.constant 0 : i32
    %dma_wait3A_989 = tpu.memref_slice %arg3[%dma_wait3A_987, %multiple_of3A_296, %dma_wait3A_988] : memref<20x1000x4096xf32, #tpu.memory_space<hbm>> -> memref<1x8x4096xf32, #tpu.memory_space<hbm>>
    %dma_wait3A_990 = tpu.memref_squeeze %dma_wait3A_989 : memref<1x8x4096xf32, #tpu.memory_space<hbm>> -> memref<8x4096xf32, #tpu.memory_space<hbm>>
    %dma_wait3A_991 = arith.constant 0 : i32
    %dma_wait3A_992 = tpu.memref_slice %arg3[%dma_wait3A_987, %multiple_of3A_296, %dma_wait3A_991] : memref<20x1000x4096xf32, #tpu.memory_space<hbm>> -> memref<1x8x4096xf32, #tpu.memory_space<hbm>>
    %dma_wait3A_993 = tpu.memref_squeeze %dma_wait3A_992 : memref<1x8x4096xf32, #tpu.memory_space<hbm>> -> memref<8x4096xf32, #tpu.memory_space<hbm>>
    tpu.wait_dma2 semaphore(%arg6 : memref<!tpu.dma_semaphore, #tpu.memory_space<semaphore_mem>>) src(%arg4 : memref<8x4096xf32, #tpu.memory_space<vmem>>) dst(%dma_wait3A_993 : memref<8x4096xf32, #tpu.memory_space<hbm>>)
    %dma_wait3A_994 = arith.constant 19 : i32
    %dma_wait3A_995 = arith.constant 0 : i32
    %dma_wait3A_996 = tpu.memref_slice %arg3[%dma_wait3A_994, %multiple_of3A_296, %dma_wait3A_995] : memref<20x1000x4096xf32, #tpu.memory_space<hbm>> -> memref<1x8x4096xf32, #tpu.memory_space<hbm>>
    %dma_wait3A_997 = tpu.memref_squeeze %dma_wait3A_996 : memref<1x8x4096xf32, #tpu.memory_space<hbm>> -> memref<8x4096xf32, #tpu.memory_space<hbm>>
    %dma_wait3A_998 = arith.constant 0 : i32
    %dma_wait3A_999 = tpu.memref_slice %arg3[%dma_wait3A_994, %multiple_of3A_296, %dma_wait3A_998] : memref<20x1000x4096xf32, #tpu.memory_space<hbm>> -> memref<1x8x4096xf32, #tpu.memory_space<hbm>>
    %dma_wait3A_1000 = tpu.memref_squeeze %dma_wait3A_999 : memref<1x8x4096xf32, #tpu.memory_space<hbm>> -> memref<8x4096xf32, #tpu.memory_space<hbm>>
    tpu.wait_dma2 semaphore(%arg6 : memref<!tpu.dma_semaphore, #tpu.memory_space<semaphore_mem>>) src(%arg4 : memref<8x4096xf32, #tpu.memory_space<vmem>>) dst(%dma_wait3A_1000 : memref<8x4096xf32, #tpu.memory_space<hbm>>)
    %dma_wait3A_1001 = arith.constant 0 : i32
    %dma_wait3A_1002 = arith.constant 0 : i32
    %dma_wait3A_1003 = tpu.memref_slice %arg3[%dma_wait3A_1001, %multiple_of3A_580, %dma_wait3A_1002] : memref<20x1000x4096xf32, #tpu.memory_space<hbm>> -> memref<1x8x4096xf32, #tpu.memory_space<hbm>>
    %dma_wait3A_1004 = tpu.memref_squeeze %dma_wait3A_1003 : memref<1x8x4096xf32, #tpu.memory_space<hbm>> -> memref<8x4096xf32, #tpu.memory_space<hbm>>
    %dma_wait3A_1005 = arith.constant 0 : i32
    %dma_wait3A_1006 = tpu.memref_slice %arg3[%dma_wait3A_1001, %multiple_of3A_580, %dma_wait3A_1005] : memref<20x1000x4096xf32, #tpu.memory_space<hbm>> -> memref<1x8x4096xf32, #tpu.memory_space<hbm>>
    %dma_wait3A_1007 = tpu.memref_squeeze %dma_wait3A_1006 : memref<1x8x4096xf32, #tpu.memory_space<hbm>> -> memref<8x4096xf32, #tpu.memory_space<hbm>>
    tpu.wait_dma2 semaphore(%arg6 : memref<!tpu.dma_semaphore, #tpu.memory_space<semaphore_mem>>) src(%arg5 : memref<8x4096xf32, #tpu.memory_space<vmem>>) dst(%dma_wait3A_1007 : memref<8x4096xf32, #tpu.memory_space<hbm>>)
    %dma_wait3A_1008 = arith.constant 1 : i32
    %dma_wait3A_1009 = arith.constant 0 : i32
    %dma_wait3A_1010 = tpu.memref_slice %arg3[%dma_wait3A_1008, %multiple_of3A_580, %dma_wait3A_1009] : memref<20x1000x4096xf32, #tpu.memory_space<hbm>> -> memref<1x8x4096xf32, #tpu.memory_space<hbm>>
    %dma_wait3A_1011 = tpu.memref_squeeze %dma_wait3A_1010 : memref<1x8x4096xf32, #tpu.memory_space<hbm>> -> memref<8x4096xf32, #tpu.memory_space<hbm>>
    %dma_wait3A_1012 = arith.constant 0 : i32
    %dma_wait3A_1013 = tpu.memref_slice %arg3[%dma_wait3A_1008, %multiple_of3A_580, %dma_wait3A_1012] : memref<20x1000x4096xf32, #tpu.memory_space<hbm>> -> memref<1x8x4096xf32, #tpu.memory_space<hbm>>
    %dma_wait3A_1014 = tpu.memref_squeeze %dma_wait3A_1013 : memref<1x8x4096xf32, #tpu.memory_space<hbm>> -> memref<8x4096xf32, #tpu.memory_space<hbm>>
    tpu.wait_dma2 semaphore(%arg6 : memref<!tpu.dma_semaphore, #tpu.memory_space<semaphore_mem>>) src(%arg5 : memref<8x4096xf32, #tpu.memory_space<vmem>>) dst(%dma_wait3A_1014 : memref<8x4096xf32, #tpu.memory_space<hbm>>)
    %dma_wait3A_1015 = arith.constant 2 : i32
    %dma_wait3A_1016 = arith.constant 0 : i32
    %dma_wait3A_1017 = tpu.memref_slice %arg3[%dma_wait3A_1015, %multiple_of3A_580, %dma_wait3A_1016] : memref<20x1000x4096xf32, #tpu.memory_space<hbm>> -> memref<1x8x4096xf32, #tpu.memory_space<hbm>>
    %dma_wait3A_1018 = tpu.memref_squeeze %dma_wait3A_1017 : memref<1x8x4096xf32, #tpu.memory_space<hbm>> -> memref<8x4096xf32, #tpu.memory_space<hbm>>
    %dma_wait3A_1019 = arith.constant 0 : i32
    %dma_wait3A_1020 = tpu.memref_slice %arg3[%dma_wait3A_1015, %multiple_of3A_580, %dma_wait3A_1019] : memref<20x1000x4096xf32, #tpu.memory_space<hbm>> -> memref<1x8x4096xf32, #tpu.memory_space<hbm>>
    %dma_wait3A_1021 = tpu.memref_squeeze %dma_wait3A_1020 : memref<1x8x4096xf32, #tpu.memory_space<hbm>> -> memref<8x4096xf32, #tpu.memory_space<hbm>>
    tpu.wait_dma2 semaphore(%arg6 : memref<!tpu.dma_semaphore, #tpu.memory_space<semaphore_mem>>) src(%arg5 : memref<8x4096xf32, #tpu.memory_space<vmem>>) dst(%dma_wait3A_1021 : memref<8x4096xf32, #tpu.memory_space<hbm>>)
    %dma_wait3A_1022 = arith.constant 3 : i32
    %dma_wait3A_1023 = arith.constant 0 : i32
    %dma_wait3A_1024 = tpu.memref_slice %arg3[%dma_wait3A_1022, %multiple_of3A_580, %dma_wait3A_1023] : memref<20x1000x4096xf32, #tpu.memory_space<hbm>> -> memref<1x8x4096xf32, #tpu.memory_space<hbm>>
    %dma_wait3A_1025 = tpu.memref_squeeze %dma_wait3A_1024 : memref<1x8x4096xf32, #tpu.memory_space<hbm>> -> memref<8x4096xf32, #tpu.memory_space<hbm>>
    %dma_wait3A_1026 = arith.constant 0 : i32
    %dma_wait3A_1027 = tpu.memref_slice %arg3[%dma_wait3A_1022, %multiple_of3A_580, %dma_wait3A_1026] : memref<20x1000x4096xf32, #tpu.memory_space<hbm>> -> memref<1x8x4096xf32, #tpu.memory_space<hbm>>
    %dma_wait3A_1028 = tpu.memref_squeeze %dma_wait3A_1027 : memref<1x8x4096xf32, #tpu.memory_space<hbm>> -> memref<8x4096xf32, #tpu.memory_space<hbm>>
    tpu.wait_dma2 semaphore(%arg6 : memref<!tpu.dma_semaphore, #tpu.memory_space<semaphore_mem>>) src(%arg5 : memref<8x4096xf32, #tpu.memory_space<vmem>>) dst(%dma_wait3A_1028 : memref<8x4096xf32, #tpu.memory_space<hbm>>)
    %dma_wait3A_1029 = arith.constant 4 : i32
    %dma_wait3A_1030 = arith.constant 0 : i32
    %dma_wait3A_1031 = tpu.memref_slice %arg3[%dma_wait3A_1029, %multiple_of3A_580, %dma_wait3A_1030] : memref<20x1000x4096xf32, #tpu.memory_space<hbm>> -> memref<1x8x4096xf32, #tpu.memory_space<hbm>>
    %dma_wait3A_1032 = tpu.memref_squeeze %dma_wait3A_1031 : memref<1x8x4096xf32, #tpu.memory_space<hbm>> -> memref<8x4096xf32, #tpu.memory_space<hbm>>
    %dma_wait3A_1033 = arith.constant 0 : i32
    %dma_wait3A_1034 = tpu.memref_slice %arg3[%dma_wait3A_1029, %multiple_of3A_580, %dma_wait3A_1033] : memref<20x1000x4096xf32, #tpu.memory_space<hbm>> -> memref<1x8x4096xf32, #tpu.memory_space<hbm>>
    %dma_wait3A_1035 = tpu.memref_squeeze %dma_wait3A_1034 : memref<1x8x4096xf32, #tpu.memory_space<hbm>> -> memref<8x4096xf32, #tpu.memory_space<hbm>>
    tpu.wait_dma2 semaphore(%arg6 : memref<!tpu.dma_semaphore, #tpu.memory_space<semaphore_mem>>) src(%arg5 : memref<8x4096xf32, #tpu.memory_space<vmem>>) dst(%dma_wait3A_1035 : memref<8x4096xf32, #tpu.memory_space<hbm>>)
    %dma_wait3A_1036 = arith.constant 5 : i32
    %dma_wait3A_1037 = arith.constant 0 : i32
    %dma_wait3A_1038 = tpu.memref_slice %arg3[%dma_wait3A_1036, %multiple_of3A_580, %dma_wait3A_1037] : memref<20x1000x4096xf32, #tpu.memory_space<hbm>> -> memref<1x8x4096xf32, #tpu.memory_space<hbm>>
    %dma_wait3A_1039 = tpu.memref_squeeze %dma_wait3A_1038 : memref<1x8x4096xf32, #tpu.memory_space<hbm>> -> memref<8x4096xf32, #tpu.memory_space<hbm>>
    %dma_wait3A_1040 = arith.constant 0 : i32
    %dma_wait3A_1041 = tpu.memref_slice %arg3[%dma_wait3A_1036, %multiple_of3A_580, %dma_wait3A_1040] : memref<20x1000x4096xf32, #tpu.memory_space<hbm>> -> memref<1x8x4096xf32, #tpu.memory_space<hbm>>
    %dma_wait3A_1042 = tpu.memref_squeeze %dma_wait3A_1041 : memref<1x8x4096xf32, #tpu.memory_space<hbm>> -> memref<8x4096xf32, #tpu.memory_space<hbm>>
    tpu.wait_dma2 semaphore(%arg6 : memref<!tpu.dma_semaphore, #tpu.memory_space<semaphore_mem>>) src(%arg5 : memref<8x4096xf32, #tpu.memory_space<vmem>>) dst(%dma_wait3A_1042 : memref<8x4096xf32, #tpu.memory_space<hbm>>)
    %dma_wait3A_1043 = arith.constant 6 : i32
    %dma_wait3A_1044 = arith.constant 0 : i32
    %dma_wait3A_1045 = tpu.memref_slice %arg3[%dma_wait3A_1043, %multiple_of3A_580, %dma_wait3A_1044] : memref<20x1000x4096xf32, #tpu.memory_space<hbm>> -> memref<1x8x4096xf32, #tpu.memory_space<hbm>>
    %dma_wait3A_1046 = tpu.memref_squeeze %dma_wait3A_1045 : memref<1x8x4096xf32, #tpu.memory_space<hbm>> -> memref<8x4096xf32, #tpu.memory_space<hbm>>
    %dma_wait3A_1047 = arith.constant 0 : i32
    %dma_wait3A_1048 = tpu.memref_slice %arg3[%dma_wait3A_1043, %multiple_of3A_580, %dma_wait3A_1047] : memref<20x1000x4096xf32, #tpu.memory_space<hbm>> -> memref<1x8x4096xf32, #tpu.memory_space<hbm>>
    %dma_wait3A_1049 = tpu.memref_squeeze %dma_wait3A_1048 : memref<1x8x4096xf32, #tpu.memory_space<hbm>> -> memref<8x4096xf32, #tpu.memory_space<hbm>>
    tpu.wait_dma2 semaphore(%arg6 : memref<!tpu.dma_semaphore, #tpu.memory_space<semaphore_mem>>) src(%arg5 : memref<8x4096xf32, #tpu.memory_space<vmem>>) dst(%dma_wait3A_1049 : memref<8x4096xf32, #tpu.memory_space<hbm>>)
    %dma_wait3A_1050 = arith.constant 7 : i32
    %dma_wait3A_1051 = arith.constant 0 : i32
    %dma_wait3A_1052 = tpu.memref_slice %arg3[%dma_wait3A_1050, %multiple_of3A_580, %dma_wait3A_1051] : memref<20x1000x4096xf32, #tpu.memory_space<hbm>> -> memref<1x8x4096xf32, #tpu.memory_space<hbm>>
    %dma_wait3A_1053 = tpu.memref_squeeze %dma_wait3A_1052 : memref<1x8x4096xf32, #tpu.memory_space<hbm>> -> memref<8x4096xf32, #tpu.memory_space<hbm>>
    %dma_wait3A_1054 = arith.constant 0 : i32
    %dma_wait3A_1055 = tpu.memref_slice %arg3[%dma_wait3A_1050, %multiple_of3A_580, %dma_wait3A_1054] : memref<20x1000x4096xf32, #tpu.memory_space<hbm>> -> memref<1x8x4096xf32, #tpu.memory_space<hbm>>
    %dma_wait3A_1056 = tpu.memref_squeeze %dma_wait3A_1055 : memref<1x8x4096xf32, #tpu.memory_space<hbm>> -> memref<8x4096xf32, #tpu.memory_space<hbm>>
    tpu.wait_dma2 semaphore(%arg6 : memref<!tpu.dma_semaphore, #tpu.memory_space<semaphore_mem>>) src(%arg5 : memref<8x4096xf32, #tpu.memory_space<vmem>>) dst(%dma_wait3A_1056 : memref<8x4096xf32, #tpu.memory_space<hbm>>)
    %dma_wait3A_1057 = arith.constant 8 : i32
    %dma_wait3A_1058 = arith.constant 0 : i32
    %dma_wait3A_1059 = tpu.memref_slice %arg3[%dma_wait3A_1057, %multiple_of3A_580, %dma_wait3A_1058] : memref<20x1000x4096xf32, #tpu.memory_space<hbm>> -> memref<1x8x4096xf32, #tpu.memory_space<hbm>>
    %dma_wait3A_1060 = tpu.memref_squeeze %dma_wait3A_1059 : memref<1x8x4096xf32, #tpu.memory_space<hbm>> -> memref<8x4096xf32, #tpu.memory_space<hbm>>
    %dma_wait3A_1061 = arith.constant 0 : i32
    %dma_wait3A_1062 = tpu.memref_slice %arg3[%dma_wait3A_1057, %multiple_of3A_580, %dma_wait3A_1061] : memref<20x1000x4096xf32, #tpu.memory_space<hbm>> -> memref<1x8x4096xf32, #tpu.memory_space<hbm>>
    %dma_wait3A_1063 = tpu.memref_squeeze %dma_wait3A_1062 : memref<1x8x4096xf32, #tpu.memory_space<hbm>> -> memref<8x4096xf32, #tpu.memory_space<hbm>>
    tpu.wait_dma2 semaphore(%arg6 : memref<!tpu.dma_semaphore, #tpu.memory_space<semaphore_mem>>) src(%arg5 : memref<8x4096xf32, #tpu.memory_space<vmem>>) dst(%dma_wait3A_1063 : memref<8x4096xf32, #tpu.memory_space<hbm>>)
    %dma_wait3A_1064 = arith.constant 9 : i32
    %dma_wait3A_1065 = arith.constant 0 : i32
    %dma_wait3A_1066 = tpu.memref_slice %arg3[%dma_wait3A_1064, %multiple_of3A_580, %dma_wait3A_1065] : memref<20x1000x4096xf32, #tpu.memory_space<hbm>> -> memref<1x8x4096xf32, #tpu.memory_space<hbm>>
    %dma_wait3A_1067 = tpu.memref_squeeze %dma_wait3A_1066 : memref<1x8x4096xf32, #tpu.memory_space<hbm>> -> memref<8x4096xf32, #tpu.memory_space<hbm>>
    %dma_wait3A_1068 = arith.constant 0 : i32
    %dma_wait3A_1069 = tpu.memref_slice %arg3[%dma_wait3A_1064, %multiple_of3A_580, %dma_wait3A_1068] : memref<20x1000x4096xf32, #tpu.memory_space<hbm>> -> memref<1x8x4096xf32, #tpu.memory_space<hbm>>
    %dma_wait3A_1070 = tpu.memref_squeeze %dma_wait3A_1069 : memref<1x8x4096xf32, #tpu.memory_space<hbm>> -> memref<8x4096xf32, #tpu.memory_space<hbm>>
    tpu.wait_dma2 semaphore(%arg6 : memref<!tpu.dma_semaphore, #tpu.memory_space<semaphore_mem>>) src(%arg5 : memref<8x4096xf32, #tpu.memory_space<vmem>>) dst(%dma_wait3A_1070 : memref<8x4096xf32, #tpu.memory_space<hbm>>)
    %dma_wait3A_1071 = arith.constant 10 : i32
    %dma_wait3A_1072 = arith.constant 0 : i32
    %dma_wait3A_1073 = tpu.memref_slice %arg3[%dma_wait3A_1071, %multiple_of3A_580, %dma_wait3A_1072] : memref<20x1000x4096xf32, #tpu.memory_space<hbm>> -> memref<1x8x4096xf32, #tpu.memory_space<hbm>>
    %dma_wait3A_1074 = tpu.memref_squeeze %dma_wait3A_1073 : memref<1x8x4096xf32, #tpu.memory_space<hbm>> -> memref<8x4096xf32, #tpu.memory_space<hbm>>
    %dma_wait3A_1075 = arith.constant 0 : i32
    %dma_wait3A_1076 = tpu.memref_slice %arg3[%dma_wait3A_1071, %multiple_of3A_580, %dma_wait3A_1075] : memref<20x1000x4096xf32, #tpu.memory_space<hbm>> -> memref<1x8x4096xf32, #tpu.memory_space<hbm>>
    %dma_wait3A_1077 = tpu.memref_squeeze %dma_wait3A_1076 : memref<1x8x4096xf32, #tpu.memory_space<hbm>> -> memref<8x4096xf32, #tpu.memory_space<hbm>>
    tpu.wait_dma2 semaphore(%arg6 : memref<!tpu.dma_semaphore, #tpu.memory_space<semaphore_mem>>) src(%arg5 : memref<8x4096xf32, #tpu.memory_space<vmem>>) dst(%dma_wait3A_1077 : memref<8x4096xf32, #tpu.memory_space<hbm>>)
    %dma_wait3A_1078 = arith.constant 11 : i32
    %dma_wait3A_1079 = arith.constant 0 : i32
    %dma_wait3A_1080 = tpu.memref_slice %arg3[%dma_wait3A_1078, %multiple_of3A_580, %dma_wait3A_1079] : memref<20x1000x4096xf32, #tpu.memory_space<hbm>> -> memref<1x8x4096xf32, #tpu.memory_space<hbm>>
    %dma_wait3A_1081 = tpu.memref_squeeze %dma_wait3A_1080 : memref<1x8x4096xf32, #tpu.memory_space<hbm>> -> memref<8x4096xf32, #tpu.memory_space<hbm>>
    %dma_wait3A_1082 = arith.constant 0 : i32
    %dma_wait3A_1083 = tpu.memref_slice %arg3[%dma_wait3A_1078, %multiple_of3A_580, %dma_wait3A_1082] : memref<20x1000x4096xf32, #tpu.memory_space<hbm>> -> memref<1x8x4096xf32, #tpu.memory_space<hbm>>
    %dma_wait3A_1084 = tpu.memref_squeeze %dma_wait3A_1083 : memref<1x8x4096xf32, #tpu.memory_space<hbm>> -> memref<8x4096xf32, #tpu.memory_space<hbm>>
    tpu.wait_dma2 semaphore(%arg6 : memref<!tpu.dma_semaphore, #tpu.memory_space<semaphore_mem>>) src(%arg5 : memref<8x4096xf32, #tpu.memory_space<vmem>>) dst(%dma_wait3A_1084 : memref<8x4096xf32, #tpu.memory_space<hbm>>)
    %dma_wait3A_1085 = arith.constant 12 : i32
    %dma_wait3A_1086 = arith.constant 0 : i32
    %dma_wait3A_1087 = tpu.memref_slice %arg3[%dma_wait3A_1085, %multiple_of3A_580, %dma_wait3A_1086] : memref<20x1000x4096xf32, #tpu.memory_space<hbm>> -> memref<1x8x4096xf32, #tpu.memory_space<hbm>>
    %dma_wait3A_1088 = tpu.memref_squeeze %dma_wait3A_1087 : memref<1x8x4096xf32, #tpu.memory_space<hbm>> -> memref<8x4096xf32, #tpu.memory_space<hbm>>
    %dma_wait3A_1089 = arith.constant 0 : i32
    %dma_wait3A_1090 = tpu.memref_slice %arg3[%dma_wait3A_1085, %multiple_of3A_580, %dma_wait3A_1089] : memref<20x1000x4096xf32, #tpu.memory_space<hbm>> -> memref<1x8x4096xf32, #tpu.memory_space<hbm>>
    %dma_wait3A_1091 = tpu.memref_squeeze %dma_wait3A_1090 : memref<1x8x4096xf32, #tpu.memory_space<hbm>> -> memref<8x4096xf32, #tpu.memory_space<hbm>>
    tpu.wait_dma2 semaphore(%arg6 : memref<!tpu.dma_semaphore, #tpu.memory_space<semaphore_mem>>) src(%arg5 : memref<8x4096xf32, #tpu.memory_space<vmem>>) dst(%dma_wait3A_1091 : memref<8x4096xf32, #tpu.memory_space<hbm>>)
    %dma_wait3A_1092 = arith.constant 13 : i32
    %dma_wait3A_1093 = arith.constant 0 : i32
    %dma_wait3A_1094 = tpu.memref_slice %arg3[%dma_wait3A_1092, %multiple_of3A_580, %dma_wait3A_1093] : memref<20x1000x4096xf32, #tpu.memory_space<hbm>> -> memref<1x8x4096xf32, #tpu.memory_space<hbm>>
    %dma_wait3A_1095 = tpu.memref_squeeze %dma_wait3A_1094 : memref<1x8x4096xf32, #tpu.memory_space<hbm>> -> memref<8x4096xf32, #tpu.memory_space<hbm>>
    %dma_wait3A_1096 = arith.constant 0 : i32
    %dma_wait3A_1097 = tpu.memref_slice %arg3[%dma_wait3A_1092, %multiple_of3A_580, %dma_wait3A_1096] : memref<20x1000x4096xf32, #tpu.memory_space<hbm>> -> memref<1x8x4096xf32, #tpu.memory_space<hbm>>
    %dma_wait3A_1098 = tpu.memref_squeeze %dma_wait3A_1097 : memref<1x8x4096xf32, #tpu.memory_space<hbm>> -> memref<8x4096xf32, #tpu.memory_space<hbm>>
    tpu.wait_dma2 semaphore(%arg6 : memref<!tpu.dma_semaphore, #tpu.memory_space<semaphore_mem>>) src(%arg5 : memref<8x4096xf32, #tpu.memory_space<vmem>>) dst(%dma_wait3A_1098 : memref<8x4096xf32, #tpu.memory_space<hbm>>)
    %dma_wait3A_1099 = arith.constant 14 : i32
    %dma_wait3A_1100 = arith.constant 0 : i32
    %dma_wait3A_1101 = tpu.memref_slice %arg3[%dma_wait3A_1099, %multiple_of3A_580, %dma_wait3A_1100] : memref<20x1000x4096xf32, #tpu.memory_space<hbm>> -> memref<1x8x4096xf32, #tpu.memory_space<hbm>>
    %dma_wait3A_1102 = tpu.memref_squeeze %dma_wait3A_1101 : memref<1x8x4096xf32, #tpu.memory_space<hbm>> -> memref<8x4096xf32, #tpu.memory_space<hbm>>
    %dma_wait3A_1103 = arith.constant 0 : i32
    %dma_wait3A_1104 = tpu.memref_slice %arg3[%dma_wait3A_1099, %multiple_of3A_580, %dma_wait3A_1103] : memref<20x1000x4096xf32, #tpu.memory_space<hbm>> -> memref<1x8x4096xf32, #tpu.memory_space<hbm>>
    %dma_wait3A_1105 = tpu.memref_squeeze %dma_wait3A_1104 : memref<1x8x4096xf32, #tpu.memory_space<hbm>> -> memref<8x4096xf32, #tpu.memory_space<hbm>>
    tpu.wait_dma2 semaphore(%arg6 : memref<!tpu.dma_semaphore, #tpu.memory_space<semaphore_mem>>) src(%arg5 : memref<8x4096xf32, #tpu.memory_space<vmem>>) dst(%dma_wait3A_1105 : memref<8x4096xf32, #tpu.memory_space<hbm>>)
    %dma_wait3A_1106 = arith.constant 15 : i32
    %dma_wait3A_1107 = arith.constant 0 : i32
    %dma_wait3A_1108 = tpu.memref_slice %arg3[%dma_wait3A_1106, %multiple_of3A_580, %dma_wait3A_1107] : memref<20x1000x4096xf32, #tpu.memory_space<hbm>> -> memref<1x8x4096xf32, #tpu.memory_space<hbm>>
    %dma_wait3A_1109 = tpu.memref_squeeze %dma_wait3A_1108 : memref<1x8x4096xf32, #tpu.memory_space<hbm>> -> memref<8x4096xf32, #tpu.memory_space<hbm>>
    %dma_wait3A_1110 = arith.constant 0 : i32
    %dma_wait3A_1111 = tpu.memref_slice %arg3[%dma_wait3A_1106, %multiple_of3A_580, %dma_wait3A_1110] : memref<20x1000x4096xf32, #tpu.memory_space<hbm>> -> memref<1x8x4096xf32, #tpu.memory_space<hbm>>
    %dma_wait3A_1112 = tpu.memref_squeeze %dma_wait3A_1111 : memref<1x8x4096xf32, #tpu.memory_space<hbm>> -> memref<8x4096xf32, #tpu.memory_space<hbm>>
    tpu.wait_dma2 semaphore(%arg6 : memref<!tpu.dma_semaphore, #tpu.memory_space<semaphore_mem>>) src(%arg5 : memref<8x4096xf32, #tpu.memory_space<vmem>>) dst(%dma_wait3A_1112 : memref<8x4096xf32, #tpu.memory_space<hbm>>)
    %dma_wait3A_1113 = arith.constant 16 : i32
    %dma_wait3A_1114 = arith.constant 0 : i32
    %dma_wait3A_1115 = tpu.memref_slice %arg3[%dma_wait3A_1113, %multiple_of3A_580, %dma_wait3A_1114] : memref<20x1000x4096xf32, #tpu.memory_space<hbm>> -> memref<1x8x4096xf32, #tpu.memory_space<hbm>>
    %dma_wait3A_1116 = tpu.memref_squeeze %dma_wait3A_1115 : memref<1x8x4096xf32, #tpu.memory_space<hbm>> -> memref<8x4096xf32, #tpu.memory_space<hbm>>
    %dma_wait3A_1117 = arith.constant 0 : i32
    %dma_wait3A_1118 = tpu.memref_slice %arg3[%dma_wait3A_1113, %multiple_of3A_580, %dma_wait3A_1117] : memref<20x1000x4096xf32, #tpu.memory_space<hbm>> -> memref<1x8x4096xf32, #tpu.memory_space<hbm>>
    %dma_wait3A_1119 = tpu.memref_squeeze %dma_wait3A_1118 : memref<1x8x4096xf32, #tpu.memory_space<hbm>> -> memref<8x4096xf32, #tpu.memory_space<hbm>>
    tpu.wait_dma2 semaphore(%arg6 : memref<!tpu.dma_semaphore, #tpu.memory_space<semaphore_mem>>) src(%arg5 : memref<8x4096xf32, #tpu.memory_space<vmem>>) dst(%dma_wait3A_1119 : memref<8x4096xf32, #tpu.memory_space<hbm>>)
    %dma_wait3A_1120 = arith.constant 17 : i32
    %dma_wait3A_1121 = arith.constant 0 : i32
    %dma_wait3A_1122 = tpu.memref_slice %arg3[%dma_wait3A_1120, %multiple_of3A_580, %dma_wait3A_1121] : memref<20x1000x4096xf32, #tpu.memory_space<hbm>> -> memref<1x8x4096xf32, #tpu.memory_space<hbm>>
    %dma_wait3A_1123 = tpu.memref_squeeze %dma_wait3A_1122 : memref<1x8x4096xf32, #tpu.memory_space<hbm>> -> memref<8x4096xf32, #tpu.memory_space<hbm>>
    %dma_wait3A_1124 = arith.constant 0 : i32
    %dma_wait3A_1125 = tpu.memref_slice %arg3[%dma_wait3A_1120, %multiple_of3A_580, %dma_wait3A_1124] : memref<20x1000x4096xf32, #tpu.memory_space<hbm>> -> memref<1x8x4096xf32, #tpu.memory_space<hbm>>
    %dma_wait3A_1126 = tpu.memref_squeeze %dma_wait3A_1125 : memref<1x8x4096xf32, #tpu.memory_space<hbm>> -> memref<8x4096xf32, #tpu.memory_space<hbm>>
    tpu.wait_dma2 semaphore(%arg6 : memref<!tpu.dma_semaphore, #tpu.memory_space<semaphore_mem>>) src(%arg5 : memref<8x4096xf32, #tpu.memory_space<vmem>>) dst(%dma_wait3A_1126 : memref<8x4096xf32, #tpu.memory_space<hbm>>)
    %dma_wait3A_1127 = arith.constant 18 : i32
    %dma_wait3A_1128 = arith.constant 0 : i32
    %dma_wait3A_1129 = tpu.memref_slice %arg3[%dma_wait3A_1127, %multiple_of3A_580, %dma_wait3A_1128] : memref<20x1000x4096xf32, #tpu.memory_space<hbm>> -> memref<1x8x4096xf32, #tpu.memory_space<hbm>>
    %dma_wait3A_1130 = tpu.memref_squeeze %dma_wait3A_1129 : memref<1x8x4096xf32, #tpu.memory_space<hbm>> -> memref<8x4096xf32, #tpu.memory_space<hbm>>
    %dma_wait3A_1131 = arith.constant 0 : i32
    %dma_wait3A_1132 = tpu.memref_slice %arg3[%dma_wait3A_1127, %multiple_of3A_580, %dma_wait3A_1131] : memref<20x1000x4096xf32, #tpu.memory_space<hbm>> -> memref<1x8x4096xf32, #tpu.memory_space<hbm>>
    %dma_wait3A_1133 = tpu.memref_squeeze %dma_wait3A_1132 : memref<1x8x4096xf32, #tpu.memory_space<hbm>> -> memref<8x4096xf32, #tpu.memory_space<hbm>>
    tpu.wait_dma2 semaphore(%arg6 : memref<!tpu.dma_semaphore, #tpu.memory_space<semaphore_mem>>) src(%arg5 : memref<8x4096xf32, #tpu.memory_space<vmem>>) dst(%dma_wait3A_1133 : memref<8x4096xf32, #tpu.memory_space<hbm>>)
    %dma_wait3A_1134 = arith.constant 19 : i32
    %dma_wait3A_1135 = arith.constant 0 : i32
    %dma_wait3A_1136 = tpu.memref_slice %arg3[%dma_wait3A_1134, %multiple_of3A_580, %dma_wait3A_1135] : memref<20x1000x4096xf32, #tpu.memory_space<hbm>> -> memref<1x8x4096xf32, #tpu.memory_space<hbm>>
    %dma_wait3A_1137 = tpu.memref_squeeze %dma_wait3A_1136 : memref<1x8x4096xf32, #tpu.memory_space<hbm>> -> memref<8x4096xf32, #tpu.memory_space<hbm>>
    %dma_wait3A_1138 = arith.constant 0 : i32
    %dma_wait3A_1139 = tpu.memref_slice %arg3[%dma_wait3A_1134, %multiple_of3A_580, %dma_wait3A_1138] : memref<20x1000x4096xf32, #tpu.memory_space<hbm>> -> memref<1x8x4096xf32, #tpu.memory_space<hbm>>
    %dma_wait3A_1140 = tpu.memref_squeeze %dma_wait3A_1139 : memref<1x8x4096xf32, #tpu.memory_space<hbm>> -> memref<8x4096xf32, #tpu.memory_space<hbm>>
    tpu.wait_dma2 semaphore(%arg6 : memref<!tpu.dma_semaphore, #tpu.memory_space<semaphore_mem>>) src(%arg5 : memref<8x4096xf32, #tpu.memory_space<vmem>>) dst(%dma_wait3A_1140 : memref<8x4096xf32, #tpu.memory_space<hbm>>)
    return
  }
}

#map = affine_map<(d0, d1) -> (0, 0)>
#map1 = affine_map<(d0, d1) -> (0)>
module attributes {stable_mosaic.version = 14 : i64} {
  func.func @_sc_pool_body(%arg0: i32, %arg1: i32, %arg2: memref<1024x80xi32, #tpu.memory_space<hbm>>, %arg3: memref<1000x16xf32, #tpu.memory_space<hbm>>, %arg4: memref<65536xf32, #tpu.memory_space<hbm>>, %arg5: memref<32x80xi32, #tpu.memory_space<vmem>>, %arg6: memref<1000x16xf32, #tpu.memory_space<vmem_shared>>, %arg7: memref<32x80x16xf32, #tpu.memory_space<vmem>>, %arg8: memref<2048xf32, #tpu.memory_space<vmem>>, %arg9: memref<!tpu.dma_semaphore, #tpu.memory_space<semaphore_mem>>) attributes {dimension_semantics = [#tpu.dimension_semantics<core_parallel>, #tpu.dimension_semantics<subcore_parallel>], iteration_bounds = array<i64: 2, 16>, scalar_prefetch = 0 : i64, scratch_operands = 5 : i64, tpu.core_type = #tpu.core_type<sc_vector_subcore>, window_params = [{transform_indices = #map}, {transform_indices = #map}, {transform_indices = #map1}]} {
    %mul3A = arith.constant 2 : i32
    %mul3A_0 = arith.muli %arg1, %mul3A : i32
    %add3A = arith.addi %mul3A_0, %arg0 : i32
    %mul3A_1 = arith.constant 32 : i32
    %mul3A_2 = arith.muli %add3A, %mul3A_1 : i32
    %eq3A = arith.constant 0 : i32
    %eq3A_3 = arith.cmpi eq, %arg1, %eq3A : i32
    %convert_element_type3A = arith.extui %eq3A_3 : i1 to i32
    %cond3A = arith.constant 0 : i32
    %cond3A_4 = arith.cmpi ne, %convert_element_type3A, %cond3A : i32
    scf.if %cond3A_4 {
      "tpu.region"() ({
        %run_scoped3A = tpu.sem_alloc : memref<!tpu.dma_semaphore, #tpu.memory_space<semaphore_mem>>
        tpu.enqueue_dma source(%arg3 : memref<1000x16xf32, #tpu.memory_space<hbm>>) target(%arg6 : memref<1000x16xf32, #tpu.memory_space<vmem_shared>>) target_semaphore(%run_scoped3A : memref<!tpu.dma_semaphore, #tpu.memory_space<semaphore_mem>>)
        tpu.wait_dma2 semaphore(%run_scoped3A : memref<!tpu.dma_semaphore, #tpu.memory_space<semaphore_mem>>) src(%arg3 : memref<1000x16xf32, #tpu.memory_space<hbm>>) dst(%arg6 : memref<1000x16xf32, #tpu.memory_space<vmem_shared>>)
        tpu.yield
      }) : () -> ()
    } else {
    }
    "tpu.region"() ({
      %run_scoped3A = tpu.sem_alloc : memref<!tpu.dma_semaphore, #tpu.memory_space<semaphore_mem>>
      %dma_start3A_779 = arith.constant 0 : i32
      %dma_start3A_780 = tpu.memref_slice %arg2[%mul3A_2, %dma_start3A_779] : memref<1024x80xi32, #tpu.memory_space<hbm>> -> memref<32x80xi32, #tpu.memory_space<hbm>>
      %dma_start3A_781 = arith.constant 0 : i32
      %dma_start3A_782 = tpu.memref_slice %arg2[%mul3A_2, %dma_start3A_781] : memref<1024x80xi32, #tpu.memory_space<hbm>> -> memref<32x80xi32, #tpu.memory_space<hbm>>
      tpu.enqueue_dma source(%dma_start3A_782 : memref<32x80xi32, #tpu.memory_space<hbm>>) target(%arg5 : memref<32x80xi32, #tpu.memory_space<vmem>>) target_semaphore(%run_scoped3A : memref<!tpu.dma_semaphore, #tpu.memory_space<semaphore_mem>>)
      %dma_wait3A_783 = arith.constant 0 : i32
      %dma_wait3A_784 = tpu.memref_slice %arg2[%mul3A_2, %dma_wait3A_783] : memref<1024x80xi32, #tpu.memory_space<hbm>> -> memref<32x80xi32, #tpu.memory_space<hbm>>
      %dma_wait3A_785 = arith.constant 0 : i32
      %dma_wait3A_786 = tpu.memref_slice %arg2[%mul3A_2, %dma_wait3A_785] : memref<1024x80xi32, #tpu.memory_space<hbm>> -> memref<32x80xi32, #tpu.memory_space<hbm>>
      tpu.wait_dma2 semaphore(%run_scoped3A : memref<!tpu.dma_semaphore, #tpu.memory_space<semaphore_mem>>) src(%dma_wait3A_786 : memref<32x80xi32, #tpu.memory_space<hbm>>) dst(%arg5 : memref<32x80xi32, #tpu.memory_space<vmem>>)
      tpu.yield
    }) : () -> ()
    %barrier3A = arith.constant 0 : index
    tpu.barrier barrier_id(%barrier3A)
    %dma_start3A = arith.constant 0 : i32
    %dma_start3A_5 = arith.constant 0 : i32
    %dma_start3A_6 = arith.constant 0 : i32
    %dma_start3A_7 = arith.constant 0 : i32
    %dma_start3A_8 = tpu.memref_slice %arg7[%dma_start3A_5, %dma_start3A_6, %dma_start3A_7] : memref<32x80x16xf32, #tpu.memory_space<vmem>> -> memref<1x80x16xf32, #tpu.memory_space<vmem>>
    %dma_start3A_9 = tpu.memref_squeeze %dma_start3A_8 : memref<1x80x16xf32, #tpu.memory_space<vmem>> -> memref<80x16xf32, #tpu.memory_space<vmem>>
    %dma_start3A_10 = arith.constant 0 : i32
    %dma_start3A_11 = tpu.memref_slice %arg5[%dma_start3A, %dma_start3A_10] : memref<32x80xi32, #tpu.memory_space<vmem>> -> memref<1x80xi32, #tpu.memory_space<vmem>>
    %dma_start3A_12 = tpu.memref_squeeze %dma_start3A_11 : memref<1x80xi32, #tpu.memory_space<vmem>> -> memref<80xi32, #tpu.memory_space<vmem>>
    %dma_start3A_13 = arith.constant 0 : i32
    %dma_start3A_14 = arith.constant 0 : i32
    %dma_start3A_15 = tpu.memref_slice %arg6[%dma_start3A_13, %dma_start3A_14] : memref<1000x16xf32, #tpu.memory_space<vmem_shared>> -> memref<1000x16xf32, #tpu.memory_space<vmem_shared>>
    tpu.enqueue_indirect_dma source(%dma_start3A_15 : memref<1000x16xf32, #tpu.memory_space<vmem_shared>>) target(%dma_start3A_9 : memref<80x16xf32, #tpu.memory_space<vmem>>) offsets(%dma_start3A_12 : memref<80xi32, #tpu.memory_space<vmem>>) semaphore(%arg9 : memref<!tpu.dma_semaphore, #tpu.memory_space<semaphore_mem>>)
    %dma_start3A_16 = arith.constant 1 : i32
    %dma_start3A_17 = arith.constant 1 : i32
    %dma_start3A_18 = arith.constant 0 : i32
    %dma_start3A_19 = arith.constant 0 : i32
    %dma_start3A_20 = tpu.memref_slice %arg7[%dma_start3A_17, %dma_start3A_18, %dma_start3A_19] : memref<32x80x16xf32, #tpu.memory_space<vmem>> -> memref<1x80x16xf32, #tpu.memory_space<vmem>>
    %dma_start3A_21 = tpu.memref_squeeze %dma_start3A_20 : memref<1x80x16xf32, #tpu.memory_space<vmem>> -> memref<80x16xf32, #tpu.memory_space<vmem>>
    %dma_start3A_22 = arith.constant 0 : i32
    %dma_start3A_23 = tpu.memref_slice %arg5[%dma_start3A_16, %dma_start3A_22] : memref<32x80xi32, #tpu.memory_space<vmem>> -> memref<1x80xi32, #tpu.memory_space<vmem>>
    %dma_start3A_24 = tpu.memref_squeeze %dma_start3A_23 : memref<1x80xi32, #tpu.memory_space<vmem>> -> memref<80xi32, #tpu.memory_space<vmem>>
    %dma_start3A_25 = arith.constant 0 : i32
    %dma_start3A_26 = arith.constant 0 : i32
    %dma_start3A_27 = tpu.memref_slice %arg6[%dma_start3A_25, %dma_start3A_26] : memref<1000x16xf32, #tpu.memory_space<vmem_shared>> -> memref<1000x16xf32, #tpu.memory_space<vmem_shared>>
    tpu.enqueue_indirect_dma source(%dma_start3A_27 : memref<1000x16xf32, #tpu.memory_space<vmem_shared>>) target(%dma_start3A_21 : memref<80x16xf32, #tpu.memory_space<vmem>>) offsets(%dma_start3A_24 : memref<80xi32, #tpu.memory_space<vmem>>) semaphore(%arg9 : memref<!tpu.dma_semaphore, #tpu.memory_space<semaphore_mem>>)
    %dma_start3A_28 = arith.constant 2 : i32
    %dma_start3A_29 = arith.constant 2 : i32
    %dma_start3A_30 = arith.constant 0 : i32
    %dma_start3A_31 = arith.constant 0 : i32
    %dma_start3A_32 = tpu.memref_slice %arg7[%dma_start3A_29, %dma_start3A_30, %dma_start3A_31] : memref<32x80x16xf32, #tpu.memory_space<vmem>> -> memref<1x80x16xf32, #tpu.memory_space<vmem>>
    %dma_start3A_33 = tpu.memref_squeeze %dma_start3A_32 : memref<1x80x16xf32, #tpu.memory_space<vmem>> -> memref<80x16xf32, #tpu.memory_space<vmem>>
    %dma_start3A_34 = arith.constant 0 : i32
    %dma_start3A_35 = tpu.memref_slice %arg5[%dma_start3A_28, %dma_start3A_34] : memref<32x80xi32, #tpu.memory_space<vmem>> -> memref<1x80xi32, #tpu.memory_space<vmem>>
    %dma_start3A_36 = tpu.memref_squeeze %dma_start3A_35 : memref<1x80xi32, #tpu.memory_space<vmem>> -> memref<80xi32, #tpu.memory_space<vmem>>
    %dma_start3A_37 = arith.constant 0 : i32
    %dma_start3A_38 = arith.constant 0 : i32
    %dma_start3A_39 = tpu.memref_slice %arg6[%dma_start3A_37, %dma_start3A_38] : memref<1000x16xf32, #tpu.memory_space<vmem_shared>> -> memref<1000x16xf32, #tpu.memory_space<vmem_shared>>
    tpu.enqueue_indirect_dma source(%dma_start3A_39 : memref<1000x16xf32, #tpu.memory_space<vmem_shared>>) target(%dma_start3A_33 : memref<80x16xf32, #tpu.memory_space<vmem>>) offsets(%dma_start3A_36 : memref<80xi32, #tpu.memory_space<vmem>>) semaphore(%arg9 : memref<!tpu.dma_semaphore, #tpu.memory_space<semaphore_mem>>)
    %dma_start3A_40 = arith.constant 3 : i32
    %dma_start3A_41 = arith.constant 3 : i32
    %dma_start3A_42 = arith.constant 0 : i32
    %dma_start3A_43 = arith.constant 0 : i32
    %dma_start3A_44 = tpu.memref_slice %arg7[%dma_start3A_41, %dma_start3A_42, %dma_start3A_43] : memref<32x80x16xf32, #tpu.memory_space<vmem>> -> memref<1x80x16xf32, #tpu.memory_space<vmem>>
    %dma_start3A_45 = tpu.memref_squeeze %dma_start3A_44 : memref<1x80x16xf32, #tpu.memory_space<vmem>> -> memref<80x16xf32, #tpu.memory_space<vmem>>
    %dma_start3A_46 = arith.constant 0 : i32
    %dma_start3A_47 = tpu.memref_slice %arg5[%dma_start3A_40, %dma_start3A_46] : memref<32x80xi32, #tpu.memory_space<vmem>> -> memref<1x80xi32, #tpu.memory_space<vmem>>
    %dma_start3A_48 = tpu.memref_squeeze %dma_start3A_47 : memref<1x80xi32, #tpu.memory_space<vmem>> -> memref<80xi32, #tpu.memory_space<vmem>>
    %dma_start3A_49 = arith.constant 0 : i32
    %dma_start3A_50 = arith.constant 0 : i32
    %dma_start3A_51 = tpu.memref_slice %arg6[%dma_start3A_49, %dma_start3A_50] : memref<1000x16xf32, #tpu.memory_space<vmem_shared>> -> memref<1000x16xf32, #tpu.memory_space<vmem_shared>>
    tpu.enqueue_indirect_dma source(%dma_start3A_51 : memref<1000x16xf32, #tpu.memory_space<vmem_shared>>) target(%dma_start3A_45 : memref<80x16xf32, #tpu.memory_space<vmem>>) offsets(%dma_start3A_48 : memref<80xi32, #tpu.memory_space<vmem>>) semaphore(%arg9 : memref<!tpu.dma_semaphore, #tpu.memory_space<semaphore_mem>>)
    %dma_start3A_52 = arith.constant 4 : i32
    %dma_start3A_53 = arith.constant 4 : i32
    %dma_start3A_54 = arith.constant 0 : i32
    %dma_start3A_55 = arith.constant 0 : i32
    %dma_start3A_56 = tpu.memref_slice %arg7[%dma_start3A_53, %dma_start3A_54, %dma_start3A_55] : memref<32x80x16xf32, #tpu.memory_space<vmem>> -> memref<1x80x16xf32, #tpu.memory_space<vmem>>
    %dma_start3A_57 = tpu.memref_squeeze %dma_start3A_56 : memref<1x80x16xf32, #tpu.memory_space<vmem>> -> memref<80x16xf32, #tpu.memory_space<vmem>>
    %dma_start3A_58 = arith.constant 0 : i32
    %dma_start3A_59 = tpu.memref_slice %arg5[%dma_start3A_52, %dma_start3A_58] : memref<32x80xi32, #tpu.memory_space<vmem>> -> memref<1x80xi32, #tpu.memory_space<vmem>>
    %dma_start3A_60 = tpu.memref_squeeze %dma_start3A_59 : memref<1x80xi32, #tpu.memory_space<vmem>> -> memref<80xi32, #tpu.memory_space<vmem>>
    %dma_start3A_61 = arith.constant 0 : i32
    %dma_start3A_62 = arith.constant 0 : i32
    %dma_start3A_63 = tpu.memref_slice %arg6[%dma_start3A_61, %dma_start3A_62] : memref<1000x16xf32, #tpu.memory_space<vmem_shared>> -> memref<1000x16xf32, #tpu.memory_space<vmem_shared>>
    tpu.enqueue_indirect_dma source(%dma_start3A_63 : memref<1000x16xf32, #tpu.memory_space<vmem_shared>>) target(%dma_start3A_57 : memref<80x16xf32, #tpu.memory_space<vmem>>) offsets(%dma_start3A_60 : memref<80xi32, #tpu.memory_space<vmem>>) semaphore(%arg9 : memref<!tpu.dma_semaphore, #tpu.memory_space<semaphore_mem>>)
    %dma_start3A_64 = arith.constant 5 : i32
    %dma_start3A_65 = arith.constant 5 : i32
    %dma_start3A_66 = arith.constant 0 : i32
    %dma_start3A_67 = arith.constant 0 : i32
    %dma_start3A_68 = tpu.memref_slice %arg7[%dma_start3A_65, %dma_start3A_66, %dma_start3A_67] : memref<32x80x16xf32, #tpu.memory_space<vmem>> -> memref<1x80x16xf32, #tpu.memory_space<vmem>>
    %dma_start3A_69 = tpu.memref_squeeze %dma_start3A_68 : memref<1x80x16xf32, #tpu.memory_space<vmem>> -> memref<80x16xf32, #tpu.memory_space<vmem>>
    %dma_start3A_70 = arith.constant 0 : i32
    %dma_start3A_71 = tpu.memref_slice %arg5[%dma_start3A_64, %dma_start3A_70] : memref<32x80xi32, #tpu.memory_space<vmem>> -> memref<1x80xi32, #tpu.memory_space<vmem>>
    %dma_start3A_72 = tpu.memref_squeeze %dma_start3A_71 : memref<1x80xi32, #tpu.memory_space<vmem>> -> memref<80xi32, #tpu.memory_space<vmem>>
    %dma_start3A_73 = arith.constant 0 : i32
    %dma_start3A_74 = arith.constant 0 : i32
    %dma_start3A_75 = tpu.memref_slice %arg6[%dma_start3A_73, %dma_start3A_74] : memref<1000x16xf32, #tpu.memory_space<vmem_shared>> -> memref<1000x16xf32, #tpu.memory_space<vmem_shared>>
    tpu.enqueue_indirect_dma source(%dma_start3A_75 : memref<1000x16xf32, #tpu.memory_space<vmem_shared>>) target(%dma_start3A_69 : memref<80x16xf32, #tpu.memory_space<vmem>>) offsets(%dma_start3A_72 : memref<80xi32, #tpu.memory_space<vmem>>) semaphore(%arg9 : memref<!tpu.dma_semaphore, #tpu.memory_space<semaphore_mem>>)
    %dma_start3A_76 = arith.constant 6 : i32
    %dma_start3A_77 = arith.constant 6 : i32
    %dma_start3A_78 = arith.constant 0 : i32
    %dma_start3A_79 = arith.constant 0 : i32
    %dma_start3A_80 = tpu.memref_slice %arg7[%dma_start3A_77, %dma_start3A_78, %dma_start3A_79] : memref<32x80x16xf32, #tpu.memory_space<vmem>> -> memref<1x80x16xf32, #tpu.memory_space<vmem>>
    %dma_start3A_81 = tpu.memref_squeeze %dma_start3A_80 : memref<1x80x16xf32, #tpu.memory_space<vmem>> -> memref<80x16xf32, #tpu.memory_space<vmem>>
    %dma_start3A_82 = arith.constant 0 : i32
    %dma_start3A_83 = tpu.memref_slice %arg5[%dma_start3A_76, %dma_start3A_82] : memref<32x80xi32, #tpu.memory_space<vmem>> -> memref<1x80xi32, #tpu.memory_space<vmem>>
    %dma_start3A_84 = tpu.memref_squeeze %dma_start3A_83 : memref<1x80xi32, #tpu.memory_space<vmem>> -> memref<80xi32, #tpu.memory_space<vmem>>
    %dma_start3A_85 = arith.constant 0 : i32
    %dma_start3A_86 = arith.constant 0 : i32
    %dma_start3A_87 = tpu.memref_slice %arg6[%dma_start3A_85, %dma_start3A_86] : memref<1000x16xf32, #tpu.memory_space<vmem_shared>> -> memref<1000x16xf32, #tpu.memory_space<vmem_shared>>
    tpu.enqueue_indirect_dma source(%dma_start3A_87 : memref<1000x16xf32, #tpu.memory_space<vmem_shared>>) target(%dma_start3A_81 : memref<80x16xf32, #tpu.memory_space<vmem>>) offsets(%dma_start3A_84 : memref<80xi32, #tpu.memory_space<vmem>>) semaphore(%arg9 : memref<!tpu.dma_semaphore, #tpu.memory_space<semaphore_mem>>)
    %dma_start3A_88 = arith.constant 7 : i32
    %dma_start3A_89 = arith.constant 7 : i32
    %dma_start3A_90 = arith.constant 0 : i32
    %dma_start3A_91 = arith.constant 0 : i32
    %dma_start3A_92 = tpu.memref_slice %arg7[%dma_start3A_89, %dma_start3A_90, %dma_start3A_91] : memref<32x80x16xf32, #tpu.memory_space<vmem>> -> memref<1x80x16xf32, #tpu.memory_space<vmem>>
    %dma_start3A_93 = tpu.memref_squeeze %dma_start3A_92 : memref<1x80x16xf32, #tpu.memory_space<vmem>> -> memref<80x16xf32, #tpu.memory_space<vmem>>
    %dma_start3A_94 = arith.constant 0 : i32
    %dma_start3A_95 = tpu.memref_slice %arg5[%dma_start3A_88, %dma_start3A_94] : memref<32x80xi32, #tpu.memory_space<vmem>> -> memref<1x80xi32, #tpu.memory_space<vmem>>
    %dma_start3A_96 = tpu.memref_squeeze %dma_start3A_95 : memref<1x80xi32, #tpu.memory_space<vmem>> -> memref<80xi32, #tpu.memory_space<vmem>>
    %dma_start3A_97 = arith.constant 0 : i32
    %dma_start3A_98 = arith.constant 0 : i32
    %dma_start3A_99 = tpu.memref_slice %arg6[%dma_start3A_97, %dma_start3A_98] : memref<1000x16xf32, #tpu.memory_space<vmem_shared>> -> memref<1000x16xf32, #tpu.memory_space<vmem_shared>>
    tpu.enqueue_indirect_dma source(%dma_start3A_99 : memref<1000x16xf32, #tpu.memory_space<vmem_shared>>) target(%dma_start3A_93 : memref<80x16xf32, #tpu.memory_space<vmem>>) offsets(%dma_start3A_96 : memref<80xi32, #tpu.memory_space<vmem>>) semaphore(%arg9 : memref<!tpu.dma_semaphore, #tpu.memory_space<semaphore_mem>>)
    %dma_start3A_100 = arith.constant 8 : i32
    %dma_start3A_101 = arith.constant 8 : i32
    %dma_start3A_102 = arith.constant 0 : i32
    %dma_start3A_103 = arith.constant 0 : i32
    %dma_start3A_104 = tpu.memref_slice %arg7[%dma_start3A_101, %dma_start3A_102, %dma_start3A_103] : memref<32x80x16xf32, #tpu.memory_space<vmem>> -> memref<1x80x16xf32, #tpu.memory_space<vmem>>
    %dma_start3A_105 = tpu.memref_squeeze %dma_start3A_104 : memref<1x80x16xf32, #tpu.memory_space<vmem>> -> memref<80x16xf32, #tpu.memory_space<vmem>>
    %dma_start3A_106 = arith.constant 0 : i32
    %dma_start3A_107 = tpu.memref_slice %arg5[%dma_start3A_100, %dma_start3A_106] : memref<32x80xi32, #tpu.memory_space<vmem>> -> memref<1x80xi32, #tpu.memory_space<vmem>>
    %dma_start3A_108 = tpu.memref_squeeze %dma_start3A_107 : memref<1x80xi32, #tpu.memory_space<vmem>> -> memref<80xi32, #tpu.memory_space<vmem>>
    %dma_start3A_109 = arith.constant 0 : i32
    %dma_start3A_110 = arith.constant 0 : i32
    %dma_start3A_111 = tpu.memref_slice %arg6[%dma_start3A_109, %dma_start3A_110] : memref<1000x16xf32, #tpu.memory_space<vmem_shared>> -> memref<1000x16xf32, #tpu.memory_space<vmem_shared>>
    tpu.enqueue_indirect_dma source(%dma_start3A_111 : memref<1000x16xf32, #tpu.memory_space<vmem_shared>>) target(%dma_start3A_105 : memref<80x16xf32, #tpu.memory_space<vmem>>) offsets(%dma_start3A_108 : memref<80xi32, #tpu.memory_space<vmem>>) semaphore(%arg9 : memref<!tpu.dma_semaphore, #tpu.memory_space<semaphore_mem>>)
    %dma_start3A_112 = arith.constant 9 : i32
    %dma_start3A_113 = arith.constant 9 : i32
    %dma_start3A_114 = arith.constant 0 : i32
    %dma_start3A_115 = arith.constant 0 : i32
    %dma_start3A_116 = tpu.memref_slice %arg7[%dma_start3A_113, %dma_start3A_114, %dma_start3A_115] : memref<32x80x16xf32, #tpu.memory_space<vmem>> -> memref<1x80x16xf32, #tpu.memory_space<vmem>>
    %dma_start3A_117 = tpu.memref_squeeze %dma_start3A_116 : memref<1x80x16xf32, #tpu.memory_space<vmem>> -> memref<80x16xf32, #tpu.memory_space<vmem>>
    %dma_start3A_118 = arith.constant 0 : i32
    %dma_start3A_119 = tpu.memref_slice %arg5[%dma_start3A_112, %dma_start3A_118] : memref<32x80xi32, #tpu.memory_space<vmem>> -> memref<1x80xi32, #tpu.memory_space<vmem>>
    %dma_start3A_120 = tpu.memref_squeeze %dma_start3A_119 : memref<1x80xi32, #tpu.memory_space<vmem>> -> memref<80xi32, #tpu.memory_space<vmem>>
    %dma_start3A_121 = arith.constant 0 : i32
    %dma_start3A_122 = arith.constant 0 : i32
    %dma_start3A_123 = tpu.memref_slice %arg6[%dma_start3A_121, %dma_start3A_122] : memref<1000x16xf32, #tpu.memory_space<vmem_shared>> -> memref<1000x16xf32, #tpu.memory_space<vmem_shared>>
    tpu.enqueue_indirect_dma source(%dma_start3A_123 : memref<1000x16xf32, #tpu.memory_space<vmem_shared>>) target(%dma_start3A_117 : memref<80x16xf32, #tpu.memory_space<vmem>>) offsets(%dma_start3A_120 : memref<80xi32, #tpu.memory_space<vmem>>) semaphore(%arg9 : memref<!tpu.dma_semaphore, #tpu.memory_space<semaphore_mem>>)
    %dma_start3A_124 = arith.constant 10 : i32
    %dma_start3A_125 = arith.constant 10 : i32
    %dma_start3A_126 = arith.constant 0 : i32
    %dma_start3A_127 = arith.constant 0 : i32
    %dma_start3A_128 = tpu.memref_slice %arg7[%dma_start3A_125, %dma_start3A_126, %dma_start3A_127] : memref<32x80x16xf32, #tpu.memory_space<vmem>> -> memref<1x80x16xf32, #tpu.memory_space<vmem>>
    %dma_start3A_129 = tpu.memref_squeeze %dma_start3A_128 : memref<1x80x16xf32, #tpu.memory_space<vmem>> -> memref<80x16xf32, #tpu.memory_space<vmem>>
    %dma_start3A_130 = arith.constant 0 : i32
    %dma_start3A_131 = tpu.memref_slice %arg5[%dma_start3A_124, %dma_start3A_130] : memref<32x80xi32, #tpu.memory_space<vmem>> -> memref<1x80xi32, #tpu.memory_space<vmem>>
    %dma_start3A_132 = tpu.memref_squeeze %dma_start3A_131 : memref<1x80xi32, #tpu.memory_space<vmem>> -> memref<80xi32, #tpu.memory_space<vmem>>
    %dma_start3A_133 = arith.constant 0 : i32
    %dma_start3A_134 = arith.constant 0 : i32
    %dma_start3A_135 = tpu.memref_slice %arg6[%dma_start3A_133, %dma_start3A_134] : memref<1000x16xf32, #tpu.memory_space<vmem_shared>> -> memref<1000x16xf32, #tpu.memory_space<vmem_shared>>
    tpu.enqueue_indirect_dma source(%dma_start3A_135 : memref<1000x16xf32, #tpu.memory_space<vmem_shared>>) target(%dma_start3A_129 : memref<80x16xf32, #tpu.memory_space<vmem>>) offsets(%dma_start3A_132 : memref<80xi32, #tpu.memory_space<vmem>>) semaphore(%arg9 : memref<!tpu.dma_semaphore, #tpu.memory_space<semaphore_mem>>)
    %dma_start3A_136 = arith.constant 11 : i32
    %dma_start3A_137 = arith.constant 11 : i32
    %dma_start3A_138 = arith.constant 0 : i32
    %dma_start3A_139 = arith.constant 0 : i32
    %dma_start3A_140 = tpu.memref_slice %arg7[%dma_start3A_137, %dma_start3A_138, %dma_start3A_139] : memref<32x80x16xf32, #tpu.memory_space<vmem>> -> memref<1x80x16xf32, #tpu.memory_space<vmem>>
    %dma_start3A_141 = tpu.memref_squeeze %dma_start3A_140 : memref<1x80x16xf32, #tpu.memory_space<vmem>> -> memref<80x16xf32, #tpu.memory_space<vmem>>
    %dma_start3A_142 = arith.constant 0 : i32
    %dma_start3A_143 = tpu.memref_slice %arg5[%dma_start3A_136, %dma_start3A_142] : memref<32x80xi32, #tpu.memory_space<vmem>> -> memref<1x80xi32, #tpu.memory_space<vmem>>
    %dma_start3A_144 = tpu.memref_squeeze %dma_start3A_143 : memref<1x80xi32, #tpu.memory_space<vmem>> -> memref<80xi32, #tpu.memory_space<vmem>>
    %dma_start3A_145 = arith.constant 0 : i32
    %dma_start3A_146 = arith.constant 0 : i32
    %dma_start3A_147 = tpu.memref_slice %arg6[%dma_start3A_145, %dma_start3A_146] : memref<1000x16xf32, #tpu.memory_space<vmem_shared>> -> memref<1000x16xf32, #tpu.memory_space<vmem_shared>>
    tpu.enqueue_indirect_dma source(%dma_start3A_147 : memref<1000x16xf32, #tpu.memory_space<vmem_shared>>) target(%dma_start3A_141 : memref<80x16xf32, #tpu.memory_space<vmem>>) offsets(%dma_start3A_144 : memref<80xi32, #tpu.memory_space<vmem>>) semaphore(%arg9 : memref<!tpu.dma_semaphore, #tpu.memory_space<semaphore_mem>>)
    %dma_start3A_148 = arith.constant 12 : i32
    %dma_start3A_149 = arith.constant 12 : i32
    %dma_start3A_150 = arith.constant 0 : i32
    %dma_start3A_151 = arith.constant 0 : i32
    %dma_start3A_152 = tpu.memref_slice %arg7[%dma_start3A_149, %dma_start3A_150, %dma_start3A_151] : memref<32x80x16xf32, #tpu.memory_space<vmem>> -> memref<1x80x16xf32, #tpu.memory_space<vmem>>
    %dma_start3A_153 = tpu.memref_squeeze %dma_start3A_152 : memref<1x80x16xf32, #tpu.memory_space<vmem>> -> memref<80x16xf32, #tpu.memory_space<vmem>>
    %dma_start3A_154 = arith.constant 0 : i32
    %dma_start3A_155 = tpu.memref_slice %arg5[%dma_start3A_148, %dma_start3A_154] : memref<32x80xi32, #tpu.memory_space<vmem>> -> memref<1x80xi32, #tpu.memory_space<vmem>>
    %dma_start3A_156 = tpu.memref_squeeze %dma_start3A_155 : memref<1x80xi32, #tpu.memory_space<vmem>> -> memref<80xi32, #tpu.memory_space<vmem>>
    %dma_start3A_157 = arith.constant 0 : i32
    %dma_start3A_158 = arith.constant 0 : i32
    %dma_start3A_159 = tpu.memref_slice %arg6[%dma_start3A_157, %dma_start3A_158] : memref<1000x16xf32, #tpu.memory_space<vmem_shared>> -> memref<1000x16xf32, #tpu.memory_space<vmem_shared>>
    tpu.enqueue_indirect_dma source(%dma_start3A_159 : memref<1000x16xf32, #tpu.memory_space<vmem_shared>>) target(%dma_start3A_153 : memref<80x16xf32, #tpu.memory_space<vmem>>) offsets(%dma_start3A_156 : memref<80xi32, #tpu.memory_space<vmem>>) semaphore(%arg9 : memref<!tpu.dma_semaphore, #tpu.memory_space<semaphore_mem>>)
    %dma_start3A_160 = arith.constant 13 : i32
    %dma_start3A_161 = arith.constant 13 : i32
    %dma_start3A_162 = arith.constant 0 : i32
    %dma_start3A_163 = arith.constant 0 : i32
    %dma_start3A_164 = tpu.memref_slice %arg7[%dma_start3A_161, %dma_start3A_162, %dma_start3A_163] : memref<32x80x16xf32, #tpu.memory_space<vmem>> -> memref<1x80x16xf32, #tpu.memory_space<vmem>>
    %dma_start3A_165 = tpu.memref_squeeze %dma_start3A_164 : memref<1x80x16xf32, #tpu.memory_space<vmem>> -> memref<80x16xf32, #tpu.memory_space<vmem>>
    %dma_start3A_166 = arith.constant 0 : i32
    %dma_start3A_167 = tpu.memref_slice %arg5[%dma_start3A_160, %dma_start3A_166] : memref<32x80xi32, #tpu.memory_space<vmem>> -> memref<1x80xi32, #tpu.memory_space<vmem>>
    %dma_start3A_168 = tpu.memref_squeeze %dma_start3A_167 : memref<1x80xi32, #tpu.memory_space<vmem>> -> memref<80xi32, #tpu.memory_space<vmem>>
    %dma_start3A_169 = arith.constant 0 : i32
    %dma_start3A_170 = arith.constant 0 : i32
    %dma_start3A_171 = tpu.memref_slice %arg6[%dma_start3A_169, %dma_start3A_170] : memref<1000x16xf32, #tpu.memory_space<vmem_shared>> -> memref<1000x16xf32, #tpu.memory_space<vmem_shared>>
    tpu.enqueue_indirect_dma source(%dma_start3A_171 : memref<1000x16xf32, #tpu.memory_space<vmem_shared>>) target(%dma_start3A_165 : memref<80x16xf32, #tpu.memory_space<vmem>>) offsets(%dma_start3A_168 : memref<80xi32, #tpu.memory_space<vmem>>) semaphore(%arg9 : memref<!tpu.dma_semaphore, #tpu.memory_space<semaphore_mem>>)
    %dma_start3A_172 = arith.constant 14 : i32
    %dma_start3A_173 = arith.constant 14 : i32
    %dma_start3A_174 = arith.constant 0 : i32
    %dma_start3A_175 = arith.constant 0 : i32
    %dma_start3A_176 = tpu.memref_slice %arg7[%dma_start3A_173, %dma_start3A_174, %dma_start3A_175] : memref<32x80x16xf32, #tpu.memory_space<vmem>> -> memref<1x80x16xf32, #tpu.memory_space<vmem>>
    %dma_start3A_177 = tpu.memref_squeeze %dma_start3A_176 : memref<1x80x16xf32, #tpu.memory_space<vmem>> -> memref<80x16xf32, #tpu.memory_space<vmem>>
    %dma_start3A_178 = arith.constant 0 : i32
    %dma_start3A_179 = tpu.memref_slice %arg5[%dma_start3A_172, %dma_start3A_178] : memref<32x80xi32, #tpu.memory_space<vmem>> -> memref<1x80xi32, #tpu.memory_space<vmem>>
    %dma_start3A_180 = tpu.memref_squeeze %dma_start3A_179 : memref<1x80xi32, #tpu.memory_space<vmem>> -> memref<80xi32, #tpu.memory_space<vmem>>
    %dma_start3A_181 = arith.constant 0 : i32
    %dma_start3A_182 = arith.constant 0 : i32
    %dma_start3A_183 = tpu.memref_slice %arg6[%dma_start3A_181, %dma_start3A_182] : memref<1000x16xf32, #tpu.memory_space<vmem_shared>> -> memref<1000x16xf32, #tpu.memory_space<vmem_shared>>
    tpu.enqueue_indirect_dma source(%dma_start3A_183 : memref<1000x16xf32, #tpu.memory_space<vmem_shared>>) target(%dma_start3A_177 : memref<80x16xf32, #tpu.memory_space<vmem>>) offsets(%dma_start3A_180 : memref<80xi32, #tpu.memory_space<vmem>>) semaphore(%arg9 : memref<!tpu.dma_semaphore, #tpu.memory_space<semaphore_mem>>)
    %dma_start3A_184 = arith.constant 15 : i32
    %dma_start3A_185 = arith.constant 15 : i32
    %dma_start3A_186 = arith.constant 0 : i32
    %dma_start3A_187 = arith.constant 0 : i32
    %dma_start3A_188 = tpu.memref_slice %arg7[%dma_start3A_185, %dma_start3A_186, %dma_start3A_187] : memref<32x80x16xf32, #tpu.memory_space<vmem>> -> memref<1x80x16xf32, #tpu.memory_space<vmem>>
    %dma_start3A_189 = tpu.memref_squeeze %dma_start3A_188 : memref<1x80x16xf32, #tpu.memory_space<vmem>> -> memref<80x16xf32, #tpu.memory_space<vmem>>
    %dma_start3A_190 = arith.constant 0 : i32
    %dma_start3A_191 = tpu.memref_slice %arg5[%dma_start3A_184, %dma_start3A_190] : memref<32x80xi32, #tpu.memory_space<vmem>> -> memref<1x80xi32, #tpu.memory_space<vmem>>
    %dma_start3A_192 = tpu.memref_squeeze %dma_start3A_191 : memref<1x80xi32, #tpu.memory_space<vmem>> -> memref<80xi32, #tpu.memory_space<vmem>>
    %dma_start3A_193 = arith.constant 0 : i32
    %dma_start3A_194 = arith.constant 0 : i32
    %dma_start3A_195 = tpu.memref_slice %arg6[%dma_start3A_193, %dma_start3A_194] : memref<1000x16xf32, #tpu.memory_space<vmem_shared>> -> memref<1000x16xf32, #tpu.memory_space<vmem_shared>>
    tpu.enqueue_indirect_dma source(%dma_start3A_195 : memref<1000x16xf32, #tpu.memory_space<vmem_shared>>) target(%dma_start3A_189 : memref<80x16xf32, #tpu.memory_space<vmem>>) offsets(%dma_start3A_192 : memref<80xi32, #tpu.memory_space<vmem>>) semaphore(%arg9 : memref<!tpu.dma_semaphore, #tpu.memory_space<semaphore_mem>>)
    %dma_start3A_196 = arith.constant 16 : i32
    %dma_start3A_197 = arith.constant 16 : i32
    %dma_start3A_198 = arith.constant 0 : i32
    %dma_start3A_199 = arith.constant 0 : i32
    %dma_start3A_200 = tpu.memref_slice %arg7[%dma_start3A_197, %dma_start3A_198, %dma_start3A_199] : memref<32x80x16xf32, #tpu.memory_space<vmem>> -> memref<1x80x16xf32, #tpu.memory_space<vmem>>
    %dma_start3A_201 = tpu.memref_squeeze %dma_start3A_200 : memref<1x80x16xf32, #tpu.memory_space<vmem>> -> memref<80x16xf32, #tpu.memory_space<vmem>>
    %dma_start3A_202 = arith.constant 0 : i32
    %dma_start3A_203 = tpu.memref_slice %arg5[%dma_start3A_196, %dma_start3A_202] : memref<32x80xi32, #tpu.memory_space<vmem>> -> memref<1x80xi32, #tpu.memory_space<vmem>>
    %dma_start3A_204 = tpu.memref_squeeze %dma_start3A_203 : memref<1x80xi32, #tpu.memory_space<vmem>> -> memref<80xi32, #tpu.memory_space<vmem>>
    %dma_start3A_205 = arith.constant 0 : i32
    %dma_start3A_206 = arith.constant 0 : i32
    %dma_start3A_207 = tpu.memref_slice %arg6[%dma_start3A_205, %dma_start3A_206] : memref<1000x16xf32, #tpu.memory_space<vmem_shared>> -> memref<1000x16xf32, #tpu.memory_space<vmem_shared>>
    tpu.enqueue_indirect_dma source(%dma_start3A_207 : memref<1000x16xf32, #tpu.memory_space<vmem_shared>>) target(%dma_start3A_201 : memref<80x16xf32, #tpu.memory_space<vmem>>) offsets(%dma_start3A_204 : memref<80xi32, #tpu.memory_space<vmem>>) semaphore(%arg9 : memref<!tpu.dma_semaphore, #tpu.memory_space<semaphore_mem>>)
    %dma_start3A_208 = arith.constant 17 : i32
    %dma_start3A_209 = arith.constant 17 : i32
    %dma_start3A_210 = arith.constant 0 : i32
    %dma_start3A_211 = arith.constant 0 : i32
    %dma_start3A_212 = tpu.memref_slice %arg7[%dma_start3A_209, %dma_start3A_210, %dma_start3A_211] : memref<32x80x16xf32, #tpu.memory_space<vmem>> -> memref<1x80x16xf32, #tpu.memory_space<vmem>>
    %dma_start3A_213 = tpu.memref_squeeze %dma_start3A_212 : memref<1x80x16xf32, #tpu.memory_space<vmem>> -> memref<80x16xf32, #tpu.memory_space<vmem>>
    %dma_start3A_214 = arith.constant 0 : i32
    %dma_start3A_215 = tpu.memref_slice %arg5[%dma_start3A_208, %dma_start3A_214] : memref<32x80xi32, #tpu.memory_space<vmem>> -> memref<1x80xi32, #tpu.memory_space<vmem>>
    %dma_start3A_216 = tpu.memref_squeeze %dma_start3A_215 : memref<1x80xi32, #tpu.memory_space<vmem>> -> memref<80xi32, #tpu.memory_space<vmem>>
    %dma_start3A_217 = arith.constant 0 : i32
    %dma_start3A_218 = arith.constant 0 : i32
    %dma_start3A_219 = tpu.memref_slice %arg6[%dma_start3A_217, %dma_start3A_218] : memref<1000x16xf32, #tpu.memory_space<vmem_shared>> -> memref<1000x16xf32, #tpu.memory_space<vmem_shared>>
    tpu.enqueue_indirect_dma source(%dma_start3A_219 : memref<1000x16xf32, #tpu.memory_space<vmem_shared>>) target(%dma_start3A_213 : memref<80x16xf32, #tpu.memory_space<vmem>>) offsets(%dma_start3A_216 : memref<80xi32, #tpu.memory_space<vmem>>) semaphore(%arg9 : memref<!tpu.dma_semaphore, #tpu.memory_space<semaphore_mem>>)
    %dma_start3A_220 = arith.constant 18 : i32
    %dma_start3A_221 = arith.constant 18 : i32
    %dma_start3A_222 = arith.constant 0 : i32
    %dma_start3A_223 = arith.constant 0 : i32
    %dma_start3A_224 = tpu.memref_slice %arg7[%dma_start3A_221, %dma_start3A_222, %dma_start3A_223] : memref<32x80x16xf32, #tpu.memory_space<vmem>> -> memref<1x80x16xf32, #tpu.memory_space<vmem>>
    %dma_start3A_225 = tpu.memref_squeeze %dma_start3A_224 : memref<1x80x16xf32, #tpu.memory_space<vmem>> -> memref<80x16xf32, #tpu.memory_space<vmem>>
    %dma_start3A_226 = arith.constant 0 : i32
    %dma_start3A_227 = tpu.memref_slice %arg5[%dma_start3A_220, %dma_start3A_226] : memref<32x80xi32, #tpu.memory_space<vmem>> -> memref<1x80xi32, #tpu.memory_space<vmem>>
    %dma_start3A_228 = tpu.memref_squeeze %dma_start3A_227 : memref<1x80xi32, #tpu.memory_space<vmem>> -> memref<80xi32, #tpu.memory_space<vmem>>
    %dma_start3A_229 = arith.constant 0 : i32
    %dma_start3A_230 = arith.constant 0 : i32
    %dma_start3A_231 = tpu.memref_slice %arg6[%dma_start3A_229, %dma_start3A_230] : memref<1000x16xf32, #tpu.memory_space<vmem_shared>> -> memref<1000x16xf32, #tpu.memory_space<vmem_shared>>
    tpu.enqueue_indirect_dma source(%dma_start3A_231 : memref<1000x16xf32, #tpu.memory_space<vmem_shared>>) target(%dma_start3A_225 : memref<80x16xf32, #tpu.memory_space<vmem>>) offsets(%dma_start3A_228 : memref<80xi32, #tpu.memory_space<vmem>>) semaphore(%arg9 : memref<!tpu.dma_semaphore, #tpu.memory_space<semaphore_mem>>)
    %dma_start3A_232 = arith.constant 19 : i32
    %dma_start3A_233 = arith.constant 19 : i32
    %dma_start3A_234 = arith.constant 0 : i32
    %dma_start3A_235 = arith.constant 0 : i32
    %dma_start3A_236 = tpu.memref_slice %arg7[%dma_start3A_233, %dma_start3A_234, %dma_start3A_235] : memref<32x80x16xf32, #tpu.memory_space<vmem>> -> memref<1x80x16xf32, #tpu.memory_space<vmem>>
    %dma_start3A_237 = tpu.memref_squeeze %dma_start3A_236 : memref<1x80x16xf32, #tpu.memory_space<vmem>> -> memref<80x16xf32, #tpu.memory_space<vmem>>
    %dma_start3A_238 = arith.constant 0 : i32
    %dma_start3A_239 = tpu.memref_slice %arg5[%dma_start3A_232, %dma_start3A_238] : memref<32x80xi32, #tpu.memory_space<vmem>> -> memref<1x80xi32, #tpu.memory_space<vmem>>
    %dma_start3A_240 = tpu.memref_squeeze %dma_start3A_239 : memref<1x80xi32, #tpu.memory_space<vmem>> -> memref<80xi32, #tpu.memory_space<vmem>>
    %dma_start3A_241 = arith.constant 0 : i32
    %dma_start3A_242 = arith.constant 0 : i32
    %dma_start3A_243 = tpu.memref_slice %arg6[%dma_start3A_241, %dma_start3A_242] : memref<1000x16xf32, #tpu.memory_space<vmem_shared>> -> memref<1000x16xf32, #tpu.memory_space<vmem_shared>>
    tpu.enqueue_indirect_dma source(%dma_start3A_243 : memref<1000x16xf32, #tpu.memory_space<vmem_shared>>) target(%dma_start3A_237 : memref<80x16xf32, #tpu.memory_space<vmem>>) offsets(%dma_start3A_240 : memref<80xi32, #tpu.memory_space<vmem>>) semaphore(%arg9 : memref<!tpu.dma_semaphore, #tpu.memory_space<semaphore_mem>>)
    %dma_start3A_244 = arith.constant 20 : i32
    %dma_start3A_245 = arith.constant 20 : i32
    %dma_start3A_246 = arith.constant 0 : i32
    %dma_start3A_247 = arith.constant 0 : i32
    %dma_start3A_248 = tpu.memref_slice %arg7[%dma_start3A_245, %dma_start3A_246, %dma_start3A_247] : memref<32x80x16xf32, #tpu.memory_space<vmem>> -> memref<1x80x16xf32, #tpu.memory_space<vmem>>
    %dma_start3A_249 = tpu.memref_squeeze %dma_start3A_248 : memref<1x80x16xf32, #tpu.memory_space<vmem>> -> memref<80x16xf32, #tpu.memory_space<vmem>>
    %dma_start3A_250 = arith.constant 0 : i32
    %dma_start3A_251 = tpu.memref_slice %arg5[%dma_start3A_244, %dma_start3A_250] : memref<32x80xi32, #tpu.memory_space<vmem>> -> memref<1x80xi32, #tpu.memory_space<vmem>>
    %dma_start3A_252 = tpu.memref_squeeze %dma_start3A_251 : memref<1x80xi32, #tpu.memory_space<vmem>> -> memref<80xi32, #tpu.memory_space<vmem>>
    %dma_start3A_253 = arith.constant 0 : i32
    %dma_start3A_254 = arith.constant 0 : i32
    %dma_start3A_255 = tpu.memref_slice %arg6[%dma_start3A_253, %dma_start3A_254] : memref<1000x16xf32, #tpu.memory_space<vmem_shared>> -> memref<1000x16xf32, #tpu.memory_space<vmem_shared>>
    tpu.enqueue_indirect_dma source(%dma_start3A_255 : memref<1000x16xf32, #tpu.memory_space<vmem_shared>>) target(%dma_start3A_249 : memref<80x16xf32, #tpu.memory_space<vmem>>) offsets(%dma_start3A_252 : memref<80xi32, #tpu.memory_space<vmem>>) semaphore(%arg9 : memref<!tpu.dma_semaphore, #tpu.memory_space<semaphore_mem>>)
    %dma_start3A_256 = arith.constant 21 : i32
    %dma_start3A_257 = arith.constant 21 : i32
    %dma_start3A_258 = arith.constant 0 : i32
    %dma_start3A_259 = arith.constant 0 : i32
    %dma_start3A_260 = tpu.memref_slice %arg7[%dma_start3A_257, %dma_start3A_258, %dma_start3A_259] : memref<32x80x16xf32, #tpu.memory_space<vmem>> -> memref<1x80x16xf32, #tpu.memory_space<vmem>>
    %dma_start3A_261 = tpu.memref_squeeze %dma_start3A_260 : memref<1x80x16xf32, #tpu.memory_space<vmem>> -> memref<80x16xf32, #tpu.memory_space<vmem>>
    %dma_start3A_262 = arith.constant 0 : i32
    %dma_start3A_263 = tpu.memref_slice %arg5[%dma_start3A_256, %dma_start3A_262] : memref<32x80xi32, #tpu.memory_space<vmem>> -> memref<1x80xi32, #tpu.memory_space<vmem>>
    %dma_start3A_264 = tpu.memref_squeeze %dma_start3A_263 : memref<1x80xi32, #tpu.memory_space<vmem>> -> memref<80xi32, #tpu.memory_space<vmem>>
    %dma_start3A_265 = arith.constant 0 : i32
    %dma_start3A_266 = arith.constant 0 : i32
    %dma_start3A_267 = tpu.memref_slice %arg6[%dma_start3A_265, %dma_start3A_266] : memref<1000x16xf32, #tpu.memory_space<vmem_shared>> -> memref<1000x16xf32, #tpu.memory_space<vmem_shared>>
    tpu.enqueue_indirect_dma source(%dma_start3A_267 : memref<1000x16xf32, #tpu.memory_space<vmem_shared>>) target(%dma_start3A_261 : memref<80x16xf32, #tpu.memory_space<vmem>>) offsets(%dma_start3A_264 : memref<80xi32, #tpu.memory_space<vmem>>) semaphore(%arg9 : memref<!tpu.dma_semaphore, #tpu.memory_space<semaphore_mem>>)
    %dma_start3A_268 = arith.constant 22 : i32
    %dma_start3A_269 = arith.constant 22 : i32
    %dma_start3A_270 = arith.constant 0 : i32
    %dma_start3A_271 = arith.constant 0 : i32
    %dma_start3A_272 = tpu.memref_slice %arg7[%dma_start3A_269, %dma_start3A_270, %dma_start3A_271] : memref<32x80x16xf32, #tpu.memory_space<vmem>> -> memref<1x80x16xf32, #tpu.memory_space<vmem>>
    %dma_start3A_273 = tpu.memref_squeeze %dma_start3A_272 : memref<1x80x16xf32, #tpu.memory_space<vmem>> -> memref<80x16xf32, #tpu.memory_space<vmem>>
    %dma_start3A_274 = arith.constant 0 : i32
    %dma_start3A_275 = tpu.memref_slice %arg5[%dma_start3A_268, %dma_start3A_274] : memref<32x80xi32, #tpu.memory_space<vmem>> -> memref<1x80xi32, #tpu.memory_space<vmem>>
    %dma_start3A_276 = tpu.memref_squeeze %dma_start3A_275 : memref<1x80xi32, #tpu.memory_space<vmem>> -> memref<80xi32, #tpu.memory_space<vmem>>
    %dma_start3A_277 = arith.constant 0 : i32
    %dma_start3A_278 = arith.constant 0 : i32
    %dma_start3A_279 = tpu.memref_slice %arg6[%dma_start3A_277, %dma_start3A_278] : memref<1000x16xf32, #tpu.memory_space<vmem_shared>> -> memref<1000x16xf32, #tpu.memory_space<vmem_shared>>
    tpu.enqueue_indirect_dma source(%dma_start3A_279 : memref<1000x16xf32, #tpu.memory_space<vmem_shared>>) target(%dma_start3A_273 : memref<80x16xf32, #tpu.memory_space<vmem>>) offsets(%dma_start3A_276 : memref<80xi32, #tpu.memory_space<vmem>>) semaphore(%arg9 : memref<!tpu.dma_semaphore, #tpu.memory_space<semaphore_mem>>)
    %dma_start3A_280 = arith.constant 23 : i32
    %dma_start3A_281 = arith.constant 23 : i32
    %dma_start3A_282 = arith.constant 0 : i32
    %dma_start3A_283 = arith.constant 0 : i32
    %dma_start3A_284 = tpu.memref_slice %arg7[%dma_start3A_281, %dma_start3A_282, %dma_start3A_283] : memref<32x80x16xf32, #tpu.memory_space<vmem>> -> memref<1x80x16xf32, #tpu.memory_space<vmem>>
    %dma_start3A_285 = tpu.memref_squeeze %dma_start3A_284 : memref<1x80x16xf32, #tpu.memory_space<vmem>> -> memref<80x16xf32, #tpu.memory_space<vmem>>
    %dma_start3A_286 = arith.constant 0 : i32
    %dma_start3A_287 = tpu.memref_slice %arg5[%dma_start3A_280, %dma_start3A_286] : memref<32x80xi32, #tpu.memory_space<vmem>> -> memref<1x80xi32, #tpu.memory_space<vmem>>
    %dma_start3A_288 = tpu.memref_squeeze %dma_start3A_287 : memref<1x80xi32, #tpu.memory_space<vmem>> -> memref<80xi32, #tpu.memory_space<vmem>>
    %dma_start3A_289 = arith.constant 0 : i32
    %dma_start3A_290 = arith.constant 0 : i32
    %dma_start3A_291 = tpu.memref_slice %arg6[%dma_start3A_289, %dma_start3A_290] : memref<1000x16xf32, #tpu.memory_space<vmem_shared>> -> memref<1000x16xf32, #tpu.memory_space<vmem_shared>>
    tpu.enqueue_indirect_dma source(%dma_start3A_291 : memref<1000x16xf32, #tpu.memory_space<vmem_shared>>) target(%dma_start3A_285 : memref<80x16xf32, #tpu.memory_space<vmem>>) offsets(%dma_start3A_288 : memref<80xi32, #tpu.memory_space<vmem>>) semaphore(%arg9 : memref<!tpu.dma_semaphore, #tpu.memory_space<semaphore_mem>>)
    %dma_start3A_292 = arith.constant 24 : i32
    %dma_start3A_293 = arith.constant 24 : i32
    %dma_start3A_294 = arith.constant 0 : i32
    %dma_start3A_295 = arith.constant 0 : i32
    %dma_start3A_296 = tpu.memref_slice %arg7[%dma_start3A_293, %dma_start3A_294, %dma_start3A_295] : memref<32x80x16xf32, #tpu.memory_space<vmem>> -> memref<1x80x16xf32, #tpu.memory_space<vmem>>
    %dma_start3A_297 = tpu.memref_squeeze %dma_start3A_296 : memref<1x80x16xf32, #tpu.memory_space<vmem>> -> memref<80x16xf32, #tpu.memory_space<vmem>>
    %dma_start3A_298 = arith.constant 0 : i32
    %dma_start3A_299 = tpu.memref_slice %arg5[%dma_start3A_292, %dma_start3A_298] : memref<32x80xi32, #tpu.memory_space<vmem>> -> memref<1x80xi32, #tpu.memory_space<vmem>>
    %dma_start3A_300 = tpu.memref_squeeze %dma_start3A_299 : memref<1x80xi32, #tpu.memory_space<vmem>> -> memref<80xi32, #tpu.memory_space<vmem>>
    %dma_start3A_301 = arith.constant 0 : i32
    %dma_start3A_302 = arith.constant 0 : i32
    %dma_start3A_303 = tpu.memref_slice %arg6[%dma_start3A_301, %dma_start3A_302] : memref<1000x16xf32, #tpu.memory_space<vmem_shared>> -> memref<1000x16xf32, #tpu.memory_space<vmem_shared>>
    tpu.enqueue_indirect_dma source(%dma_start3A_303 : memref<1000x16xf32, #tpu.memory_space<vmem_shared>>) target(%dma_start3A_297 : memref<80x16xf32, #tpu.memory_space<vmem>>) offsets(%dma_start3A_300 : memref<80xi32, #tpu.memory_space<vmem>>) semaphore(%arg9 : memref<!tpu.dma_semaphore, #tpu.memory_space<semaphore_mem>>)
    %dma_start3A_304 = arith.constant 25 : i32
    %dma_start3A_305 = arith.constant 25 : i32
    %dma_start3A_306 = arith.constant 0 : i32
    %dma_start3A_307 = arith.constant 0 : i32
    %dma_start3A_308 = tpu.memref_slice %arg7[%dma_start3A_305, %dma_start3A_306, %dma_start3A_307] : memref<32x80x16xf32, #tpu.memory_space<vmem>> -> memref<1x80x16xf32, #tpu.memory_space<vmem>>
    %dma_start3A_309 = tpu.memref_squeeze %dma_start3A_308 : memref<1x80x16xf32, #tpu.memory_space<vmem>> -> memref<80x16xf32, #tpu.memory_space<vmem>>
    %dma_start3A_310 = arith.constant 0 : i32
    %dma_start3A_311 = tpu.memref_slice %arg5[%dma_start3A_304, %dma_start3A_310] : memref<32x80xi32, #tpu.memory_space<vmem>> -> memref<1x80xi32, #tpu.memory_space<vmem>>
    %dma_start3A_312 = tpu.memref_squeeze %dma_start3A_311 : memref<1x80xi32, #tpu.memory_space<vmem>> -> memref<80xi32, #tpu.memory_space<vmem>>
    %dma_start3A_313 = arith.constant 0 : i32
    %dma_start3A_314 = arith.constant 0 : i32
    %dma_start3A_315 = tpu.memref_slice %arg6[%dma_start3A_313, %dma_start3A_314] : memref<1000x16xf32, #tpu.memory_space<vmem_shared>> -> memref<1000x16xf32, #tpu.memory_space<vmem_shared>>
    tpu.enqueue_indirect_dma source(%dma_start3A_315 : memref<1000x16xf32, #tpu.memory_space<vmem_shared>>) target(%dma_start3A_309 : memref<80x16xf32, #tpu.memory_space<vmem>>) offsets(%dma_start3A_312 : memref<80xi32, #tpu.memory_space<vmem>>) semaphore(%arg9 : memref<!tpu.dma_semaphore, #tpu.memory_space<semaphore_mem>>)
    %dma_start3A_316 = arith.constant 26 : i32
    %dma_start3A_317 = arith.constant 26 : i32
    %dma_start3A_318 = arith.constant 0 : i32
    %dma_start3A_319 = arith.constant 0 : i32
    %dma_start3A_320 = tpu.memref_slice %arg7[%dma_start3A_317, %dma_start3A_318, %dma_start3A_319] : memref<32x80x16xf32, #tpu.memory_space<vmem>> -> memref<1x80x16xf32, #tpu.memory_space<vmem>>
    %dma_start3A_321 = tpu.memref_squeeze %dma_start3A_320 : memref<1x80x16xf32, #tpu.memory_space<vmem>> -> memref<80x16xf32, #tpu.memory_space<vmem>>
    %dma_start3A_322 = arith.constant 0 : i32
    %dma_start3A_323 = tpu.memref_slice %arg5[%dma_start3A_316, %dma_start3A_322] : memref<32x80xi32, #tpu.memory_space<vmem>> -> memref<1x80xi32, #tpu.memory_space<vmem>>
    %dma_start3A_324 = tpu.memref_squeeze %dma_start3A_323 : memref<1x80xi32, #tpu.memory_space<vmem>> -> memref<80xi32, #tpu.memory_space<vmem>>
    %dma_start3A_325 = arith.constant 0 : i32
    %dma_start3A_326 = arith.constant 0 : i32
    %dma_start3A_327 = tpu.memref_slice %arg6[%dma_start3A_325, %dma_start3A_326] : memref<1000x16xf32, #tpu.memory_space<vmem_shared>> -> memref<1000x16xf32, #tpu.memory_space<vmem_shared>>
    tpu.enqueue_indirect_dma source(%dma_start3A_327 : memref<1000x16xf32, #tpu.memory_space<vmem_shared>>) target(%dma_start3A_321 : memref<80x16xf32, #tpu.memory_space<vmem>>) offsets(%dma_start3A_324 : memref<80xi32, #tpu.memory_space<vmem>>) semaphore(%arg9 : memref<!tpu.dma_semaphore, #tpu.memory_space<semaphore_mem>>)
    %dma_start3A_328 = arith.constant 27 : i32
    %dma_start3A_329 = arith.constant 27 : i32
    %dma_start3A_330 = arith.constant 0 : i32
    %dma_start3A_331 = arith.constant 0 : i32
    %dma_start3A_332 = tpu.memref_slice %arg7[%dma_start3A_329, %dma_start3A_330, %dma_start3A_331] : memref<32x80x16xf32, #tpu.memory_space<vmem>> -> memref<1x80x16xf32, #tpu.memory_space<vmem>>
    %dma_start3A_333 = tpu.memref_squeeze %dma_start3A_332 : memref<1x80x16xf32, #tpu.memory_space<vmem>> -> memref<80x16xf32, #tpu.memory_space<vmem>>
    %dma_start3A_334 = arith.constant 0 : i32
    %dma_start3A_335 = tpu.memref_slice %arg5[%dma_start3A_328, %dma_start3A_334] : memref<32x80xi32, #tpu.memory_space<vmem>> -> memref<1x80xi32, #tpu.memory_space<vmem>>
    %dma_start3A_336 = tpu.memref_squeeze %dma_start3A_335 : memref<1x80xi32, #tpu.memory_space<vmem>> -> memref<80xi32, #tpu.memory_space<vmem>>
    %dma_start3A_337 = arith.constant 0 : i32
    %dma_start3A_338 = arith.constant 0 : i32
    %dma_start3A_339 = tpu.memref_slice %arg6[%dma_start3A_337, %dma_start3A_338] : memref<1000x16xf32, #tpu.memory_space<vmem_shared>> -> memref<1000x16xf32, #tpu.memory_space<vmem_shared>>
    tpu.enqueue_indirect_dma source(%dma_start3A_339 : memref<1000x16xf32, #tpu.memory_space<vmem_shared>>) target(%dma_start3A_333 : memref<80x16xf32, #tpu.memory_space<vmem>>) offsets(%dma_start3A_336 : memref<80xi32, #tpu.memory_space<vmem>>) semaphore(%arg9 : memref<!tpu.dma_semaphore, #tpu.memory_space<semaphore_mem>>)
    %dma_start3A_340 = arith.constant 28 : i32
    %dma_start3A_341 = arith.constant 28 : i32
    %dma_start3A_342 = arith.constant 0 : i32
    %dma_start3A_343 = arith.constant 0 : i32
    %dma_start3A_344 = tpu.memref_slice %arg7[%dma_start3A_341, %dma_start3A_342, %dma_start3A_343] : memref<32x80x16xf32, #tpu.memory_space<vmem>> -> memref<1x80x16xf32, #tpu.memory_space<vmem>>
    %dma_start3A_345 = tpu.memref_squeeze %dma_start3A_344 : memref<1x80x16xf32, #tpu.memory_space<vmem>> -> memref<80x16xf32, #tpu.memory_space<vmem>>
    %dma_start3A_346 = arith.constant 0 : i32
    %dma_start3A_347 = tpu.memref_slice %arg5[%dma_start3A_340, %dma_start3A_346] : memref<32x80xi32, #tpu.memory_space<vmem>> -> memref<1x80xi32, #tpu.memory_space<vmem>>
    %dma_start3A_348 = tpu.memref_squeeze %dma_start3A_347 : memref<1x80xi32, #tpu.memory_space<vmem>> -> memref<80xi32, #tpu.memory_space<vmem>>
    %dma_start3A_349 = arith.constant 0 : i32
    %dma_start3A_350 = arith.constant 0 : i32
    %dma_start3A_351 = tpu.memref_slice %arg6[%dma_start3A_349, %dma_start3A_350] : memref<1000x16xf32, #tpu.memory_space<vmem_shared>> -> memref<1000x16xf32, #tpu.memory_space<vmem_shared>>
    tpu.enqueue_indirect_dma source(%dma_start3A_351 : memref<1000x16xf32, #tpu.memory_space<vmem_shared>>) target(%dma_start3A_345 : memref<80x16xf32, #tpu.memory_space<vmem>>) offsets(%dma_start3A_348 : memref<80xi32, #tpu.memory_space<vmem>>) semaphore(%arg9 : memref<!tpu.dma_semaphore, #tpu.memory_space<semaphore_mem>>)
    %dma_start3A_352 = arith.constant 29 : i32
    %dma_start3A_353 = arith.constant 29 : i32
    %dma_start3A_354 = arith.constant 0 : i32
    %dma_start3A_355 = arith.constant 0 : i32
    %dma_start3A_356 = tpu.memref_slice %arg7[%dma_start3A_353, %dma_start3A_354, %dma_start3A_355] : memref<32x80x16xf32, #tpu.memory_space<vmem>> -> memref<1x80x16xf32, #tpu.memory_space<vmem>>
    %dma_start3A_357 = tpu.memref_squeeze %dma_start3A_356 : memref<1x80x16xf32, #tpu.memory_space<vmem>> -> memref<80x16xf32, #tpu.memory_space<vmem>>
    %dma_start3A_358 = arith.constant 0 : i32
    %dma_start3A_359 = tpu.memref_slice %arg5[%dma_start3A_352, %dma_start3A_358] : memref<32x80xi32, #tpu.memory_space<vmem>> -> memref<1x80xi32, #tpu.memory_space<vmem>>
    %dma_start3A_360 = tpu.memref_squeeze %dma_start3A_359 : memref<1x80xi32, #tpu.memory_space<vmem>> -> memref<80xi32, #tpu.memory_space<vmem>>
    %dma_start3A_361 = arith.constant 0 : i32
    %dma_start3A_362 = arith.constant 0 : i32
    %dma_start3A_363 = tpu.memref_slice %arg6[%dma_start3A_361, %dma_start3A_362] : memref<1000x16xf32, #tpu.memory_space<vmem_shared>> -> memref<1000x16xf32, #tpu.memory_space<vmem_shared>>
    tpu.enqueue_indirect_dma source(%dma_start3A_363 : memref<1000x16xf32, #tpu.memory_space<vmem_shared>>) target(%dma_start3A_357 : memref<80x16xf32, #tpu.memory_space<vmem>>) offsets(%dma_start3A_360 : memref<80xi32, #tpu.memory_space<vmem>>) semaphore(%arg9 : memref<!tpu.dma_semaphore, #tpu.memory_space<semaphore_mem>>)
    %dma_start3A_364 = arith.constant 30 : i32
    %dma_start3A_365 = arith.constant 30 : i32
    %dma_start3A_366 = arith.constant 0 : i32
    %dma_start3A_367 = arith.constant 0 : i32
    %dma_start3A_368 = tpu.memref_slice %arg7[%dma_start3A_365, %dma_start3A_366, %dma_start3A_367] : memref<32x80x16xf32, #tpu.memory_space<vmem>> -> memref<1x80x16xf32, #tpu.memory_space<vmem>>
    %dma_start3A_369 = tpu.memref_squeeze %dma_start3A_368 : memref<1x80x16xf32, #tpu.memory_space<vmem>> -> memref<80x16xf32, #tpu.memory_space<vmem>>
    %dma_start3A_370 = arith.constant 0 : i32
    %dma_start3A_371 = tpu.memref_slice %arg5[%dma_start3A_364, %dma_start3A_370] : memref<32x80xi32, #tpu.memory_space<vmem>> -> memref<1x80xi32, #tpu.memory_space<vmem>>
    %dma_start3A_372 = tpu.memref_squeeze %dma_start3A_371 : memref<1x80xi32, #tpu.memory_space<vmem>> -> memref<80xi32, #tpu.memory_space<vmem>>
    %dma_start3A_373 = arith.constant 0 : i32
    %dma_start3A_374 = arith.constant 0 : i32
    %dma_start3A_375 = tpu.memref_slice %arg6[%dma_start3A_373, %dma_start3A_374] : memref<1000x16xf32, #tpu.memory_space<vmem_shared>> -> memref<1000x16xf32, #tpu.memory_space<vmem_shared>>
    tpu.enqueue_indirect_dma source(%dma_start3A_375 : memref<1000x16xf32, #tpu.memory_space<vmem_shared>>) target(%dma_start3A_369 : memref<80x16xf32, #tpu.memory_space<vmem>>) offsets(%dma_start3A_372 : memref<80xi32, #tpu.memory_space<vmem>>) semaphore(%arg9 : memref<!tpu.dma_semaphore, #tpu.memory_space<semaphore_mem>>)
    %dma_start3A_376 = arith.constant 31 : i32
    %dma_start3A_377 = arith.constant 31 : i32
    %dma_start3A_378 = arith.constant 0 : i32
    %dma_start3A_379 = arith.constant 0 : i32
    %dma_start3A_380 = tpu.memref_slice %arg7[%dma_start3A_377, %dma_start3A_378, %dma_start3A_379] : memref<32x80x16xf32, #tpu.memory_space<vmem>> -> memref<1x80x16xf32, #tpu.memory_space<vmem>>
    %dma_start3A_381 = tpu.memref_squeeze %dma_start3A_380 : memref<1x80x16xf32, #tpu.memory_space<vmem>> -> memref<80x16xf32, #tpu.memory_space<vmem>>
    %dma_start3A_382 = arith.constant 0 : i32
    %dma_start3A_383 = tpu.memref_slice %arg5[%dma_start3A_376, %dma_start3A_382] : memref<32x80xi32, #tpu.memory_space<vmem>> -> memref<1x80xi32, #tpu.memory_space<vmem>>
    %dma_start3A_384 = tpu.memref_squeeze %dma_start3A_383 : memref<1x80xi32, #tpu.memory_space<vmem>> -> memref<80xi32, #tpu.memory_space<vmem>>
    %dma_start3A_385 = arith.constant 0 : i32
    %dma_start3A_386 = arith.constant 0 : i32
    %dma_start3A_387 = tpu.memref_slice %arg6[%dma_start3A_385, %dma_start3A_386] : memref<1000x16xf32, #tpu.memory_space<vmem_shared>> -> memref<1000x16xf32, #tpu.memory_space<vmem_shared>>
    tpu.enqueue_indirect_dma source(%dma_start3A_387 : memref<1000x16xf32, #tpu.memory_space<vmem_shared>>) target(%dma_start3A_381 : memref<80x16xf32, #tpu.memory_space<vmem>>) offsets(%dma_start3A_384 : memref<80xi32, #tpu.memory_space<vmem>>) semaphore(%arg9 : memref<!tpu.dma_semaphore, #tpu.memory_space<semaphore_mem>>)
    %dma_wait3A = arith.constant 0 : i32
    %dma_wait3A_388 = arith.constant 0 : i32
    %dma_wait3A_389 = arith.constant 0 : i32
    %dma_wait3A_390 = arith.constant 0 : i32
    %dma_wait3A_391 = tpu.memref_slice %arg7[%dma_wait3A_388, %dma_wait3A_389, %dma_wait3A_390] : memref<32x80x16xf32, #tpu.memory_space<vmem>> -> memref<1x80x16xf32, #tpu.memory_space<vmem>>
    %dma_wait3A_392 = tpu.memref_squeeze %dma_wait3A_391 : memref<1x80x16xf32, #tpu.memory_space<vmem>> -> memref<80x16xf32, #tpu.memory_space<vmem>>
    %dma_wait3A_393 = arith.constant 0 : i32
    %dma_wait3A_394 = tpu.memref_slice %arg5[%dma_wait3A, %dma_wait3A_393] : memref<32x80xi32, #tpu.memory_space<vmem>> -> memref<1x80xi32, #tpu.memory_space<vmem>>
    %dma_wait3A_395 = tpu.memref_squeeze %dma_wait3A_394 : memref<1x80xi32, #tpu.memory_space<vmem>> -> memref<80xi32, #tpu.memory_space<vmem>>
    %dma_wait3A_396 = arith.constant 0 : i32
    %dma_wait3A_397 = arith.constant 0 : i32
    %dma_wait3A_398 = tpu.memref_slice %arg6[%dma_wait3A_396, %dma_wait3A_397] : memref<1000x16xf32, #tpu.memory_space<vmem_shared>> -> memref<1000x16xf32, #tpu.memory_space<vmem_shared>>
    tpu.wait_indirect_dma semaphore(%arg9 : memref<!tpu.dma_semaphore, #tpu.memory_space<semaphore_mem>>) src(%dma_wait3A_398 : memref<1000x16xf32, #tpu.memory_space<vmem_shared>>) dst(%dma_wait3A_392 : memref<80x16xf32, #tpu.memory_space<vmem>>)
    %dma_wait3A_399 = arith.constant 1 : i32
    %dma_wait3A_400 = arith.constant 1 : i32
    %dma_wait3A_401 = arith.constant 0 : i32
    %dma_wait3A_402 = arith.constant 0 : i32
    %dma_wait3A_403 = tpu.memref_slice %arg7[%dma_wait3A_400, %dma_wait3A_401, %dma_wait3A_402] : memref<32x80x16xf32, #tpu.memory_space<vmem>> -> memref<1x80x16xf32, #tpu.memory_space<vmem>>
    %dma_wait3A_404 = tpu.memref_squeeze %dma_wait3A_403 : memref<1x80x16xf32, #tpu.memory_space<vmem>> -> memref<80x16xf32, #tpu.memory_space<vmem>>
    %dma_wait3A_405 = arith.constant 0 : i32
    %dma_wait3A_406 = tpu.memref_slice %arg5[%dma_wait3A_399, %dma_wait3A_405] : memref<32x80xi32, #tpu.memory_space<vmem>> -> memref<1x80xi32, #tpu.memory_space<vmem>>
    %dma_wait3A_407 = tpu.memref_squeeze %dma_wait3A_406 : memref<1x80xi32, #tpu.memory_space<vmem>> -> memref<80xi32, #tpu.memory_space<vmem>>
    %dma_wait3A_408 = arith.constant 0 : i32
    %dma_wait3A_409 = arith.constant 0 : i32
    %dma_wait3A_410 = tpu.memref_slice %arg6[%dma_wait3A_408, %dma_wait3A_409] : memref<1000x16xf32, #tpu.memory_space<vmem_shared>> -> memref<1000x16xf32, #tpu.memory_space<vmem_shared>>
    tpu.wait_indirect_dma semaphore(%arg9 : memref<!tpu.dma_semaphore, #tpu.memory_space<semaphore_mem>>) src(%dma_wait3A_410 : memref<1000x16xf32, #tpu.memory_space<vmem_shared>>) dst(%dma_wait3A_404 : memref<80x16xf32, #tpu.memory_space<vmem>>)
    %dma_wait3A_411 = arith.constant 2 : i32
    %dma_wait3A_412 = arith.constant 2 : i32
    %dma_wait3A_413 = arith.constant 0 : i32
    %dma_wait3A_414 = arith.constant 0 : i32
    %dma_wait3A_415 = tpu.memref_slice %arg7[%dma_wait3A_412, %dma_wait3A_413, %dma_wait3A_414] : memref<32x80x16xf32, #tpu.memory_space<vmem>> -> memref<1x80x16xf32, #tpu.memory_space<vmem>>
    %dma_wait3A_416 = tpu.memref_squeeze %dma_wait3A_415 : memref<1x80x16xf32, #tpu.memory_space<vmem>> -> memref<80x16xf32, #tpu.memory_space<vmem>>
    %dma_wait3A_417 = arith.constant 0 : i32
    %dma_wait3A_418 = tpu.memref_slice %arg5[%dma_wait3A_411, %dma_wait3A_417] : memref<32x80xi32, #tpu.memory_space<vmem>> -> memref<1x80xi32, #tpu.memory_space<vmem>>
    %dma_wait3A_419 = tpu.memref_squeeze %dma_wait3A_418 : memref<1x80xi32, #tpu.memory_space<vmem>> -> memref<80xi32, #tpu.memory_space<vmem>>
    %dma_wait3A_420 = arith.constant 0 : i32
    %dma_wait3A_421 = arith.constant 0 : i32
    %dma_wait3A_422 = tpu.memref_slice %arg6[%dma_wait3A_420, %dma_wait3A_421] : memref<1000x16xf32, #tpu.memory_space<vmem_shared>> -> memref<1000x16xf32, #tpu.memory_space<vmem_shared>>
    tpu.wait_indirect_dma semaphore(%arg9 : memref<!tpu.dma_semaphore, #tpu.memory_space<semaphore_mem>>) src(%dma_wait3A_422 : memref<1000x16xf32, #tpu.memory_space<vmem_shared>>) dst(%dma_wait3A_416 : memref<80x16xf32, #tpu.memory_space<vmem>>)
    %dma_wait3A_423 = arith.constant 3 : i32
    %dma_wait3A_424 = arith.constant 3 : i32
    %dma_wait3A_425 = arith.constant 0 : i32
    %dma_wait3A_426 = arith.constant 0 : i32
    %dma_wait3A_427 = tpu.memref_slice %arg7[%dma_wait3A_424, %dma_wait3A_425, %dma_wait3A_426] : memref<32x80x16xf32, #tpu.memory_space<vmem>> -> memref<1x80x16xf32, #tpu.memory_space<vmem>>
    %dma_wait3A_428 = tpu.memref_squeeze %dma_wait3A_427 : memref<1x80x16xf32, #tpu.memory_space<vmem>> -> memref<80x16xf32, #tpu.memory_space<vmem>>
    %dma_wait3A_429 = arith.constant 0 : i32
    %dma_wait3A_430 = tpu.memref_slice %arg5[%dma_wait3A_423, %dma_wait3A_429] : memref<32x80xi32, #tpu.memory_space<vmem>> -> memref<1x80xi32, #tpu.memory_space<vmem>>
    %dma_wait3A_431 = tpu.memref_squeeze %dma_wait3A_430 : memref<1x80xi32, #tpu.memory_space<vmem>> -> memref<80xi32, #tpu.memory_space<vmem>>
    %dma_wait3A_432 = arith.constant 0 : i32
    %dma_wait3A_433 = arith.constant 0 : i32
    %dma_wait3A_434 = tpu.memref_slice %arg6[%dma_wait3A_432, %dma_wait3A_433] : memref<1000x16xf32, #tpu.memory_space<vmem_shared>> -> memref<1000x16xf32, #tpu.memory_space<vmem_shared>>
    tpu.wait_indirect_dma semaphore(%arg9 : memref<!tpu.dma_semaphore, #tpu.memory_space<semaphore_mem>>) src(%dma_wait3A_434 : memref<1000x16xf32, #tpu.memory_space<vmem_shared>>) dst(%dma_wait3A_428 : memref<80x16xf32, #tpu.memory_space<vmem>>)
    %dma_wait3A_435 = arith.constant 4 : i32
    %dma_wait3A_436 = arith.constant 4 : i32
    %dma_wait3A_437 = arith.constant 0 : i32
    %dma_wait3A_438 = arith.constant 0 : i32
    %dma_wait3A_439 = tpu.memref_slice %arg7[%dma_wait3A_436, %dma_wait3A_437, %dma_wait3A_438] : memref<32x80x16xf32, #tpu.memory_space<vmem>> -> memref<1x80x16xf32, #tpu.memory_space<vmem>>
    %dma_wait3A_440 = tpu.memref_squeeze %dma_wait3A_439 : memref<1x80x16xf32, #tpu.memory_space<vmem>> -> memref<80x16xf32, #tpu.memory_space<vmem>>
    %dma_wait3A_441 = arith.constant 0 : i32
    %dma_wait3A_442 = tpu.memref_slice %arg5[%dma_wait3A_435, %dma_wait3A_441] : memref<32x80xi32, #tpu.memory_space<vmem>> -> memref<1x80xi32, #tpu.memory_space<vmem>>
    %dma_wait3A_443 = tpu.memref_squeeze %dma_wait3A_442 : memref<1x80xi32, #tpu.memory_space<vmem>> -> memref<80xi32, #tpu.memory_space<vmem>>
    %dma_wait3A_444 = arith.constant 0 : i32
    %dma_wait3A_445 = arith.constant 0 : i32
    %dma_wait3A_446 = tpu.memref_slice %arg6[%dma_wait3A_444, %dma_wait3A_445] : memref<1000x16xf32, #tpu.memory_space<vmem_shared>> -> memref<1000x16xf32, #tpu.memory_space<vmem_shared>>
    tpu.wait_indirect_dma semaphore(%arg9 : memref<!tpu.dma_semaphore, #tpu.memory_space<semaphore_mem>>) src(%dma_wait3A_446 : memref<1000x16xf32, #tpu.memory_space<vmem_shared>>) dst(%dma_wait3A_440 : memref<80x16xf32, #tpu.memory_space<vmem>>)
    %dma_wait3A_447 = arith.constant 5 : i32
    %dma_wait3A_448 = arith.constant 5 : i32
    %dma_wait3A_449 = arith.constant 0 : i32
    %dma_wait3A_450 = arith.constant 0 : i32
    %dma_wait3A_451 = tpu.memref_slice %arg7[%dma_wait3A_448, %dma_wait3A_449, %dma_wait3A_450] : memref<32x80x16xf32, #tpu.memory_space<vmem>> -> memref<1x80x16xf32, #tpu.memory_space<vmem>>
    %dma_wait3A_452 = tpu.memref_squeeze %dma_wait3A_451 : memref<1x80x16xf32, #tpu.memory_space<vmem>> -> memref<80x16xf32, #tpu.memory_space<vmem>>
    %dma_wait3A_453 = arith.constant 0 : i32
    %dma_wait3A_454 = tpu.memref_slice %arg5[%dma_wait3A_447, %dma_wait3A_453] : memref<32x80xi32, #tpu.memory_space<vmem>> -> memref<1x80xi32, #tpu.memory_space<vmem>>
    %dma_wait3A_455 = tpu.memref_squeeze %dma_wait3A_454 : memref<1x80xi32, #tpu.memory_space<vmem>> -> memref<80xi32, #tpu.memory_space<vmem>>
    %dma_wait3A_456 = arith.constant 0 : i32
    %dma_wait3A_457 = arith.constant 0 : i32
    %dma_wait3A_458 = tpu.memref_slice %arg6[%dma_wait3A_456, %dma_wait3A_457] : memref<1000x16xf32, #tpu.memory_space<vmem_shared>> -> memref<1000x16xf32, #tpu.memory_space<vmem_shared>>
    tpu.wait_indirect_dma semaphore(%arg9 : memref<!tpu.dma_semaphore, #tpu.memory_space<semaphore_mem>>) src(%dma_wait3A_458 : memref<1000x16xf32, #tpu.memory_space<vmem_shared>>) dst(%dma_wait3A_452 : memref<80x16xf32, #tpu.memory_space<vmem>>)
    %dma_wait3A_459 = arith.constant 6 : i32
    %dma_wait3A_460 = arith.constant 6 : i32
    %dma_wait3A_461 = arith.constant 0 : i32
    %dma_wait3A_462 = arith.constant 0 : i32
    %dma_wait3A_463 = tpu.memref_slice %arg7[%dma_wait3A_460, %dma_wait3A_461, %dma_wait3A_462] : memref<32x80x16xf32, #tpu.memory_space<vmem>> -> memref<1x80x16xf32, #tpu.memory_space<vmem>>
    %dma_wait3A_464 = tpu.memref_squeeze %dma_wait3A_463 : memref<1x80x16xf32, #tpu.memory_space<vmem>> -> memref<80x16xf32, #tpu.memory_space<vmem>>
    %dma_wait3A_465 = arith.constant 0 : i32
    %dma_wait3A_466 = tpu.memref_slice %arg5[%dma_wait3A_459, %dma_wait3A_465] : memref<32x80xi32, #tpu.memory_space<vmem>> -> memref<1x80xi32, #tpu.memory_space<vmem>>
    %dma_wait3A_467 = tpu.memref_squeeze %dma_wait3A_466 : memref<1x80xi32, #tpu.memory_space<vmem>> -> memref<80xi32, #tpu.memory_space<vmem>>
    %dma_wait3A_468 = arith.constant 0 : i32
    %dma_wait3A_469 = arith.constant 0 : i32
    %dma_wait3A_470 = tpu.memref_slice %arg6[%dma_wait3A_468, %dma_wait3A_469] : memref<1000x16xf32, #tpu.memory_space<vmem_shared>> -> memref<1000x16xf32, #tpu.memory_space<vmem_shared>>
    tpu.wait_indirect_dma semaphore(%arg9 : memref<!tpu.dma_semaphore, #tpu.memory_space<semaphore_mem>>) src(%dma_wait3A_470 : memref<1000x16xf32, #tpu.memory_space<vmem_shared>>) dst(%dma_wait3A_464 : memref<80x16xf32, #tpu.memory_space<vmem>>)
    %dma_wait3A_471 = arith.constant 7 : i32
    %dma_wait3A_472 = arith.constant 7 : i32
    %dma_wait3A_473 = arith.constant 0 : i32
    %dma_wait3A_474 = arith.constant 0 : i32
    %dma_wait3A_475 = tpu.memref_slice %arg7[%dma_wait3A_472, %dma_wait3A_473, %dma_wait3A_474] : memref<32x80x16xf32, #tpu.memory_space<vmem>> -> memref<1x80x16xf32, #tpu.memory_space<vmem>>
    %dma_wait3A_476 = tpu.memref_squeeze %dma_wait3A_475 : memref<1x80x16xf32, #tpu.memory_space<vmem>> -> memref<80x16xf32, #tpu.memory_space<vmem>>
    %dma_wait3A_477 = arith.constant 0 : i32
    %dma_wait3A_478 = tpu.memref_slice %arg5[%dma_wait3A_471, %dma_wait3A_477] : memref<32x80xi32, #tpu.memory_space<vmem>> -> memref<1x80xi32, #tpu.memory_space<vmem>>
    %dma_wait3A_479 = tpu.memref_squeeze %dma_wait3A_478 : memref<1x80xi32, #tpu.memory_space<vmem>> -> memref<80xi32, #tpu.memory_space<vmem>>
    %dma_wait3A_480 = arith.constant 0 : i32
    %dma_wait3A_481 = arith.constant 0 : i32
    %dma_wait3A_482 = tpu.memref_slice %arg6[%dma_wait3A_480, %dma_wait3A_481] : memref<1000x16xf32, #tpu.memory_space<vmem_shared>> -> memref<1000x16xf32, #tpu.memory_space<vmem_shared>>
    tpu.wait_indirect_dma semaphore(%arg9 : memref<!tpu.dma_semaphore, #tpu.memory_space<semaphore_mem>>) src(%dma_wait3A_482 : memref<1000x16xf32, #tpu.memory_space<vmem_shared>>) dst(%dma_wait3A_476 : memref<80x16xf32, #tpu.memory_space<vmem>>)
    %dma_wait3A_483 = arith.constant 8 : i32
    %dma_wait3A_484 = arith.constant 8 : i32
    %dma_wait3A_485 = arith.constant 0 : i32
    %dma_wait3A_486 = arith.constant 0 : i32
    %dma_wait3A_487 = tpu.memref_slice %arg7[%dma_wait3A_484, %dma_wait3A_485, %dma_wait3A_486] : memref<32x80x16xf32, #tpu.memory_space<vmem>> -> memref<1x80x16xf32, #tpu.memory_space<vmem>>
    %dma_wait3A_488 = tpu.memref_squeeze %dma_wait3A_487 : memref<1x80x16xf32, #tpu.memory_space<vmem>> -> memref<80x16xf32, #tpu.memory_space<vmem>>
    %dma_wait3A_489 = arith.constant 0 : i32
    %dma_wait3A_490 = tpu.memref_slice %arg5[%dma_wait3A_483, %dma_wait3A_489] : memref<32x80xi32, #tpu.memory_space<vmem>> -> memref<1x80xi32, #tpu.memory_space<vmem>>
    %dma_wait3A_491 = tpu.memref_squeeze %dma_wait3A_490 : memref<1x80xi32, #tpu.memory_space<vmem>> -> memref<80xi32, #tpu.memory_space<vmem>>
    %dma_wait3A_492 = arith.constant 0 : i32
    %dma_wait3A_493 = arith.constant 0 : i32
    %dma_wait3A_494 = tpu.memref_slice %arg6[%dma_wait3A_492, %dma_wait3A_493] : memref<1000x16xf32, #tpu.memory_space<vmem_shared>> -> memref<1000x16xf32, #tpu.memory_space<vmem_shared>>
    tpu.wait_indirect_dma semaphore(%arg9 : memref<!tpu.dma_semaphore, #tpu.memory_space<semaphore_mem>>) src(%dma_wait3A_494 : memref<1000x16xf32, #tpu.memory_space<vmem_shared>>) dst(%dma_wait3A_488 : memref<80x16xf32, #tpu.memory_space<vmem>>)
    %dma_wait3A_495 = arith.constant 9 : i32
    %dma_wait3A_496 = arith.constant 9 : i32
    %dma_wait3A_497 = arith.constant 0 : i32
    %dma_wait3A_498 = arith.constant 0 : i32
    %dma_wait3A_499 = tpu.memref_slice %arg7[%dma_wait3A_496, %dma_wait3A_497, %dma_wait3A_498] : memref<32x80x16xf32, #tpu.memory_space<vmem>> -> memref<1x80x16xf32, #tpu.memory_space<vmem>>
    %dma_wait3A_500 = tpu.memref_squeeze %dma_wait3A_499 : memref<1x80x16xf32, #tpu.memory_space<vmem>> -> memref<80x16xf32, #tpu.memory_space<vmem>>
    %dma_wait3A_501 = arith.constant 0 : i32
    %dma_wait3A_502 = tpu.memref_slice %arg5[%dma_wait3A_495, %dma_wait3A_501] : memref<32x80xi32, #tpu.memory_space<vmem>> -> memref<1x80xi32, #tpu.memory_space<vmem>>
    %dma_wait3A_503 = tpu.memref_squeeze %dma_wait3A_502 : memref<1x80xi32, #tpu.memory_space<vmem>> -> memref<80xi32, #tpu.memory_space<vmem>>
    %dma_wait3A_504 = arith.constant 0 : i32
    %dma_wait3A_505 = arith.constant 0 : i32
    %dma_wait3A_506 = tpu.memref_slice %arg6[%dma_wait3A_504, %dma_wait3A_505] : memref<1000x16xf32, #tpu.memory_space<vmem_shared>> -> memref<1000x16xf32, #tpu.memory_space<vmem_shared>>
    tpu.wait_indirect_dma semaphore(%arg9 : memref<!tpu.dma_semaphore, #tpu.memory_space<semaphore_mem>>) src(%dma_wait3A_506 : memref<1000x16xf32, #tpu.memory_space<vmem_shared>>) dst(%dma_wait3A_500 : memref<80x16xf32, #tpu.memory_space<vmem>>)
    %dma_wait3A_507 = arith.constant 10 : i32
    %dma_wait3A_508 = arith.constant 10 : i32
    %dma_wait3A_509 = arith.constant 0 : i32
    %dma_wait3A_510 = arith.constant 0 : i32
    %dma_wait3A_511 = tpu.memref_slice %arg7[%dma_wait3A_508, %dma_wait3A_509, %dma_wait3A_510] : memref<32x80x16xf32, #tpu.memory_space<vmem>> -> memref<1x80x16xf32, #tpu.memory_space<vmem>>
    %dma_wait3A_512 = tpu.memref_squeeze %dma_wait3A_511 : memref<1x80x16xf32, #tpu.memory_space<vmem>> -> memref<80x16xf32, #tpu.memory_space<vmem>>
    %dma_wait3A_513 = arith.constant 0 : i32
    %dma_wait3A_514 = tpu.memref_slice %arg5[%dma_wait3A_507, %dma_wait3A_513] : memref<32x80xi32, #tpu.memory_space<vmem>> -> memref<1x80xi32, #tpu.memory_space<vmem>>
    %dma_wait3A_515 = tpu.memref_squeeze %dma_wait3A_514 : memref<1x80xi32, #tpu.memory_space<vmem>> -> memref<80xi32, #tpu.memory_space<vmem>>
    %dma_wait3A_516 = arith.constant 0 : i32
    %dma_wait3A_517 = arith.constant 0 : i32
    %dma_wait3A_518 = tpu.memref_slice %arg6[%dma_wait3A_516, %dma_wait3A_517] : memref<1000x16xf32, #tpu.memory_space<vmem_shared>> -> memref<1000x16xf32, #tpu.memory_space<vmem_shared>>
    tpu.wait_indirect_dma semaphore(%arg9 : memref<!tpu.dma_semaphore, #tpu.memory_space<semaphore_mem>>) src(%dma_wait3A_518 : memref<1000x16xf32, #tpu.memory_space<vmem_shared>>) dst(%dma_wait3A_512 : memref<80x16xf32, #tpu.memory_space<vmem>>)
    %dma_wait3A_519 = arith.constant 11 : i32
    %dma_wait3A_520 = arith.constant 11 : i32
    %dma_wait3A_521 = arith.constant 0 : i32
    %dma_wait3A_522 = arith.constant 0 : i32
    %dma_wait3A_523 = tpu.memref_slice %arg7[%dma_wait3A_520, %dma_wait3A_521, %dma_wait3A_522] : memref<32x80x16xf32, #tpu.memory_space<vmem>> -> memref<1x80x16xf32, #tpu.memory_space<vmem>>
    %dma_wait3A_524 = tpu.memref_squeeze %dma_wait3A_523 : memref<1x80x16xf32, #tpu.memory_space<vmem>> -> memref<80x16xf32, #tpu.memory_space<vmem>>
    %dma_wait3A_525 = arith.constant 0 : i32
    %dma_wait3A_526 = tpu.memref_slice %arg5[%dma_wait3A_519, %dma_wait3A_525] : memref<32x80xi32, #tpu.memory_space<vmem>> -> memref<1x80xi32, #tpu.memory_space<vmem>>
    %dma_wait3A_527 = tpu.memref_squeeze %dma_wait3A_526 : memref<1x80xi32, #tpu.memory_space<vmem>> -> memref<80xi32, #tpu.memory_space<vmem>>
    %dma_wait3A_528 = arith.constant 0 : i32
    %dma_wait3A_529 = arith.constant 0 : i32
    %dma_wait3A_530 = tpu.memref_slice %arg6[%dma_wait3A_528, %dma_wait3A_529] : memref<1000x16xf32, #tpu.memory_space<vmem_shared>> -> memref<1000x16xf32, #tpu.memory_space<vmem_shared>>
    tpu.wait_indirect_dma semaphore(%arg9 : memref<!tpu.dma_semaphore, #tpu.memory_space<semaphore_mem>>) src(%dma_wait3A_530 : memref<1000x16xf32, #tpu.memory_space<vmem_shared>>) dst(%dma_wait3A_524 : memref<80x16xf32, #tpu.memory_space<vmem>>)
    %dma_wait3A_531 = arith.constant 12 : i32
    %dma_wait3A_532 = arith.constant 12 : i32
    %dma_wait3A_533 = arith.constant 0 : i32
    %dma_wait3A_534 = arith.constant 0 : i32
    %dma_wait3A_535 = tpu.memref_slice %arg7[%dma_wait3A_532, %dma_wait3A_533, %dma_wait3A_534] : memref<32x80x16xf32, #tpu.memory_space<vmem>> -> memref<1x80x16xf32, #tpu.memory_space<vmem>>
    %dma_wait3A_536 = tpu.memref_squeeze %dma_wait3A_535 : memref<1x80x16xf32, #tpu.memory_space<vmem>> -> memref<80x16xf32, #tpu.memory_space<vmem>>
    %dma_wait3A_537 = arith.constant 0 : i32
    %dma_wait3A_538 = tpu.memref_slice %arg5[%dma_wait3A_531, %dma_wait3A_537] : memref<32x80xi32, #tpu.memory_space<vmem>> -> memref<1x80xi32, #tpu.memory_space<vmem>>
    %dma_wait3A_539 = tpu.memref_squeeze %dma_wait3A_538 : memref<1x80xi32, #tpu.memory_space<vmem>> -> memref<80xi32, #tpu.memory_space<vmem>>
    %dma_wait3A_540 = arith.constant 0 : i32
    %dma_wait3A_541 = arith.constant 0 : i32
    %dma_wait3A_542 = tpu.memref_slice %arg6[%dma_wait3A_540, %dma_wait3A_541] : memref<1000x16xf32, #tpu.memory_space<vmem_shared>> -> memref<1000x16xf32, #tpu.memory_space<vmem_shared>>
    tpu.wait_indirect_dma semaphore(%arg9 : memref<!tpu.dma_semaphore, #tpu.memory_space<semaphore_mem>>) src(%dma_wait3A_542 : memref<1000x16xf32, #tpu.memory_space<vmem_shared>>) dst(%dma_wait3A_536 : memref<80x16xf32, #tpu.memory_space<vmem>>)
    %dma_wait3A_543 = arith.constant 13 : i32
    %dma_wait3A_544 = arith.constant 13 : i32
    %dma_wait3A_545 = arith.constant 0 : i32
    %dma_wait3A_546 = arith.constant 0 : i32
    %dma_wait3A_547 = tpu.memref_slice %arg7[%dma_wait3A_544, %dma_wait3A_545, %dma_wait3A_546] : memref<32x80x16xf32, #tpu.memory_space<vmem>> -> memref<1x80x16xf32, #tpu.memory_space<vmem>>
    %dma_wait3A_548 = tpu.memref_squeeze %dma_wait3A_547 : memref<1x80x16xf32, #tpu.memory_space<vmem>> -> memref<80x16xf32, #tpu.memory_space<vmem>>
    %dma_wait3A_549 = arith.constant 0 : i32
    %dma_wait3A_550 = tpu.memref_slice %arg5[%dma_wait3A_543, %dma_wait3A_549] : memref<32x80xi32, #tpu.memory_space<vmem>> -> memref<1x80xi32, #tpu.memory_space<vmem>>
    %dma_wait3A_551 = tpu.memref_squeeze %dma_wait3A_550 : memref<1x80xi32, #tpu.memory_space<vmem>> -> memref<80xi32, #tpu.memory_space<vmem>>
    %dma_wait3A_552 = arith.constant 0 : i32
    %dma_wait3A_553 = arith.constant 0 : i32
    %dma_wait3A_554 = tpu.memref_slice %arg6[%dma_wait3A_552, %dma_wait3A_553] : memref<1000x16xf32, #tpu.memory_space<vmem_shared>> -> memref<1000x16xf32, #tpu.memory_space<vmem_shared>>
    tpu.wait_indirect_dma semaphore(%arg9 : memref<!tpu.dma_semaphore, #tpu.memory_space<semaphore_mem>>) src(%dma_wait3A_554 : memref<1000x16xf32, #tpu.memory_space<vmem_shared>>) dst(%dma_wait3A_548 : memref<80x16xf32, #tpu.memory_space<vmem>>)
    %dma_wait3A_555 = arith.constant 14 : i32
    %dma_wait3A_556 = arith.constant 14 : i32
    %dma_wait3A_557 = arith.constant 0 : i32
    %dma_wait3A_558 = arith.constant 0 : i32
    %dma_wait3A_559 = tpu.memref_slice %arg7[%dma_wait3A_556, %dma_wait3A_557, %dma_wait3A_558] : memref<32x80x16xf32, #tpu.memory_space<vmem>> -> memref<1x80x16xf32, #tpu.memory_space<vmem>>
    %dma_wait3A_560 = tpu.memref_squeeze %dma_wait3A_559 : memref<1x80x16xf32, #tpu.memory_space<vmem>> -> memref<80x16xf32, #tpu.memory_space<vmem>>
    %dma_wait3A_561 = arith.constant 0 : i32
    %dma_wait3A_562 = tpu.memref_slice %arg5[%dma_wait3A_555, %dma_wait3A_561] : memref<32x80xi32, #tpu.memory_space<vmem>> -> memref<1x80xi32, #tpu.memory_space<vmem>>
    %dma_wait3A_563 = tpu.memref_squeeze %dma_wait3A_562 : memref<1x80xi32, #tpu.memory_space<vmem>> -> memref<80xi32, #tpu.memory_space<vmem>>
    %dma_wait3A_564 = arith.constant 0 : i32
    %dma_wait3A_565 = arith.constant 0 : i32
    %dma_wait3A_566 = tpu.memref_slice %arg6[%dma_wait3A_564, %dma_wait3A_565] : memref<1000x16xf32, #tpu.memory_space<vmem_shared>> -> memref<1000x16xf32, #tpu.memory_space<vmem_shared>>
    tpu.wait_indirect_dma semaphore(%arg9 : memref<!tpu.dma_semaphore, #tpu.memory_space<semaphore_mem>>) src(%dma_wait3A_566 : memref<1000x16xf32, #tpu.memory_space<vmem_shared>>) dst(%dma_wait3A_560 : memref<80x16xf32, #tpu.memory_space<vmem>>)
    %dma_wait3A_567 = arith.constant 15 : i32
    %dma_wait3A_568 = arith.constant 15 : i32
    %dma_wait3A_569 = arith.constant 0 : i32
    %dma_wait3A_570 = arith.constant 0 : i32
    %dma_wait3A_571 = tpu.memref_slice %arg7[%dma_wait3A_568, %dma_wait3A_569, %dma_wait3A_570] : memref<32x80x16xf32, #tpu.memory_space<vmem>> -> memref<1x80x16xf32, #tpu.memory_space<vmem>>
    %dma_wait3A_572 = tpu.memref_squeeze %dma_wait3A_571 : memref<1x80x16xf32, #tpu.memory_space<vmem>> -> memref<80x16xf32, #tpu.memory_space<vmem>>
    %dma_wait3A_573 = arith.constant 0 : i32
    %dma_wait3A_574 = tpu.memref_slice %arg5[%dma_wait3A_567, %dma_wait3A_573] : memref<32x80xi32, #tpu.memory_space<vmem>> -> memref<1x80xi32, #tpu.memory_space<vmem>>
    %dma_wait3A_575 = tpu.memref_squeeze %dma_wait3A_574 : memref<1x80xi32, #tpu.memory_space<vmem>> -> memref<80xi32, #tpu.memory_space<vmem>>
    %dma_wait3A_576 = arith.constant 0 : i32
    %dma_wait3A_577 = arith.constant 0 : i32
    %dma_wait3A_578 = tpu.memref_slice %arg6[%dma_wait3A_576, %dma_wait3A_577] : memref<1000x16xf32, #tpu.memory_space<vmem_shared>> -> memref<1000x16xf32, #tpu.memory_space<vmem_shared>>
    tpu.wait_indirect_dma semaphore(%arg9 : memref<!tpu.dma_semaphore, #tpu.memory_space<semaphore_mem>>) src(%dma_wait3A_578 : memref<1000x16xf32, #tpu.memory_space<vmem_shared>>) dst(%dma_wait3A_572 : memref<80x16xf32, #tpu.memory_space<vmem>>)
    %dma_wait3A_579 = arith.constant 16 : i32
    %dma_wait3A_580 = arith.constant 16 : i32
    %dma_wait3A_581 = arith.constant 0 : i32
    %dma_wait3A_582 = arith.constant 0 : i32
    %dma_wait3A_583 = tpu.memref_slice %arg7[%dma_wait3A_580, %dma_wait3A_581, %dma_wait3A_582] : memref<32x80x16xf32, #tpu.memory_space<vmem>> -> memref<1x80x16xf32, #tpu.memory_space<vmem>>
    %dma_wait3A_584 = tpu.memref_squeeze %dma_wait3A_583 : memref<1x80x16xf32, #tpu.memory_space<vmem>> -> memref<80x16xf32, #tpu.memory_space<vmem>>
    %dma_wait3A_585 = arith.constant 0 : i32
    %dma_wait3A_586 = tpu.memref_slice %arg5[%dma_wait3A_579, %dma_wait3A_585] : memref<32x80xi32, #tpu.memory_space<vmem>> -> memref<1x80xi32, #tpu.memory_space<vmem>>
    %dma_wait3A_587 = tpu.memref_squeeze %dma_wait3A_586 : memref<1x80xi32, #tpu.memory_space<vmem>> -> memref<80xi32, #tpu.memory_space<vmem>>
    %dma_wait3A_588 = arith.constant 0 : i32
    %dma_wait3A_589 = arith.constant 0 : i32
    %dma_wait3A_590 = tpu.memref_slice %arg6[%dma_wait3A_588, %dma_wait3A_589] : memref<1000x16xf32, #tpu.memory_space<vmem_shared>> -> memref<1000x16xf32, #tpu.memory_space<vmem_shared>>
    tpu.wait_indirect_dma semaphore(%arg9 : memref<!tpu.dma_semaphore, #tpu.memory_space<semaphore_mem>>) src(%dma_wait3A_590 : memref<1000x16xf32, #tpu.memory_space<vmem_shared>>) dst(%dma_wait3A_584 : memref<80x16xf32, #tpu.memory_space<vmem>>)
    %dma_wait3A_591 = arith.constant 17 : i32
    %dma_wait3A_592 = arith.constant 17 : i32
    %dma_wait3A_593 = arith.constant 0 : i32
    %dma_wait3A_594 = arith.constant 0 : i32
    %dma_wait3A_595 = tpu.memref_slice %arg7[%dma_wait3A_592, %dma_wait3A_593, %dma_wait3A_594] : memref<32x80x16xf32, #tpu.memory_space<vmem>> -> memref<1x80x16xf32, #tpu.memory_space<vmem>>
    %dma_wait3A_596 = tpu.memref_squeeze %dma_wait3A_595 : memref<1x80x16xf32, #tpu.memory_space<vmem>> -> memref<80x16xf32, #tpu.memory_space<vmem>>
    %dma_wait3A_597 = arith.constant 0 : i32
    %dma_wait3A_598 = tpu.memref_slice %arg5[%dma_wait3A_591, %dma_wait3A_597] : memref<32x80xi32, #tpu.memory_space<vmem>> -> memref<1x80xi32, #tpu.memory_space<vmem>>
    %dma_wait3A_599 = tpu.memref_squeeze %dma_wait3A_598 : memref<1x80xi32, #tpu.memory_space<vmem>> -> memref<80xi32, #tpu.memory_space<vmem>>
    %dma_wait3A_600 = arith.constant 0 : i32
    %dma_wait3A_601 = arith.constant 0 : i32
    %dma_wait3A_602 = tpu.memref_slice %arg6[%dma_wait3A_600, %dma_wait3A_601] : memref<1000x16xf32, #tpu.memory_space<vmem_shared>> -> memref<1000x16xf32, #tpu.memory_space<vmem_shared>>
    tpu.wait_indirect_dma semaphore(%arg9 : memref<!tpu.dma_semaphore, #tpu.memory_space<semaphore_mem>>) src(%dma_wait3A_602 : memref<1000x16xf32, #tpu.memory_space<vmem_shared>>) dst(%dma_wait3A_596 : memref<80x16xf32, #tpu.memory_space<vmem>>)
    %dma_wait3A_603 = arith.constant 18 : i32
    %dma_wait3A_604 = arith.constant 18 : i32
    %dma_wait3A_605 = arith.constant 0 : i32
    %dma_wait3A_606 = arith.constant 0 : i32
    %dma_wait3A_607 = tpu.memref_slice %arg7[%dma_wait3A_604, %dma_wait3A_605, %dma_wait3A_606] : memref<32x80x16xf32, #tpu.memory_space<vmem>> -> memref<1x80x16xf32, #tpu.memory_space<vmem>>
    %dma_wait3A_608 = tpu.memref_squeeze %dma_wait3A_607 : memref<1x80x16xf32, #tpu.memory_space<vmem>> -> memref<80x16xf32, #tpu.memory_space<vmem>>
    %dma_wait3A_609 = arith.constant 0 : i32
    %dma_wait3A_610 = tpu.memref_slice %arg5[%dma_wait3A_603, %dma_wait3A_609] : memref<32x80xi32, #tpu.memory_space<vmem>> -> memref<1x80xi32, #tpu.memory_space<vmem>>
    %dma_wait3A_611 = tpu.memref_squeeze %dma_wait3A_610 : memref<1x80xi32, #tpu.memory_space<vmem>> -> memref<80xi32, #tpu.memory_space<vmem>>
    %dma_wait3A_612 = arith.constant 0 : i32
    %dma_wait3A_613 = arith.constant 0 : i32
    %dma_wait3A_614 = tpu.memref_slice %arg6[%dma_wait3A_612, %dma_wait3A_613] : memref<1000x16xf32, #tpu.memory_space<vmem_shared>> -> memref<1000x16xf32, #tpu.memory_space<vmem_shared>>
    tpu.wait_indirect_dma semaphore(%arg9 : memref<!tpu.dma_semaphore, #tpu.memory_space<semaphore_mem>>) src(%dma_wait3A_614 : memref<1000x16xf32, #tpu.memory_space<vmem_shared>>) dst(%dma_wait3A_608 : memref<80x16xf32, #tpu.memory_space<vmem>>)
    %dma_wait3A_615 = arith.constant 19 : i32
    %dma_wait3A_616 = arith.constant 19 : i32
    %dma_wait3A_617 = arith.constant 0 : i32
    %dma_wait3A_618 = arith.constant 0 : i32
    %dma_wait3A_619 = tpu.memref_slice %arg7[%dma_wait3A_616, %dma_wait3A_617, %dma_wait3A_618] : memref<32x80x16xf32, #tpu.memory_space<vmem>> -> memref<1x80x16xf32, #tpu.memory_space<vmem>>
    %dma_wait3A_620 = tpu.memref_squeeze %dma_wait3A_619 : memref<1x80x16xf32, #tpu.memory_space<vmem>> -> memref<80x16xf32, #tpu.memory_space<vmem>>
    %dma_wait3A_621 = arith.constant 0 : i32
    %dma_wait3A_622 = tpu.memref_slice %arg5[%dma_wait3A_615, %dma_wait3A_621] : memref<32x80xi32, #tpu.memory_space<vmem>> -> memref<1x80xi32, #tpu.memory_space<vmem>>
    %dma_wait3A_623 = tpu.memref_squeeze %dma_wait3A_622 : memref<1x80xi32, #tpu.memory_space<vmem>> -> memref<80xi32, #tpu.memory_space<vmem>>
    %dma_wait3A_624 = arith.constant 0 : i32
    %dma_wait3A_625 = arith.constant 0 : i32
    %dma_wait3A_626 = tpu.memref_slice %arg6[%dma_wait3A_624, %dma_wait3A_625] : memref<1000x16xf32, #tpu.memory_space<vmem_shared>> -> memref<1000x16xf32, #tpu.memory_space<vmem_shared>>
    tpu.wait_indirect_dma semaphore(%arg9 : memref<!tpu.dma_semaphore, #tpu.memory_space<semaphore_mem>>) src(%dma_wait3A_626 : memref<1000x16xf32, #tpu.memory_space<vmem_shared>>) dst(%dma_wait3A_620 : memref<80x16xf32, #tpu.memory_space<vmem>>)
    %dma_wait3A_627 = arith.constant 20 : i32
    %dma_wait3A_628 = arith.constant 20 : i32
    %dma_wait3A_629 = arith.constant 0 : i32
    %dma_wait3A_630 = arith.constant 0 : i32
    %dma_wait3A_631 = tpu.memref_slice %arg7[%dma_wait3A_628, %dma_wait3A_629, %dma_wait3A_630] : memref<32x80x16xf32, #tpu.memory_space<vmem>> -> memref<1x80x16xf32, #tpu.memory_space<vmem>>
    %dma_wait3A_632 = tpu.memref_squeeze %dma_wait3A_631 : memref<1x80x16xf32, #tpu.memory_space<vmem>> -> memref<80x16xf32, #tpu.memory_space<vmem>>
    %dma_wait3A_633 = arith.constant 0 : i32
    %dma_wait3A_634 = tpu.memref_slice %arg5[%dma_wait3A_627, %dma_wait3A_633] : memref<32x80xi32, #tpu.memory_space<vmem>> -> memref<1x80xi32, #tpu.memory_space<vmem>>
    %dma_wait3A_635 = tpu.memref_squeeze %dma_wait3A_634 : memref<1x80xi32, #tpu.memory_space<vmem>> -> memref<80xi32, #tpu.memory_space<vmem>>
    %dma_wait3A_636 = arith.constant 0 : i32
    %dma_wait3A_637 = arith.constant 0 : i32
    %dma_wait3A_638 = tpu.memref_slice %arg6[%dma_wait3A_636, %dma_wait3A_637] : memref<1000x16xf32, #tpu.memory_space<vmem_shared>> -> memref<1000x16xf32, #tpu.memory_space<vmem_shared>>
    tpu.wait_indirect_dma semaphore(%arg9 : memref<!tpu.dma_semaphore, #tpu.memory_space<semaphore_mem>>) src(%dma_wait3A_638 : memref<1000x16xf32, #tpu.memory_space<vmem_shared>>) dst(%dma_wait3A_632 : memref<80x16xf32, #tpu.memory_space<vmem>>)
    %dma_wait3A_639 = arith.constant 21 : i32
    %dma_wait3A_640 = arith.constant 21 : i32
    %dma_wait3A_641 = arith.constant 0 : i32
    %dma_wait3A_642 = arith.constant 0 : i32
    %dma_wait3A_643 = tpu.memref_slice %arg7[%dma_wait3A_640, %dma_wait3A_641, %dma_wait3A_642] : memref<32x80x16xf32, #tpu.memory_space<vmem>> -> memref<1x80x16xf32, #tpu.memory_space<vmem>>
    %dma_wait3A_644 = tpu.memref_squeeze %dma_wait3A_643 : memref<1x80x16xf32, #tpu.memory_space<vmem>> -> memref<80x16xf32, #tpu.memory_space<vmem>>
    %dma_wait3A_645 = arith.constant 0 : i32
    %dma_wait3A_646 = tpu.memref_slice %arg5[%dma_wait3A_639, %dma_wait3A_645] : memref<32x80xi32, #tpu.memory_space<vmem>> -> memref<1x80xi32, #tpu.memory_space<vmem>>
    %dma_wait3A_647 = tpu.memref_squeeze %dma_wait3A_646 : memref<1x80xi32, #tpu.memory_space<vmem>> -> memref<80xi32, #tpu.memory_space<vmem>>
    %dma_wait3A_648 = arith.constant 0 : i32
    %dma_wait3A_649 = arith.constant 0 : i32
    %dma_wait3A_650 = tpu.memref_slice %arg6[%dma_wait3A_648, %dma_wait3A_649] : memref<1000x16xf32, #tpu.memory_space<vmem_shared>> -> memref<1000x16xf32, #tpu.memory_space<vmem_shared>>
    tpu.wait_indirect_dma semaphore(%arg9 : memref<!tpu.dma_semaphore, #tpu.memory_space<semaphore_mem>>) src(%dma_wait3A_650 : memref<1000x16xf32, #tpu.memory_space<vmem_shared>>) dst(%dma_wait3A_644 : memref<80x16xf32, #tpu.memory_space<vmem>>)
    %dma_wait3A_651 = arith.constant 22 : i32
    %dma_wait3A_652 = arith.constant 22 : i32
    %dma_wait3A_653 = arith.constant 0 : i32
    %dma_wait3A_654 = arith.constant 0 : i32
    %dma_wait3A_655 = tpu.memref_slice %arg7[%dma_wait3A_652, %dma_wait3A_653, %dma_wait3A_654] : memref<32x80x16xf32, #tpu.memory_space<vmem>> -> memref<1x80x16xf32, #tpu.memory_space<vmem>>
    %dma_wait3A_656 = tpu.memref_squeeze %dma_wait3A_655 : memref<1x80x16xf32, #tpu.memory_space<vmem>> -> memref<80x16xf32, #tpu.memory_space<vmem>>
    %dma_wait3A_657 = arith.constant 0 : i32
    %dma_wait3A_658 = tpu.memref_slice %arg5[%dma_wait3A_651, %dma_wait3A_657] : memref<32x80xi32, #tpu.memory_space<vmem>> -> memref<1x80xi32, #tpu.memory_space<vmem>>
    %dma_wait3A_659 = tpu.memref_squeeze %dma_wait3A_658 : memref<1x80xi32, #tpu.memory_space<vmem>> -> memref<80xi32, #tpu.memory_space<vmem>>
    %dma_wait3A_660 = arith.constant 0 : i32
    %dma_wait3A_661 = arith.constant 0 : i32
    %dma_wait3A_662 = tpu.memref_slice %arg6[%dma_wait3A_660, %dma_wait3A_661] : memref<1000x16xf32, #tpu.memory_space<vmem_shared>> -> memref<1000x16xf32, #tpu.memory_space<vmem_shared>>
    tpu.wait_indirect_dma semaphore(%arg9 : memref<!tpu.dma_semaphore, #tpu.memory_space<semaphore_mem>>) src(%dma_wait3A_662 : memref<1000x16xf32, #tpu.memory_space<vmem_shared>>) dst(%dma_wait3A_656 : memref<80x16xf32, #tpu.memory_space<vmem>>)
    %dma_wait3A_663 = arith.constant 23 : i32
    %dma_wait3A_664 = arith.constant 23 : i32
    %dma_wait3A_665 = arith.constant 0 : i32
    %dma_wait3A_666 = arith.constant 0 : i32
    %dma_wait3A_667 = tpu.memref_slice %arg7[%dma_wait3A_664, %dma_wait3A_665, %dma_wait3A_666] : memref<32x80x16xf32, #tpu.memory_space<vmem>> -> memref<1x80x16xf32, #tpu.memory_space<vmem>>
    %dma_wait3A_668 = tpu.memref_squeeze %dma_wait3A_667 : memref<1x80x16xf32, #tpu.memory_space<vmem>> -> memref<80x16xf32, #tpu.memory_space<vmem>>
    %dma_wait3A_669 = arith.constant 0 : i32
    %dma_wait3A_670 = tpu.memref_slice %arg5[%dma_wait3A_663, %dma_wait3A_669] : memref<32x80xi32, #tpu.memory_space<vmem>> -> memref<1x80xi32, #tpu.memory_space<vmem>>
    %dma_wait3A_671 = tpu.memref_squeeze %dma_wait3A_670 : memref<1x80xi32, #tpu.memory_space<vmem>> -> memref<80xi32, #tpu.memory_space<vmem>>
    %dma_wait3A_672 = arith.constant 0 : i32
    %dma_wait3A_673 = arith.constant 0 : i32
    %dma_wait3A_674 = tpu.memref_slice %arg6[%dma_wait3A_672, %dma_wait3A_673] : memref<1000x16xf32, #tpu.memory_space<vmem_shared>> -> memref<1000x16xf32, #tpu.memory_space<vmem_shared>>
    tpu.wait_indirect_dma semaphore(%arg9 : memref<!tpu.dma_semaphore, #tpu.memory_space<semaphore_mem>>) src(%dma_wait3A_674 : memref<1000x16xf32, #tpu.memory_space<vmem_shared>>) dst(%dma_wait3A_668 : memref<80x16xf32, #tpu.memory_space<vmem>>)
    %dma_wait3A_675 = arith.constant 24 : i32
    %dma_wait3A_676 = arith.constant 24 : i32
    %dma_wait3A_677 = arith.constant 0 : i32
    %dma_wait3A_678 = arith.constant 0 : i32
    %dma_wait3A_679 = tpu.memref_slice %arg7[%dma_wait3A_676, %dma_wait3A_677, %dma_wait3A_678] : memref<32x80x16xf32, #tpu.memory_space<vmem>> -> memref<1x80x16xf32, #tpu.memory_space<vmem>>
    %dma_wait3A_680 = tpu.memref_squeeze %dma_wait3A_679 : memref<1x80x16xf32, #tpu.memory_space<vmem>> -> memref<80x16xf32, #tpu.memory_space<vmem>>
    %dma_wait3A_681 = arith.constant 0 : i32
    %dma_wait3A_682 = tpu.memref_slice %arg5[%dma_wait3A_675, %dma_wait3A_681] : memref<32x80xi32, #tpu.memory_space<vmem>> -> memref<1x80xi32, #tpu.memory_space<vmem>>
    %dma_wait3A_683 = tpu.memref_squeeze %dma_wait3A_682 : memref<1x80xi32, #tpu.memory_space<vmem>> -> memref<80xi32, #tpu.memory_space<vmem>>
    %dma_wait3A_684 = arith.constant 0 : i32
    %dma_wait3A_685 = arith.constant 0 : i32
    %dma_wait3A_686 = tpu.memref_slice %arg6[%dma_wait3A_684, %dma_wait3A_685] : memref<1000x16xf32, #tpu.memory_space<vmem_shared>> -> memref<1000x16xf32, #tpu.memory_space<vmem_shared>>
    tpu.wait_indirect_dma semaphore(%arg9 : memref<!tpu.dma_semaphore, #tpu.memory_space<semaphore_mem>>) src(%dma_wait3A_686 : memref<1000x16xf32, #tpu.memory_space<vmem_shared>>) dst(%dma_wait3A_680 : memref<80x16xf32, #tpu.memory_space<vmem>>)
    %dma_wait3A_687 = arith.constant 25 : i32
    %dma_wait3A_688 = arith.constant 25 : i32
    %dma_wait3A_689 = arith.constant 0 : i32
    %dma_wait3A_690 = arith.constant 0 : i32
    %dma_wait3A_691 = tpu.memref_slice %arg7[%dma_wait3A_688, %dma_wait3A_689, %dma_wait3A_690] : memref<32x80x16xf32, #tpu.memory_space<vmem>> -> memref<1x80x16xf32, #tpu.memory_space<vmem>>
    %dma_wait3A_692 = tpu.memref_squeeze %dma_wait3A_691 : memref<1x80x16xf32, #tpu.memory_space<vmem>> -> memref<80x16xf32, #tpu.memory_space<vmem>>
    %dma_wait3A_693 = arith.constant 0 : i32
    %dma_wait3A_694 = tpu.memref_slice %arg5[%dma_wait3A_687, %dma_wait3A_693] : memref<32x80xi32, #tpu.memory_space<vmem>> -> memref<1x80xi32, #tpu.memory_space<vmem>>
    %dma_wait3A_695 = tpu.memref_squeeze %dma_wait3A_694 : memref<1x80xi32, #tpu.memory_space<vmem>> -> memref<80xi32, #tpu.memory_space<vmem>>
    %dma_wait3A_696 = arith.constant 0 : i32
    %dma_wait3A_697 = arith.constant 0 : i32
    %dma_wait3A_698 = tpu.memref_slice %arg6[%dma_wait3A_696, %dma_wait3A_697] : memref<1000x16xf32, #tpu.memory_space<vmem_shared>> -> memref<1000x16xf32, #tpu.memory_space<vmem_shared>>
    tpu.wait_indirect_dma semaphore(%arg9 : memref<!tpu.dma_semaphore, #tpu.memory_space<semaphore_mem>>) src(%dma_wait3A_698 : memref<1000x16xf32, #tpu.memory_space<vmem_shared>>) dst(%dma_wait3A_692 : memref<80x16xf32, #tpu.memory_space<vmem>>)
    %dma_wait3A_699 = arith.constant 26 : i32
    %dma_wait3A_700 = arith.constant 26 : i32
    %dma_wait3A_701 = arith.constant 0 : i32
    %dma_wait3A_702 = arith.constant 0 : i32
    %dma_wait3A_703 = tpu.memref_slice %arg7[%dma_wait3A_700, %dma_wait3A_701, %dma_wait3A_702] : memref<32x80x16xf32, #tpu.memory_space<vmem>> -> memref<1x80x16xf32, #tpu.memory_space<vmem>>
    %dma_wait3A_704 = tpu.memref_squeeze %dma_wait3A_703 : memref<1x80x16xf32, #tpu.memory_space<vmem>> -> memref<80x16xf32, #tpu.memory_space<vmem>>
    %dma_wait3A_705 = arith.constant 0 : i32
    %dma_wait3A_706 = tpu.memref_slice %arg5[%dma_wait3A_699, %dma_wait3A_705] : memref<32x80xi32, #tpu.memory_space<vmem>> -> memref<1x80xi32, #tpu.memory_space<vmem>>
    %dma_wait3A_707 = tpu.memref_squeeze %dma_wait3A_706 : memref<1x80xi32, #tpu.memory_space<vmem>> -> memref<80xi32, #tpu.memory_space<vmem>>
    %dma_wait3A_708 = arith.constant 0 : i32
    %dma_wait3A_709 = arith.constant 0 : i32
    %dma_wait3A_710 = tpu.memref_slice %arg6[%dma_wait3A_708, %dma_wait3A_709] : memref<1000x16xf32, #tpu.memory_space<vmem_shared>> -> memref<1000x16xf32, #tpu.memory_space<vmem_shared>>
    tpu.wait_indirect_dma semaphore(%arg9 : memref<!tpu.dma_semaphore, #tpu.memory_space<semaphore_mem>>) src(%dma_wait3A_710 : memref<1000x16xf32, #tpu.memory_space<vmem_shared>>) dst(%dma_wait3A_704 : memref<80x16xf32, #tpu.memory_space<vmem>>)
    %dma_wait3A_711 = arith.constant 27 : i32
    %dma_wait3A_712 = arith.constant 27 : i32
    %dma_wait3A_713 = arith.constant 0 : i32
    %dma_wait3A_714 = arith.constant 0 : i32
    %dma_wait3A_715 = tpu.memref_slice %arg7[%dma_wait3A_712, %dma_wait3A_713, %dma_wait3A_714] : memref<32x80x16xf32, #tpu.memory_space<vmem>> -> memref<1x80x16xf32, #tpu.memory_space<vmem>>
    %dma_wait3A_716 = tpu.memref_squeeze %dma_wait3A_715 : memref<1x80x16xf32, #tpu.memory_space<vmem>> -> memref<80x16xf32, #tpu.memory_space<vmem>>
    %dma_wait3A_717 = arith.constant 0 : i32
    %dma_wait3A_718 = tpu.memref_slice %arg5[%dma_wait3A_711, %dma_wait3A_717] : memref<32x80xi32, #tpu.memory_space<vmem>> -> memref<1x80xi32, #tpu.memory_space<vmem>>
    %dma_wait3A_719 = tpu.memref_squeeze %dma_wait3A_718 : memref<1x80xi32, #tpu.memory_space<vmem>> -> memref<80xi32, #tpu.memory_space<vmem>>
    %dma_wait3A_720 = arith.constant 0 : i32
    %dma_wait3A_721 = arith.constant 0 : i32
    %dma_wait3A_722 = tpu.memref_slice %arg6[%dma_wait3A_720, %dma_wait3A_721] : memref<1000x16xf32, #tpu.memory_space<vmem_shared>> -> memref<1000x16xf32, #tpu.memory_space<vmem_shared>>
    tpu.wait_indirect_dma semaphore(%arg9 : memref<!tpu.dma_semaphore, #tpu.memory_space<semaphore_mem>>) src(%dma_wait3A_722 : memref<1000x16xf32, #tpu.memory_space<vmem_shared>>) dst(%dma_wait3A_716 : memref<80x16xf32, #tpu.memory_space<vmem>>)
    %dma_wait3A_723 = arith.constant 28 : i32
    %dma_wait3A_724 = arith.constant 28 : i32
    %dma_wait3A_725 = arith.constant 0 : i32
    %dma_wait3A_726 = arith.constant 0 : i32
    %dma_wait3A_727 = tpu.memref_slice %arg7[%dma_wait3A_724, %dma_wait3A_725, %dma_wait3A_726] : memref<32x80x16xf32, #tpu.memory_space<vmem>> -> memref<1x80x16xf32, #tpu.memory_space<vmem>>
    %dma_wait3A_728 = tpu.memref_squeeze %dma_wait3A_727 : memref<1x80x16xf32, #tpu.memory_space<vmem>> -> memref<80x16xf32, #tpu.memory_space<vmem>>
    %dma_wait3A_729 = arith.constant 0 : i32
    %dma_wait3A_730 = tpu.memref_slice %arg5[%dma_wait3A_723, %dma_wait3A_729] : memref<32x80xi32, #tpu.memory_space<vmem>> -> memref<1x80xi32, #tpu.memory_space<vmem>>
    %dma_wait3A_731 = tpu.memref_squeeze %dma_wait3A_730 : memref<1x80xi32, #tpu.memory_space<vmem>> -> memref<80xi32, #tpu.memory_space<vmem>>
    %dma_wait3A_732 = arith.constant 0 : i32
    %dma_wait3A_733 = arith.constant 0 : i32
    %dma_wait3A_734 = tpu.memref_slice %arg6[%dma_wait3A_732, %dma_wait3A_733] : memref<1000x16xf32, #tpu.memory_space<vmem_shared>> -> memref<1000x16xf32, #tpu.memory_space<vmem_shared>>
    tpu.wait_indirect_dma semaphore(%arg9 : memref<!tpu.dma_semaphore, #tpu.memory_space<semaphore_mem>>) src(%dma_wait3A_734 : memref<1000x16xf32, #tpu.memory_space<vmem_shared>>) dst(%dma_wait3A_728 : memref<80x16xf32, #tpu.memory_space<vmem>>)
    %dma_wait3A_735 = arith.constant 29 : i32
    %dma_wait3A_736 = arith.constant 29 : i32
    %dma_wait3A_737 = arith.constant 0 : i32
    %dma_wait3A_738 = arith.constant 0 : i32
    %dma_wait3A_739 = tpu.memref_slice %arg7[%dma_wait3A_736, %dma_wait3A_737, %dma_wait3A_738] : memref<32x80x16xf32, #tpu.memory_space<vmem>> -> memref<1x80x16xf32, #tpu.memory_space<vmem>>
    %dma_wait3A_740 = tpu.memref_squeeze %dma_wait3A_739 : memref<1x80x16xf32, #tpu.memory_space<vmem>> -> memref<80x16xf32, #tpu.memory_space<vmem>>
    %dma_wait3A_741 = arith.constant 0 : i32
    %dma_wait3A_742 = tpu.memref_slice %arg5[%dma_wait3A_735, %dma_wait3A_741] : memref<32x80xi32, #tpu.memory_space<vmem>> -> memref<1x80xi32, #tpu.memory_space<vmem>>
    %dma_wait3A_743 = tpu.memref_squeeze %dma_wait3A_742 : memref<1x80xi32, #tpu.memory_space<vmem>> -> memref<80xi32, #tpu.memory_space<vmem>>
    %dma_wait3A_744 = arith.constant 0 : i32
    %dma_wait3A_745 = arith.constant 0 : i32
    %dma_wait3A_746 = tpu.memref_slice %arg6[%dma_wait3A_744, %dma_wait3A_745] : memref<1000x16xf32, #tpu.memory_space<vmem_shared>> -> memref<1000x16xf32, #tpu.memory_space<vmem_shared>>
    tpu.wait_indirect_dma semaphore(%arg9 : memref<!tpu.dma_semaphore, #tpu.memory_space<semaphore_mem>>) src(%dma_wait3A_746 : memref<1000x16xf32, #tpu.memory_space<vmem_shared>>) dst(%dma_wait3A_740 : memref<80x16xf32, #tpu.memory_space<vmem>>)
    %dma_wait3A_747 = arith.constant 30 : i32
    %dma_wait3A_748 = arith.constant 30 : i32
    %dma_wait3A_749 = arith.constant 0 : i32
    %dma_wait3A_750 = arith.constant 0 : i32
    %dma_wait3A_751 = tpu.memref_slice %arg7[%dma_wait3A_748, %dma_wait3A_749, %dma_wait3A_750] : memref<32x80x16xf32, #tpu.memory_space<vmem>> -> memref<1x80x16xf32, #tpu.memory_space<vmem>>
    %dma_wait3A_752 = tpu.memref_squeeze %dma_wait3A_751 : memref<1x80x16xf32, #tpu.memory_space<vmem>> -> memref<80x16xf32, #tpu.memory_space<vmem>>
    %dma_wait3A_753 = arith.constant 0 : i32
    %dma_wait3A_754 = tpu.memref_slice %arg5[%dma_wait3A_747, %dma_wait3A_753] : memref<32x80xi32, #tpu.memory_space<vmem>> -> memref<1x80xi32, #tpu.memory_space<vmem>>
    %dma_wait3A_755 = tpu.memref_squeeze %dma_wait3A_754 : memref<1x80xi32, #tpu.memory_space<vmem>> -> memref<80xi32, #tpu.memory_space<vmem>>
    %dma_wait3A_756 = arith.constant 0 : i32
    %dma_wait3A_757 = arith.constant 0 : i32
    %dma_wait3A_758 = tpu.memref_slice %arg6[%dma_wait3A_756, %dma_wait3A_757] : memref<1000x16xf32, #tpu.memory_space<vmem_shared>> -> memref<1000x16xf32, #tpu.memory_space<vmem_shared>>
    tpu.wait_indirect_dma semaphore(%arg9 : memref<!tpu.dma_semaphore, #tpu.memory_space<semaphore_mem>>) src(%dma_wait3A_758 : memref<1000x16xf32, #tpu.memory_space<vmem_shared>>) dst(%dma_wait3A_752 : memref<80x16xf32, #tpu.memory_space<vmem>>)
    %dma_wait3A_759 = arith.constant 31 : i32
    %dma_wait3A_760 = arith.constant 31 : i32
    %dma_wait3A_761 = arith.constant 0 : i32
    %dma_wait3A_762 = arith.constant 0 : i32
    %dma_wait3A_763 = tpu.memref_slice %arg7[%dma_wait3A_760, %dma_wait3A_761, %dma_wait3A_762] : memref<32x80x16xf32, #tpu.memory_space<vmem>> -> memref<1x80x16xf32, #tpu.memory_space<vmem>>
    %dma_wait3A_764 = tpu.memref_squeeze %dma_wait3A_763 : memref<1x80x16xf32, #tpu.memory_space<vmem>> -> memref<80x16xf32, #tpu.memory_space<vmem>>
    %dma_wait3A_765 = arith.constant 0 : i32
    %dma_wait3A_766 = tpu.memref_slice %arg5[%dma_wait3A_759, %dma_wait3A_765] : memref<32x80xi32, #tpu.memory_space<vmem>> -> memref<1x80xi32, #tpu.memory_space<vmem>>
    %dma_wait3A_767 = tpu.memref_squeeze %dma_wait3A_766 : memref<1x80xi32, #tpu.memory_space<vmem>> -> memref<80xi32, #tpu.memory_space<vmem>>
    %dma_wait3A_768 = arith.constant 0 : i32
    %dma_wait3A_769 = arith.constant 0 : i32
    %dma_wait3A_770 = tpu.memref_slice %arg6[%dma_wait3A_768, %dma_wait3A_769] : memref<1000x16xf32, #tpu.memory_space<vmem_shared>> -> memref<1000x16xf32, #tpu.memory_space<vmem_shared>>
    tpu.wait_indirect_dma semaphore(%arg9 : memref<!tpu.dma_semaphore, #tpu.memory_space<semaphore_mem>>) src(%dma_wait3A_770 : memref<1000x16xf32, #tpu.memory_space<vmem_shared>>) dst(%dma_wait3A_764 : memref<80x16xf32, #tpu.memory_space<vmem>>)
    %scan3A = arith.constant 0 : i32
    %scan3A_771 = arith.constant 32 : i32
    %scan3A_772 = arith.addi %scan3A, %scan3A_771 : i32
    %scan3A_773 = arith.constant 1 : i32
    scf.for %scan3A_779 = %scan3A to %scan3A_772 step %scan3A_773  : i32 {
      %get3A = arith.constant 0 : i32
      %get3A_780 = arith.index_cast %scan3A_779 : i32 to index
      %get3A_781 = arith.index_cast %get3A : i32 to index
      %get3A_782 = arith.constant 0 : index
      %get3A_783 = tpu.vector_load %arg7[%get3A_780, %get3A_781, %get3A_782] {strides = array<i32>} : memref<32x80x16xf32, #tpu.memory_space<vmem>>, vector<1x1x16xf32>,
      %get3A_784 = vector.shape_cast %get3A_783 : vector<1x1x16xf32> to vector<16xf32>
      %get3A_785 = arith.constant 1 : i32
      %get3A_786 = arith.index_cast %scan3A_779 : i32 to index
      %get3A_787 = arith.index_cast %get3A_785 : i32 to index
      %get3A_788 = arith.constant 0 : index
      %get3A_789 = tpu.vector_load %arg7[%get3A_786, %get3A_787, %get3A_788] {strides = array<i32>} : memref<32x80x16xf32, #tpu.memory_space<vmem>>, vector<1x1x16xf32>,
      %get3A_790 = vector.shape_cast %get3A_789 : vector<1x1x16xf32> to vector<16xf32>
      %add3A_791 = arith.addf %get3A_784, %get3A_790 : vector<16xf32>
      %get3A_792 = arith.constant 2 : i32
      %get3A_793 = arith.index_cast %scan3A_779 : i32 to index
      %get3A_794 = arith.index_cast %get3A_792 : i32 to index
      %get3A_795 = arith.constant 0 : index
      %get3A_796 = tpu.vector_load %arg7[%get3A_793, %get3A_794, %get3A_795] {strides = array<i32>} : memref<32x80x16xf32, #tpu.memory_space<vmem>>, vector<1x1x16xf32>,
      %get3A_797 = vector.shape_cast %get3A_796 : vector<1x1x16xf32> to vector<16xf32>
      %add3A_798 = arith.addf %add3A_791, %get3A_797 : vector<16xf32>
      %get3A_799 = arith.constant 3 : i32
      %get3A_800 = arith.index_cast %scan3A_779 : i32 to index
      %get3A_801 = arith.index_cast %get3A_799 : i32 to index
      %get3A_802 = arith.constant 0 : index
      %get3A_803 = tpu.vector_load %arg7[%get3A_800, %get3A_801, %get3A_802] {strides = array<i32>} : memref<32x80x16xf32, #tpu.memory_space<vmem>>, vector<1x1x16xf32>,
      %get3A_804 = vector.shape_cast %get3A_803 : vector<1x1x16xf32> to vector<16xf32>
      %add3A_805 = arith.addf %add3A_798, %get3A_804 : vector<16xf32>
      %get3A_806 = arith.constant 4 : i32
      %get3A_807 = arith.index_cast %scan3A_779 : i32 to index
      %get3A_808 = arith.index_cast %get3A_806 : i32 to index
      %get3A_809 = arith.constant 0 : index
      %get3A_810 = tpu.vector_load %arg7[%get3A_807, %get3A_808, %get3A_809] {strides = array<i32>} : memref<32x80x16xf32, #tpu.memory_space<vmem>>, vector<1x1x16xf32>,
      %get3A_811 = vector.shape_cast %get3A_810 : vector<1x1x16xf32> to vector<16xf32>
      %add3A_812 = arith.addf %add3A_805, %get3A_811 : vector<16xf32>
      %get3A_813 = arith.constant 5 : i32
      %get3A_814 = arith.index_cast %scan3A_779 : i32 to index
      %get3A_815 = arith.index_cast %get3A_813 : i32 to index
      %get3A_816 = arith.constant 0 : index
      %get3A_817 = tpu.vector_load %arg7[%get3A_814, %get3A_815, %get3A_816] {strides = array<i32>} : memref<32x80x16xf32, #tpu.memory_space<vmem>>, vector<1x1x16xf32>,
      %get3A_818 = vector.shape_cast %get3A_817 : vector<1x1x16xf32> to vector<16xf32>
      %add3A_819 = arith.addf %add3A_812, %get3A_818 : vector<16xf32>
      %get3A_820 = arith.constant 6 : i32
      %get3A_821 = arith.index_cast %scan3A_779 : i32 to index
      %get3A_822 = arith.index_cast %get3A_820 : i32 to index
      %get3A_823 = arith.constant 0 : index
      %get3A_824 = tpu.vector_load %arg7[%get3A_821, %get3A_822, %get3A_823] {strides = array<i32>} : memref<32x80x16xf32, #tpu.memory_space<vmem>>, vector<1x1x16xf32>,
      %get3A_825 = vector.shape_cast %get3A_824 : vector<1x1x16xf32> to vector<16xf32>
      %add3A_826 = arith.addf %add3A_819, %get3A_825 : vector<16xf32>
      %get3A_827 = arith.constant 7 : i32
      %get3A_828 = arith.index_cast %scan3A_779 : i32 to index
      %get3A_829 = arith.index_cast %get3A_827 : i32 to index
      %get3A_830 = arith.constant 0 : index
      %get3A_831 = tpu.vector_load %arg7[%get3A_828, %get3A_829, %get3A_830] {strides = array<i32>} : memref<32x80x16xf32, #tpu.memory_space<vmem>>, vector<1x1x16xf32>,
      %get3A_832 = vector.shape_cast %get3A_831 : vector<1x1x16xf32> to vector<16xf32>
      %add3A_833 = arith.addf %add3A_826, %get3A_832 : vector<16xf32>
      %get3A_834 = arith.constant 8 : i32
      %get3A_835 = arith.index_cast %scan3A_779 : i32 to index
      %get3A_836 = arith.index_cast %get3A_834 : i32 to index
      %get3A_837 = arith.constant 0 : index
      %get3A_838 = tpu.vector_load %arg7[%get3A_835, %get3A_836, %get3A_837] {strides = array<i32>} : memref<32x80x16xf32, #tpu.memory_space<vmem>>, vector<1x1x16xf32>,
      %get3A_839 = vector.shape_cast %get3A_838 : vector<1x1x16xf32> to vector<16xf32>
      %add3A_840 = arith.addf %add3A_833, %get3A_839 : vector<16xf32>
      %get3A_841 = arith.constant 9 : i32
      %get3A_842 = arith.index_cast %scan3A_779 : i32 to index
      %get3A_843 = arith.index_cast %get3A_841 : i32 to index
      %get3A_844 = arith.constant 0 : index
      %get3A_845 = tpu.vector_load %arg7[%get3A_842, %get3A_843, %get3A_844] {strides = array<i32>} : memref<32x80x16xf32, #tpu.memory_space<vmem>>, vector<1x1x16xf32>,
      %get3A_846 = vector.shape_cast %get3A_845 : vector<1x1x16xf32> to vector<16xf32>
      %add3A_847 = arith.addf %add3A_840, %get3A_846 : vector<16xf32>
      %get3A_848 = arith.constant 10 : i32
      %get3A_849 = arith.index_cast %scan3A_779 : i32 to index
      %get3A_850 = arith.index_cast %get3A_848 : i32 to index
      %get3A_851 = arith.constant 0 : index
      %get3A_852 = tpu.vector_load %arg7[%get3A_849, %get3A_850, %get3A_851] {strides = array<i32>} : memref<32x80x16xf32, #tpu.memory_space<vmem>>, vector<1x1x16xf32>,
      %get3A_853 = vector.shape_cast %get3A_852 : vector<1x1x16xf32> to vector<16xf32>
      %add3A_854 = arith.addf %add3A_847, %get3A_853 : vector<16xf32>
      %get3A_855 = arith.constant 11 : i32
      %get3A_856 = arith.index_cast %scan3A_779 : i32 to index
      %get3A_857 = arith.index_cast %get3A_855 : i32 to index
      %get3A_858 = arith.constant 0 : index
      %get3A_859 = tpu.vector_load %arg7[%get3A_856, %get3A_857, %get3A_858] {strides = array<i32>} : memref<32x80x16xf32, #tpu.memory_space<vmem>>, vector<1x1x16xf32>,
      %get3A_860 = vector.shape_cast %get3A_859 : vector<1x1x16xf32> to vector<16xf32>
      %add3A_861 = arith.addf %add3A_854, %get3A_860 : vector<16xf32>
      %get3A_862 = arith.constant 12 : i32
      %get3A_863 = arith.index_cast %scan3A_779 : i32 to index
      %get3A_864 = arith.index_cast %get3A_862 : i32 to index
      %get3A_865 = arith.constant 0 : index
      %get3A_866 = tpu.vector_load %arg7[%get3A_863, %get3A_864, %get3A_865] {strides = array<i32>} : memref<32x80x16xf32, #tpu.memory_space<vmem>>, vector<1x1x16xf32>,
      %get3A_867 = vector.shape_cast %get3A_866 : vector<1x1x16xf32> to vector<16xf32>
      %add3A_868 = arith.addf %add3A_861, %get3A_867 : vector<16xf32>
      %get3A_869 = arith.constant 13 : i32
      %get3A_870 = arith.index_cast %scan3A_779 : i32 to index
      %get3A_871 = arith.index_cast %get3A_869 : i32 to index
      %get3A_872 = arith.constant 0 : index
      %get3A_873 = tpu.vector_load %arg7[%get3A_870, %get3A_871, %get3A_872] {strides = array<i32>} : memref<32x80x16xf32, #tpu.memory_space<vmem>>, vector<1x1x16xf32>,
      %get3A_874 = vector.shape_cast %get3A_873 : vector<1x1x16xf32> to vector<16xf32>
      %add3A_875 = arith.addf %add3A_868, %get3A_874 : vector<16xf32>
      %get3A_876 = arith.constant 14 : i32
      %get3A_877 = arith.index_cast %scan3A_779 : i32 to index
      %get3A_878 = arith.index_cast %get3A_876 : i32 to index
      %get3A_879 = arith.constant 0 : index
      %get3A_880 = tpu.vector_load %arg7[%get3A_877, %get3A_878, %get3A_879] {strides = array<i32>} : memref<32x80x16xf32, #tpu.memory_space<vmem>>, vector<1x1x16xf32>,
      %get3A_881 = vector.shape_cast %get3A_880 : vector<1x1x16xf32> to vector<16xf32>
      %add3A_882 = arith.addf %add3A_875, %get3A_881 : vector<16xf32>
      %get3A_883 = arith.constant 15 : i32
      %get3A_884 = arith.index_cast %scan3A_779 : i32 to index
      %get3A_885 = arith.index_cast %get3A_883 : i32 to index
      %get3A_886 = arith.constant 0 : index
      %get3A_887 = tpu.vector_load %arg7[%get3A_884, %get3A_885, %get3A_886] {strides = array<i32>} : memref<32x80x16xf32, #tpu.memory_space<vmem>>, vector<1x1x16xf32>,
      %get3A_888 = vector.shape_cast %get3A_887 : vector<1x1x16xf32> to vector<16xf32>
      %add3A_889 = arith.addf %add3A_882, %get3A_888 : vector<16xf32>
      %get3A_890 = arith.constant 16 : i32
      %get3A_891 = arith.index_cast %scan3A_779 : i32 to index
      %get3A_892 = arith.index_cast %get3A_890 : i32 to index
      %get3A_893 = arith.constant 0 : index
      %get3A_894 = tpu.vector_load %arg7[%get3A_891, %get3A_892, %get3A_893] {strides = array<i32>} : memref<32x80x16xf32, #tpu.memory_space<vmem>>, vector<1x1x16xf32>,
      %get3A_895 = vector.shape_cast %get3A_894 : vector<1x1x16xf32> to vector<16xf32>
      %add3A_896 = arith.addf %add3A_889, %get3A_895 : vector<16xf32>
      %get3A_897 = arith.constant 17 : i32
      %get3A_898 = arith.index_cast %scan3A_779 : i32 to index
      %get3A_899 = arith.index_cast %get3A_897 : i32 to index
      %get3A_900 = arith.constant 0 : index
      %get3A_901 = tpu.vector_load %arg7[%get3A_898, %get3A_899, %get3A_900] {strides = array<i32>} : memref<32x80x16xf32, #tpu.memory_space<vmem>>, vector<1x1x16xf32>,
      %get3A_902 = vector.shape_cast %get3A_901 : vector<1x1x16xf32> to vector<16xf32>
      %add3A_903 = arith.addf %add3A_896, %get3A_902 : vector<16xf32>
      %get3A_904 = arith.constant 18 : i32
      %get3A_905 = arith.index_cast %scan3A_779 : i32 to index
      %get3A_906 = arith.index_cast %get3A_904 : i32 to index
      %get3A_907 = arith.constant 0 : index
      %get3A_908 = tpu.vector_load %arg7[%get3A_905, %get3A_906, %get3A_907] {strides = array<i32>} : memref<32x80x16xf32, #tpu.memory_space<vmem>>, vector<1x1x16xf32>,
      %get3A_909 = vector.shape_cast %get3A_908 : vector<1x1x16xf32> to vector<16xf32>
      %add3A_910 = arith.addf %add3A_903, %get3A_909 : vector<16xf32>
      %get3A_911 = arith.constant 19 : i32
      %get3A_912 = arith.index_cast %scan3A_779 : i32 to index
      %get3A_913 = arith.index_cast %get3A_911 : i32 to index
      %get3A_914 = arith.constant 0 : index
      %get3A_915 = tpu.vector_load %arg7[%get3A_912, %get3A_913, %get3A_914] {strides = array<i32>} : memref<32x80x16xf32, #tpu.memory_space<vmem>>, vector<1x1x16xf32>,
      %get3A_916 = vector.shape_cast %get3A_915 : vector<1x1x16xf32> to vector<16xf32>
      %add3A_917 = arith.addf %add3A_910, %get3A_916 : vector<16xf32>
      %mul3A_918 = arith.constant 4 : i32
      %mul3A_919 = arith.muli %scan3A_779, %mul3A_918 : i32
      %add3A_920 = arith.constant 0 : i32
      %add3A_921 = arith.addi %mul3A_919, %add3A_920 : i32
      %mul3A_922 = arith.constant 16 : i32
      %mul3A_923 = arith.muli %add3A_921, %mul3A_922 : i32
      %swap3A = arith.index_cast %mul3A_923 : i32 to index
      %swap3A_924 = tpu.vector_load %arg8[%swap3A] {strides = array<i32>} : memref<2048xf32, #tpu.memory_space<vmem>>, vector<16xf32>,
      %swap3A_925 = vector.shape_cast %swap3A_924 : vector<16xf32> to vector<16xf32>
      %swap3A_926 = vector.shape_cast %add3A_917 : vector<16xf32> to vector<16xf32>
      tpu.vector_store %arg8[%swap3A], %swap3A_926 {strides = array<i32>} : memref<2048xf32, #tpu.memory_space<vmem>>, vector<16xf32>,
      %get3A_927 = arith.constant 20 : i32
      %get3A_928 = arith.index_cast %scan3A_779 : i32 to index
      %get3A_929 = arith.index_cast %get3A_927 : i32 to index
      %get3A_930 = arith.constant 0 : index
      %get3A_931 = tpu.vector_load %arg7[%get3A_928, %get3A_929, %get3A_930] {strides = array<i32>} : memref<32x80x16xf32, #tpu.memory_space<vmem>>, vector<1x1x16xf32>,
      %get3A_932 = vector.shape_cast %get3A_931 : vector<1x1x16xf32> to vector<16xf32>
      %get3A_933 = arith.constant 21 : i32
      %get3A_934 = arith.index_cast %scan3A_779 : i32 to index
      %get3A_935 = arith.index_cast %get3A_933 : i32 to index
      %get3A_936 = arith.constant 0 : index
      %get3A_937 = tpu.vector_load %arg7[%get3A_934, %get3A_935, %get3A_936] {strides = array<i32>} : memref<32x80x16xf32, #tpu.memory_space<vmem>>, vector<1x1x16xf32>,
      %get3A_938 = vector.shape_cast %get3A_937 : vector<1x1x16xf32> to vector<16xf32>
      %add3A_939 = arith.addf %get3A_932, %get3A_938 : vector<16xf32>
      %get3A_940 = arith.constant 22 : i32
      %get3A_941 = arith.index_cast %scan3A_779 : i32 to index
      %get3A_942 = arith.index_cast %get3A_940 : i32 to index
      %get3A_943 = arith.constant 0 : index
      %get3A_944 = tpu.vector_load %arg7[%get3A_941, %get3A_942, %get3A_943] {strides = array<i32>} : memref<32x80x16xf32, #tpu.memory_space<vmem>>, vector<1x1x16xf32>,
      %get3A_945 = vector.shape_cast %get3A_944 : vector<1x1x16xf32> to vector<16xf32>
      %add3A_946 = arith.addf %add3A_939, %get3A_945 : vector<16xf32>
      %get3A_947 = arith.constant 23 : i32
      %get3A_948 = arith.index_cast %scan3A_779 : i32 to index
      %get3A_949 = arith.index_cast %get3A_947 : i32 to index
      %get3A_950 = arith.constant 0 : index
      %get3A_951 = tpu.vector_load %arg7[%get3A_948, %get3A_949, %get3A_950] {strides = array<i32>} : memref<32x80x16xf32, #tpu.memory_space<vmem>>, vector<1x1x16xf32>,
      %get3A_952 = vector.shape_cast %get3A_951 : vector<1x1x16xf32> to vector<16xf32>
      %add3A_953 = arith.addf %add3A_946, %get3A_952 : vector<16xf32>
      %get3A_954 = arith.constant 24 : i32
      %get3A_955 = arith.index_cast %scan3A_779 : i32 to index
      %get3A_956 = arith.index_cast %get3A_954 : i32 to index
      %get3A_957 = arith.constant 0 : index
      %get3A_958 = tpu.vector_load %arg7[%get3A_955, %get3A_956, %get3A_957] {strides = array<i32>} : memref<32x80x16xf32, #tpu.memory_space<vmem>>, vector<1x1x16xf32>,
      %get3A_959 = vector.shape_cast %get3A_958 : vector<1x1x16xf32> to vector<16xf32>
      %add3A_960 = arith.addf %add3A_953, %get3A_959 : vector<16xf32>
      %get3A_961 = arith.constant 25 : i32
      %get3A_962 = arith.index_cast %scan3A_779 : i32 to index
      %get3A_963 = arith.index_cast %get3A_961 : i32 to index
      %get3A_964 = arith.constant 0 : index
      %get3A_965 = tpu.vector_load %arg7[%get3A_962, %get3A_963, %get3A_964] {strides = array<i32>} : memref<32x80x16xf32, #tpu.memory_space<vmem>>, vector<1x1x16xf32>,
      %get3A_966 = vector.shape_cast %get3A_965 : vector<1x1x16xf32> to vector<16xf32>
      %add3A_967 = arith.addf %add3A_960, %get3A_966 : vector<16xf32>
      %get3A_968 = arith.constant 26 : i32
      %get3A_969 = arith.index_cast %scan3A_779 : i32 to index
      %get3A_970 = arith.index_cast %get3A_968 : i32 to index
      %get3A_971 = arith.constant 0 : index
      %get3A_972 = tpu.vector_load %arg7[%get3A_969, %get3A_970, %get3A_971] {strides = array<i32>} : memref<32x80x16xf32, #tpu.memory_space<vmem>>, vector<1x1x16xf32>,
      %get3A_973 = vector.shape_cast %get3A_972 : vector<1x1x16xf32> to vector<16xf32>
      %add3A_974 = arith.addf %add3A_967, %get3A_973 : vector<16xf32>
      %get3A_975 = arith.constant 27 : i32
      %get3A_976 = arith.index_cast %scan3A_779 : i32 to index
      %get3A_977 = arith.index_cast %get3A_975 : i32 to index
      %get3A_978 = arith.constant 0 : index
      %get3A_979 = tpu.vector_load %arg7[%get3A_976, %get3A_977, %get3A_978] {strides = array<i32>} : memref<32x80x16xf32, #tpu.memory_space<vmem>>, vector<1x1x16xf32>,
      %get3A_980 = vector.shape_cast %get3A_979 : vector<1x1x16xf32> to vector<16xf32>
      %add3A_981 = arith.addf %add3A_974, %get3A_980 : vector<16xf32>
      %get3A_982 = arith.constant 28 : i32
      %get3A_983 = arith.index_cast %scan3A_779 : i32 to index
      %get3A_984 = arith.index_cast %get3A_982 : i32 to index
      %get3A_985 = arith.constant 0 : index
      %get3A_986 = tpu.vector_load %arg7[%get3A_983, %get3A_984, %get3A_985] {strides = array<i32>} : memref<32x80x16xf32, #tpu.memory_space<vmem>>, vector<1x1x16xf32>,
      %get3A_987 = vector.shape_cast %get3A_986 : vector<1x1x16xf32> to vector<16xf32>
      %add3A_988 = arith.addf %add3A_981, %get3A_987 : vector<16xf32>
      %get3A_989 = arith.constant 29 : i32
      %get3A_990 = arith.index_cast %scan3A_779 : i32 to index
      %get3A_991 = arith.index_cast %get3A_989 : i32 to index
      %get3A_992 = arith.constant 0 : index
      %get3A_993 = tpu.vector_load %arg7[%get3A_990, %get3A_991, %get3A_992] {strides = array<i32>} : memref<32x80x16xf32, #tpu.memory_space<vmem>>, vector<1x1x16xf32>,
      %get3A_994 = vector.shape_cast %get3A_993 : vector<1x1x16xf32> to vector<16xf32>
      %add3A_995 = arith.addf %add3A_988, %get3A_994 : vector<16xf32>
      %get3A_996 = arith.constant 30 : i32
      %get3A_997 = arith.index_cast %scan3A_779 : i32 to index
      %get3A_998 = arith.index_cast %get3A_996 : i32 to index
      %get3A_999 = arith.constant 0 : index
      %get3A_1000 = tpu.vector_load %arg7[%get3A_997, %get3A_998, %get3A_999] {strides = array<i32>} : memref<32x80x16xf32, #tpu.memory_space<vmem>>, vector<1x1x16xf32>,
      %get3A_1001 = vector.shape_cast %get3A_1000 : vector<1x1x16xf32> to vector<16xf32>
      %add3A_1002 = arith.addf %add3A_995, %get3A_1001 : vector<16xf32>
      %get3A_1003 = arith.constant 31 : i32
      %get3A_1004 = arith.index_cast %scan3A_779 : i32 to index
      %get3A_1005 = arith.index_cast %get3A_1003 : i32 to index
      %get3A_1006 = arith.constant 0 : index
      %get3A_1007 = tpu.vector_load %arg7[%get3A_1004, %get3A_1005, %get3A_1006] {strides = array<i32>} : memref<32x80x16xf32, #tpu.memory_space<vmem>>, vector<1x1x16xf32>,
      %get3A_1008 = vector.shape_cast %get3A_1007 : vector<1x1x16xf32> to vector<16xf32>
      %add3A_1009 = arith.addf %add3A_1002, %get3A_1008 : vector<16xf32>
      %get3A_1010 = arith.constant 32 : i32
      %get3A_1011 = arith.index_cast %scan3A_779 : i32 to index
      %get3A_1012 = arith.index_cast %get3A_1010 : i32 to index
      %get3A_1013 = arith.constant 0 : index
      %get3A_1014 = tpu.vector_load %arg7[%get3A_1011, %get3A_1012, %get3A_1013] {strides = array<i32>} : memref<32x80x16xf32, #tpu.memory_space<vmem>>, vector<1x1x16xf32>,
      %get3A_1015 = vector.shape_cast %get3A_1014 : vector<1x1x16xf32> to vector<16xf32>
      %add3A_1016 = arith.addf %add3A_1009, %get3A_1015 : vector<16xf32>
      %get3A_1017 = arith.constant 33 : i32
      %get3A_1018 = arith.index_cast %scan3A_779 : i32 to index
      %get3A_1019 = arith.index_cast %get3A_1017 : i32 to index
      %get3A_1020 = arith.constant 0 : index
      %get3A_1021 = tpu.vector_load %arg7[%get3A_1018, %get3A_1019, %get3A_1020] {strides = array<i32>} : memref<32x80x16xf32, #tpu.memory_space<vmem>>, vector<1x1x16xf32>,
      %get3A_1022 = vector.shape_cast %get3A_1021 : vector<1x1x16xf32> to vector<16xf32>
      %add3A_1023 = arith.addf %add3A_1016, %get3A_1022 : vector<16xf32>
      %get3A_1024 = arith.constant 34 : i32
      %get3A_1025 = arith.index_cast %scan3A_779 : i32 to index
      %get3A_1026 = arith.index_cast %get3A_1024 : i32 to index
      %get3A_1027 = arith.constant 0 : index
      %get3A_1028 = tpu.vector_load %arg7[%get3A_1025, %get3A_1026, %get3A_1027] {strides = array<i32>} : memref<32x80x16xf32, #tpu.memory_space<vmem>>, vector<1x1x16xf32>,
      %get3A_1029 = vector.shape_cast %get3A_1028 : vector<1x1x16xf32> to vector<16xf32>
      %add3A_1030 = arith.addf %add3A_1023, %get3A_1029 : vector<16xf32>
      %get3A_1031 = arith.constant 35 : i32
      %get3A_1032 = arith.index_cast %scan3A_779 : i32 to index
      %get3A_1033 = arith.index_cast %get3A_1031 : i32 to index
      %get3A_1034 = arith.constant 0 : index
      %get3A_1035 = tpu.vector_load %arg7[%get3A_1032, %get3A_1033, %get3A_1034] {strides = array<i32>} : memref<32x80x16xf32, #tpu.memory_space<vmem>>, vector<1x1x16xf32>,
      %get3A_1036 = vector.shape_cast %get3A_1035 : vector<1x1x16xf32> to vector<16xf32>
      %add3A_1037 = arith.addf %add3A_1030, %get3A_1036 : vector<16xf32>
      %get3A_1038 = arith.constant 36 : i32
      %get3A_1039 = arith.index_cast %scan3A_779 : i32 to index
      %get3A_1040 = arith.index_cast %get3A_1038 : i32 to index
      %get3A_1041 = arith.constant 0 : index
      %get3A_1042 = tpu.vector_load %arg7[%get3A_1039, %get3A_1040, %get3A_1041] {strides = array<i32>} : memref<32x80x16xf32, #tpu.memory_space<vmem>>, vector<1x1x16xf32>,
      %get3A_1043 = vector.shape_cast %get3A_1042 : vector<1x1x16xf32> to vector<16xf32>
      %add3A_1044 = arith.addf %add3A_1037, %get3A_1043 : vector<16xf32>
      %get3A_1045 = arith.constant 37 : i32
      %get3A_1046 = arith.index_cast %scan3A_779 : i32 to index
      %get3A_1047 = arith.index_cast %get3A_1045 : i32 to index
      %get3A_1048 = arith.constant 0 : index
      %get3A_1049 = tpu.vector_load %arg7[%get3A_1046, %get3A_1047, %get3A_1048] {strides = array<i32>} : memref<32x80x16xf32, #tpu.memory_space<vmem>>, vector<1x1x16xf32>,
      %get3A_1050 = vector.shape_cast %get3A_1049 : vector<1x1x16xf32> to vector<16xf32>
      %add3A_1051 = arith.addf %add3A_1044, %get3A_1050 : vector<16xf32>
      %get3A_1052 = arith.constant 38 : i32
      %get3A_1053 = arith.index_cast %scan3A_779 : i32 to index
      %get3A_1054 = arith.index_cast %get3A_1052 : i32 to index
      %get3A_1055 = arith.constant 0 : index
      %get3A_1056 = tpu.vector_load %arg7[%get3A_1053, %get3A_1054, %get3A_1055] {strides = array<i32>} : memref<32x80x16xf32, #tpu.memory_space<vmem>>, vector<1x1x16xf32>,
      %get3A_1057 = vector.shape_cast %get3A_1056 : vector<1x1x16xf32> to vector<16xf32>
      %add3A_1058 = arith.addf %add3A_1051, %get3A_1057 : vector<16xf32>
      %get3A_1059 = arith.constant 39 : i32
      %get3A_1060 = arith.index_cast %scan3A_779 : i32 to index
      %get3A_1061 = arith.index_cast %get3A_1059 : i32 to index
      %get3A_1062 = arith.constant 0 : index
      %get3A_1063 = tpu.vector_load %arg7[%get3A_1060, %get3A_1061, %get3A_1062] {strides = array<i32>} : memref<32x80x16xf32, #tpu.memory_space<vmem>>, vector<1x1x16xf32>,
      %get3A_1064 = vector.shape_cast %get3A_1063 : vector<1x1x16xf32> to vector<16xf32>
      %add3A_1065 = arith.addf %add3A_1058, %get3A_1064 : vector<16xf32>
      %mul3A_1066 = arith.constant 4 : i32
      %mul3A_1067 = arith.muli %scan3A_779, %mul3A_1066 : i32
      %add3A_1068 = arith.constant 1 : i32
      %add3A_1069 = arith.addi %mul3A_1067, %add3A_1068 : i32
      %mul3A_1070 = arith.constant 16 : i32
      %mul3A_1071 = arith.muli %add3A_1069, %mul3A_1070 : i32
      %swap3A_1072 = arith.index_cast %mul3A_1071 : i32 to index
      %swap3A_1073 = tpu.vector_load %arg8[%swap3A_1072] {strides = array<i32>} : memref<2048xf32, #tpu.memory_space<vmem>>, vector<16xf32>,
      %swap3A_1074 = vector.shape_cast %swap3A_1073 : vector<16xf32> to vector<16xf32>
      %swap3A_1075 = vector.shape_cast %add3A_1065 : vector<16xf32> to vector<16xf32>
      tpu.vector_store %arg8[%swap3A_1072], %swap3A_1075 {strides = array<i32>} : memref<2048xf32, #tpu.memory_space<vmem>>, vector<16xf32>,
      %get3A_1076 = arith.constant 40 : i32
      %get3A_1077 = arith.index_cast %scan3A_779 : i32 to index
      %get3A_1078 = arith.index_cast %get3A_1076 : i32 to index
      %get3A_1079 = arith.constant 0 : index
      %get3A_1080 = tpu.vector_load %arg7[%get3A_1077, %get3A_1078, %get3A_1079] {strides = array<i32>} : memref<32x80x16xf32, #tpu.memory_space<vmem>>, vector<1x1x16xf32>,
      %get3A_1081 = vector.shape_cast %get3A_1080 : vector<1x1x16xf32> to vector<16xf32>
      %get3A_1082 = arith.constant 41 : i32
      %get3A_1083 = arith.index_cast %scan3A_779 : i32 to index
      %get3A_1084 = arith.index_cast %get3A_1082 : i32 to index
      %get3A_1085 = arith.constant 0 : index
      %get3A_1086 = tpu.vector_load %arg7[%get3A_1083, %get3A_1084, %get3A_1085] {strides = array<i32>} : memref<32x80x16xf32, #tpu.memory_space<vmem>>, vector<1x1x16xf32>,
      %get3A_1087 = vector.shape_cast %get3A_1086 : vector<1x1x16xf32> to vector<16xf32>
      %add3A_1088 = arith.addf %get3A_1081, %get3A_1087 : vector<16xf32>
      %get3A_1089 = arith.constant 42 : i32
      %get3A_1090 = arith.index_cast %scan3A_779 : i32 to index
      %get3A_1091 = arith.index_cast %get3A_1089 : i32 to index
      %get3A_1092 = arith.constant 0 : index
      %get3A_1093 = tpu.vector_load %arg7[%get3A_1090, %get3A_1091, %get3A_1092] {strides = array<i32>} : memref<32x80x16xf32, #tpu.memory_space<vmem>>, vector<1x1x16xf32>,
      %get3A_1094 = vector.shape_cast %get3A_1093 : vector<1x1x16xf32> to vector<16xf32>
      %add3A_1095 = arith.addf %add3A_1088, %get3A_1094 : vector<16xf32>
      %get3A_1096 = arith.constant 43 : i32
      %get3A_1097 = arith.index_cast %scan3A_779 : i32 to index
      %get3A_1098 = arith.index_cast %get3A_1096 : i32 to index
      %get3A_1099 = arith.constant 0 : index
      %get3A_1100 = tpu.vector_load %arg7[%get3A_1097, %get3A_1098, %get3A_1099] {strides = array<i32>} : memref<32x80x16xf32, #tpu.memory_space<vmem>>, vector<1x1x16xf32>,
      %get3A_1101 = vector.shape_cast %get3A_1100 : vector<1x1x16xf32> to vector<16xf32>
      %add3A_1102 = arith.addf %add3A_1095, %get3A_1101 : vector<16xf32>
      %get3A_1103 = arith.constant 44 : i32
      %get3A_1104 = arith.index_cast %scan3A_779 : i32 to index
      %get3A_1105 = arith.index_cast %get3A_1103 : i32 to index
      %get3A_1106 = arith.constant 0 : index
      %get3A_1107 = tpu.vector_load %arg7[%get3A_1104, %get3A_1105, %get3A_1106] {strides = array<i32>} : memref<32x80x16xf32, #tpu.memory_space<vmem>>, vector<1x1x16xf32>,
      %get3A_1108 = vector.shape_cast %get3A_1107 : vector<1x1x16xf32> to vector<16xf32>
      %add3A_1109 = arith.addf %add3A_1102, %get3A_1108 : vector<16xf32>
      %get3A_1110 = arith.constant 45 : i32
      %get3A_1111 = arith.index_cast %scan3A_779 : i32 to index
      %get3A_1112 = arith.index_cast %get3A_1110 : i32 to index
      %get3A_1113 = arith.constant 0 : index
      %get3A_1114 = tpu.vector_load %arg7[%get3A_1111, %get3A_1112, %get3A_1113] {strides = array<i32>} : memref<32x80x16xf32, #tpu.memory_space<vmem>>, vector<1x1x16xf32>,
      %get3A_1115 = vector.shape_cast %get3A_1114 : vector<1x1x16xf32> to vector<16xf32>
      %add3A_1116 = arith.addf %add3A_1109, %get3A_1115 : vector<16xf32>
      %get3A_1117 = arith.constant 46 : i32
      %get3A_1118 = arith.index_cast %scan3A_779 : i32 to index
      %get3A_1119 = arith.index_cast %get3A_1117 : i32 to index
      %get3A_1120 = arith.constant 0 : index
      %get3A_1121 = tpu.vector_load %arg7[%get3A_1118, %get3A_1119, %get3A_1120] {strides = array<i32>} : memref<32x80x16xf32, #tpu.memory_space<vmem>>, vector<1x1x16xf32>,
      %get3A_1122 = vector.shape_cast %get3A_1121 : vector<1x1x16xf32> to vector<16xf32>
      %add3A_1123 = arith.addf %add3A_1116, %get3A_1122 : vector<16xf32>
      %get3A_1124 = arith.constant 47 : i32
      %get3A_1125 = arith.index_cast %scan3A_779 : i32 to index
      %get3A_1126 = arith.index_cast %get3A_1124 : i32 to index
      %get3A_1127 = arith.constant 0 : index
      %get3A_1128 = tpu.vector_load %arg7[%get3A_1125, %get3A_1126, %get3A_1127] {strides = array<i32>} : memref<32x80x16xf32, #tpu.memory_space<vmem>>, vector<1x1x16xf32>,
      %get3A_1129 = vector.shape_cast %get3A_1128 : vector<1x1x16xf32> to vector<16xf32>
      %add3A_1130 = arith.addf %add3A_1123, %get3A_1129 : vector<16xf32>
      %get3A_1131 = arith.constant 48 : i32
      %get3A_1132 = arith.index_cast %scan3A_779 : i32 to index
      %get3A_1133 = arith.index_cast %get3A_1131 : i32 to index
      %get3A_1134 = arith.constant 0 : index
      %get3A_1135 = tpu.vector_load %arg7[%get3A_1132, %get3A_1133, %get3A_1134] {strides = array<i32>} : memref<32x80x16xf32, #tpu.memory_space<vmem>>, vector<1x1x16xf32>,
      %get3A_1136 = vector.shape_cast %get3A_1135 : vector<1x1x16xf32> to vector<16xf32>
      %add3A_1137 = arith.addf %add3A_1130, %get3A_1136 : vector<16xf32>
      %get3A_1138 = arith.constant 49 : i32
      %get3A_1139 = arith.index_cast %scan3A_779 : i32 to index
      %get3A_1140 = arith.index_cast %get3A_1138 : i32 to index
      %get3A_1141 = arith.constant 0 : index
      %get3A_1142 = tpu.vector_load %arg7[%get3A_1139, %get3A_1140, %get3A_1141] {strides = array<i32>} : memref<32x80x16xf32, #tpu.memory_space<vmem>>, vector<1x1x16xf32>,
      %get3A_1143 = vector.shape_cast %get3A_1142 : vector<1x1x16xf32> to vector<16xf32>
      %add3A_1144 = arith.addf %add3A_1137, %get3A_1143 : vector<16xf32>
      %get3A_1145 = arith.constant 50 : i32
      %get3A_1146 = arith.index_cast %scan3A_779 : i32 to index
      %get3A_1147 = arith.index_cast %get3A_1145 : i32 to index
      %get3A_1148 = arith.constant 0 : index
      %get3A_1149 = tpu.vector_load %arg7[%get3A_1146, %get3A_1147, %get3A_1148] {strides = array<i32>} : memref<32x80x16xf32, #tpu.memory_space<vmem>>, vector<1x1x16xf32>,
      %get3A_1150 = vector.shape_cast %get3A_1149 : vector<1x1x16xf32> to vector<16xf32>
      %add3A_1151 = arith.addf %add3A_1144, %get3A_1150 : vector<16xf32>
      %get3A_1152 = arith.constant 51 : i32
      %get3A_1153 = arith.index_cast %scan3A_779 : i32 to index
      %get3A_1154 = arith.index_cast %get3A_1152 : i32 to index
      %get3A_1155 = arith.constant 0 : index
      %get3A_1156 = tpu.vector_load %arg7[%get3A_1153, %get3A_1154, %get3A_1155] {strides = array<i32>} : memref<32x80x16xf32, #tpu.memory_space<vmem>>, vector<1x1x16xf32>,
      %get3A_1157 = vector.shape_cast %get3A_1156 : vector<1x1x16xf32> to vector<16xf32>
      %add3A_1158 = arith.addf %add3A_1151, %get3A_1157 : vector<16xf32>
      %get3A_1159 = arith.constant 52 : i32
      %get3A_1160 = arith.index_cast %scan3A_779 : i32 to index
      %get3A_1161 = arith.index_cast %get3A_1159 : i32 to index
      %get3A_1162 = arith.constant 0 : index
      %get3A_1163 = tpu.vector_load %arg7[%get3A_1160, %get3A_1161, %get3A_1162] {strides = array<i32>} : memref<32x80x16xf32, #tpu.memory_space<vmem>>, vector<1x1x16xf32>,
      %get3A_1164 = vector.shape_cast %get3A_1163 : vector<1x1x16xf32> to vector<16xf32>
      %add3A_1165 = arith.addf %add3A_1158, %get3A_1164 : vector<16xf32>
      %get3A_1166 = arith.constant 53 : i32
      %get3A_1167 = arith.index_cast %scan3A_779 : i32 to index
      %get3A_1168 = arith.index_cast %get3A_1166 : i32 to index
      %get3A_1169 = arith.constant 0 : index
      %get3A_1170 = tpu.vector_load %arg7[%get3A_1167, %get3A_1168, %get3A_1169] {strides = array<i32>} : memref<32x80x16xf32, #tpu.memory_space<vmem>>, vector<1x1x16xf32>,
      %get3A_1171 = vector.shape_cast %get3A_1170 : vector<1x1x16xf32> to vector<16xf32>
      %add3A_1172 = arith.addf %add3A_1165, %get3A_1171 : vector<16xf32>
      %get3A_1173 = arith.constant 54 : i32
      %get3A_1174 = arith.index_cast %scan3A_779 : i32 to index
      %get3A_1175 = arith.index_cast %get3A_1173 : i32 to index
      %get3A_1176 = arith.constant 0 : index
      %get3A_1177 = tpu.vector_load %arg7[%get3A_1174, %get3A_1175, %get3A_1176] {strides = array<i32>} : memref<32x80x16xf32, #tpu.memory_space<vmem>>, vector<1x1x16xf32>,
      %get3A_1178 = vector.shape_cast %get3A_1177 : vector<1x1x16xf32> to vector<16xf32>
      %add3A_1179 = arith.addf %add3A_1172, %get3A_1178 : vector<16xf32>
      %get3A_1180 = arith.constant 55 : i32
      %get3A_1181 = arith.index_cast %scan3A_779 : i32 to index
      %get3A_1182 = arith.index_cast %get3A_1180 : i32 to index
      %get3A_1183 = arith.constant 0 : index
      %get3A_1184 = tpu.vector_load %arg7[%get3A_1181, %get3A_1182, %get3A_1183] {strides = array<i32>} : memref<32x80x16xf32, #tpu.memory_space<vmem>>, vector<1x1x16xf32>,
      %get3A_1185 = vector.shape_cast %get3A_1184 : vector<1x1x16xf32> to vector<16xf32>
      %add3A_1186 = arith.addf %add3A_1179, %get3A_1185 : vector<16xf32>
      %get3A_1187 = arith.constant 56 : i32
      %get3A_1188 = arith.index_cast %scan3A_779 : i32 to index
      %get3A_1189 = arith.index_cast %get3A_1187 : i32 to index
      %get3A_1190 = arith.constant 0 : index
      %get3A_1191 = tpu.vector_load %arg7[%get3A_1188, %get3A_1189, %get3A_1190] {strides = array<i32>} : memref<32x80x16xf32, #tpu.memory_space<vmem>>, vector<1x1x16xf32>,
      %get3A_1192 = vector.shape_cast %get3A_1191 : vector<1x1x16xf32> to vector<16xf32>
      %add3A_1193 = arith.addf %add3A_1186, %get3A_1192 : vector<16xf32>
      %get3A_1194 = arith.constant 57 : i32
      %get3A_1195 = arith.index_cast %scan3A_779 : i32 to index
      %get3A_1196 = arith.index_cast %get3A_1194 : i32 to index
      %get3A_1197 = arith.constant 0 : index
      %get3A_1198 = tpu.vector_load %arg7[%get3A_1195, %get3A_1196, %get3A_1197] {strides = array<i32>} : memref<32x80x16xf32, #tpu.memory_space<vmem>>, vector<1x1x16xf32>,
      %get3A_1199 = vector.shape_cast %get3A_1198 : vector<1x1x16xf32> to vector<16xf32>
      %add3A_1200 = arith.addf %add3A_1193, %get3A_1199 : vector<16xf32>
      %get3A_1201 = arith.constant 58 : i32
      %get3A_1202 = arith.index_cast %scan3A_779 : i32 to index
      %get3A_1203 = arith.index_cast %get3A_1201 : i32 to index
      %get3A_1204 = arith.constant 0 : index
      %get3A_1205 = tpu.vector_load %arg7[%get3A_1202, %get3A_1203, %get3A_1204] {strides = array<i32>} : memref<32x80x16xf32, #tpu.memory_space<vmem>>, vector<1x1x16xf32>,
      %get3A_1206 = vector.shape_cast %get3A_1205 : vector<1x1x16xf32> to vector<16xf32>
      %add3A_1207 = arith.addf %add3A_1200, %get3A_1206 : vector<16xf32>
      %get3A_1208 = arith.constant 59 : i32
      %get3A_1209 = arith.index_cast %scan3A_779 : i32 to index
      %get3A_1210 = arith.index_cast %get3A_1208 : i32 to index
      %get3A_1211 = arith.constant 0 : index
      %get3A_1212 = tpu.vector_load %arg7[%get3A_1209, %get3A_1210, %get3A_1211] {strides = array<i32>} : memref<32x80x16xf32, #tpu.memory_space<vmem>>, vector<1x1x16xf32>,
      %get3A_1213 = vector.shape_cast %get3A_1212 : vector<1x1x16xf32> to vector<16xf32>
      %add3A_1214 = arith.addf %add3A_1207, %get3A_1213 : vector<16xf32>
      %mul3A_1215 = arith.constant 4 : i32
      %mul3A_1216 = arith.muli %scan3A_779, %mul3A_1215 : i32
      %add3A_1217 = arith.constant 2 : i32
      %add3A_1218 = arith.addi %mul3A_1216, %add3A_1217 : i32
      %mul3A_1219 = arith.constant 16 : i32
      %mul3A_1220 = arith.muli %add3A_1218, %mul3A_1219 : i32
      %swap3A_1221 = arith.index_cast %mul3A_1220 : i32 to index
      %swap3A_1222 = tpu.vector_load %arg8[%swap3A_1221] {strides = array<i32>} : memref<2048xf32, #tpu.memory_space<vmem>>, vector<16xf32>,
      %swap3A_1223 = vector.shape_cast %swap3A_1222 : vector<16xf32> to vector<16xf32>
      %swap3A_1224 = vector.shape_cast %add3A_1214 : vector<16xf32> to vector<16xf32>
      tpu.vector_store %arg8[%swap3A_1221], %swap3A_1224 {strides = array<i32>} : memref<2048xf32, #tpu.memory_space<vmem>>, vector<16xf32>,
      %get3A_1225 = arith.constant 60 : i32
      %get3A_1226 = arith.index_cast %scan3A_779 : i32 to index
      %get3A_1227 = arith.index_cast %get3A_1225 : i32 to index
      %get3A_1228 = arith.constant 0 : index
      %get3A_1229 = tpu.vector_load %arg7[%get3A_1226, %get3A_1227, %get3A_1228] {strides = array<i32>} : memref<32x80x16xf32, #tpu.memory_space<vmem>>, vector<1x1x16xf32>,
      %get3A_1230 = vector.shape_cast %get3A_1229 : vector<1x1x16xf32> to vector<16xf32>
      %get3A_1231 = arith.constant 61 : i32
      %get3A_1232 = arith.index_cast %scan3A_779 : i32 to index
      %get3A_1233 = arith.index_cast %get3A_1231 : i32 to index
      %get3A_1234 = arith.constant 0 : index
      %get3A_1235 = tpu.vector_load %arg7[%get3A_1232, %get3A_1233, %get3A_1234] {strides = array<i32>} : memref<32x80x16xf32, #tpu.memory_space<vmem>>, vector<1x1x16xf32>,
      %get3A_1236 = vector.shape_cast %get3A_1235 : vector<1x1x16xf32> to vector<16xf32>
      %add3A_1237 = arith.addf %get3A_1230, %get3A_1236 : vector<16xf32>
      %get3A_1238 = arith.constant 62 : i32
      %get3A_1239 = arith.index_cast %scan3A_779 : i32 to index
      %get3A_1240 = arith.index_cast %get3A_1238 : i32 to index
      %get3A_1241 = arith.constant 0 : index
      %get3A_1242 = tpu.vector_load %arg7[%get3A_1239, %get3A_1240, %get3A_1241] {strides = array<i32>} : memref<32x80x16xf32, #tpu.memory_space<vmem>>, vector<1x1x16xf32>,
      %get3A_1243 = vector.shape_cast %get3A_1242 : vector<1x1x16xf32> to vector<16xf32>
      %add3A_1244 = arith.addf %add3A_1237, %get3A_1243 : vector<16xf32>
      %get3A_1245 = arith.constant 63 : i32
      %get3A_1246 = arith.index_cast %scan3A_779 : i32 to index
      %get3A_1247 = arith.index_cast %get3A_1245 : i32 to index
      %get3A_1248 = arith.constant 0 : index
      %get3A_1249 = tpu.vector_load %arg7[%get3A_1246, %get3A_1247, %get3A_1248] {strides = array<i32>} : memref<32x80x16xf32, #tpu.memory_space<vmem>>, vector<1x1x16xf32>,
      %get3A_1250 = vector.shape_cast %get3A_1249 : vector<1x1x16xf32> to vector<16xf32>
      %add3A_1251 = arith.addf %add3A_1244, %get3A_1250 : vector<16xf32>
      %get3A_1252 = arith.constant 64 : i32
      %get3A_1253 = arith.index_cast %scan3A_779 : i32 to index
      %get3A_1254 = arith.index_cast %get3A_1252 : i32 to index
      %get3A_1255 = arith.constant 0 : index
      %get3A_1256 = tpu.vector_load %arg7[%get3A_1253, %get3A_1254, %get3A_1255] {strides = array<i32>} : memref<32x80x16xf32, #tpu.memory_space<vmem>>, vector<1x1x16xf32>,
      %get3A_1257 = vector.shape_cast %get3A_1256 : vector<1x1x16xf32> to vector<16xf32>
      %add3A_1258 = arith.addf %add3A_1251, %get3A_1257 : vector<16xf32>
      %get3A_1259 = arith.constant 65 : i32
      %get3A_1260 = arith.index_cast %scan3A_779 : i32 to index
      %get3A_1261 = arith.index_cast %get3A_1259 : i32 to index
      %get3A_1262 = arith.constant 0 : index
      %get3A_1263 = tpu.vector_load %arg7[%get3A_1260, %get3A_1261, %get3A_1262] {strides = array<i32>} : memref<32x80x16xf32, #tpu.memory_space<vmem>>, vector<1x1x16xf32>,
      %get3A_1264 = vector.shape_cast %get3A_1263 : vector<1x1x16xf32> to vector<16xf32>
      %add3A_1265 = arith.addf %add3A_1258, %get3A_1264 : vector<16xf32>
      %get3A_1266 = arith.constant 66 : i32
      %get3A_1267 = arith.index_cast %scan3A_779 : i32 to index
      %get3A_1268 = arith.index_cast %get3A_1266 : i32 to index
      %get3A_1269 = arith.constant 0 : index
      %get3A_1270 = tpu.vector_load %arg7[%get3A_1267, %get3A_1268, %get3A_1269] {strides = array<i32>} : memref<32x80x16xf32, #tpu.memory_space<vmem>>, vector<1x1x16xf32>,
      %get3A_1271 = vector.shape_cast %get3A_1270 : vector<1x1x16xf32> to vector<16xf32>
      %add3A_1272 = arith.addf %add3A_1265, %get3A_1271 : vector<16xf32>
      %get3A_1273 = arith.constant 67 : i32
      %get3A_1274 = arith.index_cast %scan3A_779 : i32 to index
      %get3A_1275 = arith.index_cast %get3A_1273 : i32 to index
      %get3A_1276 = arith.constant 0 : index
      %get3A_1277 = tpu.vector_load %arg7[%get3A_1274, %get3A_1275, %get3A_1276] {strides = array<i32>} : memref<32x80x16xf32, #tpu.memory_space<vmem>>, vector<1x1x16xf32>,
      %get3A_1278 = vector.shape_cast %get3A_1277 : vector<1x1x16xf32> to vector<16xf32>
      %add3A_1279 = arith.addf %add3A_1272, %get3A_1278 : vector<16xf32>
      %get3A_1280 = arith.constant 68 : i32
      %get3A_1281 = arith.index_cast %scan3A_779 : i32 to index
      %get3A_1282 = arith.index_cast %get3A_1280 : i32 to index
      %get3A_1283 = arith.constant 0 : index
      %get3A_1284 = tpu.vector_load %arg7[%get3A_1281, %get3A_1282, %get3A_1283] {strides = array<i32>} : memref<32x80x16xf32, #tpu.memory_space<vmem>>, vector<1x1x16xf32>,
      %get3A_1285 = vector.shape_cast %get3A_1284 : vector<1x1x16xf32> to vector<16xf32>
      %add3A_1286 = arith.addf %add3A_1279, %get3A_1285 : vector<16xf32>
      %get3A_1287 = arith.constant 69 : i32
      %get3A_1288 = arith.index_cast %scan3A_779 : i32 to index
      %get3A_1289 = arith.index_cast %get3A_1287 : i32 to index
      %get3A_1290 = arith.constant 0 : index
      %get3A_1291 = tpu.vector_load %arg7[%get3A_1288, %get3A_1289, %get3A_1290] {strides = array<i32>} : memref<32x80x16xf32, #tpu.memory_space<vmem>>, vector<1x1x16xf32>,
      %get3A_1292 = vector.shape_cast %get3A_1291 : vector<1x1x16xf32> to vector<16xf32>
      %add3A_1293 = arith.addf %add3A_1286, %get3A_1292 : vector<16xf32>
      %get3A_1294 = arith.constant 70 : i32
      %get3A_1295 = arith.index_cast %scan3A_779 : i32 to index
      %get3A_1296 = arith.index_cast %get3A_1294 : i32 to index
      %get3A_1297 = arith.constant 0 : index
      %get3A_1298 = tpu.vector_load %arg7[%get3A_1295, %get3A_1296, %get3A_1297] {strides = array<i32>} : memref<32x80x16xf32, #tpu.memory_space<vmem>>, vector<1x1x16xf32>,
      %get3A_1299 = vector.shape_cast %get3A_1298 : vector<1x1x16xf32> to vector<16xf32>
      %add3A_1300 = arith.addf %add3A_1293, %get3A_1299 : vector<16xf32>
      %get3A_1301 = arith.constant 71 : i32
      %get3A_1302 = arith.index_cast %scan3A_779 : i32 to index
      %get3A_1303 = arith.index_cast %get3A_1301 : i32 to index
      %get3A_1304 = arith.constant 0 : index
      %get3A_1305 = tpu.vector_load %arg7[%get3A_1302, %get3A_1303, %get3A_1304] {strides = array<i32>} : memref<32x80x16xf32, #tpu.memory_space<vmem>>, vector<1x1x16xf32>,
      %get3A_1306 = vector.shape_cast %get3A_1305 : vector<1x1x16xf32> to vector<16xf32>
      %add3A_1307 = arith.addf %add3A_1300, %get3A_1306 : vector<16xf32>
      %get3A_1308 = arith.constant 72 : i32
      %get3A_1309 = arith.index_cast %scan3A_779 : i32 to index
      %get3A_1310 = arith.index_cast %get3A_1308 : i32 to index
      %get3A_1311 = arith.constant 0 : index
      %get3A_1312 = tpu.vector_load %arg7[%get3A_1309, %get3A_1310, %get3A_1311] {strides = array<i32>} : memref<32x80x16xf32, #tpu.memory_space<vmem>>, vector<1x1x16xf32>,
      %get3A_1313 = vector.shape_cast %get3A_1312 : vector<1x1x16xf32> to vector<16xf32>
      %add3A_1314 = arith.addf %add3A_1307, %get3A_1313 : vector<16xf32>
      %get3A_1315 = arith.constant 73 : i32
      %get3A_1316 = arith.index_cast %scan3A_779 : i32 to index
      %get3A_1317 = arith.index_cast %get3A_1315 : i32 to index
      %get3A_1318 = arith.constant 0 : index
      %get3A_1319 = tpu.vector_load %arg7[%get3A_1316, %get3A_1317, %get3A_1318] {strides = array<i32>} : memref<32x80x16xf32, #tpu.memory_space<vmem>>, vector<1x1x16xf32>,
      %get3A_1320 = vector.shape_cast %get3A_1319 : vector<1x1x16xf32> to vector<16xf32>
      %add3A_1321 = arith.addf %add3A_1314, %get3A_1320 : vector<16xf32>
      %get3A_1322 = arith.constant 74 : i32
      %get3A_1323 = arith.index_cast %scan3A_779 : i32 to index
      %get3A_1324 = arith.index_cast %get3A_1322 : i32 to index
      %get3A_1325 = arith.constant 0 : index
      %get3A_1326 = tpu.vector_load %arg7[%get3A_1323, %get3A_1324, %get3A_1325] {strides = array<i32>} : memref<32x80x16xf32, #tpu.memory_space<vmem>>, vector<1x1x16xf32>,
      %get3A_1327 = vector.shape_cast %get3A_1326 : vector<1x1x16xf32> to vector<16xf32>
      %add3A_1328 = arith.addf %add3A_1321, %get3A_1327 : vector<16xf32>
      %get3A_1329 = arith.constant 75 : i32
      %get3A_1330 = arith.index_cast %scan3A_779 : i32 to index
      %get3A_1331 = arith.index_cast %get3A_1329 : i32 to index
      %get3A_1332 = arith.constant 0 : index
      %get3A_1333 = tpu.vector_load %arg7[%get3A_1330, %get3A_1331, %get3A_1332] {strides = array<i32>} : memref<32x80x16xf32, #tpu.memory_space<vmem>>, vector<1x1x16xf32>,
      %get3A_1334 = vector.shape_cast %get3A_1333 : vector<1x1x16xf32> to vector<16xf32>
      %add3A_1335 = arith.addf %add3A_1328, %get3A_1334 : vector<16xf32>
      %get3A_1336 = arith.constant 76 : i32
      %get3A_1337 = arith.index_cast %scan3A_779 : i32 to index
      %get3A_1338 = arith.index_cast %get3A_1336 : i32 to index
      %get3A_1339 = arith.constant 0 : index
      %get3A_1340 = tpu.vector_load %arg7[%get3A_1337, %get3A_1338, %get3A_1339] {strides = array<i32>} : memref<32x80x16xf32, #tpu.memory_space<vmem>>, vector<1x1x16xf32>,
      %get3A_1341 = vector.shape_cast %get3A_1340 : vector<1x1x16xf32> to vector<16xf32>
      %add3A_1342 = arith.addf %add3A_1335, %get3A_1341 : vector<16xf32>
      %get3A_1343 = arith.constant 77 : i32
      %get3A_1344 = arith.index_cast %scan3A_779 : i32 to index
      %get3A_1345 = arith.index_cast %get3A_1343 : i32 to index
      %get3A_1346 = arith.constant 0 : index
      %get3A_1347 = tpu.vector_load %arg7[%get3A_1344, %get3A_1345, %get3A_1346] {strides = array<i32>} : memref<32x80x16xf32, #tpu.memory_space<vmem>>, vector<1x1x16xf32>,
      %get3A_1348 = vector.shape_cast %get3A_1347 : vector<1x1x16xf32> to vector<16xf32>
      %add3A_1349 = arith.addf %add3A_1342, %get3A_1348 : vector<16xf32>
      %get3A_1350 = arith.constant 78 : i32
      %get3A_1351 = arith.index_cast %scan3A_779 : i32 to index
      %get3A_1352 = arith.index_cast %get3A_1350 : i32 to index
      %get3A_1353 = arith.constant 0 : index
      %get3A_1354 = tpu.vector_load %arg7[%get3A_1351, %get3A_1352, %get3A_1353] {strides = array<i32>} : memref<32x80x16xf32, #tpu.memory_space<vmem>>, vector<1x1x16xf32>,
      %get3A_1355 = vector.shape_cast %get3A_1354 : vector<1x1x16xf32> to vector<16xf32>
      %add3A_1356 = arith.addf %add3A_1349, %get3A_1355 : vector<16xf32>
      %get3A_1357 = arith.constant 79 : i32
      %get3A_1358 = arith.index_cast %scan3A_779 : i32 to index
      %get3A_1359 = arith.index_cast %get3A_1357 : i32 to index
      %get3A_1360 = arith.constant 0 : index
      %get3A_1361 = tpu.vector_load %arg7[%get3A_1358, %get3A_1359, %get3A_1360] {strides = array<i32>} : memref<32x80x16xf32, #tpu.memory_space<vmem>>, vector<1x1x16xf32>,
      %get3A_1362 = vector.shape_cast %get3A_1361 : vector<1x1x16xf32> to vector<16xf32>
      %add3A_1363 = arith.addf %add3A_1356, %get3A_1362 : vector<16xf32>
      %mul3A_1364 = arith.constant 4 : i32
      %mul3A_1365 = arith.muli %scan3A_779, %mul3A_1364 : i32
      %add3A_1366 = arith.constant 3 : i32
      %add3A_1367 = arith.addi %mul3A_1365, %add3A_1366 : i32
      %mul3A_1368 = arith.constant 16 : i32
      %mul3A_1369 = arith.muli %add3A_1367, %mul3A_1368 : i32
      %swap3A_1370 = arith.index_cast %mul3A_1369 : i32 to index
      %swap3A_1371 = tpu.vector_load %arg8[%swap3A_1370] {strides = array<i32>} : memref<2048xf32, #tpu.memory_space<vmem>>, vector<16xf32>,
      %swap3A_1372 = vector.shape_cast %swap3A_1371 : vector<16xf32> to vector<16xf32>
      %swap3A_1373 = vector.shape_cast %add3A_1363 : vector<16xf32> to vector<16xf32>
      tpu.vector_store %arg8[%swap3A_1370], %swap3A_1373 {strides = array<i32>} : memref<2048xf32, #tpu.memory_space<vmem>>, vector<16xf32>,
    }
    %scan3A_774 = arith.constant 32 : i32
    %mul3A_775 = arith.constant 128 : i32
    %mul3A_776 = arith.muli %add3A, %mul3A_775 : i32
    %mul3A_777 = arith.constant 16 : i32
    %mul3A_778 = arith.muli %mul3A_776, %mul3A_777 : i32
    "tpu.region"() ({
      %run_scoped3A = tpu.sem_alloc : memref<!tpu.dma_semaphore, #tpu.memory_space<semaphore_mem>>
      %dma_start3A_779 = tpu.memref_slice %arg4[%mul3A_778] : memref<65536xf32, #tpu.memory_space<hbm>> -> memref<2048xf32, #tpu.memory_space<hbm>>
      %dma_start3A_780 = tpu.memref_slice %arg4[%mul3A_778] : memref<65536xf32, #tpu.memory_space<hbm>> -> memref<2048xf32, #tpu.memory_space<hbm>>
      tpu.enqueue_dma source(%arg8 : memref<2048xf32, #tpu.memory_space<vmem>>) target(%dma_start3A_780 : memref<2048xf32, #tpu.memory_space<hbm>>) target_semaphore(%run_scoped3A : memref<!tpu.dma_semaphore, #tpu.memory_space<semaphore_mem>>)
      %dma_wait3A_781 = tpu.memref_slice %arg4[%mul3A_778] : memref<65536xf32, #tpu.memory_space<hbm>> -> memref<2048xf32, #tpu.memory_space<hbm>>
      %dma_wait3A_782 = tpu.memref_slice %arg4[%mul3A_778] : memref<65536xf32, #tpu.memory_space<hbm>> -> memref<2048xf32, #tpu.memory_space<hbm>>
      tpu.wait_dma2 semaphore(%run_scoped3A : memref<!tpu.dma_semaphore, #tpu.memory_space<semaphore_mem>>) src(%arg8 : memref<2048xf32, #tpu.memory_space<vmem>>) dst(%dma_wait3A_782 : memref<2048xf32, #tpu.memory_space<hbm>>)
      tpu.yield
    }) : () -> ()
    return
  }
}

module attributes {stable_mosaic.version = 14 : i64} {
  func.func @_tc_body(%arg0: i32, %arg1: memref<16x1000xf32, #tpu.memory_space<vmem>>, %arg2: memref<512x16xf32, #tpu.memory_space<vmem>>, %arg3: memref<1000x1xf32, #tpu.memory_space<vmem>>, %arg4: memref<1000x512xf32, #tpu.memory_space<vmem>>) attributes {dimension_semantics = [#tpu.dimension_semantics<arbitrary>], iteration_bounds = array<i64: 8>, scalar_prefetch = 0 : i64, scratch_operands = 0 : i64, tpu.core_type = #tpu.core_type<tc>, window_params = [{pipeline_mode = #tpu.pipeline_mode<synchronous>, transform_indices = @transform_0, window_bounds = array<i64: 16, 1000>}, {transform_indices = @transform_1, window_bounds = array<i64: 512, 16>}, {pipeline_mode = #tpu.pipeline_mode<synchronous>, transform_indices = @transform_2, window_bounds = array<i64: 1000, 1>}, {transform_indices = @transform_3, window_bounds = array<i64: 1000, 512>}]} {
    %get3A = arith.constant 0 : index
    %get3A_0 = arith.constant 0 : index
    %get3A_1 = vector.load %arg1[%get3A, %get3A_0] : memref<16x1000xf32, #tpu.memory_space<vmem>>, vector<16x1000xf32>
    %get3A_2 = arith.constant 0 : index
    %get3A_3 = arith.constant 0 : index
    %get3A_4 = vector.load %arg2[%get3A_2, %get3A_3] : memref<512x16xf32, #tpu.memory_space<vmem>>, vector<512x16xf32>
    %dot_general3A = arith.constant dense<0.000000e+00> : vector<1000x512xf32>
    %dot_general3A_5 = tpu.matmul %get3A_1, %get3A_4, %dot_general3A {dimension_numbers = #tpu.dot_dimension_numbers<[0], [1], [1], [0], [0, 1, 1, 0], [], []>, transpose_lhs_hint = false} : vector<16x1000xf32>, vector<512x16xf32>, vector<1000x512xf32> -> vector<1000x512xf32>
    %mul3A = arith.constant 5.000000e-02 : f32
    %mul3A_6 = vector.broadcast %mul3A : f32 to vector<1000x512xf32>
    %mul3A_7 = arith.mulf %dot_general3A_5, %mul3A_6 : vector<1000x512xf32>
    %get3A_8 = arith.constant 0 : index
    %get3A_9 = arith.constant 0 : index
    %get3A_10 = vector.load %arg3[%get3A_8, %get3A_9] : memref<1000x1xf32, #tpu.memory_space<vmem>>, vector<1000x1xf32>
    %add3A = vector.broadcast %get3A_10 : vector<1000x1xf32> to vector<1000x512xf32>
    %add3A_11 = arith.addf %mul3A_7, %add3A : vector<1000x512xf32>
    %swap3A = arith.constant 0 : index
    %swap3A_12 = arith.constant 0 : index
    %swap3A_13 = vector.load %arg4[%swap3A, %swap3A_12] : memref<1000x512xf32, #tpu.memory_space<vmem>>, vector<1000x512xf32>
    tpu.vector_store %arg4[%swap3A, %swap3A_12], %add3A_11 {strides = array<i32>} : memref<1000x512xf32, #tpu.memory_space<vmem>>, vector<1000x512xf32>,
    return
  }
  func.func @transform_0(%arg0: i32) -> (i32, i32) {
    %c0_i32 = arith.constant 0 : i32
    %c0_i32_0 = arith.constant 0 : i32
    %c0_i32_1 = arith.constant 0 : i32
    return %c0_i32, %c0_i32_0 : i32, i32
  }
  func.func @transform_1(%arg0: i32) -> (i32, i32) {
    %c0_i32 = arith.constant 0 : i32
    %c0_i32_0 = arith.constant 0 : i32
    return %arg0, %c0_i32 : i32, i32
  }
  func.func @transform_2(%arg0: i32) -> (i32, i32) {
    %c0_i32 = arith.constant 0 : i32
    %c0_i32_0 = arith.constant 0 : i32
    %c0_i32_1 = arith.constant 0 : i32
    return %c0_i32, %c0_i32_0 : i32, i32
  }
  func.func @transform_3(%arg0: i32) -> (i32, i32) {
    %c0_i32 = arith.constant 0 : i32
    %c0_i32_0 = arith.constant 0 : i32
    return %c0_i32, %arg0 : i32, i32
  }
}

</mosaic_0001>

<sc_bundles>
// kernel: kernel.5.cloned.1.call-start
scs
__scs_entry_jumppad:
0x0: {  	(pc) =	sbr.rel $0x88, $3  }
0x1: {  	(tag) =	ssettag $0x0;
	lr =	simm.s32 $0x1  }
0x2: {  	[smem:$0x3F9D] =	sst lr;
	_ =	strace $0xD0000000  }
0x3: {  	_ = 	snop  }
0x4: {  	_ = 	snop  }
0x5: {  	_ = 	snop  }
0x6: {  	_ = 	snop  }
0x7: {  	_ = 	snop  }
__scs_overlays_trampoline_lowered:
0x8: {  	[smem:$0x3FAC] =	sst s0  }
0x9: {  	[smem:$0x3FAD] =	sst s1  }
0xa: {  	[smem:$0x3FAE] =	sst s2  }
0xb: {  	[smem:$0x3FAF] =	sst s3  }
0xc: {  	[smem:$0x3FB0] =	sst s4  }
0xd: {  	[smem:$0x3FB1] =	sst s5  }
0xe: {  	[smem:$0x3FB2] =	sst s6  }
0xf: {  	[smem:$0x3FB3] =	sst s7  }
0x10: {  	[smem:$0x3FB4] =	sst s8  }
0x11: {  	[smem:$0x3FB5] =	sst s9;
	s0 =	simm.s32 @!p0 $0x0  }
0x12: {  	s1 =	sld [smem:$0x3F9B];
	s0 =	simm.s32 @p0 $0x1  }
0x13: {  	[smem:$0x3FB6] =	sst s0;
	s0 =	simm.s32 @!p1 $0x0  }
0x14: {  	s2 =	sld [smem:$0x3F9A];
	s0 =	simm.s32 @p1 $0x1  }
0x15: {  	[smem:$0x3FB7] =	sst s0;
	s0 =	simm.s32 @!p2 $0x0  }
0x16: {  	s3 =	sld [smem:$0x3FDB];
	s0 =	simm.s32 @p2 $0x1  }
0x17: {  	s4 =	simm.s32 $0x1BF5;
	[smem:$0x3FB9] =	sst s0  }
0x18: {  	s0 =	sld [smem:$0x3F9C];
	_ =	swait.ge [sflag:s4], $0x0  }
0x19: {  	s7 =	sld [smem:$0x3F9D]  }
0x1a: {  	s8 =	sadd.s32 $0xFFFFE003, lr  }
0x1b: {  	s9 =	sadd.s32 $0xFFFFFEF7, lr;
	s5 =	simm.s32 $0xFFFFFFFF;
	p2 =	slt.u32 s8, $0xFFFFF086  }
0x1c: {  	p1 =	slt.u32 s9, $0xF7A;
	s5 =	simm.s32 @!p2 $0x0  }
0x1d: {  	s5 =	simm.s32 @p1 $0x1;
	p0 =	seq.s32 s7, s2  }
0x1e: {  	s7 =	smul.u32 @!p0 $0xF7A, s2;
	p2 =	seq.s32 @!p0 s5, $0x0  }
0x1f: {  	s9 =	smul.u32 $0xF7A, s1;
	s8 =	simm.s32 @!p0 $0x1BF5;
	p2 =	por !p2, p0  }
0x20: {  	[sflag:s8] =	ssyncset.s32 @!p0 $0xFFFFF086;
	s6 =	sadd.s32 @!p0 s3, s7;
	s7 =	simm.s32 @!p0 $0x108  }
0x21: {  	s3 =	sadd.s32 s3, s9;
	s6 =	sadd.s32 @!p0 $0x88, s6;
	s7 =	simm.s32 @p2 $0x1082  }
0x22: {  	[simem:s7], [sflag:s8] =	dma.local @!p0 [hbm:s6], $0xF7A  }
0x23: {  	s9 =	sor.u32 $0xD0000000, s2;
	s6 =	simm.s32 $0x108;
	_ =	swait.ge @!p0 [sflag:s8], $0x0  }
0x24: {  	s3 =	sadd.s32 $0x88, s3;
	s6 =	simm.s32 @!p1 $0x1082;
	[sflag:s4] =	ssyncset.s32 $0xFFFFF086  }
0x25: {  	[simem:s6], [sflag:s4] =	dma.local [hbm:s3], $0xF7A  }
0x26: {  	[smem:$0x3F9D] =	sst s1;
	(tag) =	ssettag s2;
	_ =	strace s9  }
0x27: {  	s1 =	sld [smem:$0x3FAD]  }
0x28: {  	s2 =	sld [smem:$0x3FAE]  }
0x29: {  	s4 =	sld [smem:$0x3FB0]  }
0x2a: {  	p0 =	seq.s32 s5, $0x0;
	s5 =	sld [smem:$0x3FB1]  }
0x2b: {  	s6 =	sld [smem:$0x3FB2]  }
0x2c: {  	s7 =	sld [smem:$0x3FB3]  }
0x2d: {  	s3 =	simm.s32 $0x108;
	s8 =	sld [smem:$0x3FB4]  }
0x2e: {  	s3 =	simm.s32 @!p0 $0x1082;
	s9 =	sld [smem:$0x3FB5]  }
0x2f: {  	lr =	sadd.s32 s0, s3;
	s0 =	sld [smem:$0x3FAC]  }
0x30: {  	s3 =	sld [smem:$0x3FAF]  }
0x31: {  	[smem:$0x3FB8] =	sst s10  }
0x32: {  	s10 =	sld [smem:$0x3FB6];
	_ =	sdelay $0x3  }
0x33: {  	p0 =	seq.s32 s10, $0x1;
	s10 =	sld [smem:$0x3FB8];
	_ =	sdelay $0x3  }
0x34: {  	[smem:$0x3FB8] =	sst s10  }
0x35: {  	s10 =	sld [smem:$0x3FB7];
	_ =	sdelay $0x3  }
0x36: {  	p1 =	seq.s32 s10, $0x1;
	s10 =	sld [smem:$0x3FB8];
	_ =	sdelay $0x3  }
0x37: {  	[smem:$0x3FB8] =	sst s10  }
0x38: {  	s10 =	sld [smem:$0x3FB9]  }
0x39: {  	_ = 	snop;
	(pc) =	sbr.ind lr, $3  }
0x3a: {  	_ = 	snop  }
0x3b: {  	_ = 	snop  }
0x3c: {  	p2 =	seq.s32 s10, $0x1;
	s10 =	sld [smem:$0x3FB8]  }
0x3d: {  	_ =	shalt  }
0x3e: {  	_ =	shalt  }
0x3f: {  	_ =	shalt  }
0x40: {  	_ =	shalt  }
0x41: {  	_ =	shalt  }
0x42: {  	_ =	shalt  }
0x43: {  	_ =	shalt  }
0x44: {  	_ =	shalt  }
0x45: {  	_ =	shalt  }
0x46: {  	_ =	shalt  }
0x47: {  	_ =	shalt  }
0x48: {  	_ =	shalt  }
0x49: {  	_ =	shalt  }
0x4a: {  	_ =	shalt  }
0x4b: {  	_ =	shalt  }
0x4c: {  	_ =	shalt  }
0x4d: {  	_ =	shalt  }
0x4e: {  	_ =	shalt  }
0x4f: {  	_ =	shalt  }
0x50: {  	_ =	shalt  }
0x51: {  	_ =	shalt  }
0x52: {  	_ =	shalt  }
0x53: {  	_ =	shalt  }
0x54: {  	_ =	shalt  }
0x55: {  	_ =	shalt  }
0x56: {  	_ =	shalt  }
0x57: {  	_ =	shalt  }
0x58: {  	_ =	shalt  }
0x59: {  	_ =	shalt  }
0x5a: {  	_ =	shalt  }
0x5b: {  	_ =	shalt  }
0x5c: {  	_ =	shalt  }
0x5d: {  	_ =	shalt  }
0x5e: {  	_ =	shalt  }
0x5f: {  	_ =	shalt  }
0x60: {  	_ =	shalt  }
0x61: {  	_ =	shalt  }
0x62: {  	_ =	shalt  }
0x63: {  	_ =	shalt  }
0x64: {  	_ =	shalt  }
0x65: {  	_ =	shalt  }
0x66: {  	_ =	shalt  }
0x67: {  	_ =	shalt  }
0x68: {  	_ =	shalt  }
0x69: {  	_ =	shalt  }
0x6a: {  	_ =	shalt  }
0x6b: {  	_ =	shalt  }
0x6c: {  	_ =	shalt  }
0x6d: {  	_ =	shalt  }
0x6e: {  	_ =	shalt  }
0x6f: {  	_ =	shalt  }
0x70: {  	_ =	shalt  }
0x71: {  	_ =	shalt  }
0x72: {  	_ =	shalt  }
0x73: {  	_ =	shalt  }
0x74: {  	_ =	shalt  }
0x75: {  	_ =	shalt  }
0x76: {  	_ =	shalt  }
0x77: {  	_ =	shalt  }
0x78: {  	_ =	shalt  }
0x79: {  	_ =	shalt  }
0x7a: {  	_ =	shalt  }
0x7b: {  	_ =	shalt  }
0x7c: {  	_ =	shalt  }
0x7d: {  	_ =	shalt  }
0x7e: {  	_ =	shalt  }
0x7f: {  	_ =	shalt  }
0x80: {  	_ =	shalt  }
0x81: {  	_ =	shalt  }
0x82: {  	_ =	shalt  }
0x83: {  	_ =	shalt  }
0x84: {  	_ =	shalt  }
0x85: {  	_ =	shalt  }
0x86: {  	_ =	shalt  }
0x87: {  	_ =	shalt  }
.Lfunc_end0:
.L_simem_size_0:
called_computation_lowered:
.L_overlay_start_0:
0x88: {  	s2 =	sld [smem:$0x3FD9]  }
0x89: {  	s3 =	sld [smem:$0x3FFE];
	_ =	sdelay $0x1  }
0x8a: {  	s1 =	srdreg.scid  }
0x8b: {  	s0 =	sand.u32 $0x1, s1  }
0x8c: {  	s17 =	sshll.u32 s0, $0xA;
	s2 =	sadd.s32 s3, s2  }
0x8d: {  	s2 =	sadd.s32 s2, s17  }
0x8e: {  	[smem:$0x3FC4] =	sst s2  }
0x8f: {  	_ = 	snop  }
0x90: {  	s2 =	sld [smem:$0x3FD0];
	(tm) =	ssettm $0x1  }
0x91: {  	s18 =	sld [smem:$0x3FFB];
	_ =	sdelay $0x3  }
0x92: {  	_ =	strace s18  }
0x93: {  	s3 =	sld [smem:$0x3FFC];
	_ =	sdelay $0x3  }
0x94: {  	_ =	strace s3  }
0x95: {  	s3 =	sld [smem:$0x3FFD];
	_ =	sdelay $0x3  }
0x96: {  	_ =	strace s3  }
0x97: {  	_ =	strace $0x8FFFFFFF  }
0x98: {  	s19 =	sld [smem:$0x3FDB];
	_ =	sdelay $0x1  }
0x99: {  	s4 =	simm.s32 $_scs_section_size  }
0x9a: {  	s5 =	simm.s32 $_size__tile_overlayer_lowered;
	s6 =	simm.s32 $_tile_overlayer_lowered  }
0x9b: {  	s22 =	simm.s32 $0x1BFF;
	s21 =	sshll.u32 s6, $0x1;
	s3 =	sadd.s32 s4, s19  }
0x9c: {  	s7 =	simm.s32 $0x0;
	s20 =	sshll.u32 s5, $0x1;
	s5 =	sadd.s32 s21, s3  }
0x9d: {  	[timem:s7], [sflag:s22] =	dma.local [hbm:s5], s20  }
0x9e: {  	_ =	swait.ge [sflag:s22], s20  }
0x9f: {  	s4 =	ssub.s32 $0x0, s20;
	[sflag:s22] =	ssyncset.done $0x0  }
0xa0: {  	[sflag:s22] =	ssyncadd.s32 s4;
	_ =	sdelay $0x1  }
0xa1: {  	s23 =	simm.s32 $0x1B8B  }
0xa2: {  	_ =	swait.ge [sflag:s23], $0x1  }
0xa3: {  	[sflag:s23] =	ssyncset.done $0x0  }
0xa4: {  	s25 =	simm.s32 $0x1B8E;
	s24 =	sld [smem:$0x3FFE];
	[sflag:s23] =	ssyncadd.s32 $0xFFFFFFFF  }
0xa5: {  	s26 =	simm.s32 $execute0_lowered;
	[smem:$0x3FD2] =	sst s25  }
0xa6: {  	s5 =	sshll.u32 s26, $0x1;
	_ =	strace $0x80000046;
	[dreg:$0x1] =	wrdreg $0xFFFFFFFF  }
0xa7: {  	s28 =	simm.s32 $_size_execute0_lowered;
	s3 =	sadd.s32 s3, s5;
	[dreg:$0x0] =	wrdreg $0x0  }
0xa8: {  	s5 =	sshll.u32 s28, $0x1;
	[dreg:$0x2] =	wrdreg s3  }
0xa9: {  	[dreg:$0x3] =	wrdreg s5  }
0xaa: {  	[dreg:$0x4] =	wrdreg $0xC0  }
0xab: {  	_ =	task [dreg:s7], $0x5FFFF  }
0xac: {  	[dreg:$0x1] =	wrdreg $0xFFFFFFFF  }
0xad: {  	[dreg:$0x0] =	wrdreg $0x60  }
0xae: {  	[dreg:$0x2] =	wrdreg s2  }
0xaf: {  	[dreg:$0x3] =	wrdreg s24  }
0xb0: {  	[dreg:$0x4] =	wrdreg $0xA000  }
0xb1: {  	[dreg:$0x5] =	wrdreg $0x9  }
0xb2: {  	_ =	task.clear_ibuf [dreg:s7], $0x6FFFF;
	_ =	strace $0x90000046  }
0xb3: {  	s29 =	simm.s32 $0x9;
	_ =	strace $0x80000048  }
0xb4: {  	_ =	swait.ge [sflag:s29], $0x1  }
0xb5: {  	[sflag:s29] =	ssyncadd.s32 $0xFFFFFFFF  }
0xb6: {  	_ =	strace $0x90000048  }
0xb7: {  	_ =	sfence  }
0xb8: {  	s30 =	sld [smem:$0x0];
	_ =	sdelay $0x2  }
0xb9: {  	s31 =	sshll.u32 s1, $0xD;
	s1 =	sshrl.u32 s1, $0x2  }
0xba: {  	s3 =	sand.u32 $0x4000, s31;
	s1 =	sadd.s32 s1, s30  }
0xbb: {  	s0 =	sor.u32 s3, s0;
	s1 =	sshll.u32 s1, $0x11  }
0xbc: {  	s0 =	sor.u32 s1, s0  }
0xbd: {  	s0 =	sadd.s32 $0x8F2B, s0  }
0xbe: {  	[sflag:s0] =	ssyncadd.remote.s32 $0x1  }
0xbf: {  	_ =	sfence.sel $0xFFFF  }
0xc0: {  	[dreg:$0x0] =	wrdreg $0xFFFFFFFF;
	(pc) =	sbr.abs _section_cstart, $3  }
0xc1: {  	[dreg:$0x1] =	wrdreg $0xFFFFFFFF  }
0xc2: {  	_ =	task.clear_ibuf [dreg:s7], $0x2FFFF;
	_ =	strace $0x9FFFFFFF  }
0xc3: {  	(tm) =	ssettm $0x7FFFFFFF  }
tec
execute0_lowered:
.L_overlay_start_1:
0x0: {  	(tag) =	ssettag $0x1  }
0x1: {  	s0 =	rddreg [dreg:$0x0]  }
0x2: {  	s4 =	rddreg [dreg:$0x1]  }
0x3: {  	s1 =	rddreg [dreg:$0x2];
	s2 =	simm.s32 $0x0  }
0x4: {  	s3 =	srdreg.scid;
	s6 =	stileid.u32;
	s13 =	simm.s32 $0x85E8  }
0x5: {  	s14 =	simm.s32 $0x7D0;
	s15 =	simm.s32 $0x8AE8;
	s16 =	simm.s32 $0x820  }
0x6: {  	s17 =	simm.s32 $0x8FE8;
	s18 =	simm.s32 $0x870;
	s19 =	simm.s32 $0x94E8  }
0x7: {  	s20 =	simm.s32 $0x8C0;
	s21 =	simm.s32 $0x99E8;
	s22 =	simm.s32 $0x910  }
0x8: {  	s23 =	simm.s32 $0x9EE8;
	s24 =	simm.s32 $0x960;
	s25 =	simm.s32 $0xA3E8  }
0x9: {  	s26 =	simm.s32 $0x9B0;
	s28 =	simm.s32 $0xA8E8;
	s29 =	simm.s32 $0x1  }
0xa: {  	s30 =	simm.s32 $0xADE8;
	s31 =	simm.s32 $0x0;
	[smem:$0x7FF] =	sst s2  }
0xb: {  	s3 =	sand.u32 $0x1, s3;
	s5 =	sshll.u32 s6, $0x1;
	p0 =	sne.s32 s6, $0x0  }
0xc: {  	_ =	strace $0x80000047;
	s5 =	sor.u32 s3, s5;
	s7 =	ssub.s32 $0x2, s3  }
0xd: {  	s8 =	sshll.u32 s5, $0x8;
	s9 =	sshrl.u32 s7, $0x1;
	s5 =	smul.u32 $0x140, s5  }
0xe: {  	s3 =	sadd.s32 $0xC00, s4;
	s8 =	sadd.s32 s8, s4;
	s7 =	ssub.s32 s7, s9  }
0xf: {  	s9 =	simm.s32 $0x50;
	s4 =	sadd.s32 s0, s5;
	s5 =	sadd.s32 $0x1400, s8  }
0x10: {  	s6 =	smax.u32 s7, $0x1;
	s7 =	sshrl.u32 @!p0 s1, $0x3;
	s8 =	simm.s32 $0x2  }
.LBB2_1:
0x11: {  	s0 =	simm.s32 @!p0 $0x1C02  }
0x12: {  	[spmem:s7], [sflag:s0] =	dma.local @!p0 [hbm:s3], $0x7D0  }
0x13: {  	s0 =	simm.s32 @!p0 $0x2  }
0x14: {  	_ =	swait.ge @!p0 [sflag:s0], $0x7D0  }
0x15: {  	[sflag:s0] =	ssyncset.done @!p0 $0x0  }
0x16: {  	[sflag:s0] =	ssyncadd.s32 @!p0 $0xFFFFF830  }
0x17: {  	[tilespmem:s2], [sflag:$0x2] =	stream.linear.gather [hbm4b:s4+s2], $0xA00, $0x38;
	[tilespmem:$0xB5E8] =	vst v63  }
0x18: {  	_ =	swait.ge [sflag:s8], $0xA00  }
0x19: {  	[sflag:s8] =	ssyncset.done $0x0  }
0x1a: {  	[sflag:s8] =	ssyncadd.s32 $0xFFFFF600  }
0x1b: {  	s10 =	simm.s32 $0xDE8;
	[bflag:$0x0] =	sbarrier.arrive $0xFFFF  }
0x1c: {  	[tilespmem:s10], [sflag:$0x1] =	stream.indirect.gather [spmem:s1], $0x10, s2, s9, $0xb8;
	[tilespmem:$0xB5E8] =	vst v63  }
0x1d: {  	s11 =	simm.s32 $0x12E8  }
0x1e: {  	[tilespmem:s11], [sflag:$0x1] =	stream.indirect.gather [spmem:s1], $0x10, s9, s9, $0xb8;
	[tilespmem:$0xB5E8] =	vst v63  }
0x1f: {  	s12 =	simm.s32 $0xA0;
	s10 =	simm.s32 $0x17E8  }
0x20: {  	[tilespmem:s10], [sflag:$0x1] =	stream.indirect.gather [spmem:s1], $0x10, s12, s9, $0xb8;
	[tilespmem:$0xB5E8] =	vst v63  }
0x21: {  	s11 =	simm.s32 $0xF0;
	s12 =	simm.s32 $0x1CE8  }
0x22: {  	[tilespmem:s12], [sflag:$0x1] =	stream.indirect.gather [spmem:s1], $0x10, s11, s9, $0xb8;
	[tilespmem:$0xB5E8] =	vst v63  }
0x23: {  	s11 =	simm.s32 $0x140;
	s12 =	simm.s32 $0x21E8  }
0x24: {  	[tilespmem:s12], [sflag:$0x1] =	stream.indirect.gather [spmem:s1], $0x10, s11, s9, $0xb8;
	[tilespmem:$0xB5E8] =	vst v63  }
0x25: {  	s11 =	simm.s32 $0x190;
	s12 =	simm.s32 $0x26E8  }
0x26: {  	[tilespmem:s12], [sflag:$0x1] =	stream.indirect.gather [spmem:s1], $0x10, s11, s9, $0xb8;
	[tilespmem:$0xB5E8] =	vst v63  }
0x27: {  	s11 =	simm.s32 $0x1E0;
	s12 =	simm.s32 $0x2BE8  }
0x28: {  	[tilespmem:s12], [sflag:$0x1] =	stream.indirect.gather [spmem:s1], $0x10, s11, s9, $0xb8;
	[tilespmem:$0xB5E8] =	vst v63  }
0x29: {  	s11 =	simm.s32 $0x230;
	s12 =	simm.s32 $0x30E8  }
0x2a: {  	[tilespmem:s12], [sflag:$0x1] =	stream.indirect.gather [spmem:s1], $0x10, s11, s9, $0xb8;
	[tilespmem:$0xB5E8] =	vst v63  }
0x2b: {  	s11 =	simm.s32 $0x280;
	s12 =	simm.s32 $0x35E8  }
0x2c: {  	[tilespmem:s12], [sflag:$0x1] =	stream.indirect.gather [spmem:s1], $0x10, s11, s9, $0xb8;
	[tilespmem:$0xB5E8] =	vst v63  }
0x2d: {  	s11 =	simm.s32 $0x2D0;
	s12 =	simm.s32 $0x3AE8  }
0x2e: {  	[tilespmem:s12], [sflag:$0x1] =	stream.indirect.gather [spmem:s1], $0x10, s11, s9, $0xb8;
	[tilespmem:$0xB5E8] =	vst v63  }
0x2f: {  	s11 =	simm.s32 $0x320;
	s12 =	simm.s32 $0x3FE8  }
0x30: {  	[tilespmem:s12], [sflag:$0x1] =	stream.indirect.gather [spmem:s1], $0x10, s11, s9, $0xb8;
	[tilespmem:$0xB5E8] =	vst v63  }
0x31: {  	s11 =	simm.s32 $0x370;
	s12 =	simm.s32 $0x44E8  }
0x32: {  	[tilespmem:s12], [sflag:$0x1] =	stream.indirect.gather [spmem:s1], $0x10, s11, s9, $0xb8;
	[tilespmem:$0xB5E8] =	vst v63  }
0x33: {  	s11 =	simm.s32 $0x3C0;
	s12 =	simm.s32 $0x49E8  }
0x34: {  	[tilespmem:s12], [sflag:$0x1] =	stream.indirect.gather [spmem:s1], $0x10, s11, s9, $0xb8;
	[tilespmem:$0xB5E8] =	vst v63  }
0x35: {  	s11 =	simm.s32 $0x410;
	s12 =	simm.s32 $0x4EE8  }
0x36: {  	[tilespmem:s12], [sflag:$0x1] =	stream.indirect.gather [spmem:s1], $0x10, s11, s9, $0xb8;
	[tilespmem:$0xB5E8] =	vst v63  }
0x37: {  	s11 =	simm.s32 $0x460;
	s12 =	simm.s32 $0x53E8  }
0x38: {  	[tilespmem:s12], [sflag:$0x1] =	stream.indirect.gather [spmem:s1], $0x10, s11, s9, $0xb8;
	[tilespmem:$0xB5E8] =	vst v63  }
0x39: {  	s11 =	simm.s32 $0x4B0;
	s12 =	simm.s32 $0x58E8  }
0x3a: {  	[tilespmem:s12], [sflag:$0x1] =	stream.indirect.gather [spmem:s1], $0x10, s11, s9, $0xb8;
	[tilespmem:$0xB5E8] =	vst v63  }
0x3b: {  	s11 =	simm.s32 $0x500;
	s12 =	simm.s32 $0x5DE8  }
0x3c: {  	[tilespmem:s12], [sflag:$0x1] =	stream.indirect.gather [spmem:s1], $0x10, s11, s9, $0xb8;
	[tilespmem:$0xB5E8] =	vst v63  }
0x3d: {  	s11 =	simm.s32 $0x550;
	s12 =	simm.s32 $0x62E8  }
0x3e: {  	[tilespmem:s12], [sflag:$0x1] =	stream.indirect.gather [spmem:s1], $0x10, s11, s9, $0xb8;
	[tilespmem:$0xB5E8] =	vst v63  }
0x3f: {  	s11 =	simm.s32 $0x5A0;
	s12 =	simm.s32 $0x67E8  }
0x40: {  	[tilespmem:s12], [sflag:$0x1] =	stream.indirect.gather [spmem:s1], $0x10, s11, s9, $0xb8;
	[tilespmem:$0xB5E8] =	vst v63  }
0x41: {  	s11 =	simm.s32 $0x5F0;
	s12 =	simm.s32 $0x6CE8  }
0x42: {  	[tilespmem:s12], [sflag:$0x1] =	stream.indirect.gather [spmem:s1], $0x10, s11, s9, $0xb8;
	[tilespmem:$0xB5E8] =	vst v63  }
0x43: {  	s11 =	simm.s32 $0x640;
	s12 =	simm.s32 $0x71E8  }
0x44: {  	[tilespmem:s12], [sflag:$0x1] =	stream.indirect.gather [spmem:s1], $0x10, s11, s9, $0xb8;
	[tilespmem:$0xB5E8] =	vst v63  }
0x45: {  	s11 =	simm.s32 $0x690;
	s12 =	simm.s32 $0x76E8  }
0x46: {  	[tilespmem:s12], [sflag:$0x1] =	stream.indirect.gather [spmem:s1], $0x10, s11, s9, $0xb8;
	[tilespmem:$0xB5E8] =	vst v63  }
0x47: {  	s11 =	simm.s32 $0x6E0;
	s12 =	simm.s32 $0x7BE8  }
0x48: {  	[tilespmem:s12], [sflag:$0x1] =	stream.indirect.gather [spmem:s1], $0x10, s11, s9, $0xb8;
	[tilespmem:$0xB5E8] =	vst v63  }
0x49: {  	s10 =	simm.s32 $0x730;
	s11 =	simm.s32 $0x80E8  }
0x4a: {  	[tilespmem:s11], [sflag:$0x1] =	stream.indirect.gather [spmem:s1], $0x10, s10, s9, $0xb8;
	[tilespmem:$0xB5E8] =	vst v63  }
0x4b: {  	s12 =	simm.s32 $0x780  }
0x4c: {  	[tilespmem:s13], [sflag:$0x1] =	stream.indirect.gather [spmem:s1], $0x10, s12, s9, $0xb8;
	[tilespmem:$0xB5E8] =	vst v63  }
0x4d: {  	_ = 	snop  }
0x4e: {  	[tilespmem:s15], [sflag:$0x1] =	stream.indirect.gather [spmem:s1], $0x10, s14, s9, $0xb8;
	[tilespmem:$0xB5E8] =	vst v63  }
0x4f: {  	_ = 	snop  }
0x50: {  	[tilespmem:s17], [sflag:$0x1] =	stream.indirect.gather [spmem:s1], $0x10, s16, s9, $0xb8;
	[tilespmem:$0xB5E8] =	vst v63  }
0x51: {  	_ = 	snop  }
0x52: {  	[tilespmem:s19], [sflag:$0x1] =	stream.indirect.gather [spmem:s1], $0x10, s18, s9, $0xb8;
	[tilespmem:$0xB5E8] =	vst v63  }
0x53: {  	_ = 	snop  }
0x54: {  	[tilespmem:s21], [sflag:$0x1] =	stream.indirect.gather [spmem:s1], $0x10, s20, s9, $0xb8;
	[tilespmem:$0xB5E8] =	vst v63  }
0x55: {  	_ = 	snop  }
0x56: {  	[tilespmem:s23], [sflag:$0x1] =	stream.indirect.gather [spmem:s1], $0x10, s22, s9, $0xb8;
	[tilespmem:$0xB5E8] =	vst v63  }
0x57: {  	_ = 	snop  }
0x58: {  	[tilespmem:s25], [sflag:$0x1] =	stream.indirect.gather [spmem:s1], $0x10, s24, s9, $0xb8;
	[tilespmem:$0xB5E8] =	vst v63  }
0x59: {  	_ = 	snop  }
0x5a: {  	[tilespmem:s28], [sflag:$0x1] =	stream.indirect.gather [spmem:s1], $0x10, s26, s9, $0xb8;
	[tilespmem:$0xB5E8] =	vst v63  }
0x5b: {  	_ =	swait.ge [sflag:s29], $0x500  }
0x5c: {  	[sflag:s29] =	ssyncset.done $0x0  }
0x5d: {  	[sflag:s29] =	ssyncadd.s32 $0xFFFFFB00  }
0x5e: {  	_ =	swait.ge [sflag:s29], $0x500  }
0x5f: {  	[sflag:s29] =	ssyncset.done $0x0  }
0x60: {  	[sflag:s29] =	ssyncadd.s32 $0xFFFFFB00  }
0x61: {  	_ =	swait.ge [sflag:s29], $0x500  }
0x62: {  	[sflag:s29] =	ssyncset.done $0x0  }
0x63: {  	[sflag:s29] =	ssyncadd.s32 $0xFFFFFB00  }
0x64: {  	_ =	swait.ge [sflag:s29], $0x500  }
0x65: {  	[sflag:s29] =	ssyncset.done $0x0  }
0x66: {  	[sflag:s29] =	ssyncadd.s32 $0xFFFFFB00  }
0x67: {  	_ =	swait.ge [sflag:s29], $0x500  }
0x68: {  	[sflag:s29] =	ssyncset.done $0x0  }
0x69: {  	[sflag:s29] =	ssyncadd.s32 $0xFFFFFB00  }
0x6a: {  	_ =	swait.ge [sflag:s29], $0x500  }
0x6b: {  	[sflag:s29] =	ssyncset.done $0x0  }
0x6c: {  	[sflag:s29] =	ssyncadd.s32 $0xFFFFFB00  }
0x6d: {  	_ =	swait.ge [sflag:s29], $0x500  }
0x6e: {  	[sflag:s29] =	ssyncset.done $0x0  }
0x6f: {  	[sflag:s29] =	ssyncadd.s32 $0xFFFFFB00  }
0x70: {  	_ =	swait.ge [sflag:s29], $0x500  }
0x71: {  	[sflag:s29] =	ssyncset.done $0x0  }
0x72: {  	[sflag:s29] =	ssyncadd.s32 $0xFFFFFB00  }
0x73: {  	_ =	swait.ge [sflag:s29], $0x500  }
0x74: {  	[sflag:s29] =	ssyncset.done $0x0  }
0x75: {  	[sflag:s29] =	ssyncadd.s32 $0xFFFFFB00  }
0x76: {  	_ =	swait.ge [sflag:s29], $0x500  }
0x77: {  	[sflag:s29] =	ssyncset.done $0x0  }
0x78: {  	[sflag:s29] =	ssyncadd.s32 $0xFFFFFB00  }
0x79: {  	_ =	swait.ge [sflag:s29], $0x500  }
0x7a: {  	[sflag:s29] =	ssyncset.done $0x0  }
0x7b: {  	[sflag:s29] =	ssyncadd.s32 $0xFFFFFB00  }
0x7c: {  	_ =	swait.ge [sflag:s29], $0x500  }
0x7d: {  	[sflag:s29] =	ssyncset.done $0x0  }
0x7e: {  	[sflag:s29] =	ssyncadd.s32 $0xFFFFFB00  }
0x7f: {  	_ =	swait.ge [sflag:s29], $0x500  }
0x80: {  	[sflag:s29] =	ssyncset.done $0x0  }
0x81: {  	[sflag:s29] =	ssyncadd.s32 $0xFFFFFB00  }
0x82: {  	_ =	swait.ge [sflag:s29], $0x500  }
0x83: {  	[sflag:s29] =	ssyncset.done $0x0  }
0x84: {  	[sflag:s29] =	ssyncadd.s32 $0xFFFFFB00  }
0x85: {  	_ =	swait.ge [sflag:s29], $0x500  }
0x86: {  	[sflag:s29] =	ssyncset.done $0x0  }
0x87: {  	[sflag:s29] =	ssyncadd.s32 $0xFFFFFB00  }
0x88: {  	_ =	swait.ge [sflag:s29], $0x500  }
0x89: {  	[sflag:s29] =	ssyncset.done $0x0  }
0x8a: {  	[sflag:s29] =	ssyncadd.s32 $0xFFFFFB00  }
0x8b: {  	_ =	swait.ge [sflag:s29], $0x500  }
0x8c: {  	[sflag:s29] =	ssyncset.done $0x0  }
0x8d: {  	[sflag:s29] =	ssyncadd.s32 $0xFFFFFB00  }
0x8e: {  	_ =	swait.ge [sflag:s29], $0x500  }
0x8f: {  	[sflag:s29] =	ssyncset.done $0x0  }
0x90: {  	[sflag:s29] =	ssyncadd.s32 $0xFFFFFB00  }
0x91: {  	_ =	swait.ge [sflag:s29], $0x500  }
0x92: {  	[sflag:s29] =	ssyncset.done $0x0  }
0x93: {  	[sflag:s29] =	ssyncadd.s32 $0xFFFFFB00  }
0x94: {  	_ =	swait.ge [sflag:s29], $0x500  }
0x95: {  	[sflag:s29] =	ssyncset.done $0x0  }
0x96: {  	[sflag:s29] =	ssyncadd.s32 $0xFFFFFB00  }
0x97: {  	_ =	swait.ge [sflag:s29], $0x500  }
0x98: {  	[sflag:s29] =	ssyncset.done $0x0  }
0x99: {  	[sflag:s29] =	ssyncadd.s32 $0xFFFFFB00  }
0x9a: {  	_ =	swait.ge [sflag:s29], $0x500  }
0x9b: {  	[sflag:s29] =	ssyncset.done $0x0  }
0x9c: {  	[sflag:s29] =	ssyncadd.s32 $0xFFFFFB00  }
0x9d: {  	_ =	swait.ge [sflag:s29], $0x500  }
0x9e: {  	[sflag:s29] =	ssyncset.done $0x0  }
0x9f: {  	[sflag:s29] =	ssyncadd.s32 $0xFFFFFB00  }
0xa0: {  	_ =	swait.ge [sflag:s29], $0x500  }
0xa1: {  	[sflag:s29] =	ssyncset.done $0x0  }
0xa2: {  	[sflag:s29] =	ssyncadd.s32 $0xFFFFFB00  }
0xa3: {  	_ =	swait.ge [sflag:s29], $0x500  }
0xa4: {  	[sflag:s29] =	ssyncset.done $0x0  }
0xa5: {  	[sflag:s29] =	ssyncadd.s32 $0xFFFFFB00  }
0xa6: {  	_ =	swait.ge [sflag:s29], $0x500  }
0xa7: {  	[sflag:s29] =	ssyncset.done $0x0  }
0xa8: {  	[sflag:s29] =	ssyncadd.s32 $0xFFFFFB00  }
0xa9: {  	_ =	swait.ge [sflag:s29], $0x500  }
0xaa: {  	[sflag:s29] =	ssyncset.done $0x0  }
0xab: {  	[sflag:s29] =	ssyncadd.s32 $0xFFFFFB00  }
0xac: {  	_ =	swait.ge [sflag:s29], $0x500  }
0xad: {  	[sflag:s29] =	ssyncset.done $0x0  }
0xae: {  	[sflag:s29] =	ssyncadd.s32 $0xFFFFFB00  }
0xaf: {  	_ =	swait.ge [sflag:s29], $0x500  }
0xb0: {  	[sflag:s29] =	ssyncset.done $0x0  }
0xb1: {  	[sflag:s29] =	ssyncadd.s32 $0xFFFFFB00  }
0xb2: {  	_ =	swait.ge [sflag:s29], $0x500  }
0xb3: {  	[sflag:s29] =	ssyncset.done $0x0  }
0xb4: {  	[sflag:s29] =	ssyncadd.s32 $0xFFFFFB00  }
0xb5: {  	_ =	swait.ge [sflag:s29], $0x500  }
0xb6: {  	[sflag:s29] =	ssyncset.done $0x0  }
0xb7: {  	[sflag:s29] =	ssyncadd.s32 $0xFFFFFB00  }
0xb8: {  	_ =	swait.ge [sflag:s29], $0x500  }
0xb9: {  	[sflag:s29] =	ssyncset.done $0x0  }
0xba: {  	s0 =	simm.s32 $0x1068;
	[sflag:s29] =	ssyncadd.s32 $0xFFFFFB00  }
0xbb: {  	v0 =	vld [tilespmem:s0+$0xFFFFFD90]  }
0xbc: {  	v1 =	vld [tilespmem:s0+$0xFFFFFD80];
	_ =	sdelay $0x1  }
0xbd: {  	v2 =	vld [tilespmem:s0+$0xFFFFFDA0];
	_ =	sdelay $0x1  }
0xbe: {  	v3 =	vld [tilespmem:s0+$0xFFFFFDB0]  }
0xbf: {  	v0 =	vadd.f32 v0, v1  }
0xc0: {  	v1 =	vld [tilespmem:s0+$0xFFFFFDC0]  }
0xc1: {  	v0 =	vadd.f32 v2, v0  }
0xc2: {  	v2 =	vld [tilespmem:s0+$0xFFFFFDD0]  }
0xc3: {  	v0 =	vadd.f32 v3, v0  }
0xc4: {  	v3 =	vld [tilespmem:s0+$0xFFFFFDE0]  }
0xc5: {  	v0 =	vadd.f32 v1, v0  }
0xc6: {  	v1 =	vld [tilespmem:s0+$0xFFFFFDF0]  }
0xc7: {  	v0 =	vadd.f32 v2, v0  }
0xc8: {  	v2 =	vld [tilespmem:s0+$0xFFFFFE00]  }
0xc9: {  	v0 =	vadd.f32 v3, v0  }
0xca: {  	v3 =	vld [tilespmem:s0+$0xFFFFFE10]  }
0xcb: {  	v0 =	vadd.f32 v1, v0  }
0xcc: {  	v1 =	vld [tilespmem:s0+$0xFFFFFE20]  }
0xcd: {  	v0 =	vadd.f32 v2, v0  }
0xce: {  	v2 =	vld [tilespmem:s0+$0xFFFFFE30]  }
0xcf: {  	v0 =	vadd.f32 v3, v0  }
0xd0: {  	v3 =	vld [tilespmem:s0+$0xFFFFFE40]  }
0xd1: {  	v0 =	vadd.f32 v1, v0  }
0xd2: {  	v1 =	vld [tilespmem:s0+$0xFFFFFE50]  }
0xd3: {  	v0 =	vadd.f32 v2, v0  }
0xd4: {  	v2 =	vld [tilespmem:s0+$0xFFFFFE60]  }
0xd5: {  	v0 =	vadd.f32 v3, v0  }
0xd6: {  	v3 =	vld [tilespmem:s0+$0xFFFFFE70]  }
0xd7: {  	v0 =	vadd.f32 v1, v0  }
0xd8: {  	v1 =	vld [tilespmem:s0+$0xFFFFFE80]  }
0xd9: {  	v0 =	vadd.f32 v2, v0  }
0xda: {  	v2 =	vld [tilespmem:s0+$0xFFFFFE90]  }
0xdb: {  	v0 =	vadd.f32 v3, v0  }
0xdc: {  	v3 =	vld [tilespmem:s0+$0xFFFFFEA0]  }
0xdd: {  	v0 =	vadd.f32 v1, v0  }
0xde: {  	v1 =	vld [tilespmem:s0+$0xFFFFFEB0]  }
0xdf: {  	v0 =	vadd.f32 v2, v0;
	_ =	sdelay $0x1  }
0xe0: {  	v0 =	vadd.f32 v3, v0;
	_ =	sdelay $0x1  }
0xe1: {  	v0 =	vadd.f32 v1, v0  }
0xe2: {  	s10 =	simm.s32 $0x0  }
0xe3: {  	[tilespmem:s10+$0xADE8] =	vst v0  }
0xe4: {  	v0 =	vld [tilespmem:s0+$0xFFFFFEC0]  }
0xe5: {  	v1 =	vld [tilespmem:s0+$0xFFFFFED0];
	_ =	sdelay $0x1  }
0xe6: {  	v2 =	vld [tilespmem:s0+$0xFFFFFEE0];
	_ =	sdelay $0x1  }
0xe7: {  	v3 =	vld [tilespmem:s0+$0xFFFFFEF0]  }
0xe8: {  	v0 =	vadd.f32 v1, v0  }
0xe9: {  	v1 =	vld [tilespmem:s0+$0xFFFFFF00]  }
0xea: {  	v0 =	vadd.f32 v2, v0  }
0xeb: {  	v2 =	vld [tilespmem:s0+$0xFFFFFF10]  }
0xec: {  	v0 =	vadd.f32 v3, v0  }
0xed: {  	v3 =	vld [tilespmem:s0+$0xFFFFFF20]  }
0xee: {  	v0 =	vadd.f32 v1, v0  }
0xef: {  	v1 =	vld [tilespmem:s0+$0xFFFFFF30]  }
0xf0: {  	v0 =	vadd.f32 v2, v0  }
0xf1: {  	v2 =	vld [tilespmem:s0+$0xFFFFFF40]  }
0xf2: {  	v0 =	vadd.f32 v3, v0  }
0xf3: {  	v3 =	vld [tilespmem:s0+$0xFFFFFF50]  }
0xf4: {  	v0 =	vadd.f32 v1, v0  }
0xf5: {  	v1 =	vld [tilespmem:s0+$0xFFFFFF60]  }
0xf6: {  	v0 =	vadd.f32 v2, v0  }
0xf7: {  	v2 =	vld [tilespmem:s0+$0xFFFFFF70]  }
0xf8: {  	v0 =	vadd.f32 v3, v0  }
0xf9: {  	v3 =	vld [tilespmem:s0+$0xFFFFFF80]  }
0xfa: {  	v0 =	vadd.f32 v1, v0  }
0xfb: {  	v1 =	vld [tilespmem:s0+$0xFFFFFF90]  }
0xfc: {  	v0 =	vadd.f32 v2, v0  }
0xfd: {  	v2 =	vld [tilespmem:s0+$0xFFFFFFA0]  }
0xfe: {  	v0 =	vadd.f32 v3, v0  }
0xff: {  	v3 =	vld [tilespmem:s0+$0xFFFFFFB0]  }
0x100: {  	v0 =	vadd.f32 v1, v0  }
0x101: {  	v1 =	vld [tilespmem:s0+$0xFFFFFFC0]  }
0x102: {  	v0 =	vadd.f32 v2, v0  }
0x103: {  	v2 =	vld [tilespmem:s0+$0xFFFFFFD0]  }
0x104: {  	v0 =	vadd.f32 v3, v0  }
0x105: {  	v3 =	vld [tilespmem:s0+$0xFFFFFFE0]  }
0x106: {  	v0 =	vadd.f32 v1, v0  }
0x107: {  	v1 =	vld [tilespmem:s0+$0xFFFFFFF0]  }
0x108: {  	v0 =	vadd.f32 v2, v0;
	_ =	sdelay $0x1  }
0x109: {  	v0 =	vadd.f32 v3, v0;
	_ =	sdelay $0x1  }
0x10a: {  	v0 =	vadd.f32 v1, v0;
	_ =	sdelay $0x1  }
0x10b: {  	[tilespmem:s10+$0xADF8] =	vst v0  }
0x10c: {  	v0 =	vld [tilespmem:s0+$0x0]  }
0x10d: {  	v1 =	vld [tilespmem:s0+$0x10];
	_ =	sdelay $0x1  }
0x10e: {  	v2 =	vld [tilespmem:s0+$0x20];
	_ =	sdelay $0x1  }
0x10f: {  	v3 =	vld [tilespmem:s0+$0x30]  }
0x110: {  	v0 =	vadd.f32 v1, v0  }
0x111: {  	v1 =	vld [tilespmem:s0+$0x40]  }
0x112: {  	v0 =	vadd.f32 v2, v0  }
0x113: {  	v2 =	vld [tilespmem:s0+$0x50]  }
0x114: {  	v0 =	vadd.f32 v3, v0  }
0x115: {  	v3 =	vld [tilespmem:s0+$0x60]  }
0x116: {  	v0 =	vadd.f32 v1, v0  }
0x117: {  	v1 =	vld [tilespmem:s0+$0x70]  }
0x118: {  	v0 =	vadd.f32 v2, v0  }
0x119: {  	v2 =	vld [tilespmem:s0+$0x80]  }
0x11a: {  	v0 =	vadd.f32 v3, v0  }
0x11b: {  	v3 =	vld [tilespmem:s0+$0x90]  }
0x11c: {  	v0 =	vadd.f32 v1, v0  }
0x11d: {  	v1 =	vld [tilespmem:s0+$0xA0]  }
0x11e: {  	v0 =	vadd.f32 v2, v0  }
0x11f: {  	v2 =	vld [tilespmem:s0+$0xB0]  }
0x120: {  	v0 =	vadd.f32 v3, v0  }
0x121: {  	v3 =	vld [tilespmem:s0+$0xC0]  }
0x122: {  	v0 =	vadd.f32 v1, v0  }
0x123: {  	v1 =	vld [tilespmem:s0+$0xD0]  }
0x124: {  	v0 =	vadd.f32 v2, v0  }
0x125: {  	v2 =	vld [tilespmem:s0+$0xE0]  }
0x126: {  	v0 =	vadd.f32 v3, v0  }
0x127: {  	v3 =	vld [tilespmem:s0+$0xF0]  }
0x128: {  	v0 =	vadd.f32 v1, v0  }
0x129: {  	v1 =	vld [tilespmem:s0+$0x100]  }
0x12a: {  	v0 =	vadd.f32 v2, v0  }
0x12b: {  	v2 =	vld [tilespmem:s0+$0x110]  }
0x12c: {  	v0 =	vadd.f32 v3, v0  }
0x12d: {  	v3 =	vld [tilespmem:s0+$0x120]  }
0x12e: {  	v0 =	vadd.f32 v1, v0  }
0x12f: {  	v1 =	vld [tilespmem:s0+$0x130]  }
0x130: {  	v0 =	vadd.f32 v2, v0;
	_ =	sdelay $0x1  }
0x131: {  	v0 =	vadd.f32 v3, v0;
	_ =	sdelay $0x1  }
0x132: {  	v0 =	vadd.f32 v1, v0;
	_ =	sdelay $0x1  }
0x133: {  	[tilespmem:s10+$0xAE08] =	vst v0  }
0x134: {  	v0 =	vld [tilespmem:s0+$0x140]  }
0x135: {  	v1 =	vld [tilespmem:s0+$0x150];
	_ =	sdelay $0x1  }
0x136: {  	v2 =	vld [tilespmem:s0+$0x160];
	_ =	sdelay $0x1  }
0x137: {  	v3 =	vld [tilespmem:s0+$0x170]  }
0x138: {  	v0 =	vadd.f32 v1, v0  }
0x139: {  	v1 =	vld [tilespmem:s0+$0x180]  }
0x13a: {  	v0 =	vadd.f32 v2, v0  }
0x13b: {  	v2 =	vld [tilespmem:s0+$0x190]  }
0x13c: {  	v0 =	vadd.f32 v3, v0  }
0x13d: {  	v3 =	vld [tilespmem:s0+$0x1A0]  }
0x13e: {  	v0 =	vadd.f32 v1, v0  }
0x13f: {  	v1 =	vld [tilespmem:s0+$0x1B0]  }
0x140: {  	v0 =	vadd.f32 v2, v0  }
0x141: {  	v2 =	vld [tilespmem:s0+$0x1C0]  }
0x142: {  	v0 =	vadd.f32 v3, v0  }
0x143: {  	v3 =	vld [tilespmem:s0+$0x1D0]  }
0x144: {  	v0 =	vadd.f32 v1, v0  }
0x145: {  	v1 =	vld [tilespmem:s0+$0x1E0]  }
0x146: {  	v0 =	vadd.f32 v2, v0  }
0x147: {  	v2 =	vld [tilespmem:s0+$0x1F0]  }
0x148: {  	v0 =	vadd.f32 v3, v0  }
0x149: {  	v3 =	vld [tilespmem:s0+$0x200]  }
0x14a: {  	v0 =	vadd.f32 v1, v0  }
0x14b: {  	v1 =	vld [tilespmem:s0+$0x210]  }
0x14c: {  	v0 =	vadd.f32 v2, v0  }
0x14d: {  	v2 =	vld [tilespmem:s0+$0x220]  }
0x14e: {  	v0 =	vadd.f32 v3, v0  }
0x14f: {  	v3 =	vld [tilespmem:s0+$0x230]  }
0x150: {  	v0 =	vadd.f32 v1, v0  }
0x151: {  	v1 =	vld [tilespmem:s0+$0x240]  }
0x152: {  	v0 =	vadd.f32 v2, v0;
	_ =	sdelay $0x1  }
0x153: {  	v2 =	vld [tilespmem:s0+$0x250];
	v0 =	vadd.f32 v3, v0;
	_ =	sdelay $0x1  }
0x154: {  	v3 =	vadd.f32 v1, v0;
	v1 =	vld [tilespmem:s0+$0x260];
	_ =	sdelay $0x1  }
0x155: {  	v0 =	vld [tilespmem:s0+$0x270]  }
0x156: {  	s11 =	simm.s32 $0x100;
	v2 =	vadd.f32 v2, v3  }
.LBB2_2:
0x157: {  	p1 =	sne.s32 s11, $0x1F00  }
0x158: {  	s0 =	sadd.s32 $0x500, s0;
	s12 =	smov.u32 s11;
	s11 =	sadd.s32 $0x100, s11;
	v1 =	vadd.f32 v1, v2  }
0x159: {  	_ = 	snop  }
0x15a: {  	v0 =	vadd.f32 v0, v1;
	_ =	sdelay $0x1  }
0x15b: {  	[tilespmem:s10+$0xAE18] =	vst v0  }
0x15c: {  	v0 =	vld [tilespmem:s0+$0xFFFFFD90]  }
0x15d: {  	v1 =	vld [tilespmem:s0+$0xFFFFFD80];
	_ =	sdelay $0x1  }
0x15e: {  	v2 =	vld [tilespmem:s0+$0xFFFFFDA0];
	_ =	sdelay $0x1  }
0x15f: {  	v3 =	vld [tilespmem:s0+$0xFFFFFDB0]  }
0x160: {  	v0 =	vadd.f32 v0, v1  }
0x161: {  	v1 =	vld [tilespmem:s0+$0xFFFFFDC0]  }
0x162: {  	v0 =	vadd.f32 v2, v0  }
0x163: {  	v2 =	vld [tilespmem:s0+$0xFFFFFDD0]  }
0x164: {  	v0 =	vadd.f32 v3, v0  }
0x165: {  	v3 =	vld [tilespmem:s0+$0xFFFFFDE0]  }
0x166: {  	v0 =	vadd.f32 v1, v0  }
0x167: {  	v1 =	vld [tilespmem:s0+$0xFFFFFDF0]  }
0x168: {  	v0 =	vadd.f32 v2, v0  }
0x169: {  	v2 =	vld [tilespmem:s0+$0xFFFFFE00]  }
0x16a: {  	v0 =	vadd.f32 v3, v0  }
0x16b: {  	v3 =	vld [tilespmem:s0+$0xFFFFFE10]  }
0x16c: {  	v0 =	vadd.f32 v1, v0  }
0x16d: {  	v1 =	vld [tilespmem:s0+$0xFFFFFE20]  }
0x16e: {  	v0 =	vadd.f32 v2, v0  }
0x16f: {  	v2 =	vld [tilespmem:s0+$0xFFFFFE30]  }
0x170: {  	v0 =	vadd.f32 v3, v0  }
0x171: {  	v3 =	vld [tilespmem:s0+$0xFFFFFE40]  }
0x172: {  	v0 =	vadd.f32 v1, v0  }
0x173: {  	v1 =	vld [tilespmem:s0+$0xFFFFFE50]  }
0x174: {  	v0 =	vadd.f32 v2, v0  }
0x175: {  	v2 =	vld [tilespmem:s0+$0xFFFFFE60]  }
0x176: {  	v0 =	vadd.f32 v3, v0  }
0x177: {  	v3 =	vld [tilespmem:s0+$0xFFFFFE70]  }
0x178: {  	v0 =	vadd.f32 v1, v0  }
0x179: {  	v1 =	vld [tilespmem:s0+$0xFFFFFE80]  }
0x17a: {  	v0 =	vadd.f32 v2, v0  }
0x17b: {  	v2 =	vld [tilespmem:s0+$0xFFFFFE90]  }
0x17c: {  	v0 =	vadd.f32 v3, v0  }
0x17d: {  	v3 =	vld [tilespmem:s0+$0xFFFFFEA0]  }
0x17e: {  	v0 =	vadd.f32 v1, v0  }
0x17f: {  	v1 =	vld [tilespmem:s0+$0xFFFFFEB0]  }
0x180: {  	v0 =	vadd.f32 v2, v0;
	_ =	sdelay $0x1  }
0x181: {  	v0 =	vadd.f32 v3, v0;
	_ =	sdelay $0x1  }
0x182: {  	v0 =	vadd.f32 v1, v0  }
0x183: {  	s10 =	sshra.s32 s12, $0x2  }
0x184: {  	[tilespmem:s10+$0xADE8] =	vst v0  }
0x185: {  	v0 =	vld [tilespmem:s0+$0xFFFFFEC0]  }
0x186: {  	v1 =	vld [tilespmem:s0+$0xFFFFFED0];
	_ =	sdelay $0x1  }
0x187: {  	v2 =	vld [tilespmem:s0+$0xFFFFFEE0];
	_ =	sdelay $0x1  }
0x188: {  	v3 =	vld [tilespmem:s0+$0xFFFFFEF0]  }
0x189: {  	v0 =	vadd.f32 v1, v0  }
0x18a: {  	v1 =	vld [tilespmem:s0+$0xFFFFFF00]  }
0x18b: {  	v0 =	vadd.f32 v2, v0  }
0x18c: {  	v2 =	vld [tilespmem:s0+$0xFFFFFF10]  }
0x18d: {  	v0 =	vadd.f32 v3, v0  }
0x18e: {  	v3 =	vld [tilespmem:s0+$0xFFFFFF20]  }
0x18f: {  	v0 =	vadd.f32 v1, v0  }
0x190: {  	v1 =	vld [tilespmem:s0+$0xFFFFFF30]  }
0x191: {  	v0 =	vadd.f32 v2, v0  }
0x192: {  	v2 =	vld [tilespmem:s0+$0xFFFFFF40]  }
0x193: {  	v0 =	vadd.f32 v3, v0  }
0x194: {  	v3 =	vld [tilespmem:s0+$0xFFFFFF50]  }
0x195: {  	v0 =	vadd.f32 v1, v0  }
0x196: {  	v1 =	vld [tilespmem:s0+$0xFFFFFF60]  }
0x197: {  	v0 =	vadd.f32 v2, v0  }
0x198: {  	v2 =	vld [tilespmem:s0+$0xFFFFFF70]  }
0x199: {  	v0 =	vadd.f32 v3, v0  }
0x19a: {  	v3 =	vld [tilespmem:s0+$0xFFFFFF80]  }
0x19b: {  	v0 =	vadd.f32 v1, v0  }
0x19c: {  	v1 =	vld [tilespmem:s0+$0xFFFFFF90]  }
0x19d: {  	v0 =	vadd.f32 v2, v0  }
0x19e: {  	v2 =	vld [tilespmem:s0+$0xFFFFFFA0]  }
0x19f: {  	v0 =	vadd.f32 v3, v0  }
0x1a0: {  	v3 =	vld [tilespmem:s0+$0xFFFFFFB0]  }
0x1a1: {  	v0 =	vadd.f32 v1, v0  }
0x1a2: {  	v1 =	vld [tilespmem:s0+$0xFFFFFFC0]  }
0x1a3: {  	v0 =	vadd.f32 v2, v0  }
0x1a4: {  	v2 =	vld [tilespmem:s0+$0xFFFFFFD0]  }
0x1a5: {  	v0 =	vadd.f32 v3, v0  }
0x1a6: {  	v3 =	vld [tilespmem:s0+$0xFFFFFFE0]  }
0x1a7: {  	v0 =	vadd.f32 v1, v0  }
0x1a8: {  	v1 =	vld [tilespmem:s0+$0xFFFFFFF0]  }
0x1a9: {  	v0 =	vadd.f32 v2, v0;
	_ =	sdelay $0x1  }
0x1aa: {  	v0 =	vadd.f32 v3, v0;
	_ =	sdelay $0x1  }
0x1ab: {  	v0 =	vadd.f32 v1, v0;
	_ =	sdelay $0x1  }
0x1ac: {  	[tilespmem:s10+$0xADF8] =	vst v0  }
0x1ad: {  	v0 =	vld [tilespmem:s0+$0x0]  }
0x1ae: {  	v1 =	vld [tilespmem:s0+$0x10];
	_ =	sdelay $0x1  }
0x1af: {  	v2 =	vld [tilespmem:s0+$0x20];
	_ =	sdelay $0x1  }
0x1b0: {  	v3 =	vld [tilespmem:s0+$0x30]  }
0x1b1: {  	v0 =	vadd.f32 v1, v0  }
0x1b2: {  	v1 =	vld [tilespmem:s0+$0x40]  }
0x1b3: {  	v0 =	vadd.f32 v2, v0  }
0x1b4: {  	v2 =	vld [tilespmem:s0+$0x50]  }
0x1b5: {  	v0 =	vadd.f32 v3, v0  }
0x1b6: {  	v3 =	vld [tilespmem:s0+$0x60]  }
0x1b7: {  	v0 =	vadd.f32 v1, v0  }
0x1b8: {  	v1 =	vld [tilespmem:s0+$0x70]  }
0x1b9: {  	v0 =	vadd.f32 v2, v0  }
0x1ba: {  	v2 =	vld [tilespmem:s0+$0x80]  }
0x1bb: {  	v0 =	vadd.f32 v3, v0  }
0x1bc: {  	v3 =	vld [tilespmem:s0+$0x90]  }
0x1bd: {  	v0 =	vadd.f32 v1, v0  }
0x1be: {  	v1 =	vld [tilespmem:s0+$0xA0]  }
0x1bf: {  	v0 =	vadd.f32 v2, v0  }
0x1c0: {  	v2 =	vld [tilespmem:s0+$0xB0]  }
0x1c1: {  	v0 =	vadd.f32 v3, v0  }
0x1c2: {  	v3 =	vld [tilespmem:s0+$0xC0]  }
0x1c3: {  	v0 =	vadd.f32 v1, v0  }
0x1c4: {  	v1 =	vld [tilespmem:s0+$0xD0]  }
0x1c5: {  	v0 =	vadd.f32 v2, v0  }
0x1c6: {  	v2 =	vld [tilespmem:s0+$0xE0]  }
0x1c7: {  	v0 =	vadd.f32 v3, v0  }
0x1c8: {  	v3 =	vld [tilespmem:s0+$0xF0]  }
0x1c9: {  	v0 =	vadd.f32 v1, v0  }
0x1ca: {  	v1 =	vld [tilespmem:s0+$0x100]  }
0x1cb: {  	v0 =	vadd.f32 v2, v0  }
0x1cc: {  	v2 =	vld [tilespmem:s0+$0x110]  }
0x1cd: {  	v0 =	vadd.f32 v3, v0  }
0x1ce: {  	v3 =	vld [tilespmem:s0+$0x120]  }
0x1cf: {  	v0 =	vadd.f32 v1, v0  }
0x1d0: {  	v1 =	vld [tilespmem:s0+$0x130]  }
0x1d1: {  	v0 =	vadd.f32 v2, v0;
	_ =	sdelay $0x1  }
0x1d2: {  	v0 =	vadd.f32 v3, v0;
	_ =	sdelay $0x1  }
0x1d3: {  	v0 =	vadd.f32 v1, v0;
	_ =	sdelay $0x1  }
0x1d4: {  	[tilespmem:s10+$0xAE08] =	vst v0  }
0x1d5: {  	v0 =	vld [tilespmem:s0+$0x140]  }
0x1d6: {  	v1 =	vld [tilespmem:s0+$0x150]  }
0x1d7: {  	v2 =	vld [tilespmem:s0+$0x160]  }
0x1d8: {  	v3 =	vld [tilespmem:s0+$0x170]  }
0x1d9: {  	v4 =	vld [tilespmem:s0+$0x180]  }
0x1da: {  	v5 =	vld [tilespmem:s0+$0x190]  }
0x1db: {  	v0 =	vadd.f32 v1, v0;
	v1 =	vld [tilespmem:s0+$0x1A0]  }
0x1dc: {  	v6 =	vld [tilespmem:s0+$0x1B0]  }
0x1dd: {  	v0 =	vadd.f32 v2, v0;
	v2 =	vld [tilespmem:s0+$0x1C0]  }
0x1de: {  	v7 =	vld [tilespmem:s0+$0x1D0]  }
0x1df: {  	v0 =	vadd.f32 v3, v0;
	v3 =	vld [tilespmem:s0+$0x1E0]  }
0x1e0: {  	v8 =	vld [tilespmem:s0+$0x1F0]  }
0x1e1: {  	v0 =	vadd.f32 v4, v0;
	v4 =	vld [tilespmem:s0+$0x200]  }
0x1e2: {  	v9 =	vld [tilespmem:s0+$0x210]  }
0x1e3: {  	v0 =	vadd.f32 v5, v0;
	v5 =	vld [tilespmem:s0+$0x220]  }
0x1e4: {  	v10 =	vld [tilespmem:s0+$0x230]  }
0x1e5: {  	v0 =	vadd.f32 v1, v0;
	v11 =	vld [tilespmem:s0+$0x240]  }
0x1e6: {  	v12 =	vld [tilespmem:s0+$0x250]  }
0x1e7: {  	v6 =	vadd.f32 v6, v0;
	v1 =	vld [tilespmem:s0+$0x260]  }
0x1e8: {  	v0 =	vld [tilespmem:s0+$0x270]  }
0x1e9: {  	v2 =	vadd.f32 v2, v6;
	_ =	sdelay $0x1  }
0x1ea: {  	v2 =	vadd.f32 v7, v2;
	_ =	sdelay $0x1  }
0x1eb: {  	v2 =	vadd.f32 v3, v2;
	_ =	sdelay $0x1  }
0x1ec: {  	v2 =	vadd.f32 v8, v2;
	_ =	sdelay $0x1  }
0x1ed: {  	v2 =	vadd.f32 v4, v2;
	_ =	sdelay $0x1  }
0x1ee: {  	v2 =	vadd.f32 v9, v2;
	_ =	sdelay $0x1  }
0x1ef: {  	v2 =	vadd.f32 v5, v2;
	_ =	sdelay $0x1  }
.Ltmp0:
0x1f0: {  	v2 =	vadd.f32 v10, v2;
	(pc) =	sbr.rel @p1 .LBB2_2-.Ltmp0, $3  }
0x1f1: {  	_ = 	snop  }
0x1f2: {  	v2 =	vadd.f32 v11, v2;
	_ =	sdelay $0x1  }
0x1f3: {  	v2 =	vadd.f32 v12, v2  }
0x1f4: {  	_ = 	snop  }
0x1f5: {  	v1 =	vadd.f32 v1, v2;
	_ =	sdelay $0x1  }
0x1f6: {  	s31 =	sadd.s32 $0x1, s31;
	v0 =	vadd.f32 v0, v1  }
0x1f7: {  	p1 =	sne.s32 s31, s6  }
.Ltmp1:
0x1f8: {  	[tilespmem:s10+$0xAE18] =	vst v0;
	(pc) =	sbr.rel @p1 .LBB2_1-.Ltmp1, $4  }
0x1f9: {  	[hbm4b:s5+s2] =	stream.linear.scatter [tilespmem:s30], [sflag:$0x2], $0x800, $0x38;
	[tilespmem:$0xB5E8] =	vst v63  }
0x1fa: {  	_ =	swait.ge [sflag:s8], $0x800  }
0x1fb: {  	[sflag:s8] =	ssyncset.done $0x0  }
0x1fc: {  	[sflag:s8] =	ssyncadd.s32 $0xFFFFF800  }
0x1fd: {  	_ =	sfence.sel $0x180000  }
0x1fe: {  	[bflag:$0x0] =	sbarrier.arrive $0xFFFF  }
0x1ff: {  	_ =	strace $0x90000047  }
0x200: {  	[bflag:$0x2] =	sbarrier.arrive $0xFFFF  }
0x201: {  	s0 =	rddreg [dreg:$0x3]  }
0x202: {  	s0 =	sadd.s32 @!p0 $0x100000, s0  }
0x203: {  	[sflag:s0] =	ssyncadd.tile.s32 @!p0 $0x1;
	_ =	shalt  }
.Lfunc_end2:
_tile_overlayer_lowered:
.L_overlay_start_2:
0x204: {  	(tag) =	ssettag $0x2  }
0x205: {  	s0 =	rddreg [dreg:$0x0];
	s2 =	stileid.u32  }
0x206: {  	s1 =	rddreg [dreg:$0x1];
	p0 =	sne.s32 s2, $0x0  }
0x207: {  	s3 =	rddreg [dreg:$0x2];
	[bflag:$0x3] =	sbarrier.arrive $0xFFFF;
	s2 =	simm.s32 @!p0 $0x1C02  }
0x208: {  	[timem:s3], [sflag:s2] =	dma.local @!p0 [hbm:s0], s1  }
0x209: {  	s0 =	simm.s32 @!p0 $0x2  }
0x20a: {  	_ =	swait.ge @!p0 [sflag:s0], s1  }
0x20b: {  	s1 =	ssub.s32 @!p0 $0x0, s1;
	[sflag:s0] =	ssyncset.done @!p0 $0x0  }
0x20c: {  	[sflag:s0] =	ssyncadd.s32 @!p0 s1  }
0x20d: {  	[bflag:$0x3] =	sbarrier.arrive $0xFFFF  }
0x20e: {  	_ =	shalt  }

// kernel: kernel.8.cloned.1.call-start
scs
__scs_entry_jumppad:
0x0: {  	(pc) =	sbr.rel $0x88, $3  }
0x1: {  	(tag) =	ssettag $0x0;
	lr =	simm.s32 $0x1  }
0x2: {  	[smem:$0x3F9D] =	sst lr;
	_ =	strace $0xD0000000  }
0x3: {  	_ = 	snop  }
0x4: {  	_ = 	snop  }
0x5: {  	_ = 	snop  }
0x6: {  	_ = 	snop  }
0x7: {  	_ = 	snop  }
__scs_overlays_trampoline_lowered:
0x8: {  	[smem:$0x3FAC] =	sst s0  }
0x9: {  	[smem:$0x3FAD] =	sst s1  }
0xa: {  	[smem:$0x3FAE] =	sst s2  }
0xb: {  	[smem:$0x3FAF] =	sst s3  }
0xc: {  	[smem:$0x3FB0] =	sst s4  }
0xd: {  	[smem:$0x3FB1] =	sst s5  }
0xe: {  	[smem:$0x3FB2] =	sst s6  }
0xf: {  	[smem:$0x3FB3] =	sst s7  }
0x10: {  	[smem:$0x3FB4] =	sst s8  }
0x11: {  	[smem:$0x3FB5] =	sst s9;
	s0 =	simm.s32 @!p0 $0x0  }
0x12: {  	s1 =	sld [smem:$0x3F9B];
	s0 =	simm.s32 @p0 $0x1  }
0x13: {  	[smem:$0x3FB6] =	sst s0;
	s0 =	simm.s32 @!p1 $0x0  }
0x14: {  	s2 =	sld [smem:$0x3F9A];
	s0 =	simm.s32 @p1 $0x1  }
0x15: {  	[smem:$0x3FB7] =	sst s0;
	s0 =	simm.s32 @!p2 $0x0  }
0x16: {  	s3 =	sld [smem:$0x3FDB];
	s0 =	simm.s32 @p2 $0x1  }
0x17: {  	s4 =	simm.s32 $0x1BF5;
	[smem:$0x3FB9] =	sst s0  }
0x18: {  	s0 =	sld [smem:$0x3F9C];
	_ =	swait.ge [sflag:s4], $0x0  }
0x19: {  	s7 =	sld [smem:$0x3F9D]  }
0x1a: {  	s8 =	sadd.s32 $0xFFFFE003, lr  }
0x1b: {  	s9 =	sadd.s32 $0xFFFFFEF7, lr;
	s5 =	simm.s32 $0xFFFFFFFF;
	p2 =	slt.u32 s8, $0xFFFFF086  }
0x1c: {  	p1 =	slt.u32 s9, $0xF7A;
	s5 =	simm.s32 @!p2 $0x0  }
0x1d: {  	s5 =	simm.s32 @p1 $0x1;
	p0 =	seq.s32 s7, s2  }
0x1e: {  	s7 =	smul.u32 @!p0 $0xF7A, s2;
	p2 =	seq.s32 @!p0 s5, $0x0  }
0x1f: {  	s9 =	smul.u32 $0xF7A, s1;
	s8 =	simm.s32 @!p0 $0x1BF5;
	p2 =	por !p2, p0  }
0x20: {  	[sflag:s8] =	ssyncset.s32 @!p0 $0xFFFFF086;
	s6 =	sadd.s32 @!p0 s3, s7;
	s7 =	simm.s32 @!p0 $0x108  }
0x21: {  	s3 =	sadd.s32 s3, s9;
	s6 =	sadd.s32 @!p0 $0x88, s6;
	s7 =	simm.s32 @p2 $0x1082  }
0x22: {  	[simem:s7], [sflag:s8] =	dma.local @!p0 [hbm:s6], $0xF7A  }
0x23: {  	s9 =	sor.u32 $0xD0000000, s2;
	s6 =	simm.s32 $0x108;
	_ =	swait.ge @!p0 [sflag:s8], $0x0  }
0x24: {  	s3 =	sadd.s32 $0x88, s3;
	s6 =	simm.s32 @!p1 $0x1082;
	[sflag:s4] =	ssyncset.s32 $0xFFFFF086  }
0x25: {  	[simem:s6], [sflag:s4] =	dma.local [hbm:s3], $0xF7A  }
0x26: {  	[smem:$0x3F9D] =	sst s1;
	(tag) =	ssettag s2;
	_ =	strace s9  }
0x27: {  	s1 =	sld [smem:$0x3FAD]  }
0x28: {  	s2 =	sld [smem:$0x3FAE]  }
0x29: {  	s4 =	sld [smem:$0x3FB0]  }
0x2a: {  	p0 =	seq.s32 s5, $0x0;
	s5 =	sld [smem:$0x3FB1]  }
0x2b: {  	s6 =	sld [smem:$0x3FB2]  }
0x2c: {  	s7 =	sld [smem:$0x3FB3]  }
0x2d: {  	s3 =	simm.s32 $0x108;
	s8 =	sld [smem:$0x3FB4]  }
0x2e: {  	s3 =	simm.s32 @!p0 $0x1082;
	s9 =	sld [smem:$0x3FB5]  }
0x2f: {  	lr =	sadd.s32 s0, s3;
	s0 =	sld [smem:$0x3FAC]  }
0x30: {  	s3 =	sld [smem:$0x3FAF]  }
0x31: {  	[smem:$0x3FB8] =	sst s10  }
0x32: {  	s10 =	sld [smem:$0x3FB6];
	_ =	sdelay $0x3  }
0x33: {  	p0 =	seq.s32 s10, $0x1;
	s10 =	sld [smem:$0x3FB8];
	_ =	sdelay $0x3  }
0x34: {  	[smem:$0x3FB8] =	sst s10  }
0x35: {  	s10 =	sld [smem:$0x3FB7];
	_ =	sdelay $0x3  }
0x36: {  	p1 =	seq.s32 s10, $0x1;
	s10 =	sld [smem:$0x3FB8];
	_ =	sdelay $0x3  }
0x37: {  	[smem:$0x3FB8] =	sst s10  }
0x38: {  	s10 =	sld [smem:$0x3FB9]  }
0x39: {  	_ = 	snop;
	(pc) =	sbr.ind lr, $3  }
0x3a: {  	_ = 	snop  }
0x3b: {  	_ = 	snop  }
0x3c: {  	p2 =	seq.s32 s10, $0x1;
	s10 =	sld [smem:$0x3FB8]  }
0x3d: {  	_ =	shalt  }
0x3e: {  	_ =	shalt  }
0x3f: {  	_ =	shalt  }
0x40: {  	_ =	shalt  }
0x41: {  	_ =	shalt  }
0x42: {  	_ =	shalt  }
0x43: {  	_ =	shalt  }
0x44: {  	_ =	shalt  }
0x45: {  	_ =	shalt  }
0x46: {  	_ =	shalt  }
0x47: {  	_ =	shalt  }
0x48: {  	_ =	shalt  }
0x49: {  	_ =	shalt  }
0x4a: {  	_ =	shalt  }
0x4b: {  	_ =	shalt  }
0x4c: {  	_ =	shalt  }
0x4d: {  	_ =	shalt  }
0x4e: {  	_ =	shalt  }
0x4f: {  	_ =	shalt  }
0x50: {  	_ =	shalt  }
0x51: {  	_ =	shalt  }
0x52: {  	_ =	shalt  }
0x53: {  	_ =	shalt  }
0x54: {  	_ =	shalt  }
0x55: {  	_ =	shalt  }
0x56: {  	_ =	shalt  }
0x57: {  	_ =	shalt  }
0x58: {  	_ =	shalt  }
0x59: {  	_ =	shalt  }
0x5a: {  	_ =	shalt  }
0x5b: {  	_ =	shalt  }
0x5c: {  	_ =	shalt  }
0x5d: {  	_ =	shalt  }
0x5e: {  	_ =	shalt  }
0x5f: {  	_ =	shalt  }
0x60: {  	_ =	shalt  }
0x61: {  	_ =	shalt  }
0x62: {  	_ =	shalt  }
0x63: {  	_ =	shalt  }
0x64: {  	_ =	shalt  }
0x65: {  	_ =	shalt  }
0x66: {  	_ =	shalt  }
0x67: {  	_ =	shalt  }
0x68: {  	_ =	shalt  }
0x69: {  	_ =	shalt  }
0x6a: {  	_ =	shalt  }
0x6b: {  	_ =	shalt  }
0x6c: {  	_ =	shalt  }
0x6d: {  	_ =	shalt  }
0x6e: {  	_ =	shalt  }
0x6f: {  	_ =	shalt  }
0x70: {  	_ =	shalt  }
0x71: {  	_ =	shalt  }
0x72: {  	_ =	shalt  }
0x73: {  	_ =	shalt  }
0x74: {  	_ =	shalt  }
0x75: {  	_ =	shalt  }
0x76: {  	_ =	shalt  }
0x77: {  	_ =	shalt  }
0x78: {  	_ =	shalt  }
0x79: {  	_ =	shalt  }
0x7a: {  	_ =	shalt  }
0x7b: {  	_ =	shalt  }
0x7c: {  	_ =	shalt  }
0x7d: {  	_ =	shalt  }
0x7e: {  	_ =	shalt  }
0x7f: {  	_ =	shalt  }
0x80: {  	_ =	shalt  }
0x81: {  	_ =	shalt  }
0x82: {  	_ =	shalt  }
0x83: {  	_ =	shalt  }
0x84: {  	_ =	shalt  }
0x85: {  	_ =	shalt  }
0x86: {  	_ =	shalt  }
0x87: {  	_ =	shalt  }
.Lfunc_end0:
.L_simem_size_0:
called_computation.1_lowered:
.L_overlay_start_0:
0x88: {  	s2 =	sld [smem:$0x3FD9]  }
0x89: {  	s3 =	sld [smem:$0x3FFE];
	_ =	sdelay $0x1  }
0x8a: {  	s1 =	srdreg.scid  }
0x8b: {  	s0 =	sand.u32 $0x1, s1  }
0x8c: {  	s17 =	sshll.u32 s0, $0xA;
	s2 =	sadd.s32 s3, s2  }
0x8d: {  	s2 =	sadd.s32 s2, s17  }
0x8e: {  	[smem:$0x3FC4] =	sst s2  }
0x8f: {  	_ = 	snop  }
0x90: {  	s2 =	sld [smem:$0x3FD0];
	(tm) =	ssettm $0x1  }
0x91: {  	s18 =	sld [smem:$0x3FFB];
	_ =	sdelay $0x3  }
0x92: {  	_ =	strace s18  }
0x93: {  	s3 =	sld [smem:$0x3FFC];
	_ =	sdelay $0x3  }
0x94: {  	_ =	strace s3  }
0x95: {  	s3 =	sld [smem:$0x3FFD];
	_ =	sdelay $0x3  }
0x96: {  	_ =	strace s3  }
0x97: {  	_ =	strace $0x8FFFFFFF  }
0x98: {  	s19 =	sld [smem:$0x3FDB];
	_ =	sdelay $0x1  }
0x99: {  	s4 =	simm.s32 $_scs_section_size  }
0x9a: {  	s5 =	simm.s32 $_size__tile_overlayer_lowered;
	s6 =	simm.s32 $_tile_overlayer_lowered  }
0x9b: {  	s22 =	simm.s32 $0x1BFF;
	s21 =	sshll.u32 s6, $0x1;
	s3 =	sadd.s32 s4, s19  }
0x9c: {  	s7 =	simm.s32 $0x0;
	s20 =	sshll.u32 s5, $0x1;
	s5 =	sadd.s32 s21, s3  }
0x9d: {  	[timem:s7], [sflag:s22] =	dma.local [hbm:s5], s20  }
0x9e: {  	_ =	swait.ge [sflag:s22], s20  }
0x9f: {  	s4 =	ssub.s32 $0x0, s20;
	[sflag:s22] =	ssyncset.done $0x0  }
0xa0: {  	[sflag:s22] =	ssyncadd.s32 s4;
	_ =	sdelay $0x1  }
0xa1: {  	s23 =	simm.s32 $0x1B8B  }
0xa2: {  	_ =	swait.ge [sflag:s23], $0x1  }
0xa3: {  	[sflag:s23] =	ssyncset.done $0x0  }
0xa4: {  	s25 =	simm.s32 $0x1B8E;
	s24 =	sld [smem:$0x3FFE];
	[sflag:s23] =	ssyncadd.s32 $0xFFFFFFFF  }
0xa5: {  	s26 =	simm.s32 $execute0_lowered;
	[smem:$0x3FD2] =	sst s25  }
0xa6: {  	s5 =	sshll.u32 s26, $0x1;
	_ =	strace $0x80000049;
	[dreg:$0x1] =	wrdreg $0xFFFFFFFF  }
0xa7: {  	s28 =	simm.s32 $_size_execute0_lowered;
	s3 =	sadd.s32 s3, s5;
	[dreg:$0x0] =	wrdreg $0x0  }
0xa8: {  	s5 =	sshll.u32 s28, $0x1;
	[dreg:$0x2] =	wrdreg s3  }
0xa9: {  	[dreg:$0x3] =	wrdreg s5  }
0xaa: {  	[dreg:$0x4] =	wrdreg $0xC0  }
0xab: {  	_ =	task [dreg:s7], $0x5FFFF  }
0xac: {  	[dreg:$0x1] =	wrdreg $0xFFFFFFFF  }
0xad: {  	[dreg:$0x0] =	wrdreg $0x60  }
0xae: {  	[dreg:$0x2] =	wrdreg s24  }
0xaf: {  	[dreg:$0x3] =	wrdreg s2  }
0xb0: {  	[dreg:$0x4] =	wrdreg $0x9  }
0xb1: {  	_ =	task.clear_ibuf [dreg:s7], $0x5FFFF;
	_ =	strace $0x90000049  }
0xb2: {  	s29 =	simm.s32 $0x9;
	_ =	strace $0x8000004B  }
0xb3: {  	_ =	swait.ge [sflag:s29], $0x1  }
0xb4: {  	[sflag:s29] =	ssyncadd.s32 $0xFFFFFFFF  }
0xb5: {  	_ =	strace $0x9000004B  }
0xb6: {  	_ =	sfence  }
0xb7: {  	s30 =	sld [smem:$0x0];
	_ =	sdelay $0x2  }
0xb8: {  	s31 =	sshll.u32 s1, $0xD;
	s1 =	sshrl.u32 s1, $0x2  }
0xb9: {  	s3 =	sand.u32 $0x4000, s31;
	s1 =	sadd.s32 s1, s30  }
0xba: {  	s0 =	sor.u32 s3, s0;
	s1 =	sshll.u32 s1, $0x11  }
0xbb: {  	s0 =	sor.u32 s1, s0  }
0xbc: {  	s0 =	sadd.s32 $0x8F2B, s0  }
0xbd: {  	[sflag:s0] =	ssyncadd.remote.s32 $0x1  }
0xbe: {  	_ =	sfence.sel $0xFFFF  }
0xbf: {  	[dreg:$0x0] =	wrdreg $0xFFFFFFFF;
	(pc) =	sbr.abs _section_cstart, $3  }
0xc0: {  	[dreg:$0x1] =	wrdreg $0xFFFFFFFF  }
0xc1: {  	_ =	task.clear_ibuf [dreg:s7], $0x2FFFF;
	_ =	strace $0x9FFFFFFF  }
0xc2: {  	(tm) =	ssettm $0x7FFFFFFF  }
0xc3: {  	_ =	shalt  }
tec
execute0_lowered:
.L_overlay_start_1:
0x0: {  	(tag) =	ssettag $0x1  }
0x1: {  	s0 =	srdreg.scid  }
0x2: {  	s1 =	stileid.u32;
	s7 =	sand.u32 $0x1, s0  }
0x3: {  	s2 =	sshll.u32 s1, $0x3;
	s3 =	sshll.u32 s7, $0x2  }
0x4: {  	s24 =	rddreg [dreg:$0x0];
	s3 =	sor.u32 s3, s2  }
0x5: {  	s1 =	rddreg [dreg:$0x1];
	s5 =	smin.u32 s3, $0x79  }
0x6: {  	s2 =	simm.s32 $0x0;
	s3 =	sadd.s32 $0xC00, s24;
	s5 =	sshll.u32 s5, $0xC  }
0x7: {  	[smem:$0x7FF] =	sst s2;
	s0 =	sadd.s32 s3, s5;
	s4 =	sadd.s32 s1, s5  }
0x8: {  	_ =	strace $0x8000004A;
	[dreg:$0x3] =	wrdreg s0;
	s25 =	sadd.s32 $0x7D000, s4  }
0x9: {  	s26 =	sadd.s32 $0xFA000, s4;
	[dreg:$0x4] =	wrdreg s25  }
0xa: {  	s6 =	sadd.s32 $0x177000, s4;
	[dreg:$0x5] =	wrdreg s26  }
0xb: {  	s8 =	sadd.s32 $0x1F4000, s4;
	[dreg:$0x6] =	wrdreg s6  }
0xc: {  	s9 =	sadd.s32 $0x271000, s4;
	[dreg:$0x7] =	wrdreg s8  }
0xd: {  	s10 =	sadd.s32 $0x2EE000, s4;
	[dreg:$0x8] =	wrdreg s9  }
0xe: {  	s11 =	sadd.s32 $0x36B000, s4;
	[dreg:$0x9] =	wrdreg s10  }
0xf: {  	s12 =	sadd.s32 $0x3E8000, s4;
	[dreg:$0xa] =	wrdreg s11  }
0x10: {  	s13 =	sadd.s32 $0x465000, s4;
	[dreg:$0xb] =	wrdreg s12  }
0x11: {  	s14 =	sadd.s32 $0x4E2000, s4;
	[dreg:$0xc] =	wrdreg s13  }
0x12: {  	s15 =	sadd.s32 $0x55F000, s4;
	[dreg:$0xd] =	wrdreg s14  }
0x13: {  	s16 =	sadd.s32 $0x5DC000, s4;
	[dreg:$0xe] =	wrdreg s15  }
0x14: {  	s17 =	sadd.s32 $0x659000, s4;
	[dreg:$0xf] =	wrdreg s16  }
0x15: {  	s18 =	sadd.s32 $0x6D6000, s4;
	[dreg:$0x10] =	wrdreg s17  }
0x16: {  	s19 =	sadd.s32 $0x753000, s4;
	[dreg:$0x11] =	wrdreg s18  }
0x17: {  	s20 =	sadd.s32 $0x7D0000, s4;
	[dreg:$0x12] =	wrdreg s19  }
0x18: {  	s21 =	sadd.s32 $0x84D000, s4;
	[dreg:$0x13] =	wrdreg s20  }
0x19: {  	s22 =	sadd.s32 $0x8CA000, s4;
	[dreg:$0x14] =	wrdreg s21  }
0x1a: {  	s23 =	sadd.s32 $0x947000, s4;
	[dreg:$0x15] =	wrdreg s22  }
0x1b: {  	[dreg:$0x16] =	wrdreg s23;
	s26 =	sadd.s32 $0x7E000, s4  }
0x1c: {  	s8 =	sadd.s32 $0x178000, s4;
	[dreg:$0x19] =	wrdreg s26  }
0x1d: {  	s9 =	sadd.s32 $0x1F5000, s4;
	[dreg:$0x1b] =	wrdreg s8  }
0x1e: {  	s10 =	sadd.s32 $0x272000, s4;
	[dreg:$0x1c] =	wrdreg s9  }
0x1f: {  	s11 =	sadd.s32 $0x2EF000, s4;
	[dreg:$0x1d] =	wrdreg s10  }
0x20: {  	s12 =	sadd.s32 $0x36C000, s4;
	[dreg:$0x1e] =	wrdreg s11  }
0x21: {  	s13 =	sadd.s32 $0x3E9000, s4;
	[dreg:$0x1f] =	wrdreg s12  }
0x22: {  	s14 =	sadd.s32 $0x466000, s4;
	[smem:$0x7DF] =	sst s13  }
0x23: {  	s15 =	sadd.s32 $0x4E3000, s4;
	[smem:$0x7E0] =	sst s14  }
0x24: {  	s16 =	sadd.s32 $0x560000, s4;
	[smem:$0x7E1] =	sst s15  }
0x25: {  	s17 =	sadd.s32 $0x5DD000, s4;
	[smem:$0x7E2] =	sst s16  }
0x26: {  	s18 =	sadd.s32 $0x65A000, s4;
	[smem:$0x7E3] =	sst s17  }
0x27: {  	s19 =	sadd.s32 $0x6D7000, s4;
	[smem:$0x7E4] =	sst s18  }
0x28: {  	s20 =	sadd.s32 $0x754000, s4;
	[smem:$0x7E5] =	sst s19  }
0x29: {  	s21 =	sadd.s32 $0x7D1000, s4;
	[smem:$0x7E6] =	sst s20  }
0x2a: {  	s22 =	sadd.s32 $0x84E000, s4;
	[smem:$0x7E7] =	sst s21  }
0x2b: {  	s6 =	sadd.s32 $0x1000, s5;
	s23 =	sadd.s32 $0x8CB000, s4;
	[smem:$0x7E8] =	sst s22  }
0x2c: {  	s24 =	sadd.s32 s3, s6;
	[smem:$0x7E9] =	sst s23  }
0x2d: {  	s25 =	sadd.s32 s1, s6;
	[dreg:$0x17] =	wrdreg s24  }
0x2e: {  	s6 =	sadd.s32 $0xFB000, s4;
	[dreg:$0x18] =	wrdreg s25  }
0x2f: {  	s8 =	sadd.s32 $0x7F000, s4;
	[dreg:$0x1a] =	wrdreg s6  }
0x30: {  	s9 =	sadd.s32 $0xFC000, s4;
	[smem:$0x7ED] =	sst s8  }
0x31: {  	s10 =	sadd.s32 $0x179000, s4;
	[smem:$0x7EE] =	sst s9  }
0x32: {  	s11 =	sadd.s32 $0x1F6000, s4;
	[smem:$0x7EF] =	sst s10  }
0x33: {  	s12 =	sadd.s32 $0x273000, s4;
	[smem:$0x7F0] =	sst s11  }
0x34: {  	s13 =	sadd.s32 $0x2F0000, s4;
	[smem:$0x7F1] =	sst s12  }
0x35: {  	s14 =	sadd.s32 $0x36D000, s4;
	[smem:$0x7F2] =	sst s13  }
0x36: {  	s15 =	sadd.s32 $0x3EA000, s4;
	[smem:$0x7F3] =	sst s14  }
0x37: {  	s16 =	sadd.s32 $0x467000, s4;
	[smem:$0x7F4] =	sst s15  }
0x38: {  	p0 =	por $0x0, $0x0;
	s17 =	sadd.s32 $0x4E4000, s4;
	[smem:$0x7F5] =	sst s16  }
0x39: {  	s7 =	ssub.s32 $0x2, s7;
	s18 =	sadd.s32 $0x561000, s4;
	[smem:$0x7F6] =	sst s17  }
0x3a: {  	s28 =	sadd.s32 $0x84F000, s4;
	s19 =	sadd.s32 $0x5DE000, s4;
	[smem:$0x7F7] =	sst s18  }
0x3b: {  	s29 =	sadd.s32 $0x8CC000, s4;
	s20 =	sadd.s32 $0x65B000, s4;
	[smem:$0x7F8] =	sst s19  }
0x3c: {  	s30 =	sadd.s32 $0x949000, s4;
	s21 =	sadd.s32 $0x6D8000, s4;
	[smem:$0x7F9] =	sst s20  }
0x3d: {  	s22 =	sadd.s32 $0x755000, s4;
	s23 =	sshrl.u32 s7, $0x1;
	[smem:$0x7FA] =	sst s21  }
0x3e: {  	s24 =	sadd.s32 $0x948000, s4;
	s25 =	sor.u32 $0x2000, s5;
	[smem:$0x7FB] =	sst s22  }
0x3f: {  	s19 =	ssub.s32 s7, s23;
	s7 =	sadd.s32 $0x17A000, s4;
	s8 =	sadd.s32 $0x1F7000, s4  }
0x40: {  	s9 =	sadd.s32 $0x274000, s4;
	s10 =	sadd.s32 $0x2F1000, s4;
	s11 =	sadd.s32 $0x36E000, s4  }
0x41: {  	s12 =	sadd.s32 $0x3EB000, s4;
	s13 =	sadd.s32 $0x468000, s4;
	s14 =	sadd.s32 $0x4E5000, s4  }
0x42: {  	s15 =	sadd.s32 $0x562000, s4;
	s16 =	sadd.s32 $0x5DF000, s4;
	s17 =	sadd.s32 $0x65C000, s4  }
0x43: {  	s18 =	sadd.s32 $0x6D9000, s4;
	s20 =	sadd.s32 $0x7D3000, s4;
	s22 =	sadd.s32 $0x850000, s4  }
0x44: {  	s23 =	sadd.s32 $0x8CD000, s4;
	[smem:$0x7EA] =	sst s24;
	s26 =	sadd.s32 s3, s25  }
0x45: {  	s6 =	sadd.s32 s1, s25;
	[smem:$0x7EB] =	sst s26;
	s26 =	smax.u32 s19, $0x1  }
0x46: {  	s24 =	sadd.s32 $0x7D2000, s4;
	s25 =	sadd.s32 $0x3000, s5;
	p1 =	sne.s32 s26, $0x1  }
.Ltmp0:
0x47: {  	s5 =	sadd.s32 $0x80000, s4;
	[smem:$0x7EC] =	sst s6;
	(pc) =	sbr.rel @!p1 .LBB2_3-.Ltmp0, $4  }
0x48: {  	[smem:$0x7FC] =	sst s24;
	s21 =	sadd.s32 s3, s25;
	s0 =	sadd.s32 s1, s25  }
0x49: {  	s6 =	sadd.s32 $0xFD000, s4;
	s19 =	sadd.s32 $0x756000, s4;
	s24 =	sadd.s32 $0x94A000, s4  }
0x4a: {  	s25 =	simm.s32 $0x8000;
	s3 =	simm.s32 $0x1;
	[smem:$0x7FD] =	sst s0  }
0x4b: {  	s31 =	sadd.s32 $0xFFFFFFFF, s26;
	s26 =	simm.s32 $0x2;
	s0 =	rddreg [dreg:$0x3]  }
0x4c: {  	[tilespmem:s2], [sflag:$0x2] =	stream.linear.gather [hbm4b:s0+s2], $0x8000, $0x38;
	[tilespmem:$0x10000] =	vst v63  }
0x4d: {  	_ =	swait.ge [sflag:s26], $0x8000  }
0x4e: {  	[sflag:s26] =	ssyncset.done $0x0  }
0x4f: {  	[sflag:s26] =	ssyncadd.s32 $0xFFFF8000  }
0x50: {  	[hbm4b:s4+s2] =	stream.linear.scatter [tilespmem:s2], [sflag:$0x1], $0x8000, $0x38;
	[tilespmem:$0x10000] =	vst v63  }
0x51: {  	s0 =	rddreg [dreg:$0x4]  }
0x52: {  	[hbm4b:s0+s2] =	stream.linear.scatter [tilespmem:s2], [sflag:$0x1], $0x8000, $0x38;
	[tilespmem:$0x10000] =	vst v63  }
0x53: {  	s1 =	rddreg [dreg:$0x5]  }
0x54: {  	[hbm4b:s1+s2] =	stream.linear.scatter [tilespmem:s2], [sflag:$0x1], $0x8000, $0x38;
	[tilespmem:$0x10000] =	vst v63  }
0x55: {  	s0 =	rddreg [dreg:$0x6]  }
0x56: {  	[hbm4b:s0+s2] =	stream.linear.scatter [tilespmem:s2], [sflag:$0x1], $0x8000, $0x38;
	[tilespmem:$0x10000] =	vst v63  }
0x57: {  	s1 =	rddreg [dreg:$0x7]  }
0x58: {  	[hbm4b:s1+s2] =	stream.linear.scatter [tilespmem:s2], [sflag:$0x1], $0x8000, $0x38;
	[tilespmem:$0x10000] =	vst v63  }
0x59: {  	s0 =	rddreg [dreg:$0x8]  }
0x5a: {  	[hbm4b:s0+s2] =	stream.linear.scatter [tilespmem:s2], [sflag:$0x1], $0x8000, $0x38;
	[tilespmem:$0x10000] =	vst v63  }
0x5b: {  	s1 =	rddreg [dreg:$0x9]  }
0x5c: {  	[hbm4b:s1+s2] =	stream.linear.scatter [tilespmem:s2], [sflag:$0x1], $0x8000, $0x38;
	[tilespmem:$0x10000] =	vst v63  }
0x5d: {  	s0 =	rddreg [dreg:$0xa]  }
0x5e: {  	[hbm4b:s0+s2] =	stream.linear.scatter [tilespmem:s2], [sflag:$0x1], $0x8000, $0x38;
	[tilespmem:$0x10000] =	vst v63  }
0x5f: {  	s1 =	rddreg [dreg:$0xb]  }
0x60: {  	[hbm4b:s1+s2] =	stream.linear.scatter [tilespmem:s2], [sflag:$0x1], $0x8000, $0x38;
	[tilespmem:$0x10000] =	vst v63  }
0x61: {  	s0 =	rddreg [dreg:$0xc]  }
0x62: {  	[hbm4b:s0+s2] =	stream.linear.scatter [tilespmem:s2], [sflag:$0x1], $0x8000, $0x38;
	[tilespmem:$0x10000] =	vst v63  }
0x63: {  	s1 =	rddreg [dreg:$0xd]  }
0x64: {  	[hbm4b:s1+s2] =	stream.linear.scatter [tilespmem:s2], [sflag:$0x1], $0x8000, $0x38;
	[tilespmem:$0x10000] =	vst v63  }
0x65: {  	s0 =	rddreg [dreg:$0xe]  }
0x66: {  	[hbm4b:s0+s2] =	stream.linear.scatter [tilespmem:s2], [sflag:$0x1], $0x8000, $0x38;
	[tilespmem:$0x10000] =	vst v63  }
0x67: {  	s1 =	rddreg [dreg:$0xf]  }
0x68: {  	[hbm4b:s1+s2] =	stream.linear.scatter [tilespmem:s2], [sflag:$0x1], $0x8000, $0x38;
	[tilespmem:$0x10000] =	vst v63  }
0x69: {  	s0 =	rddreg [dreg:$0x10]  }
0x6a: {  	[hbm4b:s0+s2] =	stream.linear.scatter [tilespmem:s2], [sflag:$0x1], $0x8000, $0x38;
	[tilespmem:$0x10000] =	vst v63  }
0x6b: {  	s1 =	rddreg [dreg:$0x11]  }
0x6c: {  	[hbm4b:s1+s2] =	stream.linear.scatter [tilespmem:s2], [sflag:$0x1], $0x8000, $0x38;
	[tilespmem:$0x10000] =	vst v63  }
0x6d: {  	s0 =	rddreg [dreg:$0x12]  }
0x6e: {  	[hbm4b:s0+s2] =	stream.linear.scatter [tilespmem:s2], [sflag:$0x1], $0x8000, $0x38;
	[tilespmem:$0x10000] =	vst v63  }
0x6f: {  	s1 =	rddreg [dreg:$0x13]  }
0x70: {  	[hbm4b:s1+s2] =	stream.linear.scatter [tilespmem:s2], [sflag:$0x1], $0x8000, $0x38;
	[tilespmem:$0x10000] =	vst v63  }
0x71: {  	s0 =	rddreg [dreg:$0x14]  }
0x72: {  	[hbm4b:s0+s2] =	stream.linear.scatter [tilespmem:s2], [sflag:$0x1], $0x8000, $0x38;
	[tilespmem:$0x10000] =	vst v63  }
0x73: {  	s1 =	rddreg [dreg:$0x15]  }
0x74: {  	[hbm4b:s1+s2] =	stream.linear.scatter [tilespmem:s2], [sflag:$0x1], $0x8000, $0x38;
	[tilespmem:$0x10000] =	vst v63  }
0x75: {  	s0 =	rddreg [dreg:$0x16]  }
0x76: {  	[hbm4b:s0+s2] =	stream.linear.scatter [tilespmem:s2], [sflag:$0x1], $0x8000, $0x38;
	[tilespmem:$0x10000] =	vst v63  }
0x77: {  	s1 =	rddreg [dreg:$0x17]  }
0x78: {  	[tilespmem:s25], [sflag:$0x2] =	stream.linear.gather [hbm4b:s1+s2], $0x8000, $0x38;
	[tilespmem:$0x10000] =	vst v63  }
0x79: {  	_ =	swait.ge [sflag:s26], $0x8000  }
0x7a: {  	s0 =	rddreg [dreg:$0x18];
	[sflag:s26] =	ssyncset.done $0x0  }
0x7b: {  	s1 =	rddreg [dreg:$0x19];
	[sflag:s26] =	ssyncadd.s32 $0xFFFF8000  }
0x7c: {  	[hbm4b:s0+s2] =	stream.linear.scatter [tilespmem:s25], [sflag:$0x1], $0x8000, $0x38;
	[tilespmem:$0x10000] =	vst v63  }
0x7d: {  	s0 =	rddreg [dreg:$0x1a]  }
0x7e: {  	[hbm4b:s1+s2] =	stream.linear.scatter [tilespmem:s25], [sflag:$0x1], $0x8000, $0x38;
	[tilespmem:$0x10000] =	vst v63  }
0x7f: {  	s1 =	rddreg [dreg:$0x1b]  }
0x80: {  	[hbm4b:s0+s2] =	stream.linear.scatter [tilespmem:s25], [sflag:$0x1], $0x8000, $0x38;
	[tilespmem:$0x10000] =	vst v63  }
0x81: {  	s0 =	rddreg [dreg:$0x1c]  }
0x82: {  	[hbm4b:s1+s2] =	stream.linear.scatter [tilespmem:s25], [sflag:$0x1], $0x8000, $0x38;
	[tilespmem:$0x10000] =	vst v63  }
0x83: {  	s1 =	rddreg [dreg:$0x1d]  }
0x84: {  	[hbm4b:s0+s2] =	stream.linear.scatter [tilespmem:s25], [sflag:$0x1], $0x8000, $0x38;
	[tilespmem:$0x10000] =	vst v63  }
0x85: {  	s0 =	rddreg [dreg:$0x1e]  }
0x86: {  	[hbm4b:s1+s2] =	stream.linear.scatter [tilespmem:s25], [sflag:$0x1], $0x8000, $0x38;
	[tilespmem:$0x10000] =	vst v63  }
0x87: {  	s1 =	rddreg [dreg:$0x1f]  }
0x88: {  	[hbm4b:s0+s2] =	stream.linear.scatter [tilespmem:s25], [sflag:$0x1], $0x8000, $0x38;
	[tilespmem:$0x10000] =	vst v63  }
0x89: {  	s0 =	sld [smem:$0x7DF]  }
0x8a: {  	[hbm4b:s1+s2] =	stream.linear.scatter [tilespmem:s25], [sflag:$0x1], $0x8000, $0x38;
	[tilespmem:$0x10000] =	vst v63  }
0x8b: {  	s1 =	sld [smem:$0x7E0]  }
0x8c: {  	[hbm4b:s0+s2] =	stream.linear.scatter [tilespmem:s25], [sflag:$0x1], $0x8000, $0x38;
	[tilespmem:$0x10000] =	vst v63  }
0x8d: {  	s0 =	sld [smem:$0x7E1]  }
0x8e: {  	[hbm4b:s1+s2] =	stream.linear.scatter [tilespmem:s25], [sflag:$0x1], $0x8000, $0x38;
	[tilespmem:$0x10000] =	vst v63  }
0x8f: {  	s1 =	sld [smem:$0x7E2]  }
0x90: {  	[hbm4b:s0+s2] =	stream.linear.scatter [tilespmem:s25], [sflag:$0x1], $0x8000, $0x38;
	[tilespmem:$0x10000] =	vst v63  }
0x91: {  	s0 =	sld [smem:$0x7E3]  }
0x92: {  	[hbm4b:s1+s2] =	stream.linear.scatter [tilespmem:s25], [sflag:$0x1], $0x8000, $0x38;
	[tilespmem:$0x10000] =	vst v63  }
0x93: {  	s1 =	sld [smem:$0x7E4]  }
0x94: {  	[hbm4b:s0+s2] =	stream.linear.scatter [tilespmem:s25], [sflag:$0x1], $0x8000, $0x38;
	[tilespmem:$0x10000] =	vst v63  }
0x95: {  	s0 =	sld [smem:$0x7E5]  }
0x96: {  	[hbm4b:s1+s2] =	stream.linear.scatter [tilespmem:s25], [sflag:$0x1], $0x8000, $0x38;
	[tilespmem:$0x10000] =	vst v63  }
0x97: {  	s1 =	sld [smem:$0x7E6]  }
0x98: {  	[hbm4b:s0+s2] =	stream.linear.scatter [tilespmem:s25], [sflag:$0x1], $0x8000, $0x38;
	[tilespmem:$0x10000] =	vst v63  }
0x99: {  	s0 =	sld [smem:$0x7E7]  }
0x9a: {  	[hbm4b:s1+s2] =	stream.linear.scatter [tilespmem:s25], [sflag:$0x1], $0x8000, $0x38;
	[tilespmem:$0x10000] =	vst v63  }
0x9b: {  	s1 =	sld [smem:$0x7E8]  }
0x9c: {  	[hbm4b:s0+s2] =	stream.linear.scatter [tilespmem:s25], [sflag:$0x1], $0x8000, $0x38;
	[tilespmem:$0x10000] =	vst v63  }
0x9d: {  	s0 =	sld [smem:$0x7E9]  }
0x9e: {  	[hbm4b:s1+s2] =	stream.linear.scatter [tilespmem:s25], [sflag:$0x1], $0x8000, $0x38;
	[tilespmem:$0x10000] =	vst v63  }
0x9f: {  	s1 =	sld [smem:$0x7EA]  }
0xa0: {  	[hbm4b:s0+s2] =	stream.linear.scatter [tilespmem:s25], [sflag:$0x1], $0x8000, $0x38;
	[tilespmem:$0x10000] =	vst v63  }
0xa1: {  	_ = 	snop  }
0xa2: {  	[hbm4b:s1+s2] =	stream.linear.scatter [tilespmem:s25], [sflag:$0x1], $0x8000, $0x38;
	[tilespmem:$0x10000] =	vst v63  }
0xa3: {  	_ =	swait.ge [sflag:s3], $0x8000  }
0xa4: {  	[sflag:s3] =	ssyncset.done $0x0  }
0xa5: {  	[sflag:s3] =	ssyncadd.s32 $0xFFFF8000  }
0xa6: {  	_ =	swait.ge [sflag:s3], $0x8000  }
0xa7: {  	[sflag:s3] =	ssyncset.done $0x0  }
0xa8: {  	[sflag:s3] =	ssyncadd.s32 $0xFFFF8000  }
0xa9: {  	_ =	swait.ge [sflag:s3], $0x8000  }
0xaa: {  	[sflag:s3] =	ssyncset.done $0x0  }
0xab: {  	[sflag:s3] =	ssyncadd.s32 $0xFFFF8000  }
0xac: {  	_ =	swait.ge [sflag:s3], $0x8000  }
0xad: {  	[sflag:s3] =	ssyncset.done $0x0  }
0xae: {  	[sflag:s3] =	ssyncadd.s32 $0xFFFF8000  }
0xaf: {  	_ =	swait.ge [sflag:s3], $0x8000  }
0xb0: {  	[sflag:s3] =	ssyncset.done $0x0  }
0xb1: {  	[sflag:s3] =	ssyncadd.s32 $0xFFFF8000  }
0xb2: {  	_ =	swait.ge [sflag:s3], $0x8000  }
0xb3: {  	[sflag:s3] =	ssyncset.done $0x0  }
0xb4: {  	[sflag:s3] =	ssyncadd.s32 $0xFFFF8000  }
0xb5: {  	_ =	swait.ge [sflag:s3], $0x8000  }
0xb6: {  	[sflag:s3] =	ssyncset.done $0x0  }
0xb7: {  	[sflag:s3] =	ssyncadd.s32 $0xFFFF8000  }
0xb8: {  	_ =	swait.ge [sflag:s3], $0x8000  }
0xb9: {  	[sflag:s3] =	ssyncset.done $0x0  }
0xba: {  	[sflag:s3] =	ssyncadd.s32 $0xFFFF8000  }
0xbb: {  	_ =	swait.ge [sflag:s3], $0x8000  }
0xbc: {  	[sflag:s3] =	ssyncset.done $0x0  }
0xbd: {  	[sflag:s3] =	ssyncadd.s32 $0xFFFF8000  }
0xbe: {  	_ =	swait.ge [sflag:s3], $0x8000  }
0xbf: {  	[sflag:s3] =	ssyncset.done $0x0  }
0xc0: {  	[sflag:s3] =	ssyncadd.s32 $0xFFFF8000  }
0xc1: {  	_ =	swait.ge [sflag:s3], $0x8000  }
0xc2: {  	[sflag:s3] =	ssyncset.done $0x0  }
0xc3: {  	[sflag:s3] =	ssyncadd.s32 $0xFFFF8000  }
0xc4: {  	_ =	swait.ge [sflag:s3], $0x8000  }
0xc5: {  	[sflag:s3] =	ssyncset.done $0x0  }
0xc6: {  	[sflag:s3] =	ssyncadd.s32 $0xFFFF8000  }
0xc7: {  	_ =	swait.ge [sflag:s3], $0x8000  }
0xc8: {  	[sflag:s3] =	ssyncset.done $0x0  }
0xc9: {  	[sflag:s3] =	ssyncadd.s32 $0xFFFF8000  }
0xca: {  	_ =	swait.ge [sflag:s3], $0x8000  }
0xcb: {  	[sflag:s3] =	ssyncset.done $0x0  }
0xcc: {  	[sflag:s3] =	ssyncadd.s32 $0xFFFF8000  }
0xcd: {  	_ =	swait.ge [sflag:s3], $0x8000  }
0xce: {  	[sflag:s3] =	ssyncset.done $0x0  }
0xcf: {  	[sflag:s3] =	ssyncadd.s32 $0xFFFF8000  }
0xd0: {  	_ =	swait.ge [sflag:s3], $0x8000  }
0xd1: {  	[sflag:s3] =	ssyncset.done $0x0  }
0xd2: {  	[sflag:s3] =	ssyncadd.s32 $0xFFFF8000  }
0xd3: {  	_ =	swait.ge [sflag:s3], $0x8000  }
0xd4: {  	[sflag:s3] =	ssyncset.done $0x0  }
0xd5: {  	[sflag:s3] =	ssyncadd.s32 $0xFFFF8000  }
0xd6: {  	_ =	swait.ge [sflag:s3], $0x8000  }
0xd7: {  	[sflag:s3] =	ssyncset.done $0x0  }
0xd8: {  	[sflag:s3] =	ssyncadd.s32 $0xFFFF8000  }
0xd9: {  	_ =	swait.ge [sflag:s3], $0x8000  }
0xda: {  	[sflag:s3] =	ssyncset.done $0x0  }
0xdb: {  	[sflag:s3] =	ssyncadd.s32 $0xFFFF8000  }
0xdc: {  	_ =	swait.ge [sflag:s3], $0x8000  }
0xdd: {  	s1 =	sld [smem:$0x7EB]  }
0xde: {  	[sflag:s3] =	ssyncset.done $0x0  }
0xdf: {  	[sflag:s3] =	ssyncadd.s32 $0xFFFF8000  }
0xe0: {  	[tilespmem:s2], [sflag:$0x2] =	stream.linear.gather [hbm4b:s1+s2], $0x8000, $0x38;
	[tilespmem:$0x10000] =	vst v63  }
0xe1: {  	_ =	swait.ge [sflag:s26], $0x8000  }
0xe2: {  	s0 =	sld [smem:$0x7EC]  }
0xe3: {  	[sflag:s26] =	ssyncset.done $0x0  }
0xe4: {  	s1 =	sld [smem:$0x7ED];
	[sflag:s26] =	ssyncadd.s32 $0xFFFF8000  }
0xe5: {  	[hbm4b:s0+s2] =	stream.linear.scatter [tilespmem:s2], [sflag:$0x1], $0x8000, $0x38;
	[tilespmem:$0x10000] =	vst v63  }
0xe6: {  	s0 =	sld [smem:$0x7EE]  }
0xe7: {  	[hbm4b:s1+s2] =	stream.linear.scatter [tilespmem:s2], [sflag:$0x1], $0x8000, $0x38;
	[tilespmem:$0x10000] =	vst v63  }
0xe8: {  	s1 =	sld [smem:$0x7EF]  }
0xe9: {  	[hbm4b:s0+s2] =	stream.linear.scatter [tilespmem:s2], [sflag:$0x1], $0x8000, $0x38;
	[tilespmem:$0x10000] =	vst v63  }
0xea: {  	s0 =	sld [smem:$0x7F0]  }
0xeb: {  	[hbm4b:s1+s2] =	stream.linear.scatter [tilespmem:s2], [sflag:$0x1], $0x8000, $0x38;
	[tilespmem:$0x10000] =	vst v63  }
0xec: {  	s1 =	sld [smem:$0x7F1]  }
0xed: {  	[hbm4b:s0+s2] =	stream.linear.scatter [tilespmem:s2], [sflag:$0x1], $0x8000, $0x38;
	[tilespmem:$0x10000] =	vst v63  }
0xee: {  	s0 =	sld [smem:$0x7F2]  }
0xef: {  	[hbm4b:s1+s2] =	stream.linear.scatter [tilespmem:s2], [sflag:$0x1], $0x8000, $0x38;
	[tilespmem:$0x10000] =	vst v63  }
0xf0: {  	s1 =	sld [smem:$0x7F3]  }
0xf1: {  	[hbm4b:s0+s2] =	stream.linear.scatter [tilespmem:s2], [sflag:$0x1], $0x8000, $0x38;
	[tilespmem:$0x10000] =	vst v63  }
0xf2: {  	s0 =	sld [smem:$0x7F4]  }
0xf3: {  	[hbm4b:s1+s2] =	stream.linear.scatter [tilespmem:s2], [sflag:$0x1], $0x8000, $0x38;
	[tilespmem:$0x10000] =	vst v63  }
0xf4: {  	s1 =	sld [smem:$0x7F5]  }
0xf5: {  	[hbm4b:s0+s2] =	stream.linear.scatter [tilespmem:s2], [sflag:$0x1], $0x8000, $0x38;
	[tilespmem:$0x10000] =	vst v63  }
0xf6: {  	s0 =	sld [smem:$0x7F6]  }
0xf7: {  	[hbm4b:s1+s2] =	stream.linear.scatter [tilespmem:s2], [sflag:$0x1], $0x8000, $0x38;
	[tilespmem:$0x10000] =	vst v63  }
0xf8: {  	s1 =	sld [smem:$0x7F7]  }
0xf9: {  	[hbm4b:s0+s2] =	stream.linear.scatter [tilespmem:s2], [sflag:$0x1], $0x8000, $0x38;
	[tilespmem:$0x10000] =	vst v63  }
0xfa: {  	s0 =	sld [smem:$0x7F8]  }
0xfb: {  	[hbm4b:s1+s2] =	stream.linear.scatter [tilespmem:s2], [sflag:$0x1], $0x8000, $0x38;
	[tilespmem:$0x10000] =	vst v63  }
0xfc: {  	s1 =	sld [smem:$0x7F9]  }
0xfd: {  	[hbm4b:s0+s2] =	stream.linear.scatter [tilespmem:s2], [sflag:$0x1], $0x8000, $0x38;
	[tilespmem:$0x10000] =	vst v63  }
0xfe: {  	s0 =	sld [smem:$0x7FA]  }
0xff: {  	[hbm4b:s1+s2] =	stream.linear.scatter [tilespmem:s2], [sflag:$0x1], $0x8000, $0x38;
	[tilespmem:$0x10000] =	vst v63  }
0x100: {  	s1 =	sld [smem:$0x7FB]  }
0x101: {  	[hbm4b:s0+s2] =	stream.linear.scatter [tilespmem:s2], [sflag:$0x1], $0x8000, $0x38;
	[tilespmem:$0x10000] =	vst v63  }
0x102: {  	s0 =	sld [smem:$0x7FC]  }
0x103: {  	[hbm4b:s1+s2] =	stream.linear.scatter [tilespmem:s2], [sflag:$0x1], $0x8000, $0x38;
	[tilespmem:$0x10000] =	vst v63  }
0x104: {  	_ = 	snop  }
0x105: {  	[hbm4b:s0+s2] =	stream.linear.scatter [tilespmem:s2], [sflag:$0x1], $0x8000, $0x38;
	[tilespmem:$0x10000] =	vst v63  }
0x106: {  	_ = 	snop  }
0x107: {  	[hbm4b:s28+s2] =	stream.linear.scatter [tilespmem:s2], [sflag:$0x1], $0x8000, $0x38;
	[tilespmem:$0x10000] =	vst v63  }
0x108: {  	_ = 	snop  }
0x109: {  	[hbm4b:s29+s2] =	stream.linear.scatter [tilespmem:s2], [sflag:$0x1], $0x8000, $0x38;
	[tilespmem:$0x10000] =	vst v63  }
0x10a: {  	_ = 	snop  }
0x10b: {  	[hbm4b:s30+s2] =	stream.linear.scatter [tilespmem:s2], [sflag:$0x1], $0x8000, $0x38;
	[tilespmem:$0x10000] =	vst v63  }
0x10c: {  	_ =	swait.ge [sflag:s3], $0x8000  }
0x10d: {  	[sflag:s3] =	ssyncset.done $0x0  }
0x10e: {  	[sflag:s3] =	ssyncadd.s32 $0xFFFF8000  }
0x10f: {  	_ =	swait.ge [sflag:s3], $0x8000  }
0x110: {  	[sflag:s3] =	ssyncset.done $0x0  }
0x111: {  	[sflag:s3] =	ssyncadd.s32 $0xFFFF8000  }
0x112: {  	_ =	swait.ge [sflag:s3], $0x8000  }
0x113: {  	[sflag:s3] =	ssyncset.done $0x0  }
0x114: {  	[sflag:s3] =	ssyncadd.s32 $0xFFFF8000  }
0x115: {  	_ =	swait.ge [sflag:s3], $0x8000  }
0x116: {  	[sflag:s3] =	ssyncset.done $0x0  }
0x117: {  	[sflag:s3] =	ssyncadd.s32 $0xFFFF8000  }
0x118: {  	_ =	swait.ge [sflag:s3], $0x8000  }
0x119: {  	[sflag:s3] =	ssyncset.done $0x0  }
0x11a: {  	[sflag:s3] =	ssyncadd.s32 $0xFFFF8000  }
0x11b: {  	_ =	swait.ge [sflag:s3], $0x8000  }
0x11c: {  	[sflag:s3] =	ssyncset.done $0x0  }
0x11d: {  	[sflag:s3] =	ssyncadd.s32 $0xFFFF8000  }
0x11e: {  	_ =	swait.ge [sflag:s3], $0x8000  }
0x11f: {  	[sflag:s3] =	ssyncset.done $0x0  }
0x120: {  	[sflag:s3] =	ssyncadd.s32 $0xFFFF8000  }
0x121: {  	_ =	swait.ge [sflag:s3], $0x8000  }
0x122: {  	[sflag:s3] =	ssyncset.done $0x0  }
0x123: {  	[sflag:s3] =	ssyncadd.s32 $0xFFFF8000  }
0x124: {  	_ =	swait.ge [sflag:s3], $0x8000  }
0x125: {  	[sflag:s3] =	ssyncset.done $0x0  }
0x126: {  	[sflag:s3] =	ssyncadd.s32 $0xFFFF8000  }
0x127: {  	_ =	swait.ge [sflag:s3], $0x8000  }
0x128: {  	[sflag:s3] =	ssyncset.done $0x0  }
0x129: {  	[sflag:s3] =	ssyncadd.s32 $0xFFFF8000  }
0x12a: {  	_ =	swait.ge [sflag:s3], $0x8000  }
0x12b: {  	[sflag:s3] =	ssyncset.done $0x0  }
0x12c: {  	[sflag:s3] =	ssyncadd.s32 $0xFFFF8000  }
0x12d: {  	_ =	swait.ge [sflag:s3], $0x8000  }
0x12e: {  	[sflag:s3] =	ssyncset.done $0x0  }
0x12f: {  	[sflag:s3] =	ssyncadd.s32 $0xFFFF8000  }
0x130: {  	_ =	swait.ge [sflag:s3], $0x8000  }
0x131: {  	[sflag:s3] =	ssyncset.done $0x0  }
0x132: {  	[sflag:s3] =	ssyncadd.s32 $0xFFFF8000  }
0x133: {  	_ =	swait.ge [sflag:s3], $0x8000  }
0x134: {  	[sflag:s3] =	ssyncset.done $0x0  }
0x135: {  	[sflag:s3] =	ssyncadd.s32 $0xFFFF8000  }
0x136: {  	_ =	swait.ge [sflag:s3], $0x8000  }
0x137: {  	[sflag:s3] =	ssyncset.done $0x0  }
0x138: {  	[sflag:s3] =	ssyncadd.s32 $0xFFFF8000  }
0x139: {  	_ =	swait.ge [sflag:s3], $0x8000  }
0x13a: {  	[sflag:s3] =	ssyncset.done $0x0  }
0x13b: {  	[sflag:s3] =	ssyncadd.s32 $0xFFFF8000  }
0x13c: {  	_ =	swait.ge [sflag:s3], $0x8000  }
0x13d: {  	[sflag:s3] =	ssyncset.done $0x0  }
0x13e: {  	[sflag:s3] =	ssyncadd.s32 $0xFFFF8000  }
0x13f: {  	_ =	swait.ge [sflag:s3], $0x8000  }
0x140: {  	[sflag:s3] =	ssyncset.done $0x0  }
0x141: {  	[sflag:s3] =	ssyncadd.s32 $0xFFFF8000  }
0x142: {  	_ =	swait.ge [sflag:s3], $0x8000  }
0x143: {  	[sflag:s3] =	ssyncset.done $0x0  }
0x144: {  	[sflag:s3] =	ssyncadd.s32 $0xFFFF8000  }
0x145: {  	_ =	swait.ge [sflag:s3], $0x8000  }
0x146: {  	[sflag:s3] =	ssyncset.done $0x0  }
0x147: {  	[sflag:s3] =	ssyncadd.s32 $0xFFFF8000  }
0x148: {  	[tilespmem:s25], [sflag:$0x2] =	stream.linear.gather [hbm4b:s21+s2], $0x8000, $0x38;
	[tilespmem:$0x10000] =	vst v63  }
0x149: {  	_ =	swait.ge [sflag:s26], $0x8000  }
0x14a: {  	s1 =	sld [smem:$0x7FD]  }
0x14b: {  	[sflag:s26] =	ssyncset.done $0x0  }
0x14c: {  	[sflag:s26] =	ssyncadd.s32 $0xFFFF8000  }
0x14d: {  	[hbm4b:s1+s2] =	stream.linear.scatter [tilespmem:s25], [sflag:$0x1], $0x8000, $0x38;
	[tilespmem:$0x10000] =	vst v63  }
0x14e: {  	_ = 	snop  }
0x14f: {  	[hbm4b:s5+s2] =	stream.linear.scatter [tilespmem:s25], [sflag:$0x1], $0x8000, $0x38;
	[tilespmem:$0x10000] =	vst v63  }
0x150: {  	_ = 	snop  }
0x151: {  	[hbm4b:s6+s2] =	stream.linear.scatter [tilespmem:s25], [sflag:$0x1], $0x8000, $0x38;
	[tilespmem:$0x10000] =	vst v63  }
0x152: {  	_ = 	snop  }
0x153: {  	[hbm4b:s7+s2] =	stream.linear.scatter [tilespmem:s25], [sflag:$0x1], $0x8000, $0x38;
	[tilespmem:$0x10000] =	vst v63  }
0x154: {  	_ = 	snop  }
0x155: {  	[hbm4b:s8+s2] =	stream.linear.scatter [tilespmem:s25], [sflag:$0x1], $0x8000, $0x38;
	[tilespmem:$0x10000] =	vst v63  }
0x156: {  	_ = 	snop  }
0x157: {  	[hbm4b:s9+s2] =	stream.linear.scatter [tilespmem:s25], [sflag:$0x1], $0x8000, $0x38;
	[tilespmem:$0x10000] =	vst v63  }
0x158: {  	_ = 	snop  }
0x159: {  	[hbm4b:s10+s2] =	stream.linear.scatter [tilespmem:s25], [sflag:$0x1], $0x8000, $0x38;
	[tilespmem:$0x10000] =	vst v63  }
0x15a: {  	_ = 	snop  }
0x15b: {  	[hbm4b:s11+s2] =	stream.linear.scatter [tilespmem:s25], [sflag:$0x1], $0x8000, $0x38;
	[tilespmem:$0x10000] =	vst v63  }
0x15c: {  	_ = 	snop  }
0x15d: {  	[hbm4b:s12+s2] =	stream.linear.scatter [tilespmem:s25], [sflag:$0x1], $0x8000, $0x38;
	[tilespmem:$0x10000] =	vst v63  }
0x15e: {  	_ = 	snop  }
0x15f: {  	[hbm4b:s13+s2] =	stream.linear.scatter [tilespmem:s25], [sflag:$0x1], $0x8000, $0x38;
	[tilespmem:$0x10000] =	vst v63  }
0x160: {  	_ = 	snop  }
0x161: {  	[hbm4b:s14+s2] =	stream.linear.scatter [tilespmem:s25], [sflag:$0x1], $0x8000, $0x38;
	[tilespmem:$0x10000] =	vst v63  }
0x162: {  	_ = 	snop  }
0x163: {  	[hbm4b:s15+s2] =	stream.linear.scatter [tilespmem:s25], [sflag:$0x1], $0x8000, $0x38;
	[tilespmem:$0x10000] =	vst v63  }
0x164: {  	_ = 	snop  }
0x165: {  	[hbm4b:s16+s2] =	stream.linear.scatter [tilespmem:s25], [sflag:$0x1], $0x8000, $0x38;
	[tilespmem:$0x10000] =	vst v63  }
0x166: {  	_ = 	snop  }
0x167: {  	[hbm4b:s17+s2] =	stream.linear.scatter [tilespmem:s25], [sflag:$0x1], $0x8000, $0x38;
	[tilespmem:$0x10000] =	vst v63  }
0x168: {  	_ = 	snop  }
0x169: {  	[hbm4b:s18+s2] =	stream.linear.scatter [tilespmem:s25], [sflag:$0x1], $0x8000, $0x38;
	[tilespmem:$0x10000] =	vst v63  }
0x16a: {  	_ = 	snop  }
0x16b: {  	[hbm4b:s19+s2] =	stream.linear.scatter [tilespmem:s25], [sflag:$0x1], $0x8000, $0x38;
	[tilespmem:$0x10000] =	vst v63  }
0x16c: {  	_ = 	snop  }
0x16d: {  	[hbm4b:s20+s2] =	stream.linear.scatter [tilespmem:s25], [sflag:$0x1], $0x8000, $0x38;
	[tilespmem:$0x10000] =	vst v63  }
0x16e: {  	_ = 	snop  }
0x16f: {  	[hbm4b:s22+s2] =	stream.linear.scatter [tilespmem:s25], [sflag:$0x1], $0x8000, $0x38;
	[tilespmem:$0x10000] =	vst v63  }
0x170: {  	_ = 	snop  }
0x171: {  	[hbm4b:s23+s2] =	stream.linear.scatter [tilespmem:s25], [sflag:$0x1], $0x8000, $0x38;
	[tilespmem:$0x10000] =	vst v63  }
0x172: {  	_ = 	snop  }
0x173: {  	[hbm4b:s24+s2] =	stream.linear.scatter [tilespmem:s25], [sflag:$0x1], $0x8000, $0x38;
	[tilespmem:$0x10000] =	vst v63  }
0x174: {  	_ =	swait.ge [sflag:s3], $0x8000  }
0x175: {  	[sflag:s3] =	ssyncset.done $0x0  }
0x176: {  	[sflag:s3] =	ssyncadd.s32 $0xFFFF8000  }
0x177: {  	_ =	swait.ge [sflag:s3], $0x8000  }
0x178: {  	[sflag:s3] =	ssyncset.done $0x0  }
0x179: {  	[sflag:s3] =	ssyncadd.s32 $0xFFFF8000  }
0x17a: {  	_ =	swait.ge [sflag:s3], $0x8000  }
0x17b: {  	[sflag:s3] =	ssyncset.done $0x0  }
0x17c: {  	[sflag:s3] =	ssyncadd.s32 $0xFFFF8000  }
0x17d: {  	_ =	swait.ge [sflag:s3], $0x8000  }
0x17e: {  	[sflag:s3] =	ssyncset.done $0x0  }
0x17f: {  	[sflag:s3] =	ssyncadd.s32 $0xFFFF8000  }
0x180: {  	_ =	swait.ge [sflag:s3], $0x8000  }
0x181: {  	[sflag:s3] =	ssyncset.done $0x0  }
0x182: {  	[sflag:s3] =	ssyncadd.s32 $0xFFFF8000  }
0x183: {  	_ =	swait.ge [sflag:s3], $0x8000  }
0x184: {  	[sflag:s3] =	ssyncset.done $0x0  }
0x185: {  	[sflag:s3] =	ssyncadd.s32 $0xFFFF8000  }
0x186: {  	_ =	swait.ge [sflag:s3], $0x8000  }
0x187: {  	[sflag:s3] =	ssyncset.done $0x0  }
0x188: {  	[sflag:s3] =	ssyncadd.s32 $0xFFFF8000  }
0x189: {  	_ =	swait.ge [sflag:s3], $0x8000  }
0x18a: {  	[sflag:s3] =	ssyncset.done $0x0  }
0x18b: {  	[sflag:s3] =	ssyncadd.s32 $0xFFFF8000  }
0x18c: {  	_ =	swait.ge [sflag:s3], $0x8000  }
0x18d: {  	[sflag:s3] =	ssyncset.done $0x0  }
0x18e: {  	[sflag:s3] =	ssyncadd.s32 $0xFFFF8000  }
0x18f: {  	_ =	swait.ge [sflag:s3], $0x8000  }
0x190: {  	[sflag:s3] =	ssyncset.done $0x0  }
0x191: {  	[sflag:s3] =	ssyncadd.s32 $0xFFFF8000  }
0x192: {  	_ =	swait.ge [sflag:s3], $0x8000  }
0x193: {  	[sflag:s3] =	ssyncset.done $0x0  }
0x194: {  	[sflag:s3] =	ssyncadd.s32 $0xFFFF8000  }
0x195: {  	_ =	swait.ge [sflag:s3], $0x8000  }
0x196: {  	[sflag:s3] =	ssyncset.done $0x0  }
0x197: {  	[sflag:s3] =	ssyncadd.s32 $0xFFFF8000  }
0x198: {  	_ =	swait.ge [sflag:s3], $0x8000  }
0x199: {  	[sflag:s3] =	ssyncset.done $0x0  }
0x19a: {  	[sflag:s3] =	ssyncadd.s32 $0xFFFF8000  }
0x19b: {  	_ =	swait.ge [sflag:s3], $0x8000  }
0x19c: {  	[sflag:s3] =	ssyncset.done $0x0  }
0x19d: {  	[sflag:s3] =	ssyncadd.s32 $0xFFFF8000  }
0x19e: {  	_ =	swait.ge [sflag:s3], $0x8000  }
0x19f: {  	[sflag:s3] =	ssyncset.done $0x0  }
0x1a0: {  	[sflag:s3] =	ssyncadd.s32 $0xFFFF8000  }
0x1a1: {  	_ =	swait.ge [sflag:s3], $0x8000  }
0x1a2: {  	[sflag:s3] =	ssyncset.done $0x0  }
0x1a3: {  	[sflag:s3] =	ssyncadd.s32 $0xFFFF8000  }
0x1a4: {  	_ =	swait.ge [sflag:s3], $0x8000  }
0x1a5: {  	[sflag:s3] =	ssyncset.done $0x0  }
0x1a6: {  	[sflag:s3] =	ssyncadd.s32 $0xFFFF8000  }
0x1a7: {  	_ =	swait.ge [sflag:s3], $0x8000  }
0x1a8: {  	[sflag:s3] =	ssyncset.done $0x0  }
0x1a9: {  	[sflag:s3] =	ssyncadd.s32 $0xFFFF8000  }
0x1aa: {  	_ =	swait.ge [sflag:s3], $0x8000  }
0x1ab: {  	[sflag:s3] =	ssyncset.done $0x0  }
0x1ac: {  	[sflag:s3] =	ssyncadd.s32 $0xFFFF8000  }
0x1ad: {  	_ =	swait.ge [sflag:s3], $0x8000  }
0x1ae: {  	[sflag:s3] =	ssyncset.done $0x0  }
0x1af: {  	[sflag:s3] =	ssyncadd.s32 $0xFFFF8000  }
0x1b0: {  	_ =	swait.ge [sflag:s3], $0x8000  }
0x1b1: {  	[sflag:s3] =	ssyncset.done $0x0  }
0x1b2: {  	[sflag:s3] =	ssyncadd.s32 $0xFFFF8000  }
0x1b3: {  	_ =	swait.ge [sflag:s3], $0x8000  }
0x1b4: {  	[sflag:s3] =	ssyncset.done $0x0  }
0x1b5: {  	[sflag:s3] =	ssyncadd.s32 $0xFFFF8000  }
0x1b6: {  	_ =	swait.ge [sflag:s3], $0x8000  }
0x1b7: {  	[sflag:s3] =	ssyncset.done $0x0  }
0x1b8: {  	[sflag:s3] =	ssyncadd.s32 $0xFFFF8000  }
0x1b9: {  	_ =	swait.ge [sflag:s3], $0x8000  }
0x1ba: {  	[sflag:s3] =	ssyncset.done $0x0  }
0x1bb: {  	[sflag:s3] =	ssyncadd.s32 $0xFFFF8000  }
0x1bc: {  	_ =	swait.ge [sflag:s3], $0x8000  }
0x1bd: {  	[sflag:s3] =	ssyncset.done $0x0  }
0x1be: {  	[sflag:s3] =	ssyncadd.s32 $0xFFFF8000  }
0x1bf: {  	_ =	swait.ge [sflag:s3], $0x8000  }
0x1c0: {  	[sflag:s3] =	ssyncset.done $0x0  }
0x1c1: {  	[sflag:s3] =	ssyncadd.s32 $0xFFFF8000  }
0x1c2: {  	_ =	swait.ge [sflag:s3], $0x8000  }
0x1c3: {  	[sflag:s3] =	ssyncset.done $0x0  }
0x1c4: {  	[sflag:s3] =	ssyncadd.s32 $0xFFFF8000  }
0x1c5: {  	_ =	swait.ge [sflag:s3], $0x8000  }
0x1c6: {  	[sflag:s3] =	ssyncset.done $0x0  }
0x1c7: {  	[sflag:s3] =	ssyncadd.s32 $0xFFFF8000  }
0x1c8: {  	_ =	swait.ge [sflag:s3], $0x8000  }
0x1c9: {  	[sflag:s3] =	ssyncset.done $0x0  }
0x1ca: {  	[sflag:s3] =	ssyncadd.s32 $0xFFFF8000  }
0x1cb: {  	_ =	swait.ge [sflag:s3], $0x8000  }
0x1cc: {  	[sflag:s3] =	ssyncset.done $0x0  }
0x1cd: {  	[sflag:s3] =	ssyncadd.s32 $0xFFFF8000  }
0x1ce: {  	_ =	swait.ge [sflag:s3], $0x8000  }
0x1cf: {  	[sflag:s3] =	ssyncset.done $0x0  }
0x1d0: {  	[sflag:s3] =	ssyncadd.s32 $0xFFFF8000  }
0x1d1: {  	_ =	swait.ge [sflag:s3], $0x8000  }
0x1d2: {  	[sflag:s3] =	ssyncset.done $0x0  }
0x1d3: {  	[sflag:s3] =	ssyncadd.s32 $0xFFFF8000  }
0x1d4: {  	_ =	swait.ge [sflag:s3], $0x8000  }
0x1d5: {  	[sflag:s3] =	ssyncset.done $0x0  }
0x1d6: {  	[sflag:s3] =	ssyncadd.s32 $0xFFFF8000  }
0x1d7: {  	_ =	swait.ge [sflag:s3], $0x8000  }
0x1d8: {  	[sflag:s3] =	ssyncset.done $0x0  }
0x1d9: {  	[sflag:s3] =	ssyncadd.s32 $0xFFFF8000  }
0x1da: {  	_ =	swait.ge [sflag:s3], $0x8000  }
0x1db: {  	[sflag:s3] =	ssyncset.done $0x0  }
0x1dc: {  	[sflag:s3] =	ssyncadd.s32 $0xFFFF8000  }
0x1dd: {  	_ =	swait.ge [sflag:s3], $0x8000  }
0x1de: {  	[sflag:s3] =	ssyncset.done $0x0  }
0x1df: {  	[sflag:s3] =	ssyncadd.s32 $0xFFFF8000  }
0x1e0: {  	_ =	swait.ge [sflag:s3], $0x8000  }
0x1e1: {  	[sflag:s3] =	ssyncset.done $0x0  }
0x1e2: {  	[sflag:s3] =	ssyncadd.s32 $0xFFFF8000  }
0x1e3: {  	_ =	swait.ge [sflag:s3], $0x8000  }
0x1e4: {  	[sflag:s3] =	ssyncset.done $0x0  }
0x1e5: {  	[sflag:s3] =	ssyncadd.s32 $0xFFFF8000  }
0x1e6: {  	p1 =	sne.s32 s31, $0x1;
	_ =	swait.ge [sflag:s3], $0x8000  }
.Ltmp1:
0x1e7: {  	[sflag:s3] =	ssyncset.done $0x0;
	(pc) =	sbr.rel @!p1 .LBB2_3-.Ltmp1, $4  }
0x1e8: {  	[sflag:s3] =	ssyncadd.s32 $0xFFFF8000  }
0x1e9: {  	_ =	swait.ge [sflag:s3], $0x8000  }
0x1ea: {  	s31 =	sadd.s32 $0xFFFFFFFF, s31;
	s0 =	rddreg [dreg:$0x3]  }
0x1eb: {  	p0 =	por $0x1, $0x1;
	[sflag:s3] =	ssyncset.done $0x0;
	[smem:$0x7DE] =	sst s4  }
.LBB2_2:
0x1ec: {  	[sflag:s3] =	ssyncadd.s32 $0xFFFF8000  }
0x1ed: {  	[tilespmem:s2], [sflag:$0x2] =	stream.linear.gather [hbm4b:s0+s2], $0x8000, $0x38;
	[tilespmem:$0x10000] =	vst v63  }
0x1ee: {  	_ =	swait.ge [sflag:s26], $0x8000  }
0x1ef: {  	[sflag:s26] =	ssyncset.done $0x0  }
0x1f0: {  	s0 =	rddreg [dreg:$0x4];
	[sflag:s26] =	ssyncadd.s32 $0xFFFF8000;
	s26 =	smov.u32 s30  }
0x1f1: {  	s30 =	smov.u32 s29;
	s29 =	smov.u32 s28;
	s28 =	smov.u32 s24  }
0x1f2: {  	s24 =	smov.u32 s23;
	s23 =	smov.u32 s22;
	s22 =	smov.u32 s21  }
0x1f3: {  	s21 =	smov.u32 s20;
	s20 =	smov.u32 s19;
	s19 =	smov.u32 s18  }
0x1f4: {  	s18 =	smov.u32 s17;
	s17 =	smov.u32 s16;
	s16 =	smov.u32 s15  }
0x1f5: {  	s15 =	smov.u32 s14;
	s14 =	smov.u32 s13;
	s13 =	smov.u32 s12  }
0x1f6: {  	[hbm4b:s4+s2] =	stream.linear.scatter [tilespmem:s2], [sflag:$0x1], $0x8000, $0x38;
	[tilespmem:$0x10000] =	vst v63  }
0x1f7: {  	s12 =	smov.u32 s11;
	s11 =	smov.u32 s10;
	s10 =	smov.u32 s9  }
0x1f8: {  	[hbm4b:s0+s2] =	stream.linear.scatter [tilespmem:s2], [sflag:$0x1], $0x8000, $0x38;
	[tilespmem:$0x10000] =	vst v63  }
0x1f9: {  	s9 =	smov.u32 s8;
	s8 =	smov.u32 s7;
	s7 =	rddreg [dreg:$0x5]  }
0x1fa: {  	[hbm4b:s7+s2] =	stream.linear.scatter [tilespmem:s2], [sflag:$0x1], $0x8000, $0x38;
	[tilespmem:$0x10000] =	vst v63  }
0x1fb: {  	s0 =	rddreg [dreg:$0x6]  }
0x1fc: {  	[hbm4b:s0+s2] =	stream.linear.scatter [tilespmem:s2], [sflag:$0x1], $0x8000, $0x38;
	[tilespmem:$0x10000] =	vst v63  }
0x1fd: {  	s7 =	rddreg [dreg:$0x7]  }
0x1fe: {  	[hbm4b:s7+s2] =	stream.linear.scatter [tilespmem:s2], [sflag:$0x1], $0x8000, $0x38;
	[tilespmem:$0x10000] =	vst v63  }
0x1ff: {  	s0 =	rddreg [dreg:$0x8]  }
0x200: {  	[hbm4b:s0+s2] =	stream.linear.scatter [tilespmem:s2], [sflag:$0x1], $0x8000, $0x38;
	[tilespmem:$0x10000] =	vst v63  }
0x201: {  	s7 =	rddreg [dreg:$0x9]  }
0x202: {  	[hbm4b:s7+s2] =	stream.linear.scatter [tilespmem:s2], [sflag:$0x1], $0x8000, $0x38;
	[tilespmem:$0x10000] =	vst v63  }
0x203: {  	s0 =	rddreg [dreg:$0xa]  }
0x204: {  	[hbm4b:s0+s2] =	stream.linear.scatter [tilespmem:s2], [sflag:$0x1], $0x8000, $0x38;
	[tilespmem:$0x10000] =	vst v63  }
0x205: {  	s7 =	rddreg [dreg:$0xb]  }
0x206: {  	[hbm4b:s7+s2] =	stream.linear.scatter [tilespmem:s2], [sflag:$0x1], $0x8000, $0x38;
	[tilespmem:$0x10000] =	vst v63  }
0x207: {  	s0 =	rddreg [dreg:$0xc]  }
0x208: {  	[hbm4b:s0+s2] =	stream.linear.scatter [tilespmem:s2], [sflag:$0x1], $0x8000, $0x38;
	[tilespmem:$0x10000] =	vst v63  }
0x209: {  	s7 =	rddreg [dreg:$0xd]  }
0x20a: {  	[hbm4b:s7+s2] =	stream.linear.scatter [tilespmem:s2], [sflag:$0x1], $0x8000, $0x38;
	[tilespmem:$0x10000] =	vst v63  }
0x20b: {  	s0 =	rddreg [dreg:$0xe]  }
0x20c: {  	[hbm4b:s0+s2] =	stream.linear.scatter [tilespmem:s2], [sflag:$0x1], $0x8000, $0x38;
	[tilespmem:$0x10000] =	vst v63  }
0x20d: {  	s7 =	rddreg [dreg:$0xf]  }
0x20e: {  	[hbm4b:s7+s2] =	stream.linear.scatter [tilespmem:s2], [sflag:$0x1], $0x8000, $0x38;
	[tilespmem:$0x10000] =	vst v63  }
0x20f: {  	s0 =	rddreg [dreg:$0x10]  }
0x210: {  	[hbm4b:s0+s2] =	stream.linear.scatter [tilespmem:s2], [sflag:$0x1], $0x8000, $0x38;
	[tilespmem:$0x10000] =	vst v63  }
0x211: {  	s7 =	rddreg [dreg:$0x11]  }
0x212: {  	[hbm4b:s7+s2] =	stream.linear.scatter [tilespmem:s2], [sflag:$0x1], $0x8000, $0x38;
	[tilespmem:$0x10000] =	vst v63  }
0x213: {  	s0 =	rddreg [dreg:$0x12]  }
0x214: {  	[hbm4b:s0+s2] =	stream.linear.scatter [tilespmem:s2], [sflag:$0x1], $0x8000, $0x38;
	[tilespmem:$0x10000] =	vst v63  }
0x215: {  	s7 =	rddreg [dreg:$0x13]  }
0x216: {  	[hbm4b:s7+s2] =	stream.linear.scatter [tilespmem:s2], [sflag:$0x1], $0x8000, $0x38;
	[tilespmem:$0x10000] =	vst v63  }
0x217: {  	s0 =	rddreg [dreg:$0x14]  }
0x218: {  	[hbm4b:s0+s2] =	stream.linear.scatter [tilespmem:s2], [sflag:$0x1], $0x8000, $0x38;
	[tilespmem:$0x10000] =	vst v63  }
0x219: {  	s7 =	rddreg [dreg:$0x15]  }
0x21a: {  	[hbm4b:s7+s2] =	stream.linear.scatter [tilespmem:s2], [sflag:$0x1], $0x8000, $0x38;
	[tilespmem:$0x10000] =	vst v63  }
0x21b: {  	s0 =	rddreg [dreg:$0x16]  }
0x21c: {  	[hbm4b:s0+s2] =	stream.linear.scatter [tilespmem:s2], [sflag:$0x1], $0x8000, $0x38;
	[tilespmem:$0x10000] =	vst v63  }
0x21d: {  	s1 =	simm.s32 $0x2;
	s7 =	rddreg [dreg:$0x17]  }
0x21e: {  	[tilespmem:s25], [sflag:$0x2] =	stream.linear.gather [hbm4b:s7+s2], $0x8000, $0x38;
	[tilespmem:$0x10000] =	vst v63  }
0x21f: {  	_ =	swait.ge [sflag:s1], $0x8000  }
0x220: {  	s4 =	rddreg [dreg:$0x18];
	[sflag:s1] =	ssyncset.done $0x0  }
0x221: {  	s7 =	rddreg [dreg:$0x19];
	[sflag:s1] =	ssyncadd.s32 $0xFFFF8000  }
0x222: {  	[hbm4b:s4+s2] =	stream.linear.scatter [tilespmem:s25], [sflag:$0x1], $0x8000, $0x38;
	[tilespmem:$0x10000] =	vst v63  }
0x223: {  	s0 =	rddreg [dreg:$0x1a]  }
0x224: {  	[hbm4b:s7+s2] =	stream.linear.scatter [tilespmem:s25], [sflag:$0x1], $0x8000, $0x38;
	[tilespmem:$0x10000] =	vst v63  }
0x225: {  	s7 =	rddreg [dreg:$0x1b]  }
0x226: {  	[hbm4b:s0+s2] =	stream.linear.scatter [tilespmem:s25], [sflag:$0x1], $0x8000, $0x38;
	[tilespmem:$0x10000] =	vst v63  }
0x227: {  	s0 =	rddreg [dreg:$0x1c]  }
0x228: {  	[hbm4b:s7+s2] =	stream.linear.scatter [tilespmem:s25], [sflag:$0x1], $0x8000, $0x38;
	[tilespmem:$0x10000] =	vst v63  }
0x229: {  	s7 =	rddreg [dreg:$0x1d]  }
0x22a: {  	[hbm4b:s0+s2] =	stream.linear.scatter [tilespmem:s25], [sflag:$0x1], $0x8000, $0x38;
	[tilespmem:$0x10000] =	vst v63  }
0x22b: {  	s0 =	rddreg [dreg:$0x1e]  }
0x22c: {  	[hbm4b:s7+s2] =	stream.linear.scatter [tilespmem:s25], [sflag:$0x1], $0x8000, $0x38;
	[tilespmem:$0x10000] =	vst v63  }
0x22d: {  	s7 =	rddreg [dreg:$0x1f]  }
0x22e: {  	[hbm4b:s0+s2] =	stream.linear.scatter [tilespmem:s25], [sflag:$0x1], $0x8000, $0x38;
	[tilespmem:$0x10000] =	vst v63  }
0x22f: {  	s0 =	sld [smem:$0x7DF]  }
0x230: {  	[hbm4b:s7+s2] =	stream.linear.scatter [tilespmem:s25], [sflag:$0x1], $0x8000, $0x38;
	[tilespmem:$0x10000] =	vst v63  }
0x231: {  	s7 =	sld [smem:$0x7E0]  }
0x232: {  	[hbm4b:s0+s2] =	stream.linear.scatter [tilespmem:s25], [sflag:$0x1], $0x8000, $0x38;
	[tilespmem:$0x10000] =	vst v63  }
0x233: {  	s0 =	sld [smem:$0x7E1]  }
0x234: {  	[hbm4b:s7+s2] =	stream.linear.scatter [tilespmem:s25], [sflag:$0x1], $0x8000, $0x38;
	[tilespmem:$0x10000] =	vst v63  }
0x235: {  	s7 =	sld [smem:$0x7E2]  }
0x236: {  	[hbm4b:s0+s2] =	stream.linear.scatter [tilespmem:s25], [sflag:$0x1], $0x8000, $0x38;
	[tilespmem:$0x10000] =	vst v63  }
0x237: {  	s0 =	sld [smem:$0x7E3]  }
0x238: {  	[hbm4b:s7+s2] =	stream.linear.scatter [tilespmem:s25], [sflag:$0x1], $0x8000, $0x38;
	[tilespmem:$0x10000] =	vst v63  }
0x239: {  	s7 =	sld [smem:$0x7E4]  }
0x23a: {  	[hbm4b:s0+s2] =	stream.linear.scatter [tilespmem:s25], [sflag:$0x1], $0x8000, $0x38;
	[tilespmem:$0x10000] =	vst v63  }
0x23b: {  	s0 =	sld [smem:$0x7E5]  }
0x23c: {  	[hbm4b:s7+s2] =	stream.linear.scatter [tilespmem:s25], [sflag:$0x1], $0x8000, $0x38;
	[tilespmem:$0x10000] =	vst v63  }
0x23d: {  	s7 =	sld [smem:$0x7E6]  }
0x23e: {  	[hbm4b:s0+s2] =	stream.linear.scatter [tilespmem:s25], [sflag:$0x1], $0x8000, $0x38;
	[tilespmem:$0x10000] =	vst v63  }
0x23f: {  	s0 =	sld [smem:$0x7E7]  }
0x240: {  	[hbm4b:s7+s2] =	stream.linear.scatter [tilespmem:s25], [sflag:$0x1], $0x8000, $0x38;
	[tilespmem:$0x10000] =	vst v63  }
0x241: {  	s7 =	sld [smem:$0x7E8]  }
0x242: {  	[hbm4b:s0+s2] =	stream.linear.scatter [tilespmem:s25], [sflag:$0x1], $0x8000, $0x38;
	[tilespmem:$0x10000] =	vst v63  }
0x243: {  	s0 =	sld [smem:$0x7E9]  }
0x244: {  	[hbm4b:s7+s2] =	stream.linear.scatter [tilespmem:s25], [sflag:$0x1], $0x8000, $0x38;
	[tilespmem:$0x10000] =	vst v63  }
0x245: {  	s7 =	sld [smem:$0x7EA]  }
0x246: {  	[hbm4b:s0+s2] =	stream.linear.scatter [tilespmem:s25], [sflag:$0x1], $0x8000, $0x38;
	[tilespmem:$0x10000] =	vst v63  }
0x247: {  	_ = 	snop  }
0x248: {  	[hbm4b:s7+s2] =	stream.linear.scatter [tilespmem:s25], [sflag:$0x1], $0x8000, $0x38;
	[tilespmem:$0x10000] =	vst v63  }
0x249: {  	_ =	swait.ge [sflag:s3], $0x8000  }
0x24a: {  	[sflag:s3] =	ssyncset.done $0x0  }
0x24b: {  	[sflag:s3] =	ssyncadd.s32 $0xFFFF8000  }
0x24c: {  	_ =	swait.ge [sflag:s3], $0x8000  }
0x24d: {  	[sflag:s3] =	ssyncset.done $0x0  }
0x24e: {  	[sflag:s3] =	ssyncadd.s32 $0xFFFF8000  }
0x24f: {  	_ =	swait.ge [sflag:s3], $0x8000  }
0x250: {  	[sflag:s3] =	ssyncset.done $0x0  }
0x251: {  	[sflag:s3] =	ssyncadd.s32 $0xFFFF8000  }
0x252: {  	_ =	swait.ge [sflag:s3], $0x8000  }
0x253: {  	[sflag:s3] =	ssyncset.done $0x0  }
0x254: {  	[sflag:s3] =	ssyncadd.s32 $0xFFFF8000  }
0x255: {  	_ =	swait.ge [sflag:s3], $0x8000  }
0x256: {  	[sflag:s3] =	ssyncset.done $0x0  }
0x257: {  	[sflag:s3] =	ssyncadd.s32 $0xFFFF8000  }
0x258: {  	_ =	swait.ge [sflag:s3], $0x8000  }
0x259: {  	[sflag:s3] =	ssyncset.done $0x0  }
0x25a: {  	[sflag:s3] =	ssyncadd.s32 $0xFFFF8000  }
0x25b: {  	_ =	swait.ge [sflag:s3], $0x8000  }
0x25c: {  	[sflag:s3] =	ssyncset.done $0x0  }
0x25d: {  	[sflag:s3] =	ssyncadd.s32 $0xFFFF8000  }
0x25e: {  	_ =	swait.ge [sflag:s3], $0x8000  }
0x25f: {  	[sflag:s3] =	ssyncset.done $0x0  }
0x260: {  	[sflag:s3] =	ssyncadd.s32 $0xFFFF8000  }
0x261: {  	_ =	swait.ge [sflag:s3], $0x8000  }
0x262: {  	[sflag:s3] =	ssyncset.done $0x0  }
0x263: {  	[sflag:s3] =	ssyncadd.s32 $0xFFFF8000  }
0x264: {  	_ =	swait.ge [sflag:s3], $0x8000  }
0x265: {  	[sflag:s3] =	ssyncset.done $0x0  }
0x266: {  	[sflag:s3] =	ssyncadd.s32 $0xFFFF8000  }
0x267: {  	_ =	swait.ge [sflag:s3], $0x8000  }
0x268: {  	[sflag:s3] =	ssyncset.done $0x0  }
0x269: {  	[sflag:s3] =	ssyncadd.s32 $0xFFFF8000  }
0x26a: {  	_ =	swait.ge [sflag:s3], $0x8000  }
0x26b: {  	[sflag:s3] =	ssyncset.done $0x0  }
0x26c: {  	[sflag:s3] =	ssyncadd.s32 $0xFFFF8000  }
0x26d: {  	_ =	swait.ge [sflag:s3], $0x8000  }
0x26e: {  	[sflag:s3] =	ssyncset.done $0x0  }
0x26f: {  	[sflag:s3] =	ssyncadd.s32 $0xFFFF8000  }
0x270: {  	_ =	swait.ge [sflag:s3], $0x8000  }
0x271: {  	[sflag:s3] =	ssyncset.done $0x0  }
0x272: {  	[sflag:s3] =	ssyncadd.s32 $0xFFFF8000  }
0x273: {  	_ =	swait.ge [sflag:s3], $0x8000  }
0x274: {  	[sflag:s3] =	ssyncset.done $0x0  }
0x275: {  	[sflag:s3] =	ssyncadd.s32 $0xFFFF8000  }
0x276: {  	_ =	swait.ge [sflag:s3], $0x8000  }
0x277: {  	[sflag:s3] =	ssyncset.done $0x0  }
0x278: {  	[sflag:s3] =	ssyncadd.s32 $0xFFFF8000  }
0x279: {  	_ =	swait.ge [sflag:s3], $0x8000  }
0x27a: {  	[sflag:s3] =	ssyncset.done $0x0  }
0x27b: {  	[sflag:s3] =	ssyncadd.s32 $0xFFFF8000  }
0x27c: {  	_ =	swait.ge [sflag:s3], $0x8000  }
0x27d: {  	[sflag:s3] =	ssyncset.done $0x0  }
0x27e: {  	[sflag:s3] =	ssyncadd.s32 $0xFFFF8000  }
0x27f: {  	_ =	swait.ge [sflag:s3], $0x8000  }
0x280: {  	[sflag:s3] =	ssyncset.done $0x0  }
0x281: {  	[sflag:s3] =	ssyncadd.s32 $0xFFFF8000  }
0x282: {  	_ =	swait.ge [sflag:s3], $0x8000  }
0x283: {  	s7 =	sld [smem:$0x7EB]  }
0x284: {  	[sflag:s3] =	ssyncset.done $0x0  }
0x285: {  	[sflag:s3] =	ssyncadd.s32 $0xFFFF8000  }
0x286: {  	[tilespmem:s2], [sflag:$0x2] =	stream.linear.gather [hbm4b:s7+s2], $0x8000, $0x38;
	[tilespmem:$0x10000] =	vst v63  }
0x287: {  	_ =	swait.ge [sflag:s1], $0x8000  }
0x288: {  	s4 =	sld [smem:$0x7EC]  }
0x289: {  	[sflag:s1] =	ssyncset.done $0x0  }
0x28a: {  	s7 =	sld [smem:$0x7ED];
	[sflag:s1] =	ssyncadd.s32 $0xFFFF8000  }
0x28b: {  	[hbm4b:s4+s2] =	stream.linear.scatter [tilespmem:s2], [sflag:$0x1], $0x8000, $0x38;
	[tilespmem:$0x10000] =	vst v63  }
0x28c: {  	s1 =	sld [smem:$0x7EE]  }
0x28d: {  	[hbm4b:s7+s2] =	stream.linear.scatter [tilespmem:s2], [sflag:$0x1], $0x8000, $0x38;
	[tilespmem:$0x10000] =	vst v63  }
0x28e: {  	s7 =	sld [smem:$0x7EF]  }
0x28f: {  	[hbm4b:s1+s2] =	stream.linear.scatter [tilespmem:s2], [sflag:$0x1], $0x8000, $0x38;
	[tilespmem:$0x10000] =	vst v63  }
0x290: {  	s1 =	sld [smem:$0x7F0]  }
0x291: {  	[hbm4b:s7+s2] =	stream.linear.scatter [tilespmem:s2], [sflag:$0x1], $0x8000, $0x38;
	[tilespmem:$0x10000] =	vst v63  }
0x292: {  	s7 =	sld [smem:$0x7F1]  }
0x293: {  	[hbm4b:s1+s2] =	stream.linear.scatter [tilespmem:s2], [sflag:$0x1], $0x8000, $0x38;
	[tilespmem:$0x10000] =	vst v63  }
0x294: {  	s1 =	sld [smem:$0x7F2]  }
0x295: {  	[hbm4b:s7+s2] =	stream.linear.scatter [tilespmem:s2], [sflag:$0x1], $0x8000, $0x38;
	[tilespmem:$0x10000] =	vst v63  }
0x296: {  	s7 =	sld [smem:$0x7F3]  }
0x297: {  	[hbm4b:s1+s2] =	stream.linear.scatter [tilespmem:s2], [sflag:$0x1], $0x8000, $0x38;
	[tilespmem:$0x10000] =	vst v63  }
0x298: {  	s1 =	sld [smem:$0x7F4]  }
0x299: {  	[hbm4b:s7+s2] =	stream.linear.scatter [tilespmem:s2], [sflag:$0x1], $0x8000, $0x38;
	[tilespmem:$0x10000] =	vst v63  }
0x29a: {  	s7 =	sld [smem:$0x7F5]  }
0x29b: {  	[hbm4b:s1+s2] =	stream.linear.scatter [tilespmem:s2], [sflag:$0x1], $0x8000, $0x38;
	[tilespmem:$0x10000] =	vst v63  }
0x29c: {  	s1 =	sld [smem:$0x7F6]  }
0x29d: {  	[hbm4b:s7+s2] =	stream.linear.scatter [tilespmem:s2], [sflag:$0x1], $0x8000, $0x38;
	[tilespmem:$0x10000] =	vst v63  }
0x29e: {  	s7 =	sld [smem:$0x7F7]  }
0x29f: {  	[hbm4b:s1+s2] =	stream.linear.scatter [tilespmem:s2], [sflag:$0x1], $0x8000, $0x38;
	[tilespmem:$0x10000] =	vst v63  }
0x2a0: {  	s1 =	sld [smem:$0x7F8]  }
0x2a1: {  	[hbm4b:s7+s2] =	stream.linear.scatter [tilespmem:s2], [sflag:$0x1], $0x8000, $0x38;
	[tilespmem:$0x10000] =	vst v63  }
0x2a2: {  	s7 =	sld [smem:$0x7F9]  }
0x2a3: {  	[hbm4b:s1+s2] =	stream.linear.scatter [tilespmem:s2], [sflag:$0x1], $0x8000, $0x38;
	[tilespmem:$0x10000] =	vst v63  }
0x2a4: {  	s1 =	sld [smem:$0x7FA]  }
0x2a5: {  	[hbm4b:s7+s2] =	stream.linear.scatter [tilespmem:s2], [sflag:$0x1], $0x8000, $0x38;
	[tilespmem:$0x10000] =	vst v63  }
0x2a6: {  	s7 =	sld [smem:$0x7FB]  }
0x2a7: {  	[hbm4b:s1+s2] =	stream.linear.scatter [tilespmem:s2], [sflag:$0x1], $0x8000, $0x38;
	[tilespmem:$0x10000] =	vst v63  }
0x2a8: {  	_ = 	snop  }
0x2a9: {  	[hbm4b:s7+s2] =	stream.linear.scatter [tilespmem:s2], [sflag:$0x1], $0x8000, $0x38;
	[tilespmem:$0x10000] =	vst v63  }
0x2aa: {  	s0 =	sld [smem:$0x7FC];
	s7 =	smov.u32 s8  }
0x2ab: {  	s8 =	smov.u32 s9;
	s9 =	smov.u32 s10;
	s10 =	smov.u32 s11  }
0x2ac: {  	s11 =	smov.u32 s12;
	s12 =	smov.u32 s13;
	s13 =	smov.u32 s14  }
0x2ad: {  	s14 =	smov.u32 s15;
	s15 =	smov.u32 s16;
	s16 =	smov.u32 s17  }
0x2ae: {  	s17 =	smov.u32 s18;
	s18 =	smov.u32 s19;
	s19 =	smov.u32 s20  }
0x2af: {  	s20 =	smov.u32 s21;
	s21 =	smov.u32 s22;
	s22 =	smov.u32 s23  }
0x2b0: {  	[hbm4b:s0+s2] =	stream.linear.scatter [tilespmem:s2], [sflag:$0x1], $0x8000, $0x38;
	[tilespmem:$0x10000] =	vst v63  }
0x2b1: {  	s23 =	smov.u32 s24;
	s24 =	smov.u32 s28;
	s28 =	smov.u32 s29  }
0x2b2: {  	[hbm4b:s28+s2] =	stream.linear.scatter [tilespmem:s2], [sflag:$0x1], $0x8000, $0x38;
	[tilespmem:$0x10000] =	vst v63  }
0x2b3: {  	s29 =	smov.u32 s30  }
0x2b4: {  	[hbm4b:s29+s2] =	stream.linear.scatter [tilespmem:s2], [sflag:$0x1], $0x8000, $0x38;
	[tilespmem:$0x10000] =	vst v63  }
0x2b5: {  	s4 =	sld [smem:$0x7DE];
	s30 =	smov.u32 s26  }
0x2b6: {  	[hbm4b:s30+s2] =	stream.linear.scatter [tilespmem:s2], [sflag:$0x1], $0x8000, $0x38;
	[tilespmem:$0x10000] =	vst v63  }
0x2b7: {  	s1 =	sld [smem:$0x7FD];
	_ =	swait.ge [sflag:s3], $0x8000  }
0x2b8: {  	[sflag:s3] =	ssyncset.done $0x0  }
0x2b9: {  	[sflag:s3] =	ssyncadd.s32 $0xFFFF8000  }
0x2ba: {  	_ =	swait.ge [sflag:s3], $0x8000  }
0x2bb: {  	[sflag:s3] =	ssyncset.done $0x0  }
0x2bc: {  	[sflag:s3] =	ssyncadd.s32 $0xFFFF8000  }
0x2bd: {  	_ =	swait.ge [sflag:s3], $0x8000  }
0x2be: {  	[sflag:s3] =	ssyncset.done $0x0  }
0x2bf: {  	[sflag:s3] =	ssyncadd.s32 $0xFFFF8000  }
0x2c0: {  	_ =	swait.ge [sflag:s3], $0x8000  }
0x2c1: {  	[sflag:s3] =	ssyncset.done $0x0  }
0x2c2: {  	[sflag:s3] =	ssyncadd.s32 $0xFFFF8000  }
0x2c3: {  	_ =	swait.ge [sflag:s3], $0x8000  }
0x2c4: {  	[sflag:s3] =	ssyncset.done $0x0  }
0x2c5: {  	[sflag:s3] =	ssyncadd.s32 $0xFFFF8000  }
0x2c6: {  	_ =	swait.ge [sflag:s3], $0x8000  }
0x2c7: {  	[sflag:s3] =	ssyncset.done $0x0  }
0x2c8: {  	[sflag:s3] =	ssyncadd.s32 $0xFFFF8000  }
0x2c9: {  	_ =	swait.ge [sflag:s3], $0x8000  }
0x2ca: {  	[sflag:s3] =	ssyncset.done $0x0  }
0x2cb: {  	[sflag:s3] =	ssyncadd.s32 $0xFFFF8000  }
0x2cc: {  	_ =	swait.ge [sflag:s3], $0x8000  }
0x2cd: {  	[sflag:s3] =	ssyncset.done $0x0  }
0x2ce: {  	[sflag:s3] =	ssyncadd.s32 $0xFFFF8000  }
0x2cf: {  	_ =	swait.ge [sflag:s3], $0x8000  }
0x2d0: {  	[sflag:s3] =	ssyncset.done $0x0  }
0x2d1: {  	[sflag:s3] =	ssyncadd.s32 $0xFFFF8000  }
0x2d2: {  	_ =	swait.ge [sflag:s3], $0x8000  }
0x2d3: {  	[sflag:s3] =	ssyncset.done $0x0  }
0x2d4: {  	[sflag:s3] =	ssyncadd.s32 $0xFFFF8000  }
0x2d5: {  	_ =	swait.ge [sflag:s3], $0x8000  }
0x2d6: {  	[sflag:s3] =	ssyncset.done $0x0  }
0x2d7: {  	[sflag:s3] =	ssyncadd.s32 $0xFFFF8000  }
0x2d8: {  	_ =	swait.ge [sflag:s3], $0x8000  }
0x2d9: {  	[sflag:s3] =	ssyncset.done $0x0  }
0x2da: {  	[sflag:s3] =	ssyncadd.s32 $0xFFFF8000  }
0x2db: {  	_ =	swait.ge [sflag:s3], $0x8000  }
0x2dc: {  	[sflag:s3] =	ssyncset.done $0x0  }
0x2dd: {  	[sflag:s3] =	ssyncadd.s32 $0xFFFF8000  }
0x2de: {  	_ =	swait.ge [sflag:s3], $0x8000  }
0x2df: {  	[sflag:s3] =	ssyncset.done $0x0  }
0x2e0: {  	[sflag:s3] =	ssyncadd.s32 $0xFFFF8000  }
0x2e1: {  	_ =	swait.ge [sflag:s3], $0x8000  }
0x2e2: {  	[sflag:s3] =	ssyncset.done $0x0  }
0x2e3: {  	[sflag:s3] =	ssyncadd.s32 $0xFFFF8000  }
0x2e4: {  	_ =	swait.ge [sflag:s3], $0x8000  }
0x2e5: {  	[sflag:s3] =	ssyncset.done $0x0  }
0x2e6: {  	[sflag:s3] =	ssyncadd.s32 $0xFFFF8000  }
0x2e7: {  	_ =	swait.ge [sflag:s3], $0x8000  }
0x2e8: {  	[sflag:s3] =	ssyncset.done $0x0  }
0x2e9: {  	[sflag:s3] =	ssyncadd.s32 $0xFFFF8000  }
0x2ea: {  	_ =	swait.ge [sflag:s3], $0x8000  }
0x2eb: {  	[sflag:s3] =	ssyncset.done $0x0  }
0x2ec: {  	[sflag:s3] =	ssyncadd.s32 $0xFFFF8000  }
0x2ed: {  	_ =	swait.ge [sflag:s3], $0x8000  }
0x2ee: {  	[sflag:s3] =	ssyncset.done $0x0  }
0x2ef: {  	[sflag:s3] =	ssyncadd.s32 $0xFFFF8000  }
0x2f0: {  	_ =	swait.ge [sflag:s3], $0x8000  }
0x2f1: {  	[sflag:s3] =	ssyncset.done $0x0  }
0x2f2: {  	s26 =	simm.s32 $0x2;
	[sflag:s3] =	ssyncadd.s32 $0xFFFF8000  }
0x2f3: {  	[tilespmem:s25], [sflag:$0x2] =	stream.linear.gather [hbm4b:s21+s2], $0x8000, $0x38;
	[tilespmem:$0x10000] =	vst v63  }
0x2f4: {  	_ =	swait.ge [sflag:s26], $0x8000  }
0x2f5: {  	[sflag:s26] =	ssyncset.done $0x0  }
0x2f6: {  	[sflag:s26] =	ssyncadd.s32 $0xFFFF8000  }
0x2f7: {  	[hbm4b:s1+s2] =	stream.linear.scatter [tilespmem:s25], [sflag:$0x1], $0x8000, $0x38;
	[tilespmem:$0x10000] =	vst v63  }
0x2f8: {  	_ = 	snop  }
0x2f9: {  	[hbm4b:s5+s2] =	stream.linear.scatter [tilespmem:s25], [sflag:$0x1], $0x8000, $0x38;
	[tilespmem:$0x10000] =	vst v63  }
0x2fa: {  	_ = 	snop  }
0x2fb: {  	[hbm4b:s6+s2] =	stream.linear.scatter [tilespmem:s25], [sflag:$0x1], $0x8000, $0x38;
	[tilespmem:$0x10000] =	vst v63  }
0x2fc: {  	_ = 	snop  }
0x2fd: {  	[hbm4b:s7+s2] =	stream.linear.scatter [tilespmem:s25], [sflag:$0x1], $0x8000, $0x38;
	[tilespmem:$0x10000] =	vst v63  }
0x2fe: {  	_ = 	snop  }
0x2ff: {  	[hbm4b:s8+s2] =	stream.linear.scatter [tilespmem:s25], [sflag:$0x1], $0x8000, $0x38;
	[tilespmem:$0x10000] =	vst v63  }
0x300: {  	_ = 	snop  }
0x301: {  	[hbm4b:s9+s2] =	stream.linear.scatter [tilespmem:s25], [sflag:$0x1], $0x8000, $0x38;
	[tilespmem:$0x10000] =	vst v63  }
0x302: {  	_ = 	snop  }
0x303: {  	[hbm4b:s10+s2] =	stream.linear.scatter [tilespmem:s25], [sflag:$0x1], $0x8000, $0x38;
	[tilespmem:$0x10000] =	vst v63  }
0x304: {  	_ = 	snop  }
0x305: {  	[hbm4b:s11+s2] =	stream.linear.scatter [tilespmem:s25], [sflag:$0x1], $0x8000, $0x38;
	[tilespmem:$0x10000] =	vst v63  }
0x306: {  	_ = 	snop  }
0x307: {  	[hbm4b:s12+s2] =	stream.linear.scatter [tilespmem:s25], [sflag:$0x1], $0x8000, $0x38;
	[tilespmem:$0x10000] =	vst v63  }
0x308: {  	_ = 	snop  }
0x309: {  	[hbm4b:s13+s2] =	stream.linear.scatter [tilespmem:s25], [sflag:$0x1], $0x8000, $0x38;
	[tilespmem:$0x10000] =	vst v63  }
0x30a: {  	_ = 	snop  }
0x30b: {  	[hbm4b:s14+s2] =	stream.linear.scatter [tilespmem:s25], [sflag:$0x1], $0x8000, $0x38;
	[tilespmem:$0x10000] =	vst v63  }
0x30c: {  	_ = 	snop  }
0x30d: {  	[hbm4b:s15+s2] =	stream.linear.scatter [tilespmem:s25], [sflag:$0x1], $0x8000, $0x38;
	[tilespmem:$0x10000] =	vst v63  }
0x30e: {  	_ = 	snop  }
0x30f: {  	[hbm4b:s16+s2] =	stream.linear.scatter [tilespmem:s25], [sflag:$0x1], $0x8000, $0x38;
	[tilespmem:$0x10000] =	vst v63  }
0x310: {  	_ = 	snop  }
0x311: {  	[hbm4b:s17+s2] =	stream.linear.scatter [tilespmem:s25], [sflag:$0x1], $0x8000, $0x38;
	[tilespmem:$0x10000] =	vst v63  }
0x312: {  	_ = 	snop  }
0x313: {  	[hbm4b:s18+s2] =	stream.linear.scatter [tilespmem:s25], [sflag:$0x1], $0x8000, $0x38;
	[tilespmem:$0x10000] =	vst v63  }
0x314: {  	_ = 	snop  }
0x315: {  	[hbm4b:s19+s2] =	stream.linear.scatter [tilespmem:s25], [sflag:$0x1], $0x8000, $0x38;
	[tilespmem:$0x10000] =	vst v63  }
0x316: {  	_ = 	snop  }
0x317: {  	[hbm4b:s20+s2] =	stream.linear.scatter [tilespmem:s25], [sflag:$0x1], $0x8000, $0x38;
	[tilespmem:$0x10000] =	vst v63  }
0x318: {  	_ = 	snop  }
0x319: {  	[hbm4b:s22+s2] =	stream.linear.scatter [tilespmem:s25], [sflag:$0x1], $0x8000, $0x38;
	[tilespmem:$0x10000] =	vst v63  }
0x31a: {  	_ = 	snop  }
0x31b: {  	[hbm4b:s23+s2] =	stream.linear.scatter [tilespmem:s25], [sflag:$0x1], $0x8000, $0x38;
	[tilespmem:$0x10000] =	vst v63  }
0x31c: {  	_ = 	snop  }
0x31d: {  	[hbm4b:s24+s2] =	stream.linear.scatter [tilespmem:s25], [sflag:$0x1], $0x8000, $0x38;
	[tilespmem:$0x10000] =	vst v63  }
0x31e: {  	_ =	swait.ge [sflag:s3], $0x8000  }
0x31f: {  	[sflag:s3] =	ssyncset.done $0x0  }
0x320: {  	[sflag:s3] =	ssyncadd.s32 $0xFFFF8000  }
0x321: {  	_ =	swait.ge [sflag:s3], $0x8000  }
0x322: {  	[sflag:s3] =	ssyncset.done $0x0  }
0x323: {  	[sflag:s3] =	ssyncadd.s32 $0xFFFF8000  }
0x324: {  	_ =	swait.ge [sflag:s3], $0x8000  }
0x325: {  	[sflag:s3] =	ssyncset.done $0x0  }
0x326: {  	[sflag:s3] =	ssyncadd.s32 $0xFFFF8000  }
0x327: {  	_ =	swait.ge [sflag:s3], $0x8000  }
0x328: {  	[sflag:s3] =	ssyncset.done $0x0  }
0x329: {  	[sflag:s3] =	ssyncadd.s32 $0xFFFF8000  }
0x32a: {  	_ =	swait.ge [sflag:s3], $0x8000  }
0x32b: {  	[sflag:s3] =	ssyncset.done $0x0  }
0x32c: {  	[sflag:s3] =	ssyncadd.s32 $0xFFFF8000  }
0x32d: {  	_ =	swait.ge [sflag:s3], $0x8000  }
0x32e: {  	[sflag:s3] =	ssyncset.done $0x0  }
0x32f: {  	[sflag:s3] =	ssyncadd.s32 $0xFFFF8000  }
0x330: {  	_ =	swait.ge [sflag:s3], $0x8000  }
0x331: {  	[sflag:s3] =	ssyncset.done $0x0  }
0x332: {  	[sflag:s3] =	ssyncadd.s32 $0xFFFF8000  }
0x333: {  	_ =	swait.ge [sflag:s3], $0x8000  }
0x334: {  	[sflag:s3] =	ssyncset.done $0x0  }
0x335: {  	[sflag:s3] =	ssyncadd.s32 $0xFFFF8000  }
0x336: {  	_ =	swait.ge [sflag:s3], $0x8000  }
0x337: {  	[sflag:s3] =	ssyncset.done $0x0  }
0x338: {  	[sflag:s3] =	ssyncadd.s32 $0xFFFF8000  }
0x339: {  	_ =	swait.ge [sflag:s3], $0x8000  }
0x33a: {  	[sflag:s3] =	ssyncset.done $0x0  }
0x33b: {  	[sflag:s3] =	ssyncadd.s32 $0xFFFF8000  }
0x33c: {  	_ =	swait.ge [sflag:s3], $0x8000  }
0x33d: {  	[sflag:s3] =	ssyncset.done $0x0  }
0x33e: {  	[sflag:s3] =	ssyncadd.s32 $0xFFFF8000  }
0x33f: {  	_ =	swait.ge [sflag:s3], $0x8000  }
0x340: {  	[sflag:s3] =	ssyncset.done $0x0  }
0x341: {  	[sflag:s3] =	ssyncadd.s32 $0xFFFF8000  }
0x342: {  	_ =	swait.ge [sflag:s3], $0x8000  }
0x343: {  	[sflag:s3] =	ssyncset.done $0x0  }
0x344: {  	[sflag:s3] =	ssyncadd.s32 $0xFFFF8000  }
0x345: {  	_ =	swait.ge [sflag:s3], $0x8000  }
0x346: {  	[sflag:s3] =	ssyncset.done $0x0  }
0x347: {  	[sflag:s3] =	ssyncadd.s32 $0xFFFF8000  }
0x348: {  	_ =	swait.ge [sflag:s3], $0x8000  }
0x349: {  	[sflag:s3] =	ssyncset.done $0x0  }
0x34a: {  	[sflag:s3] =	ssyncadd.s32 $0xFFFF8000  }
0x34b: {  	_ =	swait.ge [sflag:s3], $0x8000  }
0x34c: {  	[sflag:s3] =	ssyncset.done $0x0  }
0x34d: {  	[sflag:s3] =	ssyncadd.s32 $0xFFFF8000  }
0x34e: {  	_ =	swait.ge [sflag:s3], $0x8000  }
0x34f: {  	[sflag:s3] =	ssyncset.done $0x0  }
0x350: {  	[sflag:s3] =	ssyncadd.s32 $0xFFFF8000  }
0x351: {  	_ =	swait.ge [sflag:s3], $0x8000  }
0x352: {  	[sflag:s3] =	ssyncset.done $0x0  }
0x353: {  	[sflag:s3] =	ssyncadd.s32 $0xFFFF8000  }
0x354: {  	_ =	swait.ge [sflag:s3], $0x8000  }
0x355: {  	[sflag:s3] =	ssyncset.done $0x0  }
0x356: {  	[sflag:s3] =	ssyncadd.s32 $0xFFFF8000  }
0x357: {  	_ =	swait.ge [sflag:s3], $0x8000  }
0x358: {  	[sflag:s3] =	ssyncset.done $0x0  }
0x359: {  	[sflag:s3] =	ssyncadd.s32 $0xFFFF8000  }
0x35a: {  	_ =	swait.ge [sflag:s3], $0x8000  }
0x35b: {  	[sflag:s3] =	ssyncset.done $0x0  }
0x35c: {  	[sflag:s3] =	ssyncadd.s32 $0xFFFF8000  }
0x35d: {  	_ =	swait.ge [sflag:s3], $0x8000  }
0x35e: {  	[sflag:s3] =	ssyncset.done $0x0  }
0x35f: {  	[sflag:s3] =	ssyncadd.s32 $0xFFFF8000  }
0x360: {  	_ =	swait.ge [sflag:s3], $0x8000  }
0x361: {  	[sflag:s3] =	ssyncset.done $0x0  }
0x362: {  	[sflag:s3] =	ssyncadd.s32 $0xFFFF8000  }
0x363: {  	_ =	swait.ge [sflag:s3], $0x8000  }
0x364: {  	[sflag:s3] =	ssyncset.done $0x0  }
0x365: {  	[sflag:s3] =	ssyncadd.s32 $0xFFFF8000  }
0x366: {  	_ =	swait.ge [sflag:s3], $0x8000  }
0x367: {  	[sflag:s3] =	ssyncset.done $0x0  }
0x368: {  	[sflag:s3] =	ssyncadd.s32 $0xFFFF8000  }
0x369: {  	_ =	swait.ge [sflag:s3], $0x8000  }
0x36a: {  	[sflag:s3] =	ssyncset.done $0x0  }
0x36b: {  	[sflag:s3] =	ssyncadd.s32 $0xFFFF8000  }
0x36c: {  	_ =	swait.ge [sflag:s3], $0x8000  }
0x36d: {  	[sflag:s3] =	ssyncset.done $0x0  }
0x36e: {  	[sflag:s3] =	ssyncadd.s32 $0xFFFF8000  }
0x36f: {  	_ =	swait.ge [sflag:s3], $0x8000  }
0x370: {  	[sflag:s3] =	ssyncset.done $0x0  }
0x371: {  	[sflag:s3] =	ssyncadd.s32 $0xFFFF8000  }
0x372: {  	_ =	swait.ge [sflag:s3], $0x8000  }
0x373: {  	[sflag:s3] =	ssyncset.done $0x0  }
0x374: {  	[sflag:s3] =	ssyncadd.s32 $0xFFFF8000  }
0x375: {  	_ =	swait.ge [sflag:s3], $0x8000  }
0x376: {  	[sflag:s3] =	ssyncset.done $0x0  }
0x377: {  	[sflag:s3] =	ssyncadd.s32 $0xFFFF8000  }
0x378: {  	_ =	swait.ge [sflag:s3], $0x8000  }
0x379: {  	[sflag:s3] =	ssyncset.done $0x0  }
0x37a: {  	[sflag:s3] =	ssyncadd.s32 $0xFFFF8000  }
0x37b: {  	_ =	swait.ge [sflag:s3], $0x8000  }
0x37c: {  	[sflag:s3] =	ssyncset.done $0x0  }
0x37d: {  	[sflag:s3] =	ssyncadd.s32 $0xFFFF8000  }
0x37e: {  	_ =	swait.ge [sflag:s3], $0x8000  }
0x37f: {  	[sflag:s3] =	ssyncset.done $0x0  }
0x380: {  	[sflag:s3] =	ssyncadd.s32 $0xFFFF8000  }
0x381: {  	_ =	swait.ge [sflag:s3], $0x8000  }
0x382: {  	[sflag:s3] =	ssyncset.done $0x0  }
0x383: {  	[sflag:s3] =	ssyncadd.s32 $0xFFFF8000  }
0x384: {  	_ =	swait.ge [sflag:s3], $0x8000  }
0x385: {  	[sflag:s3] =	ssyncset.done $0x0  }
0x386: {  	[sflag:s3] =	ssyncadd.s32 $0xFFFF8000  }
0x387: {  	_ =	swait.ge [sflag:s3], $0x8000  }
0x388: {  	[sflag:s3] =	ssyncset.done $0x0  }
0x389: {  	[sflag:s3] =	ssyncadd.s32 $0xFFFF8000  }
0x38a: {  	_ =	swait.ge [sflag:s3], $0x8000  }
0x38b: {  	[sflag:s3] =	ssyncset.done $0x0  }
0x38c: {  	[sflag:s3] =	ssyncadd.s32 $0xFFFF8000  }
0x38d: {  	_ =	swait.ge [sflag:s3], $0x8000  }
0x38e: {  	[sflag:s3] =	ssyncset.done $0x0  }
0x38f: {  	p1 =	sne.s32 s31, $0x1;
	[sflag:s3] =	ssyncadd.s32 $0xFFFF8000  }
.Ltmp2:
0x390: {  	_ =	swait.ge [sflag:s3], $0x8000;
	(pc) =	sbr.rel @p1 .LBB2_2-.Ltmp2, $4  }
0x391: {  	[sflag:s3] =	ssyncset.done $0x0  }
0x392: {  	[sflag:s3] =	ssyncadd.s32 $0xFFFF8000  }
0x393: {  	_ =	swait.ge [sflag:s3], $0x8000  }
0x394: {  	s31 =	sadd.s32 $0xFFFFFFFF, s31;
	s0 =	rddreg [dreg:$0x3];
	[sflag:s3] =	ssyncset.done $0x0  }
.LBB2_3:
0x395: {  	[sflag:s3] =	ssyncadd.s32 @p0 $0xFFFF8000  }
0x396: {  	[tilespmem:s2], [sflag:$0x2] =	stream.linear.gather [hbm4b:s0+s2], $0x8000, $0x38;
	[tilespmem:$0x10000] =	vst v63  }
0x397: {  	_ =	swait.ge [sflag:s26], $0x8000  }
0x398: {  	[sflag:s26] =	ssyncset.done $0x0  }
0x399: {  	[sflag:s26] =	ssyncadd.s32 $0xFFFF8000  }
0x39a: {  	[hbm4b:s4+s2] =	stream.linear.scatter [tilespmem:s2], [sflag:$0x1], $0x8000, $0x38;
	[tilespmem:$0x10000] =	vst v63  }
0x39b: {  	s31 =	rddreg [dreg:$0x4]  }
0x39c: {  	[hbm4b:s31+s2] =	stream.linear.scatter [tilespmem:s2], [sflag:$0x1], $0x8000, $0x38;
	[tilespmem:$0x10000] =	vst v63  }
0x39d: {  	s1 =	rddreg [dreg:$0x5]  }
0x39e: {  	[hbm4b:s1+s2] =	stream.linear.scatter [tilespmem:s2], [sflag:$0x1], $0x8000, $0x38;
	[tilespmem:$0x10000] =	vst v63  }
0x39f: {  	s4 =	rddreg [dreg:$0x6]  }
0x3a0: {  	[hbm4b:s4+s2] =	stream.linear.scatter [tilespmem:s2], [sflag:$0x1], $0x8000, $0x38;
	[tilespmem:$0x10000] =	vst v63  }
0x3a1: {  	s31 =	rddreg [dreg:$0x7]  }
0x3a2: {  	[hbm4b:s31+s2] =	stream.linear.scatter [tilespmem:s2], [sflag:$0x1], $0x8000, $0x38;
	[tilespmem:$0x10000] =	vst v63  }
0x3a3: {  	s4 =	rddreg [dreg:$0x8]  }
0x3a4: {  	[hbm4b:s4+s2] =	stream.linear.scatter [tilespmem:s2], [sflag:$0x1], $0x8000, $0x38;
	[tilespmem:$0x10000] =	vst v63  }
0x3a5: {  	s31 =	rddreg [dreg:$0x9]  }
0x3a6: {  	[hbm4b:s31+s2] =	stream.linear.scatter [tilespmem:s2], [sflag:$0x1], $0x8000, $0x38;
	[tilespmem:$0x10000] =	vst v63  }
0x3a7: {  	s4 =	rddreg [dreg:$0xa]  }
0x3a8: {  	[hbm4b:s4+s2] =	stream.linear.scatter [tilespmem:s2], [sflag:$0x1], $0x8000, $0x38;
	[tilespmem:$0x10000] =	vst v63  }
0x3a9: {  	s31 =	rddreg [dreg:$0xb]  }
0x3aa: {  	[hbm4b:s31+s2] =	stream.linear.scatter [tilespmem:s2], [sflag:$0x1], $0x8000, $0x38;
	[tilespmem:$0x10000] =	vst v63  }
0x3ab: {  	s4 =	rddreg [dreg:$0xc]  }
0x3ac: {  	[hbm4b:s4+s2] =	stream.linear.scatter [tilespmem:s2], [sflag:$0x1], $0x8000, $0x38;
	[tilespmem:$0x10000] =	vst v63  }
0x3ad: {  	s31 =	rddreg [dreg:$0xd]  }
0x3ae: {  	[hbm4b:s31+s2] =	stream.linear.scatter [tilespmem:s2], [sflag:$0x1], $0x8000, $0x38;
	[tilespmem:$0x10000] =	vst v63  }
0x3af: {  	s4 =	rddreg [dreg:$0xe]  }
0x3b0: {  	[hbm4b:s4+s2] =	stream.linear.scatter [tilespmem:s2], [sflag:$0x1], $0x8000, $0x38;
	[tilespmem:$0x10000] =	vst v63  }
0x3b1: {  	s31 =	rddreg [dreg:$0xf]  }
0x3b2: {  	[hbm4b:s31+s2] =	stream.linear.scatter [tilespmem:s2], [sflag:$0x1], $0x8000, $0x38;
	[tilespmem:$0x10000] =	vst v63  }
0x3b3: {  	s4 =	rddreg [dreg:$0x10]  }
0x3b4: {  	[hbm4b:s4+s2] =	stream.linear.scatter [tilespmem:s2], [sflag:$0x1], $0x8000, $0x38;
	[tilespmem:$0x10000] =	vst v63  }
0x3b5: {  	s31 =	rddreg [dreg:$0x11]  }
0x3b6: {  	[hbm4b:s31+s2] =	stream.linear.scatter [tilespmem:s2], [sflag:$0x1], $0x8000, $0x38;
	[tilespmem:$0x10000] =	vst v63  }
0x3b7: {  	s4 =	rddreg [dreg:$0x12]  }
0x3b8: {  	[hbm4b:s4+s2] =	stream.linear.scatter [tilespmem:s2], [sflag:$0x1], $0x8000, $0x38;
	[tilespmem:$0x10000] =	vst v63  }
0x3b9: {  	s31 =	rddreg [dreg:$0x13]  }
0x3ba: {  	[hbm4b:s31+s2] =	stream.linear.scatter [tilespmem:s2], [sflag:$0x1], $0x8000, $0x38;
	[tilespmem:$0x10000] =	vst v63  }
0x3bb: {  	s4 =	rddreg [dreg:$0x14]  }
0x3bc: {  	[hbm4b:s4+s2] =	stream.linear.scatter [tilespmem:s2], [sflag:$0x1], $0x8000, $0x38;
	[tilespmem:$0x10000] =	vst v63  }
0x3bd: {  	s31 =	rddreg [dreg:$0x15]  }
0x3be: {  	[hbm4b:s31+s2] =	stream.linear.scatter [tilespmem:s2], [sflag:$0x1], $0x8000, $0x38;
	[tilespmem:$0x10000] =	vst v63  }
0x3bf: {  	s4 =	rddreg [dreg:$0x16]  }
0x3c0: {  	[hbm4b:s4+s2] =	stream.linear.scatter [tilespmem:s2], [sflag:$0x1], $0x8000, $0x38;
	[tilespmem:$0x10000] =	vst v63  }
0x3c1: {  	s31 =	rddreg [dreg:$0x17]  }
0x3c2: {  	[tilespmem:s25], [sflag:$0x2] =	stream.linear.gather [hbm4b:s31+s2], $0x8000, $0x38;
	[tilespmem:$0x10000] =	vst v63  }
0x3c3: {  	_ =	swait.ge [sflag:s26], $0x8000  }
0x3c4: {  	s4 =	rddreg [dreg:$0x18];
	[sflag:s26] =	ssyncset.done $0x0  }
0x3c5: {  	s31 =	rddreg [dreg:$0x19];
	[sflag:s26] =	ssyncadd.s32 $0xFFFF8000  }
0x3c6: {  	[hbm4b:s4+s2] =	stream.linear.scatter [tilespmem:s25], [sflag:$0x1], $0x8000, $0x38;
	[tilespmem:$0x10000] =	vst v63  }
0x3c7: {  	s4 =	rddreg [dreg:$0x1a]  }
0x3c8: {  	[hbm4b:s31+s2] =	stream.linear.scatter [tilespmem:s25], [sflag:$0x1], $0x8000, $0x38;
	[tilespmem:$0x10000] =	vst v63  }
0x3c9: {  	s31 =	rddreg [dreg:$0x1b]  }
0x3ca: {  	[hbm4b:s4+s2] =	stream.linear.scatter [tilespmem:s25], [sflag:$0x1], $0x8000, $0x38;
	[tilespmem:$0x10000] =	vst v63  }
0x3cb: {  	s4 =	rddreg [dreg:$0x1c]  }
0x3cc: {  	[hbm4b:s31+s2] =	stream.linear.scatter [tilespmem:s25], [sflag:$0x1], $0x8000, $0x38;
	[tilespmem:$0x10000] =	vst v63  }
0x3cd: {  	s31 =	rddreg [dreg:$0x1d]  }
0x3ce: {  	[hbm4b:s4+s2] =	stream.linear.scatter [tilespmem:s25], [sflag:$0x1], $0x8000, $0x38;
	[tilespmem:$0x10000] =	vst v63  }
0x3cf: {  	s4 =	rddreg [dreg:$0x1e]  }
0x3d0: {  	[hbm4b:s31+s2] =	stream.linear.scatter [tilespmem:s25], [sflag:$0x1], $0x8000, $0x38;
	[tilespmem:$0x10000] =	vst v63  }
0x3d1: {  	s31 =	rddreg [dreg:$0x1f]  }
0x3d2: {  	[hbm4b:s4+s2] =	stream.linear.scatter [tilespmem:s25], [sflag:$0x1], $0x8000, $0x38;
	[tilespmem:$0x10000] =	vst v63  }
0x3d3: {  	s4 =	sld [smem:$0x7DF]  }
0x3d4: {  	[hbm4b:s31+s2] =	stream.linear.scatter [tilespmem:s25], [sflag:$0x1], $0x8000, $0x38;
	[tilespmem:$0x10000] =	vst v63  }
0x3d5: {  	s31 =	sld [smem:$0x7E0]  }
0x3d6: {  	[hbm4b:s4+s2] =	stream.linear.scatter [tilespmem:s25], [sflag:$0x1], $0x8000, $0x38;
	[tilespmem:$0x10000] =	vst v63  }
0x3d7: {  	s4 =	sld [smem:$0x7E1]  }
0x3d8: {  	[hbm4b:s31+s2] =	stream.linear.scatter [tilespmem:s25], [sflag:$0x1], $0x8000, $0x38;
	[tilespmem:$0x10000] =	vst v63  }
0x3d9: {  	s31 =	sld [smem:$0x7E2]  }
0x3da: {  	[hbm4b:s4+s2] =	stream.linear.scatter [tilespmem:s25], [sflag:$0x1], $0x8000, $0x38;
	[tilespmem:$0x10000] =	vst v63  }
0x3db: {  	s4 =	sld [smem:$0x7E3]  }
0x3dc: {  	[hbm4b:s31+s2] =	stream.linear.scatter [tilespmem:s25], [sflag:$0x1], $0x8000, $0x38;
	[tilespmem:$0x10000] =	vst v63  }
0x3dd: {  	s31 =	sld [smem:$0x7E4]  }
0x3de: {  	[hbm4b:s4+s2] =	stream.linear.scatter [tilespmem:s25], [sflag:$0x1], $0x8000, $0x38;
	[tilespmem:$0x10000] =	vst v63  }
0x3df: {  	s4 =	sld [smem:$0x7E5]  }
0x3e0: {  	[hbm4b:s31+s2] =	stream.linear.scatter [tilespmem:s25], [sflag:$0x1], $0x8000, $0x38;
	[tilespmem:$0x10000] =	vst v63  }
0x3e1: {  	s31 =	sld [smem:$0x7E6]  }
0x3e2: {  	[hbm4b:s4+s2] =	stream.linear.scatter [tilespmem:s25], [sflag:$0x1], $0x8000, $0x38;
	[tilespmem:$0x10000] =	vst v63  }
0x3e3: {  	s4 =	sld [smem:$0x7E7]  }
0x3e4: {  	[hbm4b:s31+s2] =	stream.linear.scatter [tilespmem:s25], [sflag:$0x1], $0x8000, $0x38;
	[tilespmem:$0x10000] =	vst v63  }
0x3e5: {  	s31 =	sld [smem:$0x7E8]  }
0x3e6: {  	[hbm4b:s4+s2] =	stream.linear.scatter [tilespmem:s25], [sflag:$0x1], $0x8000, $0x38;
	[tilespmem:$0x10000] =	vst v63  }
0x3e7: {  	s4 =	sld [smem:$0x7E9]  }
0x3e8: {  	[hbm4b:s31+s2] =	stream.linear.scatter [tilespmem:s25], [sflag:$0x1], $0x8000, $0x38;
	[tilespmem:$0x10000] =	vst v63  }
0x3e9: {  	s31 =	sld [smem:$0x7EA]  }
0x3ea: {  	[hbm4b:s4+s2] =	stream.linear.scatter [tilespmem:s25], [sflag:$0x1], $0x8000, $0x38;
	[tilespmem:$0x10000] =	vst v63  }
0x3eb: {  	_ = 	snop  }
0x3ec: {  	[hbm4b:s31+s2] =	stream.linear.scatter [tilespmem:s25], [sflag:$0x1], $0x8000, $0x38;
	[tilespmem:$0x10000] =	vst v63  }
0x3ed: {  	_ =	swait.ge [sflag:s3], $0x8000  }
0x3ee: {  	[sflag:s3] =	ssyncset.done $0x0  }
0x3ef: {  	[sflag:s3] =	ssyncadd.s32 $0xFFFF8000  }
0x3f0: {  	_ =	swait.ge [sflag:s3], $0x8000  }
0x3f1: {  	[sflag:s3] =	ssyncset.done $0x0  }
0x3f2: {  	[sflag:s3] =	ssyncadd.s32 $0xFFFF8000  }
0x3f3: {  	_ =	swait.ge [sflag:s3], $0x8000  }
0x3f4: {  	[sflag:s3] =	ssyncset.done $0x0  }
0x3f5: {  	[sflag:s3] =	ssyncadd.s32 $0xFFFF8000  }
0x3f6: {  	_ =	swait.ge [sflag:s3], $0x8000  }
0x3f7: {  	[sflag:s3] =	ssyncset.done $0x0  }
0x3f8: {  	[sflag:s3] =	ssyncadd.s32 $0xFFFF8000  }
0x3f9: {  	_ =	swait.ge [sflag:s3], $0x8000  }
0x3fa: {  	[sflag:s3] =	ssyncset.done $0x0  }
0x3fb: {  	[sflag:s3] =	ssyncadd.s32 $0xFFFF8000  }
0x3fc: {  	_ =	swait.ge [sflag:s3], $0x8000  }
0x3fd: {  	[sflag:s3] =	ssyncset.done $0x0  }
0x3fe: {  	[sflag:s3] =	ssyncadd.s32 $0xFFFF8000  }
0x3ff: {  	_ =	swait.ge [sflag:s3], $0x8000  }
0x400: {  	[sflag:s3] =	ssyncset.done $0x0  }
0x401: {  	[sflag:s3] =	ssyncadd.s32 $0xFFFF8000  }
0x402: {  	_ =	swait.ge [sflag:s3], $0x8000  }
0x403: {  	[sflag:s3] =	ssyncset.done $0x0  }
0x404: {  	[sflag:s3] =	ssyncadd.s32 $0xFFFF8000  }
0x405: {  	_ =	swait.ge [sflag:s3], $0x8000  }
0x406: {  	[sflag:s3] =	ssyncset.done $0x0  }
0x407: {  	[sflag:s3] =	ssyncadd.s32 $0xFFFF8000  }
0x408: {  	_ =	swait.ge [sflag:s3], $0x8000  }
0x409: {  	[sflag:s3] =	ssyncset.done $0x0  }
0x40a: {  	[sflag:s3] =	ssyncadd.s32 $0xFFFF8000  }
0x40b: {  	_ =	swait.ge [sflag:s3], $0x8000  }
0x40c: {  	[sflag:s3] =	ssyncset.done $0x0  }
0x40d: {  	[sflag:s3] =	ssyncadd.s32 $0xFFFF8000  }
0x40e: {  	_ =	swait.ge [sflag:s3], $0x8000  }
0x40f: {  	[sflag:s3] =	ssyncset.done $0x0  }
0x410: {  	[sflag:s3] =	ssyncadd.s32 $0xFFFF8000  }
0x411: {  	_ =	swait.ge [sflag:s3], $0x8000  }
0x412: {  	[sflag:s3] =	ssyncset.done $0x0  }
0x413: {  	[sflag:s3] =	ssyncadd.s32 $0xFFFF8000  }
0x414: {  	_ =	swait.ge [sflag:s3], $0x8000  }
0x415: {  	[sflag:s3] =	ssyncset.done $0x0  }
0x416: {  	[sflag:s3] =	ssyncadd.s32 $0xFFFF8000  }
0x417: {  	_ =	swait.ge [sflag:s3], $0x8000  }
0x418: {  	[sflag:s3] =	ssyncset.done $0x0  }
0x419: {  	[sflag:s3] =	ssyncadd.s32 $0xFFFF8000  }
0x41a: {  	_ =	swait.ge [sflag:s3], $0x8000  }
0x41b: {  	[sflag:s3] =	ssyncset.done $0x0  }
0x41c: {  	[sflag:s3] =	ssyncadd.s32 $0xFFFF8000  }
0x41d: {  	_ =	swait.ge [sflag:s3], $0x8000  }
0x41e: {  	[sflag:s3] =	ssyncset.done $0x0  }
0x41f: {  	[sflag:s3] =	ssyncadd.s32 $0xFFFF8000  }
0x420: {  	_ =	swait.ge [sflag:s3], $0x8000  }
0x421: {  	[sflag:s3] =	ssyncset.done $0x0  }
0x422: {  	[sflag:s3] =	ssyncadd.s32 $0xFFFF8000  }
0x423: {  	_ =	swait.ge [sflag:s3], $0x8000  }
0x424: {  	[sflag:s3] =	ssyncset.done $0x0  }
0x425: {  	[sflag:s3] =	ssyncadd.s32 $0xFFFF8000  }
0x426: {  	_ =	swait.ge [sflag:s3], $0x8000  }
0x427: {  	s1 =	sld [smem:$0x7EB]  }
0x428: {  	[sflag:s3] =	ssyncset.done $0x0  }
0x429: {  	[sflag:s3] =	ssyncadd.s32 $0xFFFF8000  }
0x42a: {  	[tilespmem:s2], [sflag:$0x2] =	stream.linear.gather [hbm4b:s1+s2], $0x8000, $0x38;
	[tilespmem:$0x10000] =	vst v63  }
0x42b: {  	_ =	swait.ge [sflag:s26], $0x8000  }
0x42c: {  	s4 =	sld [smem:$0x7EC]  }
0x42d: {  	[sflag:s26] =	ssyncset.done $0x0  }
0x42e: {  	s31 =	sld [smem:$0x7ED];
	[sflag:s26] =	ssyncadd.s32 $0xFFFF8000  }
0x42f: {  	[hbm4b:s4+s2] =	stream.linear.scatter [tilespmem:s2], [sflag:$0x1], $0x8000, $0x38;
	[tilespmem:$0x10000] =	vst v63  }
0x430: {  	s4 =	sld [smem:$0x7EE]  }
0x431: {  	[hbm4b:s31+s2] =	stream.linear.scatter [tilespmem:s2], [sflag:$0x1], $0x8000, $0x38;
	[tilespmem:$0x10000] =	vst v63  }
0x432: {  	s31 =	sld [smem:$0x7EF]  }
0x433: {  	[hbm4b:s4+s2] =	stream.linear.scatter [tilespmem:s2], [sflag:$0x1], $0x8000, $0x38;
	[tilespmem:$0x10000] =	vst v63  }
0x434: {  	s4 =	sld [smem:$0x7F0]  }
0x435: {  	[hbm4b:s31+s2] =	stream.linear.scatter [tilespmem:s2], [sflag:$0x1], $0x8000, $0x38;
	[tilespmem:$0x10000] =	vst v63  }
0x436: {  	s31 =	sld [smem:$0x7F1]  }
0x437: {  	[hbm4b:s4+s2] =	stream.linear.scatter [tilespmem:s2], [sflag:$0x1], $0x8000, $0x38;
	[tilespmem:$0x10000] =	vst v63  }
0x438: {  	s4 =	sld [smem:$0x7F2]  }
0x439: {  	[hbm4b:s31+s2] =	stream.linear.scatter [tilespmem:s2], [sflag:$0x1], $0x8000, $0x38;
	[tilespmem:$0x10000] =	vst v63  }
0x43a: {  	s31 =	sld [smem:$0x7F3]  }
0x43b: {  	[hbm4b:s4+s2] =	stream.linear.scatter [tilespmem:s2], [sflag:$0x1], $0x8000, $0x38;
	[tilespmem:$0x10000] =	vst v63  }
0x43c: {  	s4 =	sld [smem:$0x7F4]  }
0x43d: {  	[hbm4b:s31+s2] =	stream.linear.scatter [tilespmem:s2], [sflag:$0x1], $0x8000, $0x38;
	[tilespmem:$0x10000] =	vst v63  }
0x43e: {  	s31 =	sld [smem:$0x7F5]  }
0x43f: {  	[hbm4b:s4+s2] =	stream.linear.scatter [tilespmem:s2], [sflag:$0x1], $0x8000, $0x38;
	[tilespmem:$0x10000] =	vst v63  }
0x440: {  	s4 =	sld [smem:$0x7F6]  }
0x441: {  	[hbm4b:s31+s2] =	stream.linear.scatter [tilespmem:s2], [sflag:$0x1], $0x8000, $0x38;
	[tilespmem:$0x10000] =	vst v63  }
0x442: {  	s31 =	sld [smem:$0x7F7]  }
0x443: {  	[hbm4b:s4+s2] =	stream.linear.scatter [tilespmem:s2], [sflag:$0x1], $0x8000, $0x38;
	[tilespmem:$0x10000] =	vst v63  }
0x444: {  	s4 =	sld [smem:$0x7F8]  }
0x445: {  	[hbm4b:s31+s2] =	stream.linear.scatter [tilespmem:s2], [sflag:$0x1], $0x8000, $0x38;
	[tilespmem:$0x10000] =	vst v63  }
0x446: {  	s31 =	sld [smem:$0x7F9]  }
0x447: {  	[hbm4b:s4+s2] =	stream.linear.scatter [tilespmem:s2], [sflag:$0x1], $0x8000, $0x38;
	[tilespmem:$0x10000] =	vst v63  }
0x448: {  	s4 =	sld [smem:$0x7FA]  }
0x449: {  	[hbm4b:s31+s2] =	stream.linear.scatter [tilespmem:s2], [sflag:$0x1], $0x8000, $0x38;
	[tilespmem:$0x10000] =	vst v63  }
0x44a: {  	s31 =	sld [smem:$0x7FB]  }
0x44b: {  	[hbm4b:s4+s2] =	stream.linear.scatter [tilespmem:s2], [sflag:$0x1], $0x8000, $0x38;
	[tilespmem:$0x10000] =	vst v63  }
0x44c: {  	s4 =	sld [smem:$0x7FC]  }
0x44d: {  	[hbm4b:s31+s2] =	stream.linear.scatter [tilespmem:s2], [sflag:$0x1], $0x8000, $0x38;
	[tilespmem:$0x10000] =	vst v63  }
0x44e: {  	_ = 	snop  }
0x44f: {  	[hbm4b:s4+s2] =	stream.linear.scatter [tilespmem:s2], [sflag:$0x1], $0x8000, $0x38;
	[tilespmem:$0x10000] =	vst v63  }
0x450: {  	_ = 	snop  }
0x451: {  	[hbm4b:s28+s2] =	stream.linear.scatter [tilespmem:s2], [sflag:$0x1], $0x8000, $0x38;
	[tilespmem:$0x10000] =	vst v63  }
0x452: {  	_ = 	snop  }
0x453: {  	[hbm4b:s29+s2] =	stream.linear.scatter [tilespmem:s2], [sflag:$0x1], $0x8000, $0x38;
	[tilespmem:$0x10000] =	vst v63  }
0x454: {  	_ = 	snop  }
0x455: {  	[hbm4b:s30+s2] =	stream.linear.scatter [tilespmem:s2], [sflag:$0x1], $0x8000, $0x38;
	[tilespmem:$0x10000] =	vst v63  }
0x456: {  	_ =	swait.ge [sflag:s3], $0x8000  }
0x457: {  	[sflag:s3] =	ssyncset.done $0x0  }
0x458: {  	[sflag:s3] =	ssyncadd.s32 $0xFFFF8000  }
0x459: {  	_ =	swait.ge [sflag:s3], $0x8000  }
0x45a: {  	[sflag:s3] =	ssyncset.done $0x0  }
0x45b: {  	[sflag:s3] =	ssyncadd.s32 $0xFFFF8000  }
0x45c: {  	_ =	swait.ge [sflag:s3], $0x8000  }
0x45d: {  	[sflag:s3] =	ssyncset.done $0x0  }
0x45e: {  	[sflag:s3] =	ssyncadd.s32 $0xFFFF8000  }
0x45f: {  	_ =	swait.ge [sflag:s3], $0x8000  }
0x460: {  	[sflag:s3] =	ssyncset.done $0x0  }
0x461: {  	[sflag:s3] =	ssyncadd.s32 $0xFFFF8000  }
0x462: {  	_ =	swait.ge [sflag:s3], $0x8000  }
0x463: {  	[sflag:s3] =	ssyncset.done $0x0  }
0x464: {  	[sflag:s3] =	ssyncadd.s32 $0xFFFF8000  }
0x465: {  	_ =	swait.ge [sflag:s3], $0x8000  }
0x466: {  	[sflag:s3] =	ssyncset.done $0x0  }
0x467: {  	[sflag:s3] =	ssyncadd.s32 $0xFFFF8000  }
0x468: {  	_ =	swait.ge [sflag:s3], $0x8000  }
0x469: {  	[sflag:s3] =	ssyncset.done $0x0  }
0x46a: {  	[sflag:s3] =	ssyncadd.s32 $0xFFFF8000  }
0x46b: {  	_ =	swait.ge [sflag:s3], $0x8000  }
0x46c: {  	[sflag:s3] =	ssyncset.done $0x0  }
0x46d: {  	[sflag:s3] =	ssyncadd.s32 $0xFFFF8000  }
0x46e: {  	_ =	swait.ge [sflag:s3], $0x8000  }
0x46f: {  	[sflag:s3] =	ssyncset.done $0x0  }
0x470: {  	[sflag:s3] =	ssyncadd.s32 $0xFFFF8000  }
0x471: {  	_ =	swait.ge [sflag:s3], $0x8000  }
0x472: {  	[sflag:s3] =	ssyncset.done $0x0  }
0x473: {  	[sflag:s3] =	ssyncadd.s32 $0xFFFF8000  }
0x474: {  	_ =	swait.ge [sflag:s3], $0x8000  }
0x475: {  	[sflag:s3] =	ssyncset.done $0x0  }
0x476: {  	[sflag:s3] =	ssyncadd.s32 $0xFFFF8000  }
0x477: {  	_ =	swait.ge [sflag:s3], $0x8000  }
0x478: {  	[sflag:s3] =	ssyncset.done $0x0  }
0x479: {  	[sflag:s3] =	ssyncadd.s32 $0xFFFF8000  }
0x47a: {  	_ =	swait.ge [sflag:s3], $0x8000  }
0x47b: {  	[sflag:s3] =	ssyncset.done $0x0  }
0x47c: {  	[sflag:s3] =	ssyncadd.s32 $0xFFFF8000  }
0x47d: {  	_ =	swait.ge [sflag:s3], $0x8000  }
0x47e: {  	[sflag:s3] =	ssyncset.done $0x0  }
0x47f: {  	[sflag:s3] =	ssyncadd.s32 $0xFFFF8000  }
0x480: {  	_ =	swait.ge [sflag:s3], $0x8000  }
0x481: {  	[sflag:s3] =	ssyncset.done $0x0  }
0x482: {  	[sflag:s3] =	ssyncadd.s32 $0xFFFF8000  }
0x483: {  	_ =	swait.ge [sflag:s3], $0x8000  }
0x484: {  	[sflag:s3] =	ssyncset.done $0x0  }
0x485: {  	[sflag:s3] =	ssyncadd.s32 $0xFFFF8000  }
0x486: {  	_ =	swait.ge [sflag:s3], $0x8000  }
0x487: {  	[sflag:s3] =	ssyncset.done $0x0  }
0x488: {  	[sflag:s3] =	ssyncadd.s32 $0xFFFF8000  }
0x489: {  	_ =	swait.ge [sflag:s3], $0x8000  }
0x48a: {  	[sflag:s3] =	ssyncset.done $0x0  }
0x48b: {  	[sflag:s3] =	ssyncadd.s32 $0xFFFF8000  }
0x48c: {  	_ =	swait.ge [sflag:s3], $0x8000  }
0x48d: {  	[sflag:s3] =	ssyncset.done $0x0  }
0x48e: {  	[sflag:s3] =	ssyncadd.s32 $0xFFFF8000  }
0x48f: {  	_ =	swait.ge [sflag:s3], $0x8000  }
0x490: {  	[sflag:s3] =	ssyncset.done $0x0  }
0x491: {  	[sflag:s3] =	ssyncadd.s32 $0xFFFF8000  }
0x492: {  	[tilespmem:s25], [sflag:$0x2] =	stream.linear.gather [hbm4b:s21+s2], $0x8000, $0x38;
	[tilespmem:$0x10000] =	vst v63  }
0x493: {  	_ =	swait.ge [sflag:s26], $0x8000  }
0x494: {  	s30 =	sld [smem:$0x7FD]  }
0x495: {  	[sflag:s26] =	ssyncset.done $0x0  }
0x496: {  	[sflag:s26] =	ssyncadd.s32 $0xFFFF8000  }
0x497: {  	[hbm4b:s30+s2] =	stream.linear.scatter [tilespmem:s25], [sflag:$0x1], $0x8000, $0x38;
	[tilespmem:$0x10000] =	vst v63  }
0x498: {  	_ = 	snop  }
0x499: {  	[hbm4b:s5+s2] =	stream.linear.scatter [tilespmem:s25], [sflag:$0x1], $0x8000, $0x38;
	[tilespmem:$0x10000] =	vst v63  }
0x49a: {  	_ = 	snop  }
0x49b: {  	[hbm4b:s6+s2] =	stream.linear.scatter [tilespmem:s25], [sflag:$0x1], $0x8000, $0x38;
	[tilespmem:$0x10000] =	vst v63  }
0x49c: {  	_ = 	snop  }
0x49d: {  	[hbm4b:s7+s2] =	stream.linear.scatter [tilespmem:s25], [sflag:$0x1], $0x8000, $0x38;
	[tilespmem:$0x10000] =	vst v63  }
0x49e: {  	_ = 	snop  }
0x49f: {  	[hbm4b:s8+s2] =	stream.linear.scatter [tilespmem:s25], [sflag:$0x1], $0x8000, $0x38;
	[tilespmem:$0x10000] =	vst v63  }
0x4a0: {  	_ = 	snop  }
0x4a1: {  	[hbm4b:s9+s2] =	stream.linear.scatter [tilespmem:s25], [sflag:$0x1], $0x8000, $0x38;
	[tilespmem:$0x10000] =	vst v63  }
0x4a2: {  	_ = 	snop  }
0x4a3: {  	[hbm4b:s10+s2] =	stream.linear.scatter [tilespmem:s25], [sflag:$0x1], $0x8000, $0x38;
	[tilespmem:$0x10000] =	vst v63  }
0x4a4: {  	_ = 	snop  }
0x4a5: {  	[hbm4b:s11+s2] =	stream.linear.scatter [tilespmem:s25], [sflag:$0x1], $0x8000, $0x38;
	[tilespmem:$0x10000] =	vst v63  }
0x4a6: {  	_ = 	snop  }
0x4a7: {  	[hbm4b:s12+s2] =	stream.linear.scatter [tilespmem:s25], [sflag:$0x1], $0x8000, $0x38;
	[tilespmem:$0x10000] =	vst v63  }
0x4a8: {  	_ = 	snop  }
0x4a9: {  	[hbm4b:s13+s2] =	stream.linear.scatter [tilespmem:s25], [sflag:$0x1], $0x8000, $0x38;
	[tilespmem:$0x10000] =	vst v63  }
0x4aa: {  	_ = 	snop  }
0x4ab: {  	[hbm4b:s14+s2] =	stream.linear.scatter [tilespmem:s25], [sflag:$0x1], $0x8000, $0x38;
	[tilespmem:$0x10000] =	vst v63  }
0x4ac: {  	_ = 	snop  }
0x4ad: {  	[hbm4b:s15+s2] =	stream.linear.scatter [tilespmem:s25], [sflag:$0x1], $0x8000, $0x38;
	[tilespmem:$0x10000] =	vst v63  }
0x4ae: {  	_ = 	snop  }
0x4af: {  	[hbm4b:s16+s2] =	stream.linear.scatter [tilespmem:s25], [sflag:$0x1], $0x8000, $0x38;
	[tilespmem:$0x10000] =	vst v63  }
0x4b0: {  	_ = 	snop  }
0x4b1: {  	[hbm4b:s17+s2] =	stream.linear.scatter [tilespmem:s25], [sflag:$0x1], $0x8000, $0x38;
	[tilespmem:$0x10000] =	vst v63  }
0x4b2: {  	_ = 	snop  }
0x4b3: {  	[hbm4b:s18+s2] =	stream.linear.scatter [tilespmem:s25], [sflag:$0x1], $0x8000, $0x38;
	[tilespmem:$0x10000] =	vst v63  }
0x4b4: {  	_ = 	snop  }
0x4b5: {  	[hbm4b:s19+s2] =	stream.linear.scatter [tilespmem:s25], [sflag:$0x1], $0x8000, $0x38;
	[tilespmem:$0x10000] =	vst v63  }
0x4b6: {  	_ = 	snop  }
0x4b7: {  	[hbm4b:s20+s2] =	stream.linear.scatter [tilespmem:s25], [sflag:$0x1], $0x8000, $0x38;
	[tilespmem:$0x10000] =	vst v63  }
0x4b8: {  	_ = 	snop  }
0x4b9: {  	[hbm4b:s22+s2] =	stream.linear.scatter [tilespmem:s25], [sflag:$0x1], $0x8000, $0x38;
	[tilespmem:$0x10000] =	vst v63  }
0x4ba: {  	_ = 	snop  }
0x4bb: {  	[hbm4b:s23+s2] =	stream.linear.scatter [tilespmem:s25], [sflag:$0x1], $0x8000, $0x38;
	[tilespmem:$0x10000] =	vst v63  }
0x4bc: {  	_ = 	snop  }
0x4bd: {  	[hbm4b:s24+s2] =	stream.linear.scatter [tilespmem:s25], [sflag:$0x1], $0x8000, $0x38;
	[tilespmem:$0x10000] =	vst v63  }
0x4be: {  	_ =	swait.ge [sflag:s3], $0x8000  }
0x4bf: {  	[sflag:s3] =	ssyncset.done $0x0  }
0x4c0: {  	[sflag:s3] =	ssyncadd.s32 $0xFFFF8000  }
0x4c1: {  	_ =	swait.ge [sflag:s3], $0x8000  }
0x4c2: {  	[sflag:s3] =	ssyncset.done $0x0  }
0x4c3: {  	[sflag:s3] =	ssyncadd.s32 $0xFFFF8000  }
0x4c4: {  	_ =	swait.ge [sflag:s3], $0x8000  }
0x4c5: {  	[sflag:s3] =	ssyncset.done $0x0  }
0x4c6: {  	[sflag:s3] =	ssyncadd.s32 $0xFFFF8000  }
0x4c7: {  	_ =	swait.ge [sflag:s3], $0x8000  }
0x4c8: {  	[sflag:s3] =	ssyncset.done $0x0  }
0x4c9: {  	[sflag:s3] =	ssyncadd.s32 $0xFFFF8000  }
0x4ca: {  	_ =	swait.ge [sflag:s3], $0x8000  }
0x4cb: {  	[sflag:s3] =	ssyncset.done $0x0  }
0x4cc: {  	[sflag:s3] =	ssyncadd.s32 $0xFFFF8000  }
0x4cd: {  	_ =	swait.ge [sflag:s3], $0x8000  }
0x4ce: {  	[sflag:s3] =	ssyncset.done $0x0  }
0x4cf: {  	[sflag:s3] =	ssyncadd.s32 $0xFFFF8000  }
0x4d0: {  	_ =	swait.ge [sflag:s3], $0x8000  }
0x4d1: {  	[sflag:s3] =	ssyncset.done $0x0  }
0x4d2: {  	[sflag:s3] =	ssyncadd.s32 $0xFFFF8000  }
0x4d3: {  	_ =	swait.ge [sflag:s3], $0x8000  }
0x4d4: {  	[sflag:s3] =	ssyncset.done $0x0  }
0x4d5: {  	[sflag:s3] =	ssyncadd.s32 $0xFFFF8000  }
0x4d6: {  	_ =	swait.ge [sflag:s3], $0x8000  }
0x4d7: {  	[sflag:s3] =	ssyncset.done $0x0  }
0x4d8: {  	[sflag:s3] =	ssyncadd.s32 $0xFFFF8000  }
0x4d9: {  	_ =	swait.ge [sflag:s3], $0x8000  }
0x4da: {  	[sflag:s3] =	ssyncset.done $0x0  }
0x4db: {  	[sflag:s3] =	ssyncadd.s32 $0xFFFF8000  }
0x4dc: {  	_ =	swait.ge [sflag:s3], $0x8000  }
0x4dd: {  	[sflag:s3] =	ssyncset.done $0x0  }
0x4de: {  	[sflag:s3] =	ssyncadd.s32 $0xFFFF8000  }
0x4df: {  	_ =	swait.ge [sflag:s3], $0x8000  }
0x4e0: {  	[sflag:s3] =	ssyncset.done $0x0  }
0x4e1: {  	[sflag:s3] =	ssyncadd.s32 $0xFFFF8000  }
0x4e2: {  	_ =	swait.ge [sflag:s3], $0x8000  }
0x4e3: {  	[sflag:s3] =	ssyncset.done $0x0  }
0x4e4: {  	[sflag:s3] =	ssyncadd.s32 $0xFFFF8000  }
0x4e5: {  	_ =	swait.ge [sflag:s3], $0x8000  }
0x4e6: {  	[sflag:s3] =	ssyncset.done $0x0  }
0x4e7: {  	[sflag:s3] =	ssyncadd.s32 $0xFFFF8000  }
0x4e8: {  	_ =	swait.ge [sflag:s3], $0x8000  }
0x4e9: {  	[sflag:s3] =	ssyncset.done $0x0  }
0x4ea: {  	[sflag:s3] =	ssyncadd.s32 $0xFFFF8000  }
0x4eb: {  	_ =	swait.ge [sflag:s3], $0x8000  }
0x4ec: {  	[sflag:s3] =	ssyncset.done $0x0  }
0x4ed: {  	[sflag:s3] =	ssyncadd.s32 $0xFFFF8000  }
0x4ee: {  	_ =	swait.ge [sflag:s3], $0x8000  }
0x4ef: {  	[sflag:s3] =	ssyncset.done $0x0  }
0x4f0: {  	[sflag:s3] =	ssyncadd.s32 $0xFFFF8000  }
0x4f1: {  	_ =	swait.ge [sflag:s3], $0x8000  }
0x4f2: {  	[sflag:s3] =	ssyncset.done $0x0  }
0x4f3: {  	[sflag:s3] =	ssyncadd.s32 $0xFFFF8000  }
0x4f4: {  	_ =	swait.ge [sflag:s3], $0x8000  }
0x4f5: {  	[sflag:s3] =	ssyncset.done $0x0  }
0x4f6: {  	[sflag:s3] =	ssyncadd.s32 $0xFFFF8000  }
0x4f7: {  	_ =	swait.ge [sflag:s3], $0x8000  }
0x4f8: {  	[sflag:s3] =	ssyncset.done $0x0  }
0x4f9: {  	[sflag:s3] =	ssyncadd.s32 $0xFFFF8000  }
0x4fa: {  	_ =	swait.ge [sflag:s3], $0x8000  }
0x4fb: {  	[sflag:s3] =	ssyncset.done $0x0  }
0x4fc: {  	[sflag:s3] =	ssyncadd.s32 $0xFFFF8000  }
0x4fd: {  	_ =	swait.ge [sflag:s3], $0x8000  }
0x4fe: {  	[sflag:s3] =	ssyncset.done $0x0  }
0x4ff: {  	[sflag:s3] =	ssyncadd.s32 $0xFFFF8000  }
0x500: {  	_ =	swait.ge [sflag:s3], $0x8000  }
0x501: {  	[sflag:s3] =	ssyncset.done $0x0  }
0x502: {  	[sflag:s3] =	ssyncadd.s32 $0xFFFF8000  }
0x503: {  	_ =	swait.ge [sflag:s3], $0x8000  }
0x504: {  	[sflag:s3] =	ssyncset.done $0x0  }
0x505: {  	[sflag:s3] =	ssyncadd.s32 $0xFFFF8000  }
0x506: {  	_ =	swait.ge [sflag:s3], $0x8000  }
0x507: {  	[sflag:s3] =	ssyncset.done $0x0  }
0x508: {  	[sflag:s3] =	ssyncadd.s32 $0xFFFF8000  }
0x509: {  	_ =	swait.ge [sflag:s3], $0x8000  }
0x50a: {  	[sflag:s3] =	ssyncset.done $0x0  }
0x50b: {  	[sflag:s3] =	ssyncadd.s32 $0xFFFF8000  }
0x50c: {  	_ =	swait.ge [sflag:s3], $0x8000  }
0x50d: {  	[sflag:s3] =	ssyncset.done $0x0  }
0x50e: {  	[sflag:s3] =	ssyncadd.s32 $0xFFFF8000  }
0x50f: {  	_ =	swait.ge [sflag:s3], $0x8000  }
0x510: {  	[sflag:s3] =	ssyncset.done $0x0  }
0x511: {  	[sflag:s3] =	ssyncadd.s32 $0xFFFF8000  }
0x512: {  	_ =	swait.ge [sflag:s3], $0x8000  }
0x513: {  	[sflag:s3] =	ssyncset.done $0x0  }
0x514: {  	[sflag:s3] =	ssyncadd.s32 $0xFFFF8000  }
0x515: {  	_ =	swait.ge [sflag:s3], $0x8000  }
0x516: {  	[sflag:s3] =	ssyncset.done $0x0  }
0x517: {  	[sflag:s3] =	ssyncadd.s32 $0xFFFF8000  }
0x518: {  	_ =	swait.ge [sflag:s3], $0x8000  }
0x519: {  	[sflag:s3] =	ssyncset.done $0x0  }
0x51a: {  	[sflag:s3] =	ssyncadd.s32 $0xFFFF8000  }
0x51b: {  	_ =	swait.ge [sflag:s3], $0x8000  }
0x51c: {  	[sflag:s3] =	ssyncset.done $0x0  }
0x51d: {  	[sflag:s3] =	ssyncadd.s32 $0xFFFF8000  }
0x51e: {  	_ =	swait.ge [sflag:s3], $0x8000  }
0x51f: {  	[sflag:s3] =	ssyncset.done $0x0  }
0x520: {  	[sflag:s3] =	ssyncadd.s32 $0xFFFF8000  }
0x521: {  	_ =	swait.ge [sflag:s3], $0x8000  }
0x522: {  	[sflag:s3] =	ssyncset.done $0x0  }
0x523: {  	[sflag:s3] =	ssyncadd.s32 $0xFFFF8000  }
0x524: {  	_ =	swait.ge [sflag:s3], $0x8000  }
0x525: {  	[sflag:s3] =	ssyncset.done $0x0  }
0x526: {  	[sflag:s3] =	ssyncadd.s32 $0xFFFF8000  }
0x527: {  	_ =	swait.ge [sflag:s3], $0x8000  }
0x528: {  	[sflag:s3] =	ssyncset.done $0x0  }
0x529: {  	[sflag:s3] =	ssyncadd.s32 $0xFFFF8000  }
0x52a: {  	_ =	swait.ge [sflag:s3], $0x8000  }
0x52b: {  	[sflag:s3] =	ssyncset.done $0x0  }
0x52c: {  	[sflag:s3] =	ssyncadd.s32 $0xFFFF8000  }
0x52d: {  	_ =	swait.ge [sflag:s3], $0x8000  }
0x52e: {  	[sflag:s3] =	ssyncset.done $0x0  }
0x52f: {  	[sflag:s3] =	ssyncadd.s32 $0xFFFF8000  }
0x530: {  	_ =	swait.ge [sflag:s3], $0x8000  }
0x531: {  	[sflag:s3] =	ssyncset.done $0x0  }
0x532: {  	[sflag:s3] =	ssyncadd.s32 $0xFFFF8000  }
0x533: {  	_ =	swait.ge [sflag:s3], $0x8000  }
0x534: {  	[sflag:s3] =	ssyncset.done $0x0  }
0x535: {  	[sflag:s3] =	ssyncadd.s32 $0xFFFF8000  }
0x536: {  	_ =	sfence.sel $0x180000  }
0x537: {  	[bflag:$0x0] =	sbarrier.arrive $0xFFFF  }
0x538: {  	_ =	strace $0x9000004A  }
0x539: {  	s31 =	stileid.u32;
	[bflag:$0x2] =	sbarrier.arrive $0xFFFF  }
0x53a: {  	p0 =	sne.s32 s31, $0x0;
	s0 =	rddreg [dreg:$0x2]  }
0x53b: {  	s0 =	sadd.s32 @!p0 $0x100000, s0  }
0x53c: {  	[sflag:s0] =	ssyncadd.tile.s32 @!p0 $0x1;
	_ =	shalt  }
.Lfunc_end2:
_tile_overlayer_lowered:
.L_overlay_start_2:
0x53d: {  	(tag) =	ssettag $0x2  }
0x53e: {  	s0 =	rddreg [dreg:$0x0];
	s2 =	stileid.u32  }
0x53f: {  	s1 =	rddreg [dreg:$0x1];
	p0 =	sne.s32 s2, $0x0  }
0x540: {  	s3 =	rddreg [dreg:$0x2];
	[bflag:$0x3] =	sbarrier.arrive $0xFFFF;
	s2 =	simm.s32 @!p0 $0x1C02  }
0x541: {  	[timem:s3], [sflag:s2] =	dma.local @!p0 [hbm:s0], s1  }
0x542: {  	s0 =	simm.s32 @!p0 $0x2  }
0x543: {  	_ =	swait.ge @!p0 [sflag:s0], s1  }
0x544: {  	s1 =	ssub.s32 @!p0 $0x0, s1;
	[sflag:s0] =	ssyncset.done @!p0 $0x0  }
0x545: {  	[sflag:s0] =	ssyncadd.s32 @!p0 s1  }
0x546: {  	[bflag:$0x3] =	sbarrier.arrive $0xFFFF  }
0x547: {  	_ =	shalt  }

</sc_bundles>
